<compile_context>
chip_gen: v7x
topology: tpu7x:2x2x1
jax: 0.10.2.dev20260603
libtpu: 0.0.44.dev20260713+nightly
codegen_flags: <defaults>
</compile_context>

<pallas_src>
import functools

import jax
import jax.numpy as jnp
from jax import lax
from jax.experimental import pallas as pl
from jax.experimental.pallas import tpu as pltpu
from jax.experimental.pallas import tpu_sc as plsc

B = 10000
S = 10
D = 128
NG = 100000
ND = 10000
NCELL = 1000
GFD = 128
DFD = 512
DP = D // 2

NCORE = 2
NSUB = 16
NW = NCORE * NSUB
BP = 10240
CH = 32
IDXW = CH * S
ROWS_C0 = 448
ROWS_C1 = 192
NCH0 = ROWS_C0 // CH
NCH1 = ROWS_C1 // CH
BPC = BP + ROWS_C0
MASKHI = -65536


def _sc_body(cidx_hbm, gidx_hbm, didx_hbm, xidx_hbm,
             gene_hbm, pdrug_hbm, cell_hbm,
             outc, outg, outd, outx,
             gidx_v, didx_v, xidx_v, cidx_v,
             bf, b0, b1, accg, accd, accx, cb0, cb1,
             scell,
             semf, semb0, semb1, semc, semog, semod, semox, semoc):
    core = lax.axis_index("c")
    sub = lax.axis_index("s")
    base = jnp.where(core == 0, sub * ROWS_C0,
                     NSUB * ROWS_C0 + sub * ROWS_C1)
    nch = jnp.where(core == 0, NCH0, NCH1)

    pltpu.sync_copy(gidx_hbm.at[pl.ds(base * S, ROWS_C0 * S)], gidx_v)
    pltpu.sync_copy(didx_hbm.at[pl.ds(base * S, ROWS_C0 * S)], didx_v)
    pltpu.sync_copy(xidx_hbm.at[pl.ds(base * S, ROWS_C0 * S)], xidx_v)
    pltpu.sync_copy(cidx_hbm.at[pl.ds(base, ROWS_C0)], cidx_v)

    @pl.when(sub < 8)
    def _():
        pltpu.sync_copy(cell_hbm.at[pl.ds(sub * (NCELL // 8), NCELL // 8)],
                        scell.at[pl.ds(sub * (NCELL // 8), NCELL // 8)])
    plsc.subcore_barrier()

    def issue_item(idx_v, tab, k, buf, sem):
        pltpu.async_copy(tab.at[idx_v.at[pl.ds(k * IDXW, IDXW)]], buf, sem)

    def reduce_f32(buf, acc):
        def red(cc, carry):
            r0 = cc * S
            for dd in range(D // 16):
                v = buf[r0, pl.ds(dd * 16, 16)]
                for s in range(1, S):
                    v = v + buf[r0 + s, pl.ds(dd * 16, 16)]
                acc[cc, pl.ds(dd * 16, 16)] = v
            return carry
        lax.fori_loop(0, CH, red, 0)

    def reduce_packed(buf, acc):
        shift = jnp.full((16,), 65536, jnp.int32)
        mask = jnp.full((16,), MASKHI, jnp.int32)

        def red(cc, carry):
            r0 = cc * S
            for blk in range(DP // 16):
                v = buf[r0, pl.ds(blk * 16, 16)]
                se = lax.bitcast_convert_type(v * shift, jnp.float32)
                so = lax.bitcast_convert_type(v & mask, jnp.float32)
                for s in range(1, S):
                    v = buf[r0 + s, pl.ds(blk * 16, 16)]
                    se = se + lax.bitcast_convert_type(v * shift,
                                                       jnp.float32)
                    so = so + lax.bitcast_convert_type(v & mask,
                                                       jnp.float32)
                acc[cc, pl.ds(blk * 32, 16)] = se
                acc[cc, pl.ds(blk * 32 + 16, 16)] = so
            return carry
        lax.fori_loop(0, CH, red, 0)

    def drain_out(acc, outt, sem):
        pltpu.make_async_copy(acc, outt.at[pl.ds(0, CH)], sem).wait()

    issue_item(gidx_v, gene_hbm, 0, bf, semf)

    def chunk_body(k, carry):
        ob = base + k * CH
        issue_item(didx_v, pdrug_hbm, k, b0, semb0)
        pltpu.make_async_copy(gene_hbm.at[pl.ds(0, IDXW)], bf, semf).wait()

        @pl.when(k > 0)
        def _():
            drain_out(accg, outg, semog)
        reduce_f32(bf, accg)
        pltpu.async_copy(accg, outg.at[pl.ds(ob, CH)], semog)

        issue_item(xidx_v, scell, k, b1, semb1)
        pltpu.make_async_copy(pdrug_hbm.at[pl.ds(0, IDXW)], b0,
                              semb0).wait()

        @pl.when(k > 0)
        def _():
            drain_out(accd, outd, semod)
        reduce_packed(b0, accd)
        pltpu.async_copy(accd, outd.at[pl.ds(ob, CH)], semod)

        @pl.when(k >= 2)
        def _():
            pltpu.make_async_copy(cb0, outc.at[pl.ds(0, CH)], semoc).wait()
        pe = (k % 2) == 0
        po = (k % 2) == 1

        @pl.when(pe)
        def _():
            pltpu.async_copy(gene_hbm.at[cidx_v.at[pl.ds(k * CH, CH)]],
                             cb0, semc)

        @pl.when(po)
        def _():
            pltpu.async_copy(gene_hbm.at[cidx_v.at[pl.ds(k * CH, CH)]],
                             cb1, semc)
        pltpu.make_async_copy(cell_hbm.at[pl.ds(0, IDXW)], b1,
                              semb1).wait()

        @pl.when(k > 0)
        def _():
            drain_out(accx, outx, semox)
        reduce_packed(b1, accx)
        pltpu.async_copy(accx, outx.at[pl.ds(ob, CH)], semox)

        @pl.when(k < nch - 1)
        def _():
            issue_item(gidx_v, gene_hbm, k + 1, bf, semf)
        pltpu.make_async_copy(gene_hbm.at[pl.ds(0, CH)], cb0, semc).wait()

        @pl.when(pe)
        def _():
            pltpu.async_copy(cb0, outc.at[pl.ds(ob, CH)], semoc)

        @pl.when(po)
        def _():
            pltpu.async_copy(cb1, outc.at[pl.ds(ob, CH)], semoc)
        return carry

    lax.fori_loop(0, nch, chunk_body, 0)

    drain_out(accg, outg, semog)
    drain_out(accd, outd, semod)
    drain_out(accx, outx, semox)
    pltpu.make_async_copy(cb0, outc.at[pl.ds(0, CH)], semoc).wait()
    pltpu.make_async_copy(cb1, outc.at[pl.ds(0, CH)], semoc).wait()


@functools.cache
def _sc_gather_fn():
    return pl.kernel(
        _sc_body,
        out_type=(
            jax.ShapeDtypeStruct((BP, D), jnp.float32),
            jax.ShapeDtypeStruct((BP, D), jnp.float32),
            jax.ShapeDtypeStruct((BP, D), jnp.float32),
            jax.ShapeDtypeStruct((BP, D), jnp.float32),
        ),
        mesh=plsc.VectorSubcoreMesh(core_axis_name="c", subcore_axis_name="s",
                                    num_cores=NCORE, num_subcores=NSUB),
        compiler_params=pltpu.CompilerParams(use_tc_tiling_on_sc=False),
        scratch_types=(
            pltpu.VMEM((ROWS_C0 * S,), jnp.int32),
            pltpu.VMEM((ROWS_C0 * S,), jnp.int32),
            pltpu.VMEM((ROWS_C0 * S,), jnp.int32),
            pltpu.VMEM((ROWS_C0,), jnp.int32),
            pltpu.VMEM((IDXW, D), jnp.float32),
            pltpu.VMEM((IDXW, DP), jnp.int32),
            pltpu.VMEM((IDXW, DP), jnp.int32),
            pltpu.VMEM((CH, D), jnp.float32),
            pltpu.VMEM((CH, D), jnp.float32),
            pltpu.VMEM((CH, D), jnp.float32),
            pltpu.VMEM((CH, D), jnp.float32),
            pltpu.VMEM((CH, D), jnp.float32),
            pltpu.VMEM_SHARED((NCELL, DP), jnp.int32),
            pltpu.SemaphoreType.DMA,
            pltpu.SemaphoreType.DMA,
            pltpu.SemaphoreType.DMA,
            pltpu.SemaphoreType.DMA,
            pltpu.SemaphoreType.DMA,
            pltpu.SemaphoreType.DMA,
            pltpu.SemaphoreType.DMA,
            pltpu.SemaphoreType.DMA,
        ),
    )


def _proj_body(x_ref, w_ref, b_ref, o_ref):
    o_ref[...] = (jnp.dot(x_ref[...], w_ref[...],
                          preferred_element_type=jnp.float32)
                  + b_ref[...]).astype(jnp.bfloat16)


_proj_drug = pl.pallas_call(
    _proj_body,
    grid=(5,),
    in_specs=[pl.BlockSpec((ND // 5, DFD), lambda i: (i, 0)),
              pl.BlockSpec((DFD, D), lambda i: (0, 0)),
              pl.BlockSpec((1, D), lambda i: (0, 0))],
    out_specs=pl.BlockSpec((ND // 5, D), lambda i: (i, 0)),
    out_shape=jax.ShapeDtypeStruct((ND, D), jnp.bfloat16),
)


def _att_body(c_ref, g_ref, dr_ref, x_ref, w_ref, p_ref, b_ref, a_ref,
              o_ref):
    inv_s = 1.0 / S
    h = (jnp.dot(c_ref[...], w_ref[...],
                 preferred_element_type=jnp.float32) + b_ref[...])
    ag = (jnp.dot(g_ref[...] * inv_s, w_ref[...],
                  preferred_element_type=jnp.float32) + b_ref[...])
    ad = jnp.dot(dr_ref[...] * inv_s, p_ref[...],
                 preferred_element_type=jnp.float32)
    ax = jnp.dot(x_ref[...] * inv_s, p_ref[...],
                 preferred_element_type=jnp.float32)
    a1 = a_ref[0:1, :]
    a2 = a_ref[1:2, :]

    base = jnp.sum(h * a1, axis=1, keepdims=True)

    def lrelu(v):
        return jnp.where(v >= 0, v, 0.01 * v)

    s0 = lrelu(base + jnp.sum(h * a2, axis=1, keepdims=True))
    s1 = lrelu(base + jnp.sum(ax * a2, axis=1, keepdims=True))
    s2 = lrelu(base + jnp.sum(ad * a2, axis=1, keepdims=True))
    s3 = lrelu(base + jnp.sum(ag * a2, axis=1, keepdims=True))
    m = jnp.maximum(jnp.maximum(s0, s1), jnp.maximum(s2, s3))
    e0 = jnp.exp(s0 - m)
    e1 = jnp.exp(s1 - m)
    e2 = jnp.exp(s2 - m)
    e3 = jnp.exp(s3 - m)
    z = e0 + e1 + e2 + e3
    o_ref[...] = (e0 * h + e1 * ax + e2 * ad + e3 * ag) / z


_att = pl.pallas_call(
    _att_body,
    grid=(10,),
    in_specs=[pl.BlockSpec((B // 10, D), lambda i: (i, 0)),
              pl.BlockSpec((B // 10, D), lambda i: (i, 0)),
              pl.BlockSpec((B // 10, D), lambda i: (i, 0)),
              pl.BlockSpec((B // 10, D), lambda i: (i, 0)),
              pl.BlockSpec((D, D), lambda i: (0, 0)),
              pl.BlockSpec((D, D), lambda i: (0, 0)),
              pl.BlockSpec((1, D), lambda i: (0, 0)),
              pl.BlockSpec((2, D), lambda i: (0, 0))],
    out_specs=pl.BlockSpec((B // 10, D), lambda i: (i, 0)),
    out_shape=jax.ShapeDtypeStruct((B, D), jnp.float32),
)


def _perm_matrix():
    j = jnp.arange(D)
    blk, r = j // 32, j % 32
    src = 32 * blk + jnp.where(r < 16, 2 * r, 2 * (r - 16) + 1)
    return (jnp.arange(D)[None, :] == src[:, None]).astype(jnp.float32)


def kernel(center_ids, neigh_cell, neigh_drug, neigh_gene,
           gene_features, drug_features, cell_embed,
           W_gene, b_gene, W_drug, b_drug, att_w):
    pad = BPC - B
    ci = jnp.pad(center_ids.astype(jnp.int32), (0, pad))
    ng = jnp.pad(neigh_gene.astype(jnp.int32).reshape(-1), (0, pad * S))
    nd = jnp.pad(neigh_drug.astype(jnp.int32).reshape(-1), (0, pad * S))
    nx = jnp.pad(neigh_cell.astype(jnp.int32).reshape(-1), (0, pad * S))

    pdrug = _proj_drug(drug_features, W_drug, b_drug.reshape(1, D))
    pdrug_i32 = lax.bitcast_convert_type(pdrug.reshape(ND, DP, 2),
                                         jnp.int32)
    cell_i32 = lax.bitcast_convert_type(
        cell_embed.astype(jnp.bfloat16).reshape(NCELL, DP, 2), jnp.int32)

    outc, outg, outd, outx = _sc_gather_fn()(ci, ng, nd, nx,
                                             gene_features, pdrug_i32,
                                             cell_i32)
    return _att(outc, outg, outd, outx,
                W_gene, _perm_matrix(), b_gene.reshape(1, D),
                att_w.reshape(2, D))

# --- scband reference (transcript-rebuilt; emitter-appended) ---
"""Pipeline reference for scband-het-agg-89687507075344 (READ-ONLY COPY).

The authoritative reference and input builder live on the scoring server;
editing this copy changes nothing except your own understanding.
"""

import jax, jax.numpy as jnp
import numpy as np

B = 10000   # center-node batch
S = 10      # neighbor samples per type (num_samples=10 in node_het_agg)
D = 128     # embed_d
NG = 100000 # num genes
ND = 10000  # num drugs
NC = 1000   # num cells
GFD = 128   # gene raw feature dim
DFD = 512   # drug raw feature dim

def setup_inputs(seed: int = 0) -> dict:
    key = jax.random.key(seed)
    ks = jax.random.split(key, 12)
    return {
        "center_ids": jax.random.randint(ks[0], (B,), 0, NG),
        "neigh_cell": jax.random.randint(ks[1], (B, S), 0, NC),
        "neigh_drug": jax.random.randint(ks[2], (B, S), 0, ND),
        "neigh_gene": jax.random.randint(ks[3], (B, S), 0, NG),
        # raw heterogeneous feature tables (buffers)
        "gene_features": jax.random.normal(ks[4], (NG, GFD), dtype=jnp.float32),
        "drug_features": jax.random.normal(ks[5], (ND, DFD), dtype=jnp.float32),
        # learned params: feat_proj per type (Linear for drug/gene, Embedding for cell)
        "cell_embed": jax.random.normal(ks[6], (NC, D), dtype=jnp.float32) * 0.02,
        "W_gene": jax.random.normal(ks[7], (GFD, D), dtype=jnp.float32) * 0.05,
        "b_gene": jnp.zeros((D,), dtype=jnp.float32),
        "W_drug": jax.random.normal(ks[8], (DFD, D), dtype=jnp.float32) * 0.05,
        "b_drug": jnp.zeros((D,), dtype=jnp.float32),
        # per-type attention combine weights of the GNN layer
        "att_w": jax.random.normal(ks[9], (2 * D,), dtype=jnp.float32) * 0.05,
    }

def _conteng_agg_gene(ids, gene_features, W_gene, b_gene):
    # feat_proj[gene]: gather raw features then Linear
    return jnp.take(gene_features, ids, axis=0) @ W_gene + b_gene

def _conteng_agg_drug(ids, drug_features, W_drug, b_drug):
    return jnp.take(drug_features, ids, axis=0) @ W_drug + b_drug

def _conteng_agg_cell(ids, cell_embed):
    # feat_proj[cell]: nn.Embedding lookup
    return jnp.take(cell_embed, ids, axis=0)

def reference(center_ids, neigh_cell, neigh_drug, neigh_gene,
              gene_features, drug_features, cell_embed,
              W_gene, b_gene, W_drug, b_drug, att_w):
    # conteng_agg for center nodes (gene-type batch)
    h_center = _conteng_agg_gene(center_ids, gene_features, W_gene, b_gene)  # [B, D]
    # conteng_agg for each neighbor type (flattened gather, then reshape [B, S, D])
    e_cell = _conteng_agg_cell(neigh_cell.reshape(-1), cell_embed).reshape(B, S, D)
    e_drug = _conteng_agg_drug(neigh_drug.reshape(-1), drug_features, W_drug, b_drug).reshape(B, S, D)
    e_gene = _conteng_agg_gene(neigh_gene.reshape(-1), gene_features, W_gene, b_gene).reshape(B, S, D)
    # per-type neighbor aggregation (HetGNN content aggregation over samples)
    agg_cell = e_cell.mean(axis=1)
    agg_drug = e_drug.mean(axis=1)
    agg_gene = e_gene.mean(axis=1)
    # type-level attention combine: candidates = [self, cell-agg, drug-agg, gene-agg]
    cands = jnp.stack([h_center, agg_cell, agg_drug, agg_gene], axis=1)  # [B, 4, D]
    h_rep = jnp.broadcast_to(h_center[:, None, :], cands.shape)          # [B, 4, D]
    cat = jnp.concatenate([h_rep, cands], axis=-1)                        # [B, 4, 2D]
    scores = jax.nn.leaky_relu(cat @ att_w)                               # [B, 4]
    alpha = jax.nn.softmax(scores, axis=1)
    out = jnp.sum(alpha[:, :, None] * cands, axis=1)                      # [B, D]
    return out

if __name__ == "__main__":
    import jax
    _d = setup_inputs()
    print(jax.jit(kernel)(*tuple(_d.values())))

</pallas_src>

<mosaic_0001>
#map = affine_map<(d0, d1) -> (0)>
#map1 = affine_map<(d0, d1) -> (0, 0)>
module attributes {stable_mosaic.version = 14 : i64} {
  func.func @_sc_body(%arg0: i32, %arg1: i32, %arg2: memref<10688xi32, #tpu.memory_space<hbm>>, %arg3: memref<106880xi32, #tpu.memory_space<hbm>>, %arg4: memref<106880xi32, #tpu.memory_space<hbm>>, %arg5: memref<106880xi32, #tpu.memory_space<hbm>>, %arg6: memref<100000x128xf32, #tpu.memory_space<hbm>>, %arg7: memref<10000x64xi32, #tpu.memory_space<hbm>>, %arg8: memref<1000x64xi32, #tpu.memory_space<hbm>>, %arg9: memref<10240x128xf32, #tpu.memory_space<hbm>>, %arg10: memref<10240x128xf32, #tpu.memory_space<hbm>>, %arg11: memref<10240x128xf32, #tpu.memory_space<hbm>>, %arg12: memref<10240x128xf32, #tpu.memory_space<hbm>>, %arg13: memref<4480xi32, #tpu.memory_space<vmem>>, %arg14: memref<4480xi32, #tpu.memory_space<vmem>>, %arg15: memref<4480xi32, #tpu.memory_space<vmem>>, %arg16: memref<448xi32, #tpu.memory_space<vmem>>, %arg17: memref<320x128xf32, #tpu.memory_space<vmem>>, %arg18: memref<320x64xi32, #tpu.memory_space<vmem>>, %arg19: memref<320x64xi32, #tpu.memory_space<vmem>>, %arg20: memref<32x128xf32, #tpu.memory_space<vmem>>, %arg21: memref<32x128xf32, #tpu.memory_space<vmem>>, %arg22: memref<32x128xf32, #tpu.memory_space<vmem>>, %arg23: memref<32x128xf32, #tpu.memory_space<vmem>>, %arg24: memref<32x128xf32, #tpu.memory_space<vmem>>, %arg25: memref<1000x64xi32, #tpu.memory_space<vmem_shared>>, %arg26: memref<!tpu.dma_semaphore, #tpu.memory_space<semaphore_mem>>, %arg27: memref<!tpu.dma_semaphore, #tpu.memory_space<semaphore_mem>>, %arg28: memref<!tpu.dma_semaphore, #tpu.memory_space<semaphore_mem>>, %arg29: memref<!tpu.dma_semaphore, #tpu.memory_space<semaphore_mem>>, %arg30: memref<!tpu.dma_semaphore, #tpu.memory_space<semaphore_mem>>, %arg31: memref<!tpu.dma_semaphore, #tpu.memory_space<semaphore_mem>>, %arg32: memref<!tpu.dma_semaphore, #tpu.memory_space<semaphore_mem>>, %arg33: memref<!tpu.dma_semaphore, #tpu.memory_space<semaphore_mem>>) attributes {dimension_semantics = [#tpu.dimension_semantics<core_parallel>, #tpu.dimension_semantics<subcore_parallel>], iteration_bounds = array<i64: 2, 16>, scalar_prefetch = 0 : i64, scratch_operands = 21 : i64, tpu.core_type = #tpu.core_type<sc_vector_subcore>, window_params = [{transform_indices = #map}, {transform_indices = #map}, {transform_indices = #map}, {transform_indices = #map}, {transform_indices = #map1}, {transform_indices = #map1}, {transform_indices = #map1}, {transform_indices = #map1}, {transform_indices = #map1}, {transform_indices = #map1}, {transform_indices = #map1}]} {
    %eq3A = arith.constant 0 : i32
    %eq3A_0 = arith.cmpi eq, %arg0, %eq3A : i32
    %mul3A = arith.constant 448 : i32
    %mul3A_1 = arith.muli %arg1, %mul3A : i32
    %mul3A_2 = arith.constant 192 : i32
    %mul3A_3 = arith.muli %arg1, %mul3A_2 : i32
    %add3A = arith.constant 7168 : i32
    %add3A_4 = arith.addi %add3A, %mul3A_3 : i32
    %select_n3A = arith.select %eq3A_0, %mul3A_1, %add3A_4 : i32
    %eq3A_5 = arith.constant 0 : i32
    %eq3A_6 = arith.cmpi eq, %arg0, %eq3A_5 : i32
    %jit3A = arith.constant 14 : i32
    %jit3A_7 = arith.constant 6 : i32
    %select_n3A_8 = arith.select %eq3A_6, %jit3A, %jit3A_7 : i32
    %mul3A_9 = arith.constant 10 : i32
    %mul3A_10 = arith.muli %select_n3A, %mul3A_9 : i32
    "tpu.region"() ({
      %run_scoped3A = tpu.sem_alloc : memref<!tpu.dma_semaphore, #tpu.memory_space<semaphore_mem>>
      %dma_start3A_59 = tpu.memref_slice %arg3[%mul3A_10] : memref<106880xi32, #tpu.memory_space<hbm>> -> memref<4480xi32, #tpu.memory_space<hbm>>
      %dma_start3A_60 = tpu.memref_slice %arg3[%mul3A_10] : memref<106880xi32, #tpu.memory_space<hbm>> -> memref<4480xi32, #tpu.memory_space<hbm>>
      tpu.enqueue_dma source(%dma_start3A_60 : memref<4480xi32, #tpu.memory_space<hbm>>) target(%arg13 : memref<4480xi32, #tpu.memory_space<vmem>>) target_semaphore(%run_scoped3A : memref<!tpu.dma_semaphore, #tpu.memory_space<semaphore_mem>>)
      %dma_wait3A_61 = tpu.memref_slice %arg3[%mul3A_10] : memref<106880xi32, #tpu.memory_space<hbm>> -> memref<4480xi32, #tpu.memory_space<hbm>>
      %dma_wait3A_62 = tpu.memref_slice %arg3[%mul3A_10] : memref<106880xi32, #tpu.memory_space<hbm>> -> memref<4480xi32, #tpu.memory_space<hbm>>
      tpu.wait_dma2 semaphore(%run_scoped3A : memref<!tpu.dma_semaphore, #tpu.memory_space<semaphore_mem>>) src(%dma_wait3A_62 : memref<4480xi32, #tpu.memory_space<hbm>>) dst(%arg13 : memref<4480xi32, #tpu.memory_space<vmem>>)
      tpu.yield
    }) : () -> ()
    %mul3A_11 = arith.constant 10 : i32
    %mul3A_12 = arith.muli %select_n3A, %mul3A_11 : i32
    "tpu.region"() ({
      %run_scoped3A = tpu.sem_alloc : memref<!tpu.dma_semaphore, #tpu.memory_space<semaphore_mem>>
      %dma_start3A_59 = tpu.memref_slice %arg4[%mul3A_12] : memref<106880xi32, #tpu.memory_space<hbm>> -> memref<4480xi32, #tpu.memory_space<hbm>>
      %dma_start3A_60 = tpu.memref_slice %arg4[%mul3A_12] : memref<106880xi32, #tpu.memory_space<hbm>> -> memref<4480xi32, #tpu.memory_space<hbm>>
      tpu.enqueue_dma source(%dma_start3A_60 : memref<4480xi32, #tpu.memory_space<hbm>>) target(%arg14 : memref<4480xi32, #tpu.memory_space<vmem>>) target_semaphore(%run_scoped3A : memref<!tpu.dma_semaphore, #tpu.memory_space<semaphore_mem>>)
      %dma_wait3A_61 = tpu.memref_slice %arg4[%mul3A_12] : memref<106880xi32, #tpu.memory_space<hbm>> -> memref<4480xi32, #tpu.memory_space<hbm>>
      %dma_wait3A_62 = tpu.memref_slice %arg4[%mul3A_12] : memref<106880xi32, #tpu.memory_space<hbm>> -> memref<4480xi32, #tpu.memory_space<hbm>>
      tpu.wait_dma2 semaphore(%run_scoped3A : memref<!tpu.dma_semaphore, #tpu.memory_space<semaphore_mem>>) src(%dma_wait3A_62 : memref<4480xi32, #tpu.memory_space<hbm>>) dst(%arg14 : memref<4480xi32, #tpu.memory_space<vmem>>)
      tpu.yield
    }) : () -> ()
    %mul3A_13 = arith.constant 10 : i32
    %mul3A_14 = arith.muli %select_n3A, %mul3A_13 : i32
    "tpu.region"() ({
      %run_scoped3A = tpu.sem_alloc : memref<!tpu.dma_semaphore, #tpu.memory_space<semaphore_mem>>
      %dma_start3A_59 = tpu.memref_slice %arg5[%mul3A_14] : memref<106880xi32, #tpu.memory_space<hbm>> -> memref<4480xi32, #tpu.memory_space<hbm>>
      %dma_start3A_60 = tpu.memref_slice %arg5[%mul3A_14] : memref<106880xi32, #tpu.memory_space<hbm>> -> memref<4480xi32, #tpu.memory_space<hbm>>
      tpu.enqueue_dma source(%dma_start3A_60 : memref<4480xi32, #tpu.memory_space<hbm>>) target(%arg15 : memref<4480xi32, #tpu.memory_space<vmem>>) target_semaphore(%run_scoped3A : memref<!tpu.dma_semaphore, #tpu.memory_space<semaphore_mem>>)
      %dma_wait3A_61 = tpu.memref_slice %arg5[%mul3A_14] : memref<106880xi32, #tpu.memory_space<hbm>> -> memref<4480xi32, #tpu.memory_space<hbm>>
      %dma_wait3A_62 = tpu.memref_slice %arg5[%mul3A_14] : memref<106880xi32, #tpu.memory_space<hbm>> -> memref<4480xi32, #tpu.memory_space<hbm>>
      tpu.wait_dma2 semaphore(%run_scoped3A : memref<!tpu.dma_semaphore, #tpu.memory_space<semaphore_mem>>) src(%dma_wait3A_62 : memref<4480xi32, #tpu.memory_space<hbm>>) dst(%arg15 : memref<4480xi32, #tpu.memory_space<vmem>>)
      tpu.yield
    }) : () -> ()
    "tpu.region"() ({
      %run_scoped3A = tpu.sem_alloc : memref<!tpu.dma_semaphore, #tpu.memory_space<semaphore_mem>>
      %dma_start3A_59 = tpu.memref_slice %arg2[%select_n3A] : memref<10688xi32, #tpu.memory_space<hbm>> -> memref<448xi32, #tpu.memory_space<hbm>>
      %dma_start3A_60 = tpu.memref_slice %arg2[%select_n3A] : memref<10688xi32, #tpu.memory_space<hbm>> -> memref<448xi32, #tpu.memory_space<hbm>>
      tpu.enqueue_dma source(%dma_start3A_60 : memref<448xi32, #tpu.memory_space<hbm>>) target(%arg16 : memref<448xi32, #tpu.memory_space<vmem>>) target_semaphore(%run_scoped3A : memref<!tpu.dma_semaphore, #tpu.memory_space<semaphore_mem>>)
      %dma_wait3A_61 = tpu.memref_slice %arg2[%select_n3A] : memref<10688xi32, #tpu.memory_space<hbm>> -> memref<448xi32, #tpu.memory_space<hbm>>
      %dma_wait3A_62 = tpu.memref_slice %arg2[%select_n3A] : memref<10688xi32, #tpu.memory_space<hbm>> -> memref<448xi32, #tpu.memory_space<hbm>>
      tpu.wait_dma2 semaphore(%run_scoped3A : memref<!tpu.dma_semaphore, #tpu.memory_space<semaphore_mem>>) src(%dma_wait3A_62 : memref<448xi32, #tpu.memory_space<hbm>>) dst(%arg16 : memref<448xi32, #tpu.memory_space<vmem>>)
      tpu.yield
    }) : () -> ()
    %lt3A = arith.constant 8 : i32
    %lt3A_15 = arith.cmpi slt, %arg1, %lt3A : i32
    %convert_element_type3A = arith.extui %lt3A_15 : i1 to i32
    %cond3A = arith.constant 0 : i32
    %cond3A_16 = arith.cmpi ne, %convert_element_type3A, %cond3A : i32
    scf.if %cond3A_16 {
      %mul3A_59 = arith.constant 125 : i32
      %mul3A_60 = arith.muli %arg1, %mul3A_59 : i32
      %mul3A_61 = arith.constant 125 : i32
      %mul3A_62 = arith.muli %arg1, %mul3A_61 : i32
      "tpu.region"() ({
        %run_scoped3A = tpu.sem_alloc : memref<!tpu.dma_semaphore, #tpu.memory_space<semaphore_mem>>
        %dma_start3A_63 = arith.constant 0 : i32
        %dma_start3A_64 = tpu.memref_slice %arg25[%mul3A_62, %dma_start3A_63] : memref<1000x64xi32, #tpu.memory_space<vmem_shared>> -> memref<125x64xi32, #tpu.memory_space<vmem_shared>>
        %dma_start3A_65 = arith.constant 0 : i32
        %dma_start3A_66 = tpu.memref_slice %arg8[%mul3A_60, %dma_start3A_65] : memref<1000x64xi32, #tpu.memory_space<hbm>> -> memref<125x64xi32, #tpu.memory_space<hbm>>
        tpu.enqueue_dma source(%dma_start3A_66 : memref<125x64xi32, #tpu.memory_space<hbm>>) target(%dma_start3A_64 : memref<125x64xi32, #tpu.memory_space<vmem_shared>>) target_semaphore(%run_scoped3A : memref<!tpu.dma_semaphore, #tpu.memory_space<semaphore_mem>>)
        %dma_wait3A_67 = arith.constant 0 : i32
        %dma_wait3A_68 = tpu.memref_slice %arg25[%mul3A_62, %dma_wait3A_67] : memref<1000x64xi32, #tpu.memory_space<vmem_shared>> -> memref<125x64xi32, #tpu.memory_space<vmem_shared>>
        %dma_wait3A_69 = arith.constant 0 : i32
        %dma_wait3A_70 = tpu.memref_slice %arg8[%mul3A_60, %dma_wait3A_69] : memref<1000x64xi32, #tpu.memory_space<hbm>> -> memref<125x64xi32, #tpu.memory_space<hbm>>
        tpu.wait_dma2 semaphore(%run_scoped3A : memref<!tpu.dma_semaphore, #tpu.memory_space<semaphore_mem>>) src(%dma_wait3A_70 : memref<125x64xi32, #tpu.memory_space<hbm>>) dst(%dma_wait3A_68 : memref<125x64xi32, #tpu.memory_space<vmem_shared>>)
        tpu.yield
      }) : () -> ()
    } else {
    }
    %barrier3A = arith.constant 0 : index
    tpu.barrier barrier_id(%barrier3A)
    %dma_start3A = arith.constant 0 : i32
    %dma_start3A_17 = tpu.memref_slice %arg13[%dma_start3A] : memref<4480xi32, #tpu.memory_space<vmem>> -> memref<320xi32, #tpu.memory_space<vmem>>
    %dma_start3A_18 = arith.constant 0 : i32
    %dma_start3A_19 = arith.constant 0 : i32
    %dma_start3A_20 = tpu.memref_slice %arg6[%dma_start3A_18, %dma_start3A_19] : memref<100000x128xf32, #tpu.memory_space<hbm>> -> memref<100000x128xf32, #tpu.memory_space<hbm>>
    tpu.enqueue_indirect_dma source(%dma_start3A_20 : memref<100000x128xf32, #tpu.memory_space<hbm>>) target(%arg17 : memref<320x128xf32, #tpu.memory_space<vmem>>) offsets(%dma_start3A_17 : memref<320xi32, #tpu.memory_space<vmem>>) semaphore(%arg26 : memref<!tpu.dma_semaphore, #tpu.memory_space<semaphore_mem>>)
    %while3A = arith.constant 0 : i32
    %while3A_21 = arith.constant 0 : i32
    %while3A_22 = arith.subi %select_n3A_8, %while3A_21 : i32
    %while3A_23 = arith.addi %while3A_21, %while3A_22 : i32
    %while3A_24 = arith.constant 1 : i32
    %while3A_25 = arith.divsi %while3A_22, %while3A_24 : i32
    %while3A_26 = arith.muli %while3A_25, %while3A_24 : i32
    %while3A_27 = arith.addi %while3A_21, %while3A_26 : i32
    %while3A_28 = arith.constant 1 : i32
    scf.for %while3A_59 = %while3A_21 to %while3A_27 step %while3A_28  : i32 {
      %mul3A_60 = arith.constant 32 : i32
      %mul3A_61 = arith.muli %while3A_59, %mul3A_60 : i32
      %add3A_62 = arith.addi %select_n3A, %mul3A_61 : i32
      %mul3A_63 = arith.constant 320 : i32
      %mul3A_64 = arith.muli %while3A_59, %mul3A_63 : i32
      %dma_start3A_65 = tpu.memref_slice %arg14[%mul3A_64] : memref<4480xi32, #tpu.memory_space<vmem>> -> memref<320xi32, #tpu.memory_space<vmem>>
      %dma_start3A_66 = arith.constant 0 : i32
      %dma_start3A_67 = arith.constant 0 : i32
      %dma_start3A_68 = tpu.memref_slice %arg7[%dma_start3A_66, %dma_start3A_67] : memref<10000x64xi32, #tpu.memory_space<hbm>> -> memref<10000x64xi32, #tpu.memory_space<hbm>>
      tpu.enqueue_indirect_dma source(%dma_start3A_68 : memref<10000x64xi32, #tpu.memory_space<hbm>>) target(%arg18 : memref<320x64xi32, #tpu.memory_space<vmem>>) offsets(%dma_start3A_65 : memref<320xi32, #tpu.memory_space<vmem>>) semaphore(%arg27 : memref<!tpu.dma_semaphore, #tpu.memory_space<semaphore_mem>>)
      %dma_wait3A_69 = arith.constant 0 : i32
      %dma_wait3A_70 = arith.constant 0 : i32
      %dma_wait3A_71 = tpu.memref_slice %arg6[%dma_wait3A_69, %dma_wait3A_70] : memref<100000x128xf32, #tpu.memory_space<hbm>> -> memref<320x128xf32, #tpu.memory_space<hbm>>
      %dma_wait3A_72 = arith.constant 0 : i32
      %dma_wait3A_73 = arith.constant 0 : i32
      %dma_wait3A_74 = tpu.memref_slice %arg6[%dma_wait3A_72, %dma_wait3A_73] : memref<100000x128xf32, #tpu.memory_space<hbm>> -> memref<320x128xf32, #tpu.memory_space<hbm>>
      tpu.wait_dma2 semaphore(%arg26 : memref<!tpu.dma_semaphore, #tpu.memory_space<semaphore_mem>>) src(%dma_wait3A_74 : memref<320x128xf32, #tpu.memory_space<hbm>>) dst(%arg17 : memref<320x128xf32, #tpu.memory_space<vmem>>)
      %gt3A = arith.constant 0 : i32
      %gt3A_75 = arith.cmpi sgt, %while3A_59, %gt3A : i32
      %convert_element_type3A_76 = arith.extui %gt3A_75 : i1 to i32
      %cond3A_77 = arith.constant 0 : i32
      %cond3A_78 = arith.cmpi ne, %convert_element_type3A_76, %cond3A_77 : i32
      scf.if %cond3A_78 {
        %dma_wait3A_203 = arith.constant 0 : i32
        %dma_wait3A_204 = arith.constant 0 : i32
        %dma_wait3A_205 = tpu.memref_slice %arg10[%dma_wait3A_203, %dma_wait3A_204] : memref<10240x128xf32, #tpu.memory_space<hbm>> -> memref<32x128xf32, #tpu.memory_space<hbm>>
        %dma_wait3A_206 = arith.constant 0 : i32
        %dma_wait3A_207 = arith.constant 0 : i32
        %dma_wait3A_208 = tpu.memref_slice %arg10[%dma_wait3A_206, %dma_wait3A_207] : memref<10240x128xf32, #tpu.memory_space<hbm>> -> memref<32x128xf32, #tpu.memory_space<hbm>>
        tpu.wait_dma2 semaphore(%arg30 : memref<!tpu.dma_semaphore, #tpu.memory_space<semaphore_mem>>) src(%arg20 : memref<32x128xf32, #tpu.memory_space<vmem>>) dst(%dma_wait3A_208 : memref<32x128xf32, #tpu.memory_space<hbm>>)
      } else {
      }
      %scan3A = arith.constant 0 : i32
      %scan3A_79 = arith.constant 0 : i32
      %scan3A_80 = arith.constant 32 : i32
      %scan3A_81 = arith.addi %scan3A_79, %scan3A_80 : i32
      %scan3A_82 = arith.constant 1 : i32
      scf.for %scan3A_203 = %scan3A_79 to %scan3A_81 step %scan3A_82  : i32 {
        %mul3A_204 = arith.constant 10 : i32
        %mul3A_205 = arith.muli %scan3A_203, %mul3A_204 : i32
        %get3A = arith.index_cast %mul3A_205 : i32 to index
        %get3A_206 = arith.constant 0 : index
        %get3A_207 = tpu.vector_load %arg17[%get3A, %get3A_206] {strides = array<i32>} : memref<320x128xf32, #tpu.memory_space<vmem>>, vector<1x16xf32>,
        %get3A_208 = vector.shape_cast %get3A_207 : vector<1x16xf32> to vector<16xf32>
        %add3A_209 = arith.constant 1 : i32
        %add3A_210 = arith.addi %mul3A_205, %add3A_209 : i32
        %get3A_211 = arith.index_cast %add3A_210 : i32 to index
        %get3A_212 = arith.constant 0 : index
        %get3A_213 = tpu.vector_load %arg17[%get3A_211, %get3A_212] {strides = array<i32>} : memref<320x128xf32, #tpu.memory_space<vmem>>, vector<1x16xf32>,
        %get3A_214 = vector.shape_cast %get3A_213 : vector<1x16xf32> to vector<16xf32>
        %add3A_215 = arith.addf %get3A_208, %get3A_214 : vector<16xf32>
        %add3A_216 = arith.constant 2 : i32
        %add3A_217 = arith.addi %mul3A_205, %add3A_216 : i32
        %get3A_218 = arith.index_cast %add3A_217 : i32 to index
        %get3A_219 = arith.constant 0 : index
        %get3A_220 = tpu.vector_load %arg17[%get3A_218, %get3A_219] {strides = array<i32>} : memref<320x128xf32, #tpu.memory_space<vmem>>, vector<1x16xf32>,
        %get3A_221 = vector.shape_cast %get3A_220 : vector<1x16xf32> to vector<16xf32>
        %add3A_222 = arith.addf %add3A_215, %get3A_221 : vector<16xf32>
        %add3A_223 = arith.constant 3 : i32
        %add3A_224 = arith.addi %mul3A_205, %add3A_223 : i32
        %get3A_225 = arith.index_cast %add3A_224 : i32 to index
        %get3A_226 = arith.constant 0 : index
        %get3A_227 = tpu.vector_load %arg17[%get3A_225, %get3A_226] {strides = array<i32>} : memref<320x128xf32, #tpu.memory_space<vmem>>, vector<1x16xf32>,
        %get3A_228 = vector.shape_cast %get3A_227 : vector<1x16xf32> to vector<16xf32>
        %add3A_229 = arith.addf %add3A_222, %get3A_228 : vector<16xf32>
        %add3A_230 = arith.constant 4 : i32
        %add3A_231 = arith.addi %mul3A_205, %add3A_230 : i32
        %get3A_232 = arith.index_cast %add3A_231 : i32 to index
        %get3A_233 = arith.constant 0 : index
        %get3A_234 = tpu.vector_load %arg17[%get3A_232, %get3A_233] {strides = array<i32>} : memref<320x128xf32, #tpu.memory_space<vmem>>, vector<1x16xf32>,
        %get3A_235 = vector.shape_cast %get3A_234 : vector<1x16xf32> to vector<16xf32>
        %add3A_236 = arith.addf %add3A_229, %get3A_235 : vector<16xf32>
        %add3A_237 = arith.constant 5 : i32
        %add3A_238 = arith.addi %mul3A_205, %add3A_237 : i32
        %get3A_239 = arith.index_cast %add3A_238 : i32 to index
        %get3A_240 = arith.constant 0 : index
        %get3A_241 = tpu.vector_load %arg17[%get3A_239, %get3A_240] {strides = array<i32>} : memref<320x128xf32, #tpu.memory_space<vmem>>, vector<1x16xf32>,
        %get3A_242 = vector.shape_cast %get3A_241 : vector<1x16xf32> to vector<16xf32>
        %add3A_243 = arith.addf %add3A_236, %get3A_242 : vector<16xf32>
        %add3A_244 = arith.constant 6 : i32
        %add3A_245 = arith.addi %mul3A_205, %add3A_244 : i32
        %get3A_246 = arith.index_cast %add3A_245 : i32 to index
        %get3A_247 = arith.constant 0 : index
        %get3A_248 = tpu.vector_load %arg17[%get3A_246, %get3A_247] {strides = array<i32>} : memref<320x128xf32, #tpu.memory_space<vmem>>, vector<1x16xf32>,
        %get3A_249 = vector.shape_cast %get3A_248 : vector<1x16xf32> to vector<16xf32>
        %add3A_250 = arith.addf %add3A_243, %get3A_249 : vector<16xf32>
        %add3A_251 = arith.constant 7 : i32
        %add3A_252 = arith.addi %mul3A_205, %add3A_251 : i32
        %get3A_253 = arith.index_cast %add3A_252 : i32 to index
        %get3A_254 = arith.constant 0 : index
        %get3A_255 = tpu.vector_load %arg17[%get3A_253, %get3A_254] {strides = array<i32>} : memref<320x128xf32, #tpu.memory_space<vmem>>, vector<1x16xf32>,
        %get3A_256 = vector.shape_cast %get3A_255 : vector<1x16xf32> to vector<16xf32>
        %add3A_257 = arith.addf %add3A_250, %get3A_256 : vector<16xf32>
        %add3A_258 = arith.constant 8 : i32
        %add3A_259 = arith.addi %mul3A_205, %add3A_258 : i32
        %get3A_260 = arith.index_cast %add3A_259 : i32 to index
        %get3A_261 = arith.constant 0 : index
        %get3A_262 = tpu.vector_load %arg17[%get3A_260, %get3A_261] {strides = array<i32>} : memref<320x128xf32, #tpu.memory_space<vmem>>, vector<1x16xf32>,
        %get3A_263 = vector.shape_cast %get3A_262 : vector<1x16xf32> to vector<16xf32>
        %add3A_264 = arith.addf %add3A_257, %get3A_263 : vector<16xf32>
        %add3A_265 = arith.constant 9 : i32
        %add3A_266 = arith.addi %mul3A_205, %add3A_265 : i32
        %get3A_267 = arith.index_cast %add3A_266 : i32 to index
        %get3A_268 = arith.constant 0 : index
        %get3A_269 = tpu.vector_load %arg17[%get3A_267, %get3A_268] {strides = array<i32>} : memref<320x128xf32, #tpu.memory_space<vmem>>, vector<1x16xf32>,
        %get3A_270 = vector.shape_cast %get3A_269 : vector<1x16xf32> to vector<16xf32>
        %add3A_271 = arith.addf %add3A_264, %get3A_270 : vector<16xf32>
        %swap3A = arith.index_cast %scan3A_203 : i32 to index
        %swap3A_272 = arith.constant 0 : index
        %swap3A_273 = tpu.vector_load %arg20[%swap3A, %swap3A_272] {strides = array<i32>} : memref<32x128xf32, #tpu.memory_space<vmem>>, vector<1x16xf32>,
        %swap3A_274 = vector.shape_cast %swap3A_273 : vector<1x16xf32> to vector<16xf32>
        %swap3A_275 = vector.shape_cast %add3A_271 : vector<16xf32> to vector<1x16xf32>
        tpu.vector_store %arg20[%swap3A, %swap3A_272], %swap3A_275 {strides = array<i32>} : memref<32x128xf32, #tpu.memory_space<vmem>>, vector<1x16xf32>,
        %get3A_276 = arith.index_cast %mul3A_205 : i32 to index
        %get3A_277 = arith.constant 16 : index
        %get3A_278 = tpu.vector_load %arg17[%get3A_276, %get3A_277] {strides = array<i32>} : memref<320x128xf32, #tpu.memory_space<vmem>>, vector<1x16xf32>,
        %get3A_279 = vector.shape_cast %get3A_278 : vector<1x16xf32> to vector<16xf32>
        %add3A_280 = arith.constant 1 : i32
        %add3A_281 = arith.addi %mul3A_205, %add3A_280 : i32
        %get3A_282 = arith.index_cast %add3A_281 : i32 to index
        %get3A_283 = arith.constant 16 : index
        %get3A_284 = tpu.vector_load %arg17[%get3A_282, %get3A_283] {strides = array<i32>} : memref<320x128xf32, #tpu.memory_space<vmem>>, vector<1x16xf32>,
        %get3A_285 = vector.shape_cast %get3A_284 : vector<1x16xf32> to vector<16xf32>
        %add3A_286 = arith.addf %get3A_279, %get3A_285 : vector<16xf32>
        %add3A_287 = arith.constant 2 : i32
        %add3A_288 = arith.addi %mul3A_205, %add3A_287 : i32
        %get3A_289 = arith.index_cast %add3A_288 : i32 to index
        %get3A_290 = arith.constant 16 : index
        %get3A_291 = tpu.vector_load %arg17[%get3A_289, %get3A_290] {strides = array<i32>} : memref<320x128xf32, #tpu.memory_space<vmem>>, vector<1x16xf32>,
        %get3A_292 = vector.shape_cast %get3A_291 : vector<1x16xf32> to vector<16xf32>
        %add3A_293 = arith.addf %add3A_286, %get3A_292 : vector<16xf32>
        %add3A_294 = arith.constant 3 : i32
        %add3A_295 = arith.addi %mul3A_205, %add3A_294 : i32
        %get3A_296 = arith.index_cast %add3A_295 : i32 to index
        %get3A_297 = arith.constant 16 : index
        %get3A_298 = tpu.vector_load %arg17[%get3A_296, %get3A_297] {strides = array<i32>} : memref<320x128xf32, #tpu.memory_space<vmem>>, vector<1x16xf32>,
        %get3A_299 = vector.shape_cast %get3A_298 : vector<1x16xf32> to vector<16xf32>
        %add3A_300 = arith.addf %add3A_293, %get3A_299 : vector<16xf32>
        %add3A_301 = arith.constant 4 : i32
        %add3A_302 = arith.addi %mul3A_205, %add3A_301 : i32
        %get3A_303 = arith.index_cast %add3A_302 : i32 to index
        %get3A_304 = arith.constant 16 : index
        %get3A_305 = tpu.vector_load %arg17[%get3A_303, %get3A_304] {strides = array<i32>} : memref<320x128xf32, #tpu.memory_space<vmem>>, vector<1x16xf32>,
        %get3A_306 = vector.shape_cast %get3A_305 : vector<1x16xf32> to vector<16xf32>
        %add3A_307 = arith.addf %add3A_300, %get3A_306 : vector<16xf32>
        %add3A_308 = arith.constant 5 : i32
        %add3A_309 = arith.addi %mul3A_205, %add3A_308 : i32
        %get3A_310 = arith.index_cast %add3A_309 : i32 to index
        %get3A_311 = arith.constant 16 : index
        %get3A_312 = tpu.vector_load %arg17[%get3A_310, %get3A_311] {strides = array<i32>} : memref<320x128xf32, #tpu.memory_space<vmem>>, vector<1x16xf32>,
        %get3A_313 = vector.shape_cast %get3A_312 : vector<1x16xf32> to vector<16xf32>
        %add3A_314 = arith.addf %add3A_307, %get3A_313 : vector<16xf32>
        %add3A_315 = arith.constant 6 : i32
        %add3A_316 = arith.addi %mul3A_205, %add3A_315 : i32
        %get3A_317 = arith.index_cast %add3A_316 : i32 to index
        %get3A_318 = arith.constant 16 : index
        %get3A_319 = tpu.vector_load %arg17[%get3A_317, %get3A_318] {strides = array<i32>} : memref<320x128xf32, #tpu.memory_space<vmem>>, vector<1x16xf32>,
        %get3A_320 = vector.shape_cast %get3A_319 : vector<1x16xf32> to vector<16xf32>
        %add3A_321 = arith.addf %add3A_314, %get3A_320 : vector<16xf32>
        %add3A_322 = arith.constant 7 : i32
        %add3A_323 = arith.addi %mul3A_205, %add3A_322 : i32
        %get3A_324 = arith.index_cast %add3A_323 : i32 to index
        %get3A_325 = arith.constant 16 : index
        %get3A_326 = tpu.vector_load %arg17[%get3A_324, %get3A_325] {strides = array<i32>} : memref<320x128xf32, #tpu.memory_space<vmem>>, vector<1x16xf32>,
        %get3A_327 = vector.shape_cast %get3A_326 : vector<1x16xf32> to vector<16xf32>
        %add3A_328 = arith.addf %add3A_321, %get3A_327 : vector<16xf32>
        %add3A_329 = arith.constant 8 : i32
        %add3A_330 = arith.addi %mul3A_205, %add3A_329 : i32
        %get3A_331 = arith.index_cast %add3A_330 : i32 to index
        %get3A_332 = arith.constant 16 : index
        %get3A_333 = tpu.vector_load %arg17[%get3A_331, %get3A_332] {strides = array<i32>} : memref<320x128xf32, #tpu.memory_space<vmem>>, vector<1x16xf32>,
        %get3A_334 = vector.shape_cast %get3A_333 : vector<1x16xf32> to vector<16xf32>
        %add3A_335 = arith.addf %add3A_328, %get3A_334 : vector<16xf32>
        %add3A_336 = arith.constant 9 : i32
        %add3A_337 = arith.addi %mul3A_205, %add3A_336 : i32
        %get3A_338 = arith.index_cast %add3A_337 : i32 to index
        %get3A_339 = arith.constant 16 : index
        %get3A_340 = tpu.vector_load %arg17[%get3A_338, %get3A_339] {strides = array<i32>} : memref<320x128xf32, #tpu.memory_space<vmem>>, vector<1x16xf32>,
        %get3A_341 = vector.shape_cast %get3A_340 : vector<1x16xf32> to vector<16xf32>
        %add3A_342 = arith.addf %add3A_335, %get3A_341 : vector<16xf32>
        %swap3A_343 = arith.index_cast %scan3A_203 : i32 to index
        %swap3A_344 = arith.constant 16 : index
        %swap3A_345 = tpu.vector_load %arg20[%swap3A_343, %swap3A_344] {strides = array<i32>} : memref<32x128xf32, #tpu.memory_space<vmem>>, vector<1x16xf32>,
        %swap3A_346 = vector.shape_cast %swap3A_345 : vector<1x16xf32> to vector<16xf32>
        %swap3A_347 = vector.shape_cast %add3A_342 : vector<16xf32> to vector<1x16xf32>
        tpu.vector_store %arg20[%swap3A_343, %swap3A_344], %swap3A_347 {strides = array<i32>} : memref<32x128xf32, #tpu.memory_space<vmem>>, vector<1x16xf32>,
        %get3A_348 = arith.index_cast %mul3A_205 : i32 to index
        %get3A_349 = arith.constant 32 : index
        %get3A_350 = tpu.vector_load %arg17[%get3A_348, %get3A_349] {strides = array<i32>} : memref<320x128xf32, #tpu.memory_space<vmem>>, vector<1x16xf32>,
        %get3A_351 = vector.shape_cast %get3A_350 : vector<1x16xf32> to vector<16xf32>
        %add3A_352 = arith.constant 1 : i32
        %add3A_353 = arith.addi %mul3A_205, %add3A_352 : i32
        %get3A_354 = arith.index_cast %add3A_353 : i32 to index
        %get3A_355 = arith.constant 32 : index
        %get3A_356 = tpu.vector_load %arg17[%get3A_354, %get3A_355] {strides = array<i32>} : memref<320x128xf32, #tpu.memory_space<vmem>>, vector<1x16xf32>,
        %get3A_357 = vector.shape_cast %get3A_356 : vector<1x16xf32> to vector<16xf32>
        %add3A_358 = arith.addf %get3A_351, %get3A_357 : vector<16xf32>
        %add3A_359 = arith.constant 2 : i32
        %add3A_360 = arith.addi %mul3A_205, %add3A_359 : i32
        %get3A_361 = arith.index_cast %add3A_360 : i32 to index
        %get3A_362 = arith.constant 32 : index
        %get3A_363 = tpu.vector_load %arg17[%get3A_361, %get3A_362] {strides = array<i32>} : memref<320x128xf32, #tpu.memory_space<vmem>>, vector<1x16xf32>,
        %get3A_364 = vector.shape_cast %get3A_363 : vector<1x16xf32> to vector<16xf32>
        %add3A_365 = arith.addf %add3A_358, %get3A_364 : vector<16xf32>
        %add3A_366 = arith.constant 3 : i32
        %add3A_367 = arith.addi %mul3A_205, %add3A_366 : i32
        %get3A_368 = arith.index_cast %add3A_367 : i32 to index
        %get3A_369 = arith.constant 32 : index
        %get3A_370 = tpu.vector_load %arg17[%get3A_368, %get3A_369] {strides = array<i32>} : memref<320x128xf32, #tpu.memory_space<vmem>>, vector<1x16xf32>,
        %get3A_371 = vector.shape_cast %get3A_370 : vector<1x16xf32> to vector<16xf32>
        %add3A_372 = arith.addf %add3A_365, %get3A_371 : vector<16xf32>
        %add3A_373 = arith.constant 4 : i32
        %add3A_374 = arith.addi %mul3A_205, %add3A_373 : i32
        %get3A_375 = arith.index_cast %add3A_374 : i32 to index
        %get3A_376 = arith.constant 32 : index
        %get3A_377 = tpu.vector_load %arg17[%get3A_375, %get3A_376] {strides = array<i32>} : memref<320x128xf32, #tpu.memory_space<vmem>>, vector<1x16xf32>,
        %get3A_378 = vector.shape_cast %get3A_377 : vector<1x16xf32> to vector<16xf32>
        %add3A_379 = arith.addf %add3A_372, %get3A_378 : vector<16xf32>
        %add3A_380 = arith.constant 5 : i32
        %add3A_381 = arith.addi %mul3A_205, %add3A_380 : i32
        %get3A_382 = arith.index_cast %add3A_381 : i32 to index
        %get3A_383 = arith.constant 32 : index
        %get3A_384 = tpu.vector_load %arg17[%get3A_382, %get3A_383] {strides = array<i32>} : memref<320x128xf32, #tpu.memory_space<vmem>>, vector<1x16xf32>,
        %get3A_385 = vector.shape_cast %get3A_384 : vector<1x16xf32> to vector<16xf32>
        %add3A_386 = arith.addf %add3A_379, %get3A_385 : vector<16xf32>
        %add3A_387 = arith.constant 6 : i32
        %add3A_388 = arith.addi %mul3A_205, %add3A_387 : i32
        %get3A_389 = arith.index_cast %add3A_388 : i32 to index
        %get3A_390 = arith.constant 32 : index
        %get3A_391 = tpu.vector_load %arg17[%get3A_389, %get3A_390] {strides = array<i32>} : memref<320x128xf32, #tpu.memory_space<vmem>>, vector<1x16xf32>,
        %get3A_392 = vector.shape_cast %get3A_391 : vector<1x16xf32> to vector<16xf32>
        %add3A_393 = arith.addf %add3A_386, %get3A_392 : vector<16xf32>
        %add3A_394 = arith.constant 7 : i32
        %add3A_395 = arith.addi %mul3A_205, %add3A_394 : i32
        %get3A_396 = arith.index_cast %add3A_395 : i32 to index
        %get3A_397 = arith.constant 32 : index
        %get3A_398 = tpu.vector_load %arg17[%get3A_396, %get3A_397] {strides = array<i32>} : memref<320x128xf32, #tpu.memory_space<vmem>>, vector<1x16xf32>,
        %get3A_399 = vector.shape_cast %get3A_398 : vector<1x16xf32> to vector<16xf32>
        %add3A_400 = arith.addf %add3A_393, %get3A_399 : vector<16xf32>
        %add3A_401 = arith.constant 8 : i32
        %add3A_402 = arith.addi %mul3A_205, %add3A_401 : i32
        %get3A_403 = arith.index_cast %add3A_402 : i32 to index
        %get3A_404 = arith.constant 32 : index
        %get3A_405 = tpu.vector_load %arg17[%get3A_403, %get3A_404] {strides = array<i32>} : memref<320x128xf32, #tpu.memory_space<vmem>>, vector<1x16xf32>,
        %get3A_406 = vector.shape_cast %get3A_405 : vector<1x16xf32> to vector<16xf32>
        %add3A_407 = arith.addf %add3A_400, %get3A_406 : vector<16xf32>
        %add3A_408 = arith.constant 9 : i32
        %add3A_409 = arith.addi %mul3A_205, %add3A_408 : i32
        %get3A_410 = arith.index_cast %add3A_409 : i32 to index
        %get3A_411 = arith.constant 32 : index
        %get3A_412 = tpu.vector_load %arg17[%get3A_410, %get3A_411] {strides = array<i32>} : memref<320x128xf32, #tpu.memory_space<vmem>>, vector<1x16xf32>,
        %get3A_413 = vector.shape_cast %get3A_412 : vector<1x16xf32> to vector<16xf32>
        %add3A_414 = arith.addf %add3A_407, %get3A_413 : vector<16xf32>
        %swap3A_415 = arith.index_cast %scan3A_203 : i32 to index
        %swap3A_416 = arith.constant 32 : index
        %swap3A_417 = tpu.vector_load %arg20[%swap3A_415, %swap3A_416] {strides = array<i32>} : memref<32x128xf32, #tpu.memory_space<vmem>>, vector<1x16xf32>,
        %swap3A_418 = vector.shape_cast %swap3A_417 : vector<1x16xf32> to vector<16xf32>
        %swap3A_419 = vector.shape_cast %add3A_414 : vector<16xf32> to vector<1x16xf32>
        tpu.vector_store %arg20[%swap3A_415, %swap3A_416], %swap3A_419 {strides = array<i32>} : memref<32x128xf32, #tpu.memory_space<vmem>>, vector<1x16xf32>,
        %get3A_420 = arith.index_cast %mul3A_205 : i32 to index
        %get3A_421 = arith.constant 48 : index
        %get3A_422 = tpu.vector_load %arg17[%get3A_420, %get3A_421] {strides = array<i32>} : memref<320x128xf32, #tpu.memory_space<vmem>>, vector<1x16xf32>,
        %get3A_423 = vector.shape_cast %get3A_422 : vector<1x16xf32> to vector<16xf32>
        %add3A_424 = arith.constant 1 : i32
        %add3A_425 = arith.addi %mul3A_205, %add3A_424 : i32
        %get3A_426 = arith.index_cast %add3A_425 : i32 to index
        %get3A_427 = arith.constant 48 : index
        %get3A_428 = tpu.vector_load %arg17[%get3A_426, %get3A_427] {strides = array<i32>} : memref<320x128xf32, #tpu.memory_space<vmem>>, vector<1x16xf32>,
        %get3A_429 = vector.shape_cast %get3A_428 : vector<1x16xf32> to vector<16xf32>
        %add3A_430 = arith.addf %get3A_423, %get3A_429 : vector<16xf32>
        %add3A_431 = arith.constant 2 : i32
        %add3A_432 = arith.addi %mul3A_205, %add3A_431 : i32
        %get3A_433 = arith.index_cast %add3A_432 : i32 to index
        %get3A_434 = arith.constant 48 : index
        %get3A_435 = tpu.vector_load %arg17[%get3A_433, %get3A_434] {strides = array<i32>} : memref<320x128xf32, #tpu.memory_space<vmem>>, vector<1x16xf32>,
        %get3A_436 = vector.shape_cast %get3A_435 : vector<1x16xf32> to vector<16xf32>
        %add3A_437 = arith.addf %add3A_430, %get3A_436 : vector<16xf32>
        %add3A_438 = arith.constant 3 : i32
        %add3A_439 = arith.addi %mul3A_205, %add3A_438 : i32
        %get3A_440 = arith.index_cast %add3A_439 : i32 to index
        %get3A_441 = arith.constant 48 : index
        %get3A_442 = tpu.vector_load %arg17[%get3A_440, %get3A_441] {strides = array<i32>} : memref<320x128xf32, #tpu.memory_space<vmem>>, vector<1x16xf32>,
        %get3A_443 = vector.shape_cast %get3A_442 : vector<1x16xf32> to vector<16xf32>
        %add3A_444 = arith.addf %add3A_437, %get3A_443 : vector<16xf32>
        %add3A_445 = arith.constant 4 : i32
        %add3A_446 = arith.addi %mul3A_205, %add3A_445 : i32
        %get3A_447 = arith.index_cast %add3A_446 : i32 to index
        %get3A_448 = arith.constant 48 : index
        %get3A_449 = tpu.vector_load %arg17[%get3A_447, %get3A_448] {strides = array<i32>} : memref<320x128xf32, #tpu.memory_space<vmem>>, vector<1x16xf32>,
        %get3A_450 = vector.shape_cast %get3A_449 : vector<1x16xf32> to vector<16xf32>
        %add3A_451 = arith.addf %add3A_444, %get3A_450 : vector<16xf32>
        %add3A_452 = arith.constant 5 : i32
        %add3A_453 = arith.addi %mul3A_205, %add3A_452 : i32
        %get3A_454 = arith.index_cast %add3A_453 : i32 to index
        %get3A_455 = arith.constant 48 : index
        %get3A_456 = tpu.vector_load %arg17[%get3A_454, %get3A_455] {strides = array<i32>} : memref<320x128xf32, #tpu.memory_space<vmem>>, vector<1x16xf32>,
        %get3A_457 = vector.shape_cast %get3A_456 : vector<1x16xf32> to vector<16xf32>
        %add3A_458 = arith.addf %add3A_451, %get3A_457 : vector<16xf32>
        %add3A_459 = arith.constant 6 : i32
        %add3A_460 = arith.addi %mul3A_205, %add3A_459 : i32
        %get3A_461 = arith.index_cast %add3A_460 : i32 to index
        %get3A_462 = arith.constant 48 : index
        %get3A_463 = tpu.vector_load %arg17[%get3A_461, %get3A_462] {strides = array<i32>} : memref<320x128xf32, #tpu.memory_space<vmem>>, vector<1x16xf32>,
        %get3A_464 = vector.shape_cast %get3A_463 : vector<1x16xf32> to vector<16xf32>
        %add3A_465 = arith.addf %add3A_458, %get3A_464 : vector<16xf32>
        %add3A_466 = arith.constant 7 : i32
        %add3A_467 = arith.addi %mul3A_205, %add3A_466 : i32
        %get3A_468 = arith.index_cast %add3A_467 : i32 to index
        %get3A_469 = arith.constant 48 : index
        %get3A_470 = tpu.vector_load %arg17[%get3A_468, %get3A_469] {strides = array<i32>} : memref<320x128xf32, #tpu.memory_space<vmem>>, vector<1x16xf32>,
        %get3A_471 = vector.shape_cast %get3A_470 : vector<1x16xf32> to vector<16xf32>
        %add3A_472 = arith.addf %add3A_465, %get3A_471 : vector<16xf32>
        %add3A_473 = arith.constant 8 : i32
        %add3A_474 = arith.addi %mul3A_205, %add3A_473 : i32
        %get3A_475 = arith.index_cast %add3A_474 : i32 to index
        %get3A_476 = arith.constant 48 : index
        %get3A_477 = tpu.vector_load %arg17[%get3A_475, %get3A_476] {strides = array<i32>} : memref<320x128xf32, #tpu.memory_space<vmem>>, vector<1x16xf32>,
        %get3A_478 = vector.shape_cast %get3A_477 : vector<1x16xf32> to vector<16xf32>
        %add3A_479 = arith.addf %add3A_472, %get3A_478 : vector<16xf32>
        %add3A_480 = arith.constant 9 : i32
        %add3A_481 = arith.addi %mul3A_205, %add3A_480 : i32
        %get3A_482 = arith.index_cast %add3A_481 : i32 to index
        %get3A_483 = arith.constant 48 : index
        %get3A_484 = tpu.vector_load %arg17[%get3A_482, %get3A_483] {strides = array<i32>} : memref<320x128xf32, #tpu.memory_space<vmem>>, vector<1x16xf32>,
        %get3A_485 = vector.shape_cast %get3A_484 : vector<1x16xf32> to vector<16xf32>
        %add3A_486 = arith.addf %add3A_479, %get3A_485 : vector<16xf32>
        %swap3A_487 = arith.index_cast %scan3A_203 : i32 to index
        %swap3A_488 = arith.constant 48 : index
        %swap3A_489 = tpu.vector_load %arg20[%swap3A_487, %swap3A_488] {strides = array<i32>} : memref<32x128xf32, #tpu.memory_space<vmem>>, vector<1x16xf32>,
        %swap3A_490 = vector.shape_cast %swap3A_489 : vector<1x16xf32> to vector<16xf32>
        %swap3A_491 = vector.shape_cast %add3A_486 : vector<16xf32> to vector<1x16xf32>
        tpu.vector_store %arg20[%swap3A_487, %swap3A_488], %swap3A_491 {strides = array<i32>} : memref<32x128xf32, #tpu.memory_space<vmem>>, vector<1x16xf32>,
        %get3A_492 = arith.index_cast %mul3A_205 : i32 to index
        %get3A_493 = arith.constant 64 : index
        %get3A_494 = tpu.vector_load %arg17[%get3A_492, %get3A_493] {strides = array<i32>} : memref<320x128xf32, #tpu.memory_space<vmem>>, vector<1x16xf32>,
        %get3A_495 = vector.shape_cast %get3A_494 : vector<1x16xf32> to vector<16xf32>
        %add3A_496 = arith.constant 1 : i32
        %add3A_497 = arith.addi %mul3A_205, %add3A_496 : i32
        %get3A_498 = arith.index_cast %add3A_497 : i32 to index
        %get3A_499 = arith.constant 64 : index
        %get3A_500 = tpu.vector_load %arg17[%get3A_498, %get3A_499] {strides = array<i32>} : memref<320x128xf32, #tpu.memory_space<vmem>>, vector<1x16xf32>,
        %get3A_501 = vector.shape_cast %get3A_500 : vector<1x16xf32> to vector<16xf32>
        %add3A_502 = arith.addf %get3A_495, %get3A_501 : vector<16xf32>
        %add3A_503 = arith.constant 2 : i32
        %add3A_504 = arith.addi %mul3A_205, %add3A_503 : i32
        %get3A_505 = arith.index_cast %add3A_504 : i32 to index
        %get3A_506 = arith.constant 64 : index
        %get3A_507 = tpu.vector_load %arg17[%get3A_505, %get3A_506] {strides = array<i32>} : memref<320x128xf32, #tpu.memory_space<vmem>>, vector<1x16xf32>,
        %get3A_508 = vector.shape_cast %get3A_507 : vector<1x16xf32> to vector<16xf32>
        %add3A_509 = arith.addf %add3A_502, %get3A_508 : vector<16xf32>
        %add3A_510 = arith.constant 3 : i32
        %add3A_511 = arith.addi %mul3A_205, %add3A_510 : i32
        %get3A_512 = arith.index_cast %add3A_511 : i32 to index
        %get3A_513 = arith.constant 64 : index
        %get3A_514 = tpu.vector_load %arg17[%get3A_512, %get3A_513] {strides = array<i32>} : memref<320x128xf32, #tpu.memory_space<vmem>>, vector<1x16xf32>,
        %get3A_515 = vector.shape_cast %get3A_514 : vector<1x16xf32> to vector<16xf32>
        %add3A_516 = arith.addf %add3A_509, %get3A_515 : vector<16xf32>
        %add3A_517 = arith.constant 4 : i32
        %add3A_518 = arith.addi %mul3A_205, %add3A_517 : i32
        %get3A_519 = arith.index_cast %add3A_518 : i32 to index
        %get3A_520 = arith.constant 64 : index
        %get3A_521 = tpu.vector_load %arg17[%get3A_519, %get3A_520] {strides = array<i32>} : memref<320x128xf32, #tpu.memory_space<vmem>>, vector<1x16xf32>,
        %get3A_522 = vector.shape_cast %get3A_521 : vector<1x16xf32> to vector<16xf32>
        %add3A_523 = arith.addf %add3A_516, %get3A_522 : vector<16xf32>
        %add3A_524 = arith.constant 5 : i32
        %add3A_525 = arith.addi %mul3A_205, %add3A_524 : i32
        %get3A_526 = arith.index_cast %add3A_525 : i32 to index
        %get3A_527 = arith.constant 64 : index
        %get3A_528 = tpu.vector_load %arg17[%get3A_526, %get3A_527] {strides = array<i32>} : memref<320x128xf32, #tpu.memory_space<vmem>>, vector<1x16xf32>,
        %get3A_529 = vector.shape_cast %get3A_528 : vector<1x16xf32> to vector<16xf32>
        %add3A_530 = arith.addf %add3A_523, %get3A_529 : vector<16xf32>
        %add3A_531 = arith.constant 6 : i32
        %add3A_532 = arith.addi %mul3A_205, %add3A_531 : i32
        %get3A_533 = arith.index_cast %add3A_532 : i32 to index
        %get3A_534 = arith.constant 64 : index
        %get3A_535 = tpu.vector_load %arg17[%get3A_533, %get3A_534] {strides = array<i32>} : memref<320x128xf32, #tpu.memory_space<vmem>>, vector<1x16xf32>,
        %get3A_536 = vector.shape_cast %get3A_535 : vector<1x16xf32> to vector<16xf32>
        %add3A_537 = arith.addf %add3A_530, %get3A_536 : vector<16xf32>
        %add3A_538 = arith.constant 7 : i32
        %add3A_539 = arith.addi %mul3A_205, %add3A_538 : i32
        %get3A_540 = arith.index_cast %add3A_539 : i32 to index
        %get3A_541 = arith.constant 64 : index
        %get3A_542 = tpu.vector_load %arg17[%get3A_540, %get3A_541] {strides = array<i32>} : memref<320x128xf32, #tpu.memory_space<vmem>>, vector<1x16xf32>,
        %get3A_543 = vector.shape_cast %get3A_542 : vector<1x16xf32> to vector<16xf32>
        %add3A_544 = arith.addf %add3A_537, %get3A_543 : vector<16xf32>
        %add3A_545 = arith.constant 8 : i32
        %add3A_546 = arith.addi %mul3A_205, %add3A_545 : i32
        %get3A_547 = arith.index_cast %add3A_546 : i32 to index
        %get3A_548 = arith.constant 64 : index
        %get3A_549 = tpu.vector_load %arg17[%get3A_547, %get3A_548] {strides = array<i32>} : memref<320x128xf32, #tpu.memory_space<vmem>>, vector<1x16xf32>,
        %get3A_550 = vector.shape_cast %get3A_549 : vector<1x16xf32> to vector<16xf32>
        %add3A_551 = arith.addf %add3A_544, %get3A_550 : vector<16xf32>
        %add3A_552 = arith.constant 9 : i32
        %add3A_553 = arith.addi %mul3A_205, %add3A_552 : i32
        %get3A_554 = arith.index_cast %add3A_553 : i32 to index
        %get3A_555 = arith.constant 64 : index
        %get3A_556 = tpu.vector_load %arg17[%get3A_554, %get3A_555] {strides = array<i32>} : memref<320x128xf32, #tpu.memory_space<vmem>>, vector<1x16xf32>,
        %get3A_557 = vector.shape_cast %get3A_556 : vector<1x16xf32> to vector<16xf32>
        %add3A_558 = arith.addf %add3A_551, %get3A_557 : vector<16xf32>
        %swap3A_559 = arith.index_cast %scan3A_203 : i32 to index
        %swap3A_560 = arith.constant 64 : index
        %swap3A_561 = tpu.vector_load %arg20[%swap3A_559, %swap3A_560] {strides = array<i32>} : memref<32x128xf32, #tpu.memory_space<vmem>>, vector<1x16xf32>,
        %swap3A_562 = vector.shape_cast %swap3A_561 : vector<1x16xf32> to vector<16xf32>
        %swap3A_563 = vector.shape_cast %add3A_558 : vector<16xf32> to vector<1x16xf32>
        tpu.vector_store %arg20[%swap3A_559, %swap3A_560], %swap3A_563 {strides = array<i32>} : memref<32x128xf32, #tpu.memory_space<vmem>>, vector<1x16xf32>,
        %get3A_564 = arith.index_cast %mul3A_205 : i32 to index
        %get3A_565 = arith.constant 80 : index
        %get3A_566 = tpu.vector_load %arg17[%get3A_564, %get3A_565] {strides = array<i32>} : memref<320x128xf32, #tpu.memory_space<vmem>>, vector<1x16xf32>,
        %get3A_567 = vector.shape_cast %get3A_566 : vector<1x16xf32> to vector<16xf32>
        %add3A_568 = arith.constant 1 : i32
        %add3A_569 = arith.addi %mul3A_205, %add3A_568 : i32
        %get3A_570 = arith.index_cast %add3A_569 : i32 to index
        %get3A_571 = arith.constant 80 : index
        %get3A_572 = tpu.vector_load %arg17[%get3A_570, %get3A_571] {strides = array<i32>} : memref<320x128xf32, #tpu.memory_space<vmem>>, vector<1x16xf32>,
        %get3A_573 = vector.shape_cast %get3A_572 : vector<1x16xf32> to vector<16xf32>
        %add3A_574 = arith.addf %get3A_567, %get3A_573 : vector<16xf32>
        %add3A_575 = arith.constant 2 : i32
        %add3A_576 = arith.addi %mul3A_205, %add3A_575 : i32
        %get3A_577 = arith.index_cast %add3A_576 : i32 to index
        %get3A_578 = arith.constant 80 : index
        %get3A_579 = tpu.vector_load %arg17[%get3A_577, %get3A_578] {strides = array<i32>} : memref<320x128xf32, #tpu.memory_space<vmem>>, vector<1x16xf32>,
        %get3A_580 = vector.shape_cast %get3A_579 : vector<1x16xf32> to vector<16xf32>
        %add3A_581 = arith.addf %add3A_574, %get3A_580 : vector<16xf32>
        %add3A_582 = arith.constant 3 : i32
        %add3A_583 = arith.addi %mul3A_205, %add3A_582 : i32
        %get3A_584 = arith.index_cast %add3A_583 : i32 to index
        %get3A_585 = arith.constant 80 : index
        %get3A_586 = tpu.vector_load %arg17[%get3A_584, %get3A_585] {strides = array<i32>} : memref<320x128xf32, #tpu.memory_space<vmem>>, vector<1x16xf32>,
        %get3A_587 = vector.shape_cast %get3A_586 : vector<1x16xf32> to vector<16xf32>
        %add3A_588 = arith.addf %add3A_581, %get3A_587 : vector<16xf32>
        %add3A_589 = arith.constant 4 : i32
        %add3A_590 = arith.addi %mul3A_205, %add3A_589 : i32
        %get3A_591 = arith.index_cast %add3A_590 : i32 to index
        %get3A_592 = arith.constant 80 : index
        %get3A_593 = tpu.vector_load %arg17[%get3A_591, %get3A_592] {strides = array<i32>} : memref<320x128xf32, #tpu.memory_space<vmem>>, vector<1x16xf32>,
        %get3A_594 = vector.shape_cast %get3A_593 : vector<1x16xf32> to vector<16xf32>
        %add3A_595 = arith.addf %add3A_588, %get3A_594 : vector<16xf32>
        %add3A_596 = arith.constant 5 : i32
        %add3A_597 = arith.addi %mul3A_205, %add3A_596 : i32
        %get3A_598 = arith.index_cast %add3A_597 : i32 to index
        %get3A_599 = arith.constant 80 : index
        %get3A_600 = tpu.vector_load %arg17[%get3A_598, %get3A_599] {strides = array<i32>} : memref<320x128xf32, #tpu.memory_space<vmem>>, vector<1x16xf32>,
        %get3A_601 = vector.shape_cast %get3A_600 : vector<1x16xf32> to vector<16xf32>
        %add3A_602 = arith.addf %add3A_595, %get3A_601 : vector<16xf32>
        %add3A_603 = arith.constant 6 : i32
        %add3A_604 = arith.addi %mul3A_205, %add3A_603 : i32
        %get3A_605 = arith.index_cast %add3A_604 : i32 to index
        %get3A_606 = arith.constant 80 : index
        %get3A_607 = tpu.vector_load %arg17[%get3A_605, %get3A_606] {strides = array<i32>} : memref<320x128xf32, #tpu.memory_space<vmem>>, vector<1x16xf32>,
        %get3A_608 = vector.shape_cast %get3A_607 : vector<1x16xf32> to vector<16xf32>
        %add3A_609 = arith.addf %add3A_602, %get3A_608 : vector<16xf32>
        %add3A_610 = arith.constant 7 : i32
        %add3A_611 = arith.addi %mul3A_205, %add3A_610 : i32
        %get3A_612 = arith.index_cast %add3A_611 : i32 to index
        %get3A_613 = arith.constant 80 : index
        %get3A_614 = tpu.vector_load %arg17[%get3A_612, %get3A_613] {strides = array<i32>} : memref<320x128xf32, #tpu.memory_space<vmem>>, vector<1x16xf32>,
        %get3A_615 = vector.shape_cast %get3A_614 : vector<1x16xf32> to vector<16xf32>
        %add3A_616 = arith.addf %add3A_609, %get3A_615 : vector<16xf32>
        %add3A_617 = arith.constant 8 : i32
        %add3A_618 = arith.addi %mul3A_205, %add3A_617 : i32
        %get3A_619 = arith.index_cast %add3A_618 : i32 to index
        %get3A_620 = arith.constant 80 : index
        %get3A_621 = tpu.vector_load %arg17[%get3A_619, %get3A_620] {strides = array<i32>} : memref<320x128xf32, #tpu.memory_space<vmem>>, vector<1x16xf32>,
        %get3A_622 = vector.shape_cast %get3A_621 : vector<1x16xf32> to vector<16xf32>
        %add3A_623 = arith.addf %add3A_616, %get3A_622 : vector<16xf32>
        %add3A_624 = arith.constant 9 : i32
        %add3A_625 = arith.addi %mul3A_205, %add3A_624 : i32
        %get3A_626 = arith.index_cast %add3A_625 : i32 to index
        %get3A_627 = arith.constant 80 : index
        %get3A_628 = tpu.vector_load %arg17[%get3A_626, %get3A_627] {strides = array<i32>} : memref<320x128xf32, #tpu.memory_space<vmem>>, vector<1x16xf32>,
        %get3A_629 = vector.shape_cast %get3A_628 : vector<1x16xf32> to vector<16xf32>
        %add3A_630 = arith.addf %add3A_623, %get3A_629 : vector<16xf32>
        %swap3A_631 = arith.index_cast %scan3A_203 : i32 to index
        %swap3A_632 = arith.constant 80 : index
        %swap3A_633 = tpu.vector_load %arg20[%swap3A_631, %swap3A_632] {strides = array<i32>} : memref<32x128xf32, #tpu.memory_space<vmem>>, vector<1x16xf32>,
        %swap3A_634 = vector.shape_cast %swap3A_633 : vector<1x16xf32> to vector<16xf32>
        %swap3A_635 = vector.shape_cast %add3A_630 : vector<16xf32> to vector<1x16xf32>
        tpu.vector_store %arg20[%swap3A_631, %swap3A_632], %swap3A_635 {strides = array<i32>} : memref<32x128xf32, #tpu.memory_space<vmem>>, vector<1x16xf32>,
        %get3A_636 = arith.index_cast %mul3A_205 : i32 to index
        %get3A_637 = arith.constant 96 : index
        %get3A_638 = tpu.vector_load %arg17[%get3A_636, %get3A_637] {strides = array<i32>} : memref<320x128xf32, #tpu.memory_space<vmem>>, vector<1x16xf32>,
        %get3A_639 = vector.shape_cast %get3A_638 : vector<1x16xf32> to vector<16xf32>
        %add3A_640 = arith.constant 1 : i32
        %add3A_641 = arith.addi %mul3A_205, %add3A_640 : i32
        %get3A_642 = arith.index_cast %add3A_641 : i32 to index
        %get3A_643 = arith.constant 96 : index
        %get3A_644 = tpu.vector_load %arg17[%get3A_642, %get3A_643] {strides = array<i32>} : memref<320x128xf32, #tpu.memory_space<vmem>>, vector<1x16xf32>,
        %get3A_645 = vector.shape_cast %get3A_644 : vector<1x16xf32> to vector<16xf32>
        %add3A_646 = arith.addf %get3A_639, %get3A_645 : vector<16xf32>
        %add3A_647 = arith.constant 2 : i32
        %add3A_648 = arith.addi %mul3A_205, %add3A_647 : i32
        %get3A_649 = arith.index_cast %add3A_648 : i32 to index
        %get3A_650 = arith.constant 96 : index
        %get3A_651 = tpu.vector_load %arg17[%get3A_649, %get3A_650] {strides = array<i32>} : memref<320x128xf32, #tpu.memory_space<vmem>>, vector<1x16xf32>,
        %get3A_652 = vector.shape_cast %get3A_651 : vector<1x16xf32> to vector<16xf32>
        %add3A_653 = arith.addf %add3A_646, %get3A_652 : vector<16xf32>
        %add3A_654 = arith.constant 3 : i32
        %add3A_655 = arith.addi %mul3A_205, %add3A_654 : i32
        %get3A_656 = arith.index_cast %add3A_655 : i32 to index
        %get3A_657 = arith.constant 96 : index
        %get3A_658 = tpu.vector_load %arg17[%get3A_656, %get3A_657] {strides = array<i32>} : memref<320x128xf32, #tpu.memory_space<vmem>>, vector<1x16xf32>,
        %get3A_659 = vector.shape_cast %get3A_658 : vector<1x16xf32> to vector<16xf32>
        %add3A_660 = arith.addf %add3A_653, %get3A_659 : vector<16xf32>
        %add3A_661 = arith.constant 4 : i32
        %add3A_662 = arith.addi %mul3A_205, %add3A_661 : i32
        %get3A_663 = arith.index_cast %add3A_662 : i32 to index
        %get3A_664 = arith.constant 96 : index
        %get3A_665 = tpu.vector_load %arg17[%get3A_663, %get3A_664] {strides = array<i32>} : memref<320x128xf32, #tpu.memory_space<vmem>>, vector<1x16xf32>,
        %get3A_666 = vector.shape_cast %get3A_665 : vector<1x16xf32> to vector<16xf32>
        %add3A_667 = arith.addf %add3A_660, %get3A_666 : vector<16xf32>
        %add3A_668 = arith.constant 5 : i32
        %add3A_669 = arith.addi %mul3A_205, %add3A_668 : i32
        %get3A_670 = arith.index_cast %add3A_669 : i32 to index
        %get3A_671 = arith.constant 96 : index
        %get3A_672 = tpu.vector_load %arg17[%get3A_670, %get3A_671] {strides = array<i32>} : memref<320x128xf32, #tpu.memory_space<vmem>>, vector<1x16xf32>,
        %get3A_673 = vector.shape_cast %get3A_672 : vector<1x16xf32> to vector<16xf32>
        %add3A_674 = arith.addf %add3A_667, %get3A_673 : vector<16xf32>
        %add3A_675 = arith.constant 6 : i32
        %add3A_676 = arith.addi %mul3A_205, %add3A_675 : i32
        %get3A_677 = arith.index_cast %add3A_676 : i32 to index
        %get3A_678 = arith.constant 96 : index
        %get3A_679 = tpu.vector_load %arg17[%get3A_677, %get3A_678] {strides = array<i32>} : memref<320x128xf32, #tpu.memory_space<vmem>>, vector<1x16xf32>,
        %get3A_680 = vector.shape_cast %get3A_679 : vector<1x16xf32> to vector<16xf32>
        %add3A_681 = arith.addf %add3A_674, %get3A_680 : vector<16xf32>
        %add3A_682 = arith.constant 7 : i32
        %add3A_683 = arith.addi %mul3A_205, %add3A_682 : i32
        %get3A_684 = arith.index_cast %add3A_683 : i32 to index
        %get3A_685 = arith.constant 96 : index
        %get3A_686 = tpu.vector_load %arg17[%get3A_684, %get3A_685] {strides = array<i32>} : memref<320x128xf32, #tpu.memory_space<vmem>>, vector<1x16xf32>,
        %get3A_687 = vector.shape_cast %get3A_686 : vector<1x16xf32> to vector<16xf32>
        %add3A_688 = arith.addf %add3A_681, %get3A_687 : vector<16xf32>
        %add3A_689 = arith.constant 8 : i32
        %add3A_690 = arith.addi %mul3A_205, %add3A_689 : i32
        %get3A_691 = arith.index_cast %add3A_690 : i32 to index
        %get3A_692 = arith.constant 96 : index
        %get3A_693 = tpu.vector_load %arg17[%get3A_691, %get3A_692] {strides = array<i32>} : memref<320x128xf32, #tpu.memory_space<vmem>>, vector<1x16xf32>,
        %get3A_694 = vector.shape_cast %get3A_693 : vector<1x16xf32> to vector<16xf32>
        %add3A_695 = arith.addf %add3A_688, %get3A_694 : vector<16xf32>
        %add3A_696 = arith.constant 9 : i32
        %add3A_697 = arith.addi %mul3A_205, %add3A_696 : i32
        %get3A_698 = arith.index_cast %add3A_697 : i32 to index
        %get3A_699 = arith.constant 96 : index
        %get3A_700 = tpu.vector_load %arg17[%get3A_698, %get3A_699] {strides = array<i32>} : memref<320x128xf32, #tpu.memory_space<vmem>>, vector<1x16xf32>,
        %get3A_701 = vector.shape_cast %get3A_700 : vector<1x16xf32> to vector<16xf32>
        %add3A_702 = arith.addf %add3A_695, %get3A_701 : vector<16xf32>
        %swap3A_703 = arith.index_cast %scan3A_203 : i32 to index
        %swap3A_704 = arith.constant 96 : index
        %swap3A_705 = tpu.vector_load %arg20[%swap3A_703, %swap3A_704] {strides = array<i32>} : memref<32x128xf32, #tpu.memory_space<vmem>>, vector<1x16xf32>,
        %swap3A_706 = vector.shape_cast %swap3A_705 : vector<1x16xf32> to vector<16xf32>
        %swap3A_707 = vector.shape_cast %add3A_702 : vector<16xf32> to vector<1x16xf32>
        tpu.vector_store %arg20[%swap3A_703, %swap3A_704], %swap3A_707 {strides = array<i32>} : memref<32x128xf32, #tpu.memory_space<vmem>>, vector<1x16xf32>,
        %get3A_708 = arith.index_cast %mul3A_205 : i32 to index
        %get3A_709 = arith.constant 112 : index
        %get3A_710 = tpu.vector_load %arg17[%get3A_708, %get3A_709] {strides = array<i32>} : memref<320x128xf32, #tpu.memory_space<vmem>>, vector<1x16xf32>,
        %get3A_711 = vector.shape_cast %get3A_710 : vector<1x16xf32> to vector<16xf32>
        %add3A_712 = arith.constant 1 : i32
        %add3A_713 = arith.addi %mul3A_205, %add3A_712 : i32
        %get3A_714 = arith.index_cast %add3A_713 : i32 to index
        %get3A_715 = arith.constant 112 : index
        %get3A_716 = tpu.vector_load %arg17[%get3A_714, %get3A_715] {strides = array<i32>} : memref<320x128xf32, #tpu.memory_space<vmem>>, vector<1x16xf32>,
        %get3A_717 = vector.shape_cast %get3A_716 : vector<1x16xf32> to vector<16xf32>
        %add3A_718 = arith.addf %get3A_711, %get3A_717 : vector<16xf32>
        %add3A_719 = arith.constant 2 : i32
        %add3A_720 = arith.addi %mul3A_205, %add3A_719 : i32
        %get3A_721 = arith.index_cast %add3A_720 : i32 to index
        %get3A_722 = arith.constant 112 : index
        %get3A_723 = tpu.vector_load %arg17[%get3A_721, %get3A_722] {strides = array<i32>} : memref<320x128xf32, #tpu.memory_space<vmem>>, vector<1x16xf32>,
        %get3A_724 = vector.shape_cast %get3A_723 : vector<1x16xf32> to vector<16xf32>
        %add3A_725 = arith.addf %add3A_718, %get3A_724 : vector<16xf32>
        %add3A_726 = arith.constant 3 : i32
        %add3A_727 = arith.addi %mul3A_205, %add3A_726 : i32
        %get3A_728 = arith.index_cast %add3A_727 : i32 to index
        %get3A_729 = arith.constant 112 : index
        %get3A_730 = tpu.vector_load %arg17[%get3A_728, %get3A_729] {strides = array<i32>} : memref<320x128xf32, #tpu.memory_space<vmem>>, vector<1x16xf32>,
        %get3A_731 = vector.shape_cast %get3A_730 : vector<1x16xf32> to vector<16xf32>
        %add3A_732 = arith.addf %add3A_725, %get3A_731 : vector<16xf32>
        %add3A_733 = arith.constant 4 : i32
        %add3A_734 = arith.addi %mul3A_205, %add3A_733 : i32
        %get3A_735 = arith.index_cast %add3A_734 : i32 to index
        %get3A_736 = arith.constant 112 : index
        %get3A_737 = tpu.vector_load %arg17[%get3A_735, %get3A_736] {strides = array<i32>} : memref<320x128xf32, #tpu.memory_space<vmem>>, vector<1x16xf32>,
        %get3A_738 = vector.shape_cast %get3A_737 : vector<1x16xf32> to vector<16xf32>
        %add3A_739 = arith.addf %add3A_732, %get3A_738 : vector<16xf32>
        %add3A_740 = arith.constant 5 : i32
        %add3A_741 = arith.addi %mul3A_205, %add3A_740 : i32
        %get3A_742 = arith.index_cast %add3A_741 : i32 to index
        %get3A_743 = arith.constant 112 : index
        %get3A_744 = tpu.vector_load %arg17[%get3A_742, %get3A_743] {strides = array<i32>} : memref<320x128xf32, #tpu.memory_space<vmem>>, vector<1x16xf32>,
        %get3A_745 = vector.shape_cast %get3A_744 : vector<1x16xf32> to vector<16xf32>
        %add3A_746 = arith.addf %add3A_739, %get3A_745 : vector<16xf32>
        %add3A_747 = arith.constant 6 : i32
        %add3A_748 = arith.addi %mul3A_205, %add3A_747 : i32
        %get3A_749 = arith.index_cast %add3A_748 : i32 to index
        %get3A_750 = arith.constant 112 : index
        %get3A_751 = tpu.vector_load %arg17[%get3A_749, %get3A_750] {strides = array<i32>} : memref<320x128xf32, #tpu.memory_space<vmem>>, vector<1x16xf32>,
        %get3A_752 = vector.shape_cast %get3A_751 : vector<1x16xf32> to vector<16xf32>
        %add3A_753 = arith.addf %add3A_746, %get3A_752 : vector<16xf32>
        %add3A_754 = arith.constant 7 : i32
        %add3A_755 = arith.addi %mul3A_205, %add3A_754 : i32
        %get3A_756 = arith.index_cast %add3A_755 : i32 to index
        %get3A_757 = arith.constant 112 : index
        %get3A_758 = tpu.vector_load %arg17[%get3A_756, %get3A_757] {strides = array<i32>} : memref<320x128xf32, #tpu.memory_space<vmem>>, vector<1x16xf32>,
        %get3A_759 = vector.shape_cast %get3A_758 : vector<1x16xf32> to vector<16xf32>
        %add3A_760 = arith.addf %add3A_753, %get3A_759 : vector<16xf32>
        %add3A_761 = arith.constant 8 : i32
        %add3A_762 = arith.addi %mul3A_205, %add3A_761 : i32
        %get3A_763 = arith.index_cast %add3A_762 : i32 to index
        %get3A_764 = arith.constant 112 : index
        %get3A_765 = tpu.vector_load %arg17[%get3A_763, %get3A_764] {strides = array<i32>} : memref<320x128xf32, #tpu.memory_space<vmem>>, vector<1x16xf32>,
        %get3A_766 = vector.shape_cast %get3A_765 : vector<1x16xf32> to vector<16xf32>
        %add3A_767 = arith.addf %add3A_760, %get3A_766 : vector<16xf32>
        %add3A_768 = arith.constant 9 : i32
        %add3A_769 = arith.addi %mul3A_205, %add3A_768 : i32
        %get3A_770 = arith.index_cast %add3A_769 : i32 to index
        %get3A_771 = arith.constant 112 : index
        %get3A_772 = tpu.vector_load %arg17[%get3A_770, %get3A_771] {strides = array<i32>} : memref<320x128xf32, #tpu.memory_space<vmem>>, vector<1x16xf32>,
        %get3A_773 = vector.shape_cast %get3A_772 : vector<1x16xf32> to vector<16xf32>
        %add3A_774 = arith.addf %add3A_767, %get3A_773 : vector<16xf32>
        %swap3A_775 = arith.index_cast %scan3A_203 : i32 to index
        %swap3A_776 = arith.constant 112 : index
        %swap3A_777 = tpu.vector_load %arg20[%swap3A_775, %swap3A_776] {strides = array<i32>} : memref<32x128xf32, #tpu.memory_space<vmem>>, vector<1x16xf32>,
        %swap3A_778 = vector.shape_cast %swap3A_777 : vector<1x16xf32> to vector<16xf32>
        %swap3A_779 = vector.shape_cast %add3A_774 : vector<16xf32> to vector<1x16xf32>
        tpu.vector_store %arg20[%swap3A_775, %swap3A_776], %swap3A_779 {strides = array<i32>} : memref<32x128xf32, #tpu.memory_space<vmem>>, vector<1x16xf32>,
      }
      %scan3A_83 = arith.constant 32 : i32
      %dma_start3A_84 = arith.constant 0 : i32
      %dma_start3A_85 = tpu.memref_slice %arg10[%add3A_62, %dma_start3A_84] : memref<10240x128xf32, #tpu.memory_space<hbm>> -> memref<32x128xf32, #tpu.memory_space<hbm>>
      %dma_start3A_86 = arith.constant 0 : i32
      %dma_start3A_87 = tpu.memref_slice %arg10[%add3A_62, %dma_start3A_86] : memref<10240x128xf32, #tpu.memory_space<hbm>> -> memref<32x128xf32, #tpu.memory_space<hbm>>
      tpu.enqueue_dma source(%arg20 : memref<32x128xf32, #tpu.memory_space<vmem>>) target(%dma_start3A_87 : memref<32x128xf32, #tpu.memory_space<hbm>>) target_semaphore(%arg30 : memref<!tpu.dma_semaphore, #tpu.memory_space<semaphore_mem>>)
      %mul3A_88 = arith.constant 320 : i32
      %mul3A_89 = arith.muli %while3A_59, %mul3A_88 : i32
      %dma_start3A_90 = tpu.memref_slice %arg15[%mul3A_89] : memref<4480xi32, #tpu.memory_space<vmem>> -> memref<320xi32, #tpu.memory_space<vmem>>
      %dma_start3A_91 = arith.constant 0 : i32
      %dma_start3A_92 = arith.constant 0 : i32
      %dma_start3A_93 = tpu.memref_slice %arg25[%dma_start3A_91, %dma_start3A_92] : memref<1000x64xi32, #tpu.memory_space<vmem_shared>> -> memref<1000x64xi32, #tpu.memory_space<vmem_shared>>
      tpu.enqueue_indirect_dma source(%dma_start3A_93 : memref<1000x64xi32, #tpu.memory_space<vmem_shared>>) target(%arg19 : memref<320x64xi32, #tpu.memory_space<vmem>>) offsets(%dma_start3A_90 : memref<320xi32, #tpu.memory_space<vmem>>) semaphore(%arg28 : memref<!tpu.dma_semaphore, #tpu.memory_space<semaphore_mem>>)
      %dma_wait3A_94 = arith.constant 0 : i32
      %dma_wait3A_95 = arith.constant 0 : i32
      %dma_wait3A_96 = tpu.memref_slice %arg7[%dma_wait3A_94, %dma_wait3A_95] : memref<10000x64xi32, #tpu.memory_space<hbm>> -> memref<320x64xi32, #tpu.memory_space<hbm>>
      %dma_wait3A_97 = arith.constant 0 : i32
      %dma_wait3A_98 = arith.constant 0 : i32
      %dma_wait3A_99 = tpu.memref_slice %arg7[%dma_wait3A_97, %dma_wait3A_98] : memref<10000x64xi32, #tpu.memory_space<hbm>> -> memref<320x64xi32, #tpu.memory_space<hbm>>
      tpu.wait_dma2 semaphore(%arg27 : memref<!tpu.dma_semaphore, #tpu.memory_space<semaphore_mem>>) src(%dma_wait3A_99 : memref<320x64xi32, #tpu.memory_space<hbm>>) dst(%arg18 : memref<320x64xi32, #tpu.memory_space<vmem>>)
      %gt3A_100 = arith.constant 0 : i32
      %gt3A_101 = arith.cmpi sgt, %while3A_59, %gt3A_100 : i32
      %convert_element_type3A_102 = arith.extui %gt3A_101 : i1 to i32
      %cond3A_103 = arith.constant 0 : i32
      %cond3A_104 = arith.cmpi ne, %convert_element_type3A_102, %cond3A_103 : i32
      scf.if %cond3A_104 {
        %dma_wait3A_203 = arith.constant 0 : i32
        %dma_wait3A_204 = arith.constant 0 : i32
        %dma_wait3A_205 = tpu.memref_slice %arg11[%dma_wait3A_203, %dma_wait3A_204] : memref<10240x128xf32, #tpu.memory_space<hbm>> -> memref<32x128xf32, #tpu.memory_space<hbm>>
        %dma_wait3A_206 = arith.constant 0 : i32
        %dma_wait3A_207 = arith.constant 0 : i32
        %dma_wait3A_208 = tpu.memref_slice %arg11[%dma_wait3A_206, %dma_wait3A_207] : memref<10240x128xf32, #tpu.memory_space<hbm>> -> memref<32x128xf32, #tpu.memory_space<hbm>>
        tpu.wait_dma2 semaphore(%arg31 : memref<!tpu.dma_semaphore, #tpu.memory_space<semaphore_mem>>) src(%arg21 : memref<32x128xf32, #tpu.memory_space<vmem>>) dst(%dma_wait3A_208 : memref<32x128xf32, #tpu.memory_space<hbm>>)
      } else {
      }
      %broadcast_in_dim3A = arith.constant 65536 : i32
      %broadcast_in_dim3A_105 = vector.broadcast %broadcast_in_dim3A : i32 to vector<16xi32>
      %broadcast_in_dim3A_106 = arith.constant -65536 : i32
      %broadcast_in_dim3A_107 = vector.broadcast %broadcast_in_dim3A_106 : i32 to vector<16xi32>
      %scan3A_108 = arith.constant 0 : i32
      %scan3A_109 = arith.constant 0 : i32
      %scan3A_110 = arith.constant 32 : i32
      %scan3A_111 = arith.addi %scan3A_109, %scan3A_110 : i32
      %scan3A_112 = arith.constant 1 : i32
      scf.for %scan3A_203 = %scan3A_109 to %scan3A_111 step %scan3A_112  : i32 {
        %mul3A_204 = arith.constant 10 : i32
        %mul3A_205 = arith.muli %scan3A_203, %mul3A_204 : i32
        %get3A = arith.index_cast %mul3A_205 : i32 to index
        %get3A_206 = arith.constant 0 : index
        %get3A_207 = tpu.vector_load %arg18[%get3A, %get3A_206] {strides = array<i32>} : memref<320x64xi32, #tpu.memory_space<vmem>>, vector<1x16xi32>,
        %get3A_208 = vector.shape_cast %get3A_207 : vector<1x16xi32> to vector<16xi32>
        %mul3A_209 = arith.muli %get3A_208, %broadcast_in_dim3A_105 : vector<16xi32>
        %bitcast_convert_type3A = tpu.bitcast %mul3A_209 : vector<16xi32> -> vector<16xf32>
        %and3A_210 = arith.andi %get3A_208, %broadcast_in_dim3A_107 : vector<16xi32>
        %bitcast_convert_type3A_211 = tpu.bitcast %and3A_210 : vector<16xi32> -> vector<16xf32>
        %add3A_212 = arith.constant 1 : i32
        %add3A_213 = arith.addi %mul3A_205, %add3A_212 : i32
        %get3A_214 = arith.index_cast %add3A_213 : i32 to index
        %get3A_215 = arith.constant 0 : index
        %get3A_216 = tpu.vector_load %arg18[%get3A_214, %get3A_215] {strides = array<i32>} : memref<320x64xi32, #tpu.memory_space<vmem>>, vector<1x16xi32>,
        %get3A_217 = vector.shape_cast %get3A_216 : vector<1x16xi32> to vector<16xi32>
        %mul3A_218 = arith.muli %get3A_217, %broadcast_in_dim3A_105 : vector<16xi32>
        %bitcast_convert_type3A_219 = tpu.bitcast %mul3A_218 : vector<16xi32> -> vector<16xf32>
        %add3A_220 = arith.addf %bitcast_convert_type3A, %bitcast_convert_type3A_219 : vector<16xf32>
        %and3A_221 = arith.andi %get3A_217, %broadcast_in_dim3A_107 : vector<16xi32>
        %bitcast_convert_type3A_222 = tpu.bitcast %and3A_221 : vector<16xi32> -> vector<16xf32>
        %add3A_223 = arith.addf %bitcast_convert_type3A_211, %bitcast_convert_type3A_222 : vector<16xf32>
        %add3A_224 = arith.constant 2 : i32
        %add3A_225 = arith.addi %mul3A_205, %add3A_224 : i32
        %get3A_226 = arith.index_cast %add3A_225 : i32 to index
        %get3A_227 = arith.constant 0 : index
        %get3A_228 = tpu.vector_load %arg18[%get3A_226, %get3A_227] {strides = array<i32>} : memref<320x64xi32, #tpu.memory_space<vmem>>, vector<1x16xi32>,
        %get3A_229 = vector.shape_cast %get3A_228 : vector<1x16xi32> to vector<16xi32>
        %mul3A_230 = arith.muli %get3A_229, %broadcast_in_dim3A_105 : vector<16xi32>
        %bitcast_convert_type3A_231 = tpu.bitcast %mul3A_230 : vector<16xi32> -> vector<16xf32>
        %add3A_232 = arith.addf %add3A_220, %bitcast_convert_type3A_231 : vector<16xf32>
        %and3A_233 = arith.andi %get3A_229, %broadcast_in_dim3A_107 : vector<16xi32>
        %bitcast_convert_type3A_234 = tpu.bitcast %and3A_233 : vector<16xi32> -> vector<16xf32>
        %add3A_235 = arith.addf %add3A_223, %bitcast_convert_type3A_234 : vector<16xf32>
        %add3A_236 = arith.constant 3 : i32
        %add3A_237 = arith.addi %mul3A_205, %add3A_236 : i32
        %get3A_238 = arith.index_cast %add3A_237 : i32 to index
        %get3A_239 = arith.constant 0 : index
        %get3A_240 = tpu.vector_load %arg18[%get3A_238, %get3A_239] {strides = array<i32>} : memref<320x64xi32, #tpu.memory_space<vmem>>, vector<1x16xi32>,
        %get3A_241 = vector.shape_cast %get3A_240 : vector<1x16xi32> to vector<16xi32>
        %mul3A_242 = arith.muli %get3A_241, %broadcast_in_dim3A_105 : vector<16xi32>
        %bitcast_convert_type3A_243 = tpu.bitcast %mul3A_242 : vector<16xi32> -> vector<16xf32>
        %add3A_244 = arith.addf %add3A_232, %bitcast_convert_type3A_243 : vector<16xf32>
        %and3A_245 = arith.andi %get3A_241, %broadcast_in_dim3A_107 : vector<16xi32>
        %bitcast_convert_type3A_246 = tpu.bitcast %and3A_245 : vector<16xi32> -> vector<16xf32>
        %add3A_247 = arith.addf %add3A_235, %bitcast_convert_type3A_246 : vector<16xf32>
        %add3A_248 = arith.constant 4 : i32
        %add3A_249 = arith.addi %mul3A_205, %add3A_248 : i32
        %get3A_250 = arith.index_cast %add3A_249 : i32 to index
        %get3A_251 = arith.constant 0 : index
        %get3A_252 = tpu.vector_load %arg18[%get3A_250, %get3A_251] {strides = array<i32>} : memref<320x64xi32, #tpu.memory_space<vmem>>, vector<1x16xi32>,
        %get3A_253 = vector.shape_cast %get3A_252 : vector<1x16xi32> to vector<16xi32>
        %mul3A_254 = arith.muli %get3A_253, %broadcast_in_dim3A_105 : vector<16xi32>
        %bitcast_convert_type3A_255 = tpu.bitcast %mul3A_254 : vector<16xi32> -> vector<16xf32>
        %add3A_256 = arith.addf %add3A_244, %bitcast_convert_type3A_255 : vector<16xf32>
        %and3A_257 = arith.andi %get3A_253, %broadcast_in_dim3A_107 : vector<16xi32>
        %bitcast_convert_type3A_258 = tpu.bitcast %and3A_257 : vector<16xi32> -> vector<16xf32>
        %add3A_259 = arith.addf %add3A_247, %bitcast_convert_type3A_258 : vector<16xf32>
        %add3A_260 = arith.constant 5 : i32
        %add3A_261 = arith.addi %mul3A_205, %add3A_260 : i32
        %get3A_262 = arith.index_cast %add3A_261 : i32 to index
        %get3A_263 = arith.constant 0 : index
        %get3A_264 = tpu.vector_load %arg18[%get3A_262, %get3A_263] {strides = array<i32>} : memref<320x64xi32, #tpu.memory_space<vmem>>, vector<1x16xi32>,
        %get3A_265 = vector.shape_cast %get3A_264 : vector<1x16xi32> to vector<16xi32>
        %mul3A_266 = arith.muli %get3A_265, %broadcast_in_dim3A_105 : vector<16xi32>
        %bitcast_convert_type3A_267 = tpu.bitcast %mul3A_266 : vector<16xi32> -> vector<16xf32>
        %add3A_268 = arith.addf %add3A_256, %bitcast_convert_type3A_267 : vector<16xf32>
        %and3A_269 = arith.andi %get3A_265, %broadcast_in_dim3A_107 : vector<16xi32>
        %bitcast_convert_type3A_270 = tpu.bitcast %and3A_269 : vector<16xi32> -> vector<16xf32>
        %add3A_271 = arith.addf %add3A_259, %bitcast_convert_type3A_270 : vector<16xf32>
        %add3A_272 = arith.constant 6 : i32
        %add3A_273 = arith.addi %mul3A_205, %add3A_272 : i32
        %get3A_274 = arith.index_cast %add3A_273 : i32 to index
        %get3A_275 = arith.constant 0 : index
        %get3A_276 = tpu.vector_load %arg18[%get3A_274, %get3A_275] {strides = array<i32>} : memref<320x64xi32, #tpu.memory_space<vmem>>, vector<1x16xi32>,
        %get3A_277 = vector.shape_cast %get3A_276 : vector<1x16xi32> to vector<16xi32>
        %mul3A_278 = arith.muli %get3A_277, %broadcast_in_dim3A_105 : vector<16xi32>
        %bitcast_convert_type3A_279 = tpu.bitcast %mul3A_278 : vector<16xi32> -> vector<16xf32>
        %add3A_280 = arith.addf %add3A_268, %bitcast_convert_type3A_279 : vector<16xf32>
        %and3A_281 = arith.andi %get3A_277, %broadcast_in_dim3A_107 : vector<16xi32>
        %bitcast_convert_type3A_282 = tpu.bitcast %and3A_281 : vector<16xi32> -> vector<16xf32>
        %add3A_283 = arith.addf %add3A_271, %bitcast_convert_type3A_282 : vector<16xf32>
        %add3A_284 = arith.constant 7 : i32
        %add3A_285 = arith.addi %mul3A_205, %add3A_284 : i32
        %get3A_286 = arith.index_cast %add3A_285 : i32 to index
        %get3A_287 = arith.constant 0 : index
        %get3A_288 = tpu.vector_load %arg18[%get3A_286, %get3A_287] {strides = array<i32>} : memref<320x64xi32, #tpu.memory_space<vmem>>, vector<1x16xi32>,
        %get3A_289 = vector.shape_cast %get3A_288 : vector<1x16xi32> to vector<16xi32>
        %mul3A_290 = arith.muli %get3A_289, %broadcast_in_dim3A_105 : vector<16xi32>
        %bitcast_convert_type3A_291 = tpu.bitcast %mul3A_290 : vector<16xi32> -> vector<16xf32>
        %add3A_292 = arith.addf %add3A_280, %bitcast_convert_type3A_291 : vector<16xf32>
        %and3A_293 = arith.andi %get3A_289, %broadcast_in_dim3A_107 : vector<16xi32>
        %bitcast_convert_type3A_294 = tpu.bitcast %and3A_293 : vector<16xi32> -> vector<16xf32>
        %add3A_295 = arith.addf %add3A_283, %bitcast_convert_type3A_294 : vector<16xf32>
        %add3A_296 = arith.constant 8 : i32
        %add3A_297 = arith.addi %mul3A_205, %add3A_296 : i32
        %get3A_298 = arith.index_cast %add3A_297 : i32 to index
        %get3A_299 = arith.constant 0 : index
        %get3A_300 = tpu.vector_load %arg18[%get3A_298, %get3A_299] {strides = array<i32>} : memref<320x64xi32, #tpu.memory_space<vmem>>, vector<1x16xi32>,
        %get3A_301 = vector.shape_cast %get3A_300 : vector<1x16xi32> to vector<16xi32>
        %mul3A_302 = arith.muli %get3A_301, %broadcast_in_dim3A_105 : vector<16xi32>
        %bitcast_convert_type3A_303 = tpu.bitcast %mul3A_302 : vector<16xi32> -> vector<16xf32>
        %add3A_304 = arith.addf %add3A_292, %bitcast_convert_type3A_303 : vector<16xf32>
        %and3A_305 = arith.andi %get3A_301, %broadcast_in_dim3A_107 : vector<16xi32>
        %bitcast_convert_type3A_306 = tpu.bitcast %and3A_305 : vector<16xi32> -> vector<16xf32>
        %add3A_307 = arith.addf %add3A_295, %bitcast_convert_type3A_306 : vector<16xf32>
        %add3A_308 = arith.constant 9 : i32
        %add3A_309 = arith.addi %mul3A_205, %add3A_308 : i32
        %get3A_310 = arith.index_cast %add3A_309 : i32 to index
        %get3A_311 = arith.constant 0 : index
        %get3A_312 = tpu.vector_load %arg18[%get3A_310, %get3A_311] {strides = array<i32>} : memref<320x64xi32, #tpu.memory_space<vmem>>, vector<1x16xi32>,
        %get3A_313 = vector.shape_cast %get3A_312 : vector<1x16xi32> to vector<16xi32>
        %mul3A_314 = arith.muli %get3A_313, %broadcast_in_dim3A_105 : vector<16xi32>
        %bitcast_convert_type3A_315 = tpu.bitcast %mul3A_314 : vector<16xi32> -> vector<16xf32>
        %add3A_316 = arith.addf %add3A_304, %bitcast_convert_type3A_315 : vector<16xf32>
        %and3A_317 = arith.andi %get3A_313, %broadcast_in_dim3A_107 : vector<16xi32>
        %bitcast_convert_type3A_318 = tpu.bitcast %and3A_317 : vector<16xi32> -> vector<16xf32>
        %add3A_319 = arith.addf %add3A_307, %bitcast_convert_type3A_318 : vector<16xf32>
        %swap3A = arith.index_cast %scan3A_203 : i32 to index
        %swap3A_320 = arith.constant 0 : index
        %swap3A_321 = tpu.vector_load %arg21[%swap3A, %swap3A_320] {strides = array<i32>} : memref<32x128xf32, #tpu.memory_space<vmem>>, vector<1x16xf32>,
        %swap3A_322 = vector.shape_cast %swap3A_321 : vector<1x16xf32> to vector<16xf32>
        %swap3A_323 = vector.shape_cast %add3A_316 : vector<16xf32> to vector<1x16xf32>
        tpu.vector_store %arg21[%swap3A, %swap3A_320], %swap3A_323 {strides = array<i32>} : memref<32x128xf32, #tpu.memory_space<vmem>>, vector<1x16xf32>,
        %swap3A_324 = arith.index_cast %scan3A_203 : i32 to index
        %swap3A_325 = arith.constant 16 : index
        %swap3A_326 = tpu.vector_load %arg21[%swap3A_324, %swap3A_325] {strides = array<i32>} : memref<32x128xf32, #tpu.memory_space<vmem>>, vector<1x16xf32>,
        %swap3A_327 = vector.shape_cast %swap3A_326 : vector<1x16xf32> to vector<16xf32>
        %swap3A_328 = vector.shape_cast %add3A_319 : vector<16xf32> to vector<1x16xf32>
        tpu.vector_store %arg21[%swap3A_324, %swap3A_325], %swap3A_328 {strides = array<i32>} : memref<32x128xf32, #tpu.memory_space<vmem>>, vector<1x16xf32>,
        %get3A_329 = arith.index_cast %mul3A_205 : i32 to index
        %get3A_330 = arith.constant 16 : index
        %get3A_331 = tpu.vector_load %arg18[%get3A_329, %get3A_330] {strides = array<i32>} : memref<320x64xi32, #tpu.memory_space<vmem>>, vector<1x16xi32>,
        %get3A_332 = vector.shape_cast %get3A_331 : vector<1x16xi32> to vector<16xi32>
        %mul3A_333 = arith.muli %get3A_332, %broadcast_in_dim3A_105 : vector<16xi32>
        %bitcast_convert_type3A_334 = tpu.bitcast %mul3A_333 : vector<16xi32> -> vector<16xf32>
        %and3A_335 = arith.andi %get3A_332, %broadcast_in_dim3A_107 : vector<16xi32>
        %bitcast_convert_type3A_336 = tpu.bitcast %and3A_335 : vector<16xi32> -> vector<16xf32>
        %add3A_337 = arith.constant 1 : i32
        %add3A_338 = arith.addi %mul3A_205, %add3A_337 : i32
        %get3A_339 = arith.index_cast %add3A_338 : i32 to index
        %get3A_340 = arith.constant 16 : index
        %get3A_341 = tpu.vector_load %arg18[%get3A_339, %get3A_340] {strides = array<i32>} : memref<320x64xi32, #tpu.memory_space<vmem>>, vector<1x16xi32>,
        %get3A_342 = vector.shape_cast %get3A_341 : vector<1x16xi32> to vector<16xi32>
        %mul3A_343 = arith.muli %get3A_342, %broadcast_in_dim3A_105 : vector<16xi32>
        %bitcast_convert_type3A_344 = tpu.bitcast %mul3A_343 : vector<16xi32> -> vector<16xf32>
        %add3A_345 = arith.addf %bitcast_convert_type3A_334, %bitcast_convert_type3A_344 : vector<16xf32>
        %and3A_346 = arith.andi %get3A_342, %broadcast_in_dim3A_107 : vector<16xi32>
        %bitcast_convert_type3A_347 = tpu.bitcast %and3A_346 : vector<16xi32> -> vector<16xf32>
        %add3A_348 = arith.addf %bitcast_convert_type3A_336, %bitcast_convert_type3A_347 : vector<16xf32>
        %add3A_349 = arith.constant 2 : i32
        %add3A_350 = arith.addi %mul3A_205, %add3A_349 : i32
        %get3A_351 = arith.index_cast %add3A_350 : i32 to index
        %get3A_352 = arith.constant 16 : index
        %get3A_353 = tpu.vector_load %arg18[%get3A_351, %get3A_352] {strides = array<i32>} : memref<320x64xi32, #tpu.memory_space<vmem>>, vector<1x16xi32>,
        %get3A_354 = vector.shape_cast %get3A_353 : vector<1x16xi32> to vector<16xi32>
        %mul3A_355 = arith.muli %get3A_354, %broadcast_in_dim3A_105 : vector<16xi32>
        %bitcast_convert_type3A_356 = tpu.bitcast %mul3A_355 : vector<16xi32> -> vector<16xf32>
        %add3A_357 = arith.addf %add3A_345, %bitcast_convert_type3A_356 : vector<16xf32>
        %and3A_358 = arith.andi %get3A_354, %broadcast_in_dim3A_107 : vector<16xi32>
        %bitcast_convert_type3A_359 = tpu.bitcast %and3A_358 : vector<16xi32> -> vector<16xf32>
        %add3A_360 = arith.addf %add3A_348, %bitcast_convert_type3A_359 : vector<16xf32>
        %add3A_361 = arith.constant 3 : i32
        %add3A_362 = arith.addi %mul3A_205, %add3A_361 : i32
        %get3A_363 = arith.index_cast %add3A_362 : i32 to index
        %get3A_364 = arith.constant 16 : index
        %get3A_365 = tpu.vector_load %arg18[%get3A_363, %get3A_364] {strides = array<i32>} : memref<320x64xi32, #tpu.memory_space<vmem>>, vector<1x16xi32>,
        %get3A_366 = vector.shape_cast %get3A_365 : vector<1x16xi32> to vector<16xi32>
        %mul3A_367 = arith.muli %get3A_366, %broadcast_in_dim3A_105 : vector<16xi32>
        %bitcast_convert_type3A_368 = tpu.bitcast %mul3A_367 : vector<16xi32> -> vector<16xf32>
        %add3A_369 = arith.addf %add3A_357, %bitcast_convert_type3A_368 : vector<16xf32>
        %and3A_370 = arith.andi %get3A_366, %broadcast_in_dim3A_107 : vector<16xi32>
        %bitcast_convert_type3A_371 = tpu.bitcast %and3A_370 : vector<16xi32> -> vector<16xf32>
        %add3A_372 = arith.addf %add3A_360, %bitcast_convert_type3A_371 : vector<16xf32>
        %add3A_373 = arith.constant 4 : i32
        %add3A_374 = arith.addi %mul3A_205, %add3A_373 : i32
        %get3A_375 = arith.index_cast %add3A_374 : i32 to index
        %get3A_376 = arith.constant 16 : index
        %get3A_377 = tpu.vector_load %arg18[%get3A_375, %get3A_376] {strides = array<i32>} : memref<320x64xi32, #tpu.memory_space<vmem>>, vector<1x16xi32>,
        %get3A_378 = vector.shape_cast %get3A_377 : vector<1x16xi32> to vector<16xi32>
        %mul3A_379 = arith.muli %get3A_378, %broadcast_in_dim3A_105 : vector<16xi32>
        %bitcast_convert_type3A_380 = tpu.bitcast %mul3A_379 : vector<16xi32> -> vector<16xf32>
        %add3A_381 = arith.addf %add3A_369, %bitcast_convert_type3A_380 : vector<16xf32>
        %and3A_382 = arith.andi %get3A_378, %broadcast_in_dim3A_107 : vector<16xi32>
        %bitcast_convert_type3A_383 = tpu.bitcast %and3A_382 : vector<16xi32> -> vector<16xf32>
        %add3A_384 = arith.addf %add3A_372, %bitcast_convert_type3A_383 : vector<16xf32>
        %add3A_385 = arith.constant 5 : i32
        %add3A_386 = arith.addi %mul3A_205, %add3A_385 : i32
        %get3A_387 = arith.index_cast %add3A_386 : i32 to index
        %get3A_388 = arith.constant 16 : index
        %get3A_389 = tpu.vector_load %arg18[%get3A_387, %get3A_388] {strides = array<i32>} : memref<320x64xi32, #tpu.memory_space<vmem>>, vector<1x16xi32>,
        %get3A_390 = vector.shape_cast %get3A_389 : vector<1x16xi32> to vector<16xi32>
        %mul3A_391 = arith.muli %get3A_390, %broadcast_in_dim3A_105 : vector<16xi32>
        %bitcast_convert_type3A_392 = tpu.bitcast %mul3A_391 : vector<16xi32> -> vector<16xf32>
        %add3A_393 = arith.addf %add3A_381, %bitcast_convert_type3A_392 : vector<16xf32>
        %and3A_394 = arith.andi %get3A_390, %broadcast_in_dim3A_107 : vector<16xi32>
        %bitcast_convert_type3A_395 = tpu.bitcast %and3A_394 : vector<16xi32> -> vector<16xf32>
        %add3A_396 = arith.addf %add3A_384, %bitcast_convert_type3A_395 : vector<16xf32>
        %add3A_397 = arith.constant 6 : i32
        %add3A_398 = arith.addi %mul3A_205, %add3A_397 : i32
        %get3A_399 = arith.index_cast %add3A_398 : i32 to index
        %get3A_400 = arith.constant 16 : index
        %get3A_401 = tpu.vector_load %arg18[%get3A_399, %get3A_400] {strides = array<i32>} : memref<320x64xi32, #tpu.memory_space<vmem>>, vector<1x16xi32>,
        %get3A_402 = vector.shape_cast %get3A_401 : vector<1x16xi32> to vector<16xi32>
        %mul3A_403 = arith.muli %get3A_402, %broadcast_in_dim3A_105 : vector<16xi32>
        %bitcast_convert_type3A_404 = tpu.bitcast %mul3A_403 : vector<16xi32> -> vector<16xf32>
        %add3A_405 = arith.addf %add3A_393, %bitcast_convert_type3A_404 : vector<16xf32>
        %and3A_406 = arith.andi %get3A_402, %broadcast_in_dim3A_107 : vector<16xi32>
        %bitcast_convert_type3A_407 = tpu.bitcast %and3A_406 : vector<16xi32> -> vector<16xf32>
        %add3A_408 = arith.addf %add3A_396, %bitcast_convert_type3A_407 : vector<16xf32>
        %add3A_409 = arith.constant 7 : i32
        %add3A_410 = arith.addi %mul3A_205, %add3A_409 : i32
        %get3A_411 = arith.index_cast %add3A_410 : i32 to index
        %get3A_412 = arith.constant 16 : index
        %get3A_413 = tpu.vector_load %arg18[%get3A_411, %get3A_412] {strides = array<i32>} : memref<320x64xi32, #tpu.memory_space<vmem>>, vector<1x16xi32>,
        %get3A_414 = vector.shape_cast %get3A_413 : vector<1x16xi32> to vector<16xi32>
        %mul3A_415 = arith.muli %get3A_414, %broadcast_in_dim3A_105 : vector<16xi32>
        %bitcast_convert_type3A_416 = tpu.bitcast %mul3A_415 : vector<16xi32> -> vector<16xf32>
        %add3A_417 = arith.addf %add3A_405, %bitcast_convert_type3A_416 : vector<16xf32>
        %and3A_418 = arith.andi %get3A_414, %broadcast_in_dim3A_107 : vector<16xi32>
        %bitcast_convert_type3A_419 = tpu.bitcast %and3A_418 : vector<16xi32> -> vector<16xf32>
        %add3A_420 = arith.addf %add3A_408, %bitcast_convert_type3A_419 : vector<16xf32>
        %add3A_421 = arith.constant 8 : i32
        %add3A_422 = arith.addi %mul3A_205, %add3A_421 : i32
        %get3A_423 = arith.index_cast %add3A_422 : i32 to index
        %get3A_424 = arith.constant 16 : index
        %get3A_425 = tpu.vector_load %arg18[%get3A_423, %get3A_424] {strides = array<i32>} : memref<320x64xi32, #tpu.memory_space<vmem>>, vector<1x16xi32>,
        %get3A_426 = vector.shape_cast %get3A_425 : vector<1x16xi32> to vector<16xi32>
        %mul3A_427 = arith.muli %get3A_426, %broadcast_in_dim3A_105 : vector<16xi32>
        %bitcast_convert_type3A_428 = tpu.bitcast %mul3A_427 : vector<16xi32> -> vector<16xf32>
        %add3A_429 = arith.addf %add3A_417, %bitcast_convert_type3A_428 : vector<16xf32>
        %and3A_430 = arith.andi %get3A_426, %broadcast_in_dim3A_107 : vector<16xi32>
        %bitcast_convert_type3A_431 = tpu.bitcast %and3A_430 : vector<16xi32> -> vector<16xf32>
        %add3A_432 = arith.addf %add3A_420, %bitcast_convert_type3A_431 : vector<16xf32>
        %add3A_433 = arith.constant 9 : i32
        %add3A_434 = arith.addi %mul3A_205, %add3A_433 : i32
        %get3A_435 = arith.index_cast %add3A_434 : i32 to index
        %get3A_436 = arith.constant 16 : index
        %get3A_437 = tpu.vector_load %arg18[%get3A_435, %get3A_436] {strides = array<i32>} : memref<320x64xi32, #tpu.memory_space<vmem>>, vector<1x16xi32>,
        %get3A_438 = vector.shape_cast %get3A_437 : vector<1x16xi32> to vector<16xi32>
        %mul3A_439 = arith.muli %get3A_438, %broadcast_in_dim3A_105 : vector<16xi32>
        %bitcast_convert_type3A_440 = tpu.bitcast %mul3A_439 : vector<16xi32> -> vector<16xf32>
        %add3A_441 = arith.addf %add3A_429, %bitcast_convert_type3A_440 : vector<16xf32>
        %and3A_442 = arith.andi %get3A_438, %broadcast_in_dim3A_107 : vector<16xi32>
        %bitcast_convert_type3A_443 = tpu.bitcast %and3A_442 : vector<16xi32> -> vector<16xf32>
        %add3A_444 = arith.addf %add3A_432, %bitcast_convert_type3A_443 : vector<16xf32>
        %swap3A_445 = arith.index_cast %scan3A_203 : i32 to index
        %swap3A_446 = arith.constant 32 : index
        %swap3A_447 = tpu.vector_load %arg21[%swap3A_445, %swap3A_446] {strides = array<i32>} : memref<32x128xf32, #tpu.memory_space<vmem>>, vector<1x16xf32>,
        %swap3A_448 = vector.shape_cast %swap3A_447 : vector<1x16xf32> to vector<16xf32>
        %swap3A_449 = vector.shape_cast %add3A_441 : vector<16xf32> to vector<1x16xf32>
        tpu.vector_store %arg21[%swap3A_445, %swap3A_446], %swap3A_449 {strides = array<i32>} : memref<32x128xf32, #tpu.memory_space<vmem>>, vector<1x16xf32>,
        %swap3A_450 = arith.index_cast %scan3A_203 : i32 to index
        %swap3A_451 = arith.constant 48 : index
        %swap3A_452 = tpu.vector_load %arg21[%swap3A_450, %swap3A_451] {strides = array<i32>} : memref<32x128xf32, #tpu.memory_space<vmem>>, vector<1x16xf32>,
        %swap3A_453 = vector.shape_cast %swap3A_452 : vector<1x16xf32> to vector<16xf32>
        %swap3A_454 = vector.shape_cast %add3A_444 : vector<16xf32> to vector<1x16xf32>
        tpu.vector_store %arg21[%swap3A_450, %swap3A_451], %swap3A_454 {strides = array<i32>} : memref<32x128xf32, #tpu.memory_space<vmem>>, vector<1x16xf32>,
        %get3A_455 = arith.index_cast %mul3A_205 : i32 to index
        %get3A_456 = arith.constant 32 : index
        %get3A_457 = tpu.vector_load %arg18[%get3A_455, %get3A_456] {strides = array<i32>} : memref<320x64xi32, #tpu.memory_space<vmem>>, vector<1x16xi32>,
        %get3A_458 = vector.shape_cast %get3A_457 : vector<1x16xi32> to vector<16xi32>
        %mul3A_459 = arith.muli %get3A_458, %broadcast_in_dim3A_105 : vector<16xi32>
        %bitcast_convert_type3A_460 = tpu.bitcast %mul3A_459 : vector<16xi32> -> vector<16xf32>
        %and3A_461 = arith.andi %get3A_458, %broadcast_in_dim3A_107 : vector<16xi32>
        %bitcast_convert_type3A_462 = tpu.bitcast %and3A_461 : vector<16xi32> -> vector<16xf32>
        %add3A_463 = arith.constant 1 : i32
        %add3A_464 = arith.addi %mul3A_205, %add3A_463 : i32
        %get3A_465 = arith.index_cast %add3A_464 : i32 to index
        %get3A_466 = arith.constant 32 : index
        %get3A_467 = tpu.vector_load %arg18[%get3A_465, %get3A_466] {strides = array<i32>} : memref<320x64xi32, #tpu.memory_space<vmem>>, vector<1x16xi32>,
        %get3A_468 = vector.shape_cast %get3A_467 : vector<1x16xi32> to vector<16xi32>
        %mul3A_469 = arith.muli %get3A_468, %broadcast_in_dim3A_105 : vector<16xi32>
        %bitcast_convert_type3A_470 = tpu.bitcast %mul3A_469 : vector<16xi32> -> vector<16xf32>
        %add3A_471 = arith.addf %bitcast_convert_type3A_460, %bitcast_convert_type3A_470 : vector<16xf32>
        %and3A_472 = arith.andi %get3A_468, %broadcast_in_dim3A_107 : vector<16xi32>
        %bitcast_convert_type3A_473 = tpu.bitcast %and3A_472 : vector<16xi32> -> vector<16xf32>
        %add3A_474 = arith.addf %bitcast_convert_type3A_462, %bitcast_convert_type3A_473 : vector<16xf32>
        %add3A_475 = arith.constant 2 : i32
        %add3A_476 = arith.addi %mul3A_205, %add3A_475 : i32
        %get3A_477 = arith.index_cast %add3A_476 : i32 to index
        %get3A_478 = arith.constant 32 : index
        %get3A_479 = tpu.vector_load %arg18[%get3A_477, %get3A_478] {strides = array<i32>} : memref<320x64xi32, #tpu.memory_space<vmem>>, vector<1x16xi32>,
        %get3A_480 = vector.shape_cast %get3A_479 : vector<1x16xi32> to vector<16xi32>
        %mul3A_481 = arith.muli %get3A_480, %broadcast_in_dim3A_105 : vector<16xi32>
        %bitcast_convert_type3A_482 = tpu.bitcast %mul3A_481 : vector<16xi32> -> vector<16xf32>
        %add3A_483 = arith.addf %add3A_471, %bitcast_convert_type3A_482 : vector<16xf32>
        %and3A_484 = arith.andi %get3A_480, %broadcast_in_dim3A_107 : vector<16xi32>
        %bitcast_convert_type3A_485 = tpu.bitcast %and3A_484 : vector<16xi32> -> vector<16xf32>
        %add3A_486 = arith.addf %add3A_474, %bitcast_convert_type3A_485 : vector<16xf32>
        %add3A_487 = arith.constant 3 : i32
        %add3A_488 = arith.addi %mul3A_205, %add3A_487 : i32
        %get3A_489 = arith.index_cast %add3A_488 : i32 to index
        %get3A_490 = arith.constant 32 : index
        %get3A_491 = tpu.vector_load %arg18[%get3A_489, %get3A_490] {strides = array<i32>} : memref<320x64xi32, #tpu.memory_space<vmem>>, vector<1x16xi32>,
        %get3A_492 = vector.shape_cast %get3A_491 : vector<1x16xi32> to vector<16xi32>
        %mul3A_493 = arith.muli %get3A_492, %broadcast_in_dim3A_105 : vector<16xi32>
        %bitcast_convert_type3A_494 = tpu.bitcast %mul3A_493 : vector<16xi32> -> vector<16xf32>
        %add3A_495 = arith.addf %add3A_483, %bitcast_convert_type3A_494 : vector<16xf32>
        %and3A_496 = arith.andi %get3A_492, %broadcast_in_dim3A_107 : vector<16xi32>
        %bitcast_convert_type3A_497 = tpu.bitcast %and3A_496 : vector<16xi32> -> vector<16xf32>
        %add3A_498 = arith.addf %add3A_486, %bitcast_convert_type3A_497 : vector<16xf32>
        %add3A_499 = arith.constant 4 : i32
        %add3A_500 = arith.addi %mul3A_205, %add3A_499 : i32
        %get3A_501 = arith.index_cast %add3A_500 : i32 to index
        %get3A_502 = arith.constant 32 : index
        %get3A_503 = tpu.vector_load %arg18[%get3A_501, %get3A_502] {strides = array<i32>} : memref<320x64xi32, #tpu.memory_space<vmem>>, vector<1x16xi32>,
        %get3A_504 = vector.shape_cast %get3A_503 : vector<1x16xi32> to vector<16xi32>
        %mul3A_505 = arith.muli %get3A_504, %broadcast_in_dim3A_105 : vector<16xi32>
        %bitcast_convert_type3A_506 = tpu.bitcast %mul3A_505 : vector<16xi32> -> vector<16xf32>
        %add3A_507 = arith.addf %add3A_495, %bitcast_convert_type3A_506 : vector<16xf32>
        %and3A_508 = arith.andi %get3A_504, %broadcast_in_dim3A_107 : vector<16xi32>
        %bitcast_convert_type3A_509 = tpu.bitcast %and3A_508 : vector<16xi32> -> vector<16xf32>
        %add3A_510 = arith.addf %add3A_498, %bitcast_convert_type3A_509 : vector<16xf32>
        %add3A_511 = arith.constant 5 : i32
        %add3A_512 = arith.addi %mul3A_205, %add3A_511 : i32
        %get3A_513 = arith.index_cast %add3A_512 : i32 to index
        %get3A_514 = arith.constant 32 : index
        %get3A_515 = tpu.vector_load %arg18[%get3A_513, %get3A_514] {strides = array<i32>} : memref<320x64xi32, #tpu.memory_space<vmem>>, vector<1x16xi32>,
        %get3A_516 = vector.shape_cast %get3A_515 : vector<1x16xi32> to vector<16xi32>
        %mul3A_517 = arith.muli %get3A_516, %broadcast_in_dim3A_105 : vector<16xi32>
        %bitcast_convert_type3A_518 = tpu.bitcast %mul3A_517 : vector<16xi32> -> vector<16xf32>
        %add3A_519 = arith.addf %add3A_507, %bitcast_convert_type3A_518 : vector<16xf32>
        %and3A_520 = arith.andi %get3A_516, %broadcast_in_dim3A_107 : vector<16xi32>
        %bitcast_convert_type3A_521 = tpu.bitcast %and3A_520 : vector<16xi32> -> vector<16xf32>
        %add3A_522 = arith.addf %add3A_510, %bitcast_convert_type3A_521 : vector<16xf32>
        %add3A_523 = arith.constant 6 : i32
        %add3A_524 = arith.addi %mul3A_205, %add3A_523 : i32
        %get3A_525 = arith.index_cast %add3A_524 : i32 to index
        %get3A_526 = arith.constant 32 : index
        %get3A_527 = tpu.vector_load %arg18[%get3A_525, %get3A_526] {strides = array<i32>} : memref<320x64xi32, #tpu.memory_space<vmem>>, vector<1x16xi32>,
        %get3A_528 = vector.shape_cast %get3A_527 : vector<1x16xi32> to vector<16xi32>
        %mul3A_529 = arith.muli %get3A_528, %broadcast_in_dim3A_105 : vector<16xi32>
        %bitcast_convert_type3A_530 = tpu.bitcast %mul3A_529 : vector<16xi32> -> vector<16xf32>
        %add3A_531 = arith.addf %add3A_519, %bitcast_convert_type3A_530 : vector<16xf32>
        %and3A_532 = arith.andi %get3A_528, %broadcast_in_dim3A_107 : vector<16xi32>
        %bitcast_convert_type3A_533 = tpu.bitcast %and3A_532 : vector<16xi32> -> vector<16xf32>
        %add3A_534 = arith.addf %add3A_522, %bitcast_convert_type3A_533 : vector<16xf32>
        %add3A_535 = arith.constant 7 : i32
        %add3A_536 = arith.addi %mul3A_205, %add3A_535 : i32
        %get3A_537 = arith.index_cast %add3A_536 : i32 to index
        %get3A_538 = arith.constant 32 : index
        %get3A_539 = tpu.vector_load %arg18[%get3A_537, %get3A_538] {strides = array<i32>} : memref<320x64xi32, #tpu.memory_space<vmem>>, vector<1x16xi32>,
        %get3A_540 = vector.shape_cast %get3A_539 : vector<1x16xi32> to vector<16xi32>
        %mul3A_541 = arith.muli %get3A_540, %broadcast_in_dim3A_105 : vector<16xi32>
        %bitcast_convert_type3A_542 = tpu.bitcast %mul3A_541 : vector<16xi32> -> vector<16xf32>
        %add3A_543 = arith.addf %add3A_531, %bitcast_convert_type3A_542 : vector<16xf32>
        %and3A_544 = arith.andi %get3A_540, %broadcast_in_dim3A_107 : vector<16xi32>
        %bitcast_convert_type3A_545 = tpu.bitcast %and3A_544 : vector<16xi32> -> vector<16xf32>
        %add3A_546 = arith.addf %add3A_534, %bitcast_convert_type3A_545 : vector<16xf32>
        %add3A_547 = arith.constant 8 : i32
        %add3A_548 = arith.addi %mul3A_205, %add3A_547 : i32
        %get3A_549 = arith.index_cast %add3A_548 : i32 to index
        %get3A_550 = arith.constant 32 : index
        %get3A_551 = tpu.vector_load %arg18[%get3A_549, %get3A_550] {strides = array<i32>} : memref<320x64xi32, #tpu.memory_space<vmem>>, vector<1x16xi32>,
        %get3A_552 = vector.shape_cast %get3A_551 : vector<1x16xi32> to vector<16xi32>
        %mul3A_553 = arith.muli %get3A_552, %broadcast_in_dim3A_105 : vector<16xi32>
        %bitcast_convert_type3A_554 = tpu.bitcast %mul3A_553 : vector<16xi32> -> vector<16xf32>
        %add3A_555 = arith.addf %add3A_543, %bitcast_convert_type3A_554 : vector<16xf32>
        %and3A_556 = arith.andi %get3A_552, %broadcast_in_dim3A_107 : vector<16xi32>
        %bitcast_convert_type3A_557 = tpu.bitcast %and3A_556 : vector<16xi32> -> vector<16xf32>
        %add3A_558 = arith.addf %add3A_546, %bitcast_convert_type3A_557 : vector<16xf32>
        %add3A_559 = arith.constant 9 : i32
        %add3A_560 = arith.addi %mul3A_205, %add3A_559 : i32
        %get3A_561 = arith.index_cast %add3A_560 : i32 to index
        %get3A_562 = arith.constant 32 : index
        %get3A_563 = tpu.vector_load %arg18[%get3A_561, %get3A_562] {strides = array<i32>} : memref<320x64xi32, #tpu.memory_space<vmem>>, vector<1x16xi32>,
        %get3A_564 = vector.shape_cast %get3A_563 : vector<1x16xi32> to vector<16xi32>
        %mul3A_565 = arith.muli %get3A_564, %broadcast_in_dim3A_105 : vector<16xi32>
        %bitcast_convert_type3A_566 = tpu.bitcast %mul3A_565 : vector<16xi32> -> vector<16xf32>
        %add3A_567 = arith.addf %add3A_555, %bitcast_convert_type3A_566 : vector<16xf32>
        %and3A_568 = arith.andi %get3A_564, %broadcast_in_dim3A_107 : vector<16xi32>
        %bitcast_convert_type3A_569 = tpu.bitcast %and3A_568 : vector<16xi32> -> vector<16xf32>
        %add3A_570 = arith.addf %add3A_558, %bitcast_convert_type3A_569 : vector<16xf32>
        %swap3A_571 = arith.index_cast %scan3A_203 : i32 to index
        %swap3A_572 = arith.constant 64 : index
        %swap3A_573 = tpu.vector_load %arg21[%swap3A_571, %swap3A_572] {strides = array<i32>} : memref<32x128xf32, #tpu.memory_space<vmem>>, vector<1x16xf32>,
        %swap3A_574 = vector.shape_cast %swap3A_573 : vector<1x16xf32> to vector<16xf32>
        %swap3A_575 = vector.shape_cast %add3A_567 : vector<16xf32> to vector<1x16xf32>
        tpu.vector_store %arg21[%swap3A_571, %swap3A_572], %swap3A_575 {strides = array<i32>} : memref<32x128xf32, #tpu.memory_space<vmem>>, vector<1x16xf32>,
        %swap3A_576 = arith.index_cast %scan3A_203 : i32 to index
        %swap3A_577 = arith.constant 80 : index
        %swap3A_578 = tpu.vector_load %arg21[%swap3A_576, %swap3A_577] {strides = array<i32>} : memref<32x128xf32, #tpu.memory_space<vmem>>, vector<1x16xf32>,
        %swap3A_579 = vector.shape_cast %swap3A_578 : vector<1x16xf32> to vector<16xf32>
        %swap3A_580 = vector.shape_cast %add3A_570 : vector<16xf32> to vector<1x16xf32>
        tpu.vector_store %arg21[%swap3A_576, %swap3A_577], %swap3A_580 {strides = array<i32>} : memref<32x128xf32, #tpu.memory_space<vmem>>, vector<1x16xf32>,
        %get3A_581 = arith.index_cast %mul3A_205 : i32 to index
        %get3A_582 = arith.constant 48 : index
        %get3A_583 = tpu.vector_load %arg18[%get3A_581, %get3A_582] {strides = array<i32>} : memref<320x64xi32, #tpu.memory_space<vmem>>, vector<1x16xi32>,
        %get3A_584 = vector.shape_cast %get3A_583 : vector<1x16xi32> to vector<16xi32>
        %mul3A_585 = arith.muli %get3A_584, %broadcast_in_dim3A_105 : vector<16xi32>
        %bitcast_convert_type3A_586 = tpu.bitcast %mul3A_585 : vector<16xi32> -> vector<16xf32>
        %and3A_587 = arith.andi %get3A_584, %broadcast_in_dim3A_107 : vector<16xi32>
        %bitcast_convert_type3A_588 = tpu.bitcast %and3A_587 : vector<16xi32> -> vector<16xf32>
        %add3A_589 = arith.constant 1 : i32
        %add3A_590 = arith.addi %mul3A_205, %add3A_589 : i32
        %get3A_591 = arith.index_cast %add3A_590 : i32 to index
        %get3A_592 = arith.constant 48 : index
        %get3A_593 = tpu.vector_load %arg18[%get3A_591, %get3A_592] {strides = array<i32>} : memref<320x64xi32, #tpu.memory_space<vmem>>, vector<1x16xi32>,
        %get3A_594 = vector.shape_cast %get3A_593 : vector<1x16xi32> to vector<16xi32>
        %mul3A_595 = arith.muli %get3A_594, %broadcast_in_dim3A_105 : vector<16xi32>
        %bitcast_convert_type3A_596 = tpu.bitcast %mul3A_595 : vector<16xi32> -> vector<16xf32>
        %add3A_597 = arith.addf %bitcast_convert_type3A_586, %bitcast_convert_type3A_596 : vector<16xf32>
        %and3A_598 = arith.andi %get3A_594, %broadcast_in_dim3A_107 : vector<16xi32>
        %bitcast_convert_type3A_599 = tpu.bitcast %and3A_598 : vector<16xi32> -> vector<16xf32>
        %add3A_600 = arith.addf %bitcast_convert_type3A_588, %bitcast_convert_type3A_599 : vector<16xf32>
        %add3A_601 = arith.constant 2 : i32
        %add3A_602 = arith.addi %mul3A_205, %add3A_601 : i32
        %get3A_603 = arith.index_cast %add3A_602 : i32 to index
        %get3A_604 = arith.constant 48 : index
        %get3A_605 = tpu.vector_load %arg18[%get3A_603, %get3A_604] {strides = array<i32>} : memref<320x64xi32, #tpu.memory_space<vmem>>, vector<1x16xi32>,
        %get3A_606 = vector.shape_cast %get3A_605 : vector<1x16xi32> to vector<16xi32>
        %mul3A_607 = arith.muli %get3A_606, %broadcast_in_dim3A_105 : vector<16xi32>
        %bitcast_convert_type3A_608 = tpu.bitcast %mul3A_607 : vector<16xi32> -> vector<16xf32>
        %add3A_609 = arith.addf %add3A_597, %bitcast_convert_type3A_608 : vector<16xf32>
        %and3A_610 = arith.andi %get3A_606, %broadcast_in_dim3A_107 : vector<16xi32>
        %bitcast_convert_type3A_611 = tpu.bitcast %and3A_610 : vector<16xi32> -> vector<16xf32>
        %add3A_612 = arith.addf %add3A_600, %bitcast_convert_type3A_611 : vector<16xf32>
        %add3A_613 = arith.constant 3 : i32
        %add3A_614 = arith.addi %mul3A_205, %add3A_613 : i32
        %get3A_615 = arith.index_cast %add3A_614 : i32 to index
        %get3A_616 = arith.constant 48 : index
        %get3A_617 = tpu.vector_load %arg18[%get3A_615, %get3A_616] {strides = array<i32>} : memref<320x64xi32, #tpu.memory_space<vmem>>, vector<1x16xi32>,
        %get3A_618 = vector.shape_cast %get3A_617 : vector<1x16xi32> to vector<16xi32>
        %mul3A_619 = arith.muli %get3A_618, %broadcast_in_dim3A_105 : vector<16xi32>
        %bitcast_convert_type3A_620 = tpu.bitcast %mul3A_619 : vector<16xi32> -> vector<16xf32>
        %add3A_621 = arith.addf %add3A_609, %bitcast_convert_type3A_620 : vector<16xf32>
        %and3A_622 = arith.andi %get3A_618, %broadcast_in_dim3A_107 : vector<16xi32>
        %bitcast_convert_type3A_623 = tpu.bitcast %and3A_622 : vector<16xi32> -> vector<16xf32>
        %add3A_624 = arith.addf %add3A_612, %bitcast_convert_type3A_623 : vector<16xf32>
        %add3A_625 = arith.constant 4 : i32
        %add3A_626 = arith.addi %mul3A_205, %add3A_625 : i32
        %get3A_627 = arith.index_cast %add3A_626 : i32 to index
        %get3A_628 = arith.constant 48 : index
        %get3A_629 = tpu.vector_load %arg18[%get3A_627, %get3A_628] {strides = array<i32>} : memref<320x64xi32, #tpu.memory_space<vmem>>, vector<1x16xi32>,
        %get3A_630 = vector.shape_cast %get3A_629 : vector<1x16xi32> to vector<16xi32>
        %mul3A_631 = arith.muli %get3A_630, %broadcast_in_dim3A_105 : vector<16xi32>
        %bitcast_convert_type3A_632 = tpu.bitcast %mul3A_631 : vector<16xi32> -> vector<16xf32>
        %add3A_633 = arith.addf %add3A_621, %bitcast_convert_type3A_632 : vector<16xf32>
        %and3A_634 = arith.andi %get3A_630, %broadcast_in_dim3A_107 : vector<16xi32>
        %bitcast_convert_type3A_635 = tpu.bitcast %and3A_634 : vector<16xi32> -> vector<16xf32>
        %add3A_636 = arith.addf %add3A_624, %bitcast_convert_type3A_635 : vector<16xf32>
        %add3A_637 = arith.constant 5 : i32
        %add3A_638 = arith.addi %mul3A_205, %add3A_637 : i32
        %get3A_639 = arith.index_cast %add3A_638 : i32 to index
        %get3A_640 = arith.constant 48 : index
        %get3A_641 = tpu.vector_load %arg18[%get3A_639, %get3A_640] {strides = array<i32>} : memref<320x64xi32, #tpu.memory_space<vmem>>, vector<1x16xi32>,
        %get3A_642 = vector.shape_cast %get3A_641 : vector<1x16xi32> to vector<16xi32>
        %mul3A_643 = arith.muli %get3A_642, %broadcast_in_dim3A_105 : vector<16xi32>
        %bitcast_convert_type3A_644 = tpu.bitcast %mul3A_643 : vector<16xi32> -> vector<16xf32>
        %add3A_645 = arith.addf %add3A_633, %bitcast_convert_type3A_644 : vector<16xf32>
        %and3A_646 = arith.andi %get3A_642, %broadcast_in_dim3A_107 : vector<16xi32>
        %bitcast_convert_type3A_647 = tpu.bitcast %and3A_646 : vector<16xi32> -> vector<16xf32>
        %add3A_648 = arith.addf %add3A_636, %bitcast_convert_type3A_647 : vector<16xf32>
        %add3A_649 = arith.constant 6 : i32
        %add3A_650 = arith.addi %mul3A_205, %add3A_649 : i32
        %get3A_651 = arith.index_cast %add3A_650 : i32 to index
        %get3A_652 = arith.constant 48 : index
        %get3A_653 = tpu.vector_load %arg18[%get3A_651, %get3A_652] {strides = array<i32>} : memref<320x64xi32, #tpu.memory_space<vmem>>, vector<1x16xi32>,
        %get3A_654 = vector.shape_cast %get3A_653 : vector<1x16xi32> to vector<16xi32>
        %mul3A_655 = arith.muli %get3A_654, %broadcast_in_dim3A_105 : vector<16xi32>
        %bitcast_convert_type3A_656 = tpu.bitcast %mul3A_655 : vector<16xi32> -> vector<16xf32>
        %add3A_657 = arith.addf %add3A_645, %bitcast_convert_type3A_656 : vector<16xf32>
        %and3A_658 = arith.andi %get3A_654, %broadcast_in_dim3A_107 : vector<16xi32>
        %bitcast_convert_type3A_659 = tpu.bitcast %and3A_658 : vector<16xi32> -> vector<16xf32>
        %add3A_660 = arith.addf %add3A_648, %bitcast_convert_type3A_659 : vector<16xf32>
        %add3A_661 = arith.constant 7 : i32
        %add3A_662 = arith.addi %mul3A_205, %add3A_661 : i32
        %get3A_663 = arith.index_cast %add3A_662 : i32 to index
        %get3A_664 = arith.constant 48 : index
        %get3A_665 = tpu.vector_load %arg18[%get3A_663, %get3A_664] {strides = array<i32>} : memref<320x64xi32, #tpu.memory_space<vmem>>, vector<1x16xi32>,
        %get3A_666 = vector.shape_cast %get3A_665 : vector<1x16xi32> to vector<16xi32>
        %mul3A_667 = arith.muli %get3A_666, %broadcast_in_dim3A_105 : vector<16xi32>
        %bitcast_convert_type3A_668 = tpu.bitcast %mul3A_667 : vector<16xi32> -> vector<16xf32>
        %add3A_669 = arith.addf %add3A_657, %bitcast_convert_type3A_668 : vector<16xf32>
        %and3A_670 = arith.andi %get3A_666, %broadcast_in_dim3A_107 : vector<16xi32>
        %bitcast_convert_type3A_671 = tpu.bitcast %and3A_670 : vector<16xi32> -> vector<16xf32>
        %add3A_672 = arith.addf %add3A_660, %bitcast_convert_type3A_671 : vector<16xf32>
        %add3A_673 = arith.constant 8 : i32
        %add3A_674 = arith.addi %mul3A_205, %add3A_673 : i32
        %get3A_675 = arith.index_cast %add3A_674 : i32 to index
        %get3A_676 = arith.constant 48 : index
        %get3A_677 = tpu.vector_load %arg18[%get3A_675, %get3A_676] {strides = array<i32>} : memref<320x64xi32, #tpu.memory_space<vmem>>, vector<1x16xi32>,
        %get3A_678 = vector.shape_cast %get3A_677 : vector<1x16xi32> to vector<16xi32>
        %mul3A_679 = arith.muli %get3A_678, %broadcast_in_dim3A_105 : vector<16xi32>
        %bitcast_convert_type3A_680 = tpu.bitcast %mul3A_679 : vector<16xi32> -> vector<16xf32>
        %add3A_681 = arith.addf %add3A_669, %bitcast_convert_type3A_680 : vector<16xf32>
        %and3A_682 = arith.andi %get3A_678, %broadcast_in_dim3A_107 : vector<16xi32>
        %bitcast_convert_type3A_683 = tpu.bitcast %and3A_682 : vector<16xi32> -> vector<16xf32>
        %add3A_684 = arith.addf %add3A_672, %bitcast_convert_type3A_683 : vector<16xf32>
        %add3A_685 = arith.constant 9 : i32
        %add3A_686 = arith.addi %mul3A_205, %add3A_685 : i32
        %get3A_687 = arith.index_cast %add3A_686 : i32 to index
        %get3A_688 = arith.constant 48 : index
        %get3A_689 = tpu.vector_load %arg18[%get3A_687, %get3A_688] {strides = array<i32>} : memref<320x64xi32, #tpu.memory_space<vmem>>, vector<1x16xi32>,
        %get3A_690 = vector.shape_cast %get3A_689 : vector<1x16xi32> to vector<16xi32>
        %mul3A_691 = arith.muli %get3A_690, %broadcast_in_dim3A_105 : vector<16xi32>
        %bitcast_convert_type3A_692 = tpu.bitcast %mul3A_691 : vector<16xi32> -> vector<16xf32>
        %add3A_693 = arith.addf %add3A_681, %bitcast_convert_type3A_692 : vector<16xf32>
        %and3A_694 = arith.andi %get3A_690, %broadcast_in_dim3A_107 : vector<16xi32>
        %bitcast_convert_type3A_695 = tpu.bitcast %and3A_694 : vector<16xi32> -> vector<16xf32>
        %add3A_696 = arith.addf %add3A_684, %bitcast_convert_type3A_695 : vector<16xf32>
        %swap3A_697 = arith.index_cast %scan3A_203 : i32 to index
        %swap3A_698 = arith.constant 96 : index
        %swap3A_699 = tpu.vector_load %arg21[%swap3A_697, %swap3A_698] {strides = array<i32>} : memref<32x128xf32, #tpu.memory_space<vmem>>, vector<1x16xf32>,
        %swap3A_700 = vector.shape_cast %swap3A_699 : vector<1x16xf32> to vector<16xf32>
        %swap3A_701 = vector.shape_cast %add3A_693 : vector<16xf32> to vector<1x16xf32>
        tpu.vector_store %arg21[%swap3A_697, %swap3A_698], %swap3A_701 {strides = array<i32>} : memref<32x128xf32, #tpu.memory_space<vmem>>, vector<1x16xf32>,
        %swap3A_702 = arith.index_cast %scan3A_203 : i32 to index
        %swap3A_703 = arith.constant 112 : index
        %swap3A_704 = tpu.vector_load %arg21[%swap3A_702, %swap3A_703] {strides = array<i32>} : memref<32x128xf32, #tpu.memory_space<vmem>>, vector<1x16xf32>,
        %swap3A_705 = vector.shape_cast %swap3A_704 : vector<1x16xf32> to vector<16xf32>
        %swap3A_706 = vector.shape_cast %add3A_696 : vector<16xf32> to vector<1x16xf32>
        tpu.vector_store %arg21[%swap3A_702, %swap3A_703], %swap3A_706 {strides = array<i32>} : memref<32x128xf32, #tpu.memory_space<vmem>>, vector<1x16xf32>,
      }
      %scan3A_113 = arith.constant 32 : i32
      %dma_start3A_114 = arith.constant 0 : i32
      %dma_start3A_115 = tpu.memref_slice %arg11[%add3A_62, %dma_start3A_114] : memref<10240x128xf32, #tpu.memory_space<hbm>> -> memref<32x128xf32, #tpu.memory_space<hbm>>
      %dma_start3A_116 = arith.constant 0 : i32
      %dma_start3A_117 = tpu.memref_slice %arg11[%add3A_62, %dma_start3A_116] : memref<10240x128xf32, #tpu.memory_space<hbm>> -> memref<32x128xf32, #tpu.memory_space<hbm>>
      tpu.enqueue_dma source(%arg21 : memref<32x128xf32, #tpu.memory_space<vmem>>) target(%dma_start3A_117 : memref<32x128xf32, #tpu.memory_space<hbm>>) target_semaphore(%arg31 : memref<!tpu.dma_semaphore, #tpu.memory_space<semaphore_mem>>)
      %ge3A = arith.constant 2 : i32
      %ge3A_118 = arith.cmpi sge, %while3A_59, %ge3A : i32
      %convert_element_type3A_119 = arith.extui %ge3A_118 : i1 to i32
      %cond3A_120 = arith.constant 0 : i32
      %cond3A_121 = arith.cmpi ne, %convert_element_type3A_119, %cond3A_120 : i32
      scf.if %cond3A_121 {
        %dma_wait3A_203 = arith.constant 0 : i32
        %dma_wait3A_204 = arith.constant 0 : i32
        %dma_wait3A_205 = tpu.memref_slice %arg9[%dma_wait3A_203, %dma_wait3A_204] : memref<10240x128xf32, #tpu.memory_space<hbm>> -> memref<32x128xf32, #tpu.memory_space<hbm>>
        %dma_wait3A_206 = arith.constant 0 : i32
        %dma_wait3A_207 = arith.constant 0 : i32
        %dma_wait3A_208 = tpu.memref_slice %arg9[%dma_wait3A_206, %dma_wait3A_207] : memref<10240x128xf32, #tpu.memory_space<hbm>> -> memref<32x128xf32, #tpu.memory_space<hbm>>
        tpu.wait_dma2 semaphore(%arg33 : memref<!tpu.dma_semaphore, #tpu.memory_space<semaphore_mem>>) src(%arg23 : memref<32x128xf32, #tpu.memory_space<vmem>>) dst(%dma_wait3A_208 : memref<32x128xf32, #tpu.memory_space<hbm>>)
      } else {
      }
      %jit3A_122 = arith.constant 2 : i32
      %eq3A_123 = arith.constant 0 : i32
      %eq3A_124 = arith.cmpi eq, %jit3A_122, %eq3A_123 : i32
      %jit3A_125 = arith.constant 1 : i32
      %select_n3A_126 = arith.select %eq3A_124, %jit3A_125, %jit3A_122 : i32
      %rem3A = arith.remsi %while3A_59, %select_n3A_126 : i32
      %ne3A = arith.constant 0 : i32
      %ne3A_127 = arith.cmpi ne, %rem3A, %ne3A : i32
      %lt3A_128 = arith.constant 0 : i32
      %lt3A_129 = arith.cmpi slt, %rem3A, %lt3A_128 : i32
      %lt3A_130 = arith.constant 0 : i32
      %lt3A_131 = arith.cmpi slt, %select_n3A_126, %lt3A_130 : i32
      %ne3A_132 = arith.xori %lt3A_129, %lt3A_131 : i1
      %and3A = arith.andi %ne3A_132, %ne3A_127 : i1
      %add3A_133 = arith.addi %rem3A, %select_n3A_126 : i32
      %select_n3A_134 = arith.select %and3A, %add3A_133, %rem3A : i32
      %eq3A_135 = arith.constant 0 : i32
      %eq3A_136 = arith.cmpi eq, %select_n3A_134, %eq3A_135 : i32
      %jit3A_137 = arith.constant 2 : i32
      %eq3A_138 = arith.constant 0 : i32
      %eq3A_139 = arith.cmpi eq, %jit3A_137, %eq3A_138 : i32
      %jit3A_140 = arith.constant 1 : i32
      %select_n3A_141 = arith.select %eq3A_139, %jit3A_140, %jit3A_137 : i32
      %rem3A_142 = arith.remsi %while3A_59, %select_n3A_141 : i32
      %ne3A_143 = arith.constant 0 : i32
      %ne3A_144 = arith.cmpi ne, %rem3A_142, %ne3A_143 : i32
      %lt3A_145 = arith.constant 0 : i32
      %lt3A_146 = arith.cmpi slt, %rem3A_142, %lt3A_145 : i32
      %lt3A_147 = arith.constant 0 : i32
      %lt3A_148 = arith.cmpi slt, %select_n3A_141, %lt3A_147 : i32
      %ne3A_149 = arith.xori %lt3A_146, %lt3A_148 : i1
      %and3A_150 = arith.andi %ne3A_149, %ne3A_144 : i1
      %add3A_151 = arith.addi %rem3A_142, %select_n3A_141 : i32
      %select_n3A_152 = arith.select %and3A_150, %add3A_151, %rem3A_142 : i32
      %eq3A_153 = arith.constant 1 : i32
      %eq3A_154 = arith.cmpi eq, %select_n3A_152, %eq3A_153 : i32
      %convert_element_type3A_155 = arith.extui %eq3A_136 : i1 to i32
      %cond3A_156 = arith.constant 0 : i32
      %cond3A_157 = arith.cmpi ne, %convert_element_type3A_155, %cond3A_156 : i32
      scf.if %cond3A_157 {
        %mul3A_203 = arith.constant 32 : i32
        %mul3A_204 = arith.muli %while3A_59, %mul3A_203 : i32
        %dma_start3A_205 = tpu.memref_slice %arg16[%mul3A_204] : memref<448xi32, #tpu.memory_space<vmem>> -> memref<32xi32, #tpu.memory_space<vmem>>
        %dma_start3A_206 = arith.constant 0 : i32
        %dma_start3A_207 = arith.constant 0 : i32
        %dma_start3A_208 = tpu.memref_slice %arg6[%dma_start3A_206, %dma_start3A_207] : memref<100000x128xf32, #tpu.memory_space<hbm>> -> memref<100000x128xf32, #tpu.memory_space<hbm>>
        tpu.enqueue_indirect_dma source(%dma_start3A_208 : memref<100000x128xf32, #tpu.memory_space<hbm>>) target(%arg23 : memref<32x128xf32, #tpu.memory_space<vmem>>) offsets(%dma_start3A_205 : memref<32xi32, #tpu.memory_space<vmem>>) semaphore(%arg29 : memref<!tpu.dma_semaphore, #tpu.memory_space<semaphore_mem>>)
      } else {
      }
      %convert_element_type3A_158 = arith.extui %eq3A_154 : i1 to i32
      %cond3A_159 = arith.constant 0 : i32
      %cond3A_160 = arith.cmpi ne, %convert_element_type3A_158, %cond3A_159 : i32
      scf.if %cond3A_160 {
        %mul3A_203 = arith.constant 32 : i32
        %mul3A_204 = arith.muli %while3A_59, %mul3A_203 : i32
        %dma_start3A_205 = tpu.memref_slice %arg16[%mul3A_204] : memref<448xi32, #tpu.memory_space<vmem>> -> memref<32xi32, #tpu.memory_space<vmem>>
        %dma_start3A_206 = arith.constant 0 : i32
        %dma_start3A_207 = arith.constant 0 : i32
        %dma_start3A_208 = tpu.memref_slice %arg6[%dma_start3A_206, %dma_start3A_207] : memref<100000x128xf32, #tpu.memory_space<hbm>> -> memref<100000x128xf32, #tpu.memory_space<hbm>>
        tpu.enqueue_indirect_dma source(%dma_start3A_208 : memref<100000x128xf32, #tpu.memory_space<hbm>>) target(%arg24 : memref<32x128xf32, #tpu.memory_space<vmem>>) offsets(%dma_start3A_205 : memref<32xi32, #tpu.memory_space<vmem>>) semaphore(%arg29 : memref<!tpu.dma_semaphore, #tpu.memory_space<semaphore_mem>>)
      } else {
      }
      %dma_wait3A_161 = arith.constant 0 : i32
      %dma_wait3A_162 = arith.constant 0 : i32
      %dma_wait3A_163 = tpu.memref_slice %arg8[%dma_wait3A_161, %dma_wait3A_162] : memref<1000x64xi32, #tpu.memory_space<hbm>> -> memref<320x64xi32, #tpu.memory_space<hbm>>
      %dma_wait3A_164 = arith.constant 0 : i32
      %dma_wait3A_165 = arith.constant 0 : i32
      %dma_wait3A_166 = tpu.memref_slice %arg8[%dma_wait3A_164, %dma_wait3A_165] : memref<1000x64xi32, #tpu.memory_space<hbm>> -> memref<320x64xi32, #tpu.memory_space<hbm>>
      tpu.wait_dma2 semaphore(%arg28 : memref<!tpu.dma_semaphore, #tpu.memory_space<semaphore_mem>>) src(%dma_wait3A_166 : memref<320x64xi32, #tpu.memory_space<hbm>>) dst(%arg19 : memref<320x64xi32, #tpu.memory_space<vmem>>)
      %gt3A_167 = arith.constant 0 : i32
      %gt3A_168 = arith.cmpi sgt, %while3A_59, %gt3A_167 : i32
      %convert_element_type3A_169 = arith.extui %gt3A_168 : i1 to i32
      %cond3A_170 = arith.constant 0 : i32
      %cond3A_171 = arith.cmpi ne, %convert_element_type3A_169, %cond3A_170 : i32
      scf.if %cond3A_171 {
        %dma_wait3A_203 = arith.constant 0 : i32
        %dma_wait3A_204 = arith.constant 0 : i32
        %dma_wait3A_205 = tpu.memref_slice %arg12[%dma_wait3A_203, %dma_wait3A_204] : memref<10240x128xf32, #tpu.memory_space<hbm>> -> memref<32x128xf32, #tpu.memory_space<hbm>>
        %dma_wait3A_206 = arith.constant 0 : i32
        %dma_wait3A_207 = arith.constant 0 : i32
        %dma_wait3A_208 = tpu.memref_slice %arg12[%dma_wait3A_206, %dma_wait3A_207] : memref<10240x128xf32, #tpu.memory_space<hbm>> -> memref<32x128xf32, #tpu.memory_space<hbm>>
        tpu.wait_dma2 semaphore(%arg32 : memref<!tpu.dma_semaphore, #tpu.memory_space<semaphore_mem>>) src(%arg22 : memref<32x128xf32, #tpu.memory_space<vmem>>) dst(%dma_wait3A_208 : memref<32x128xf32, #tpu.memory_space<hbm>>)
      } else {
      }
      %broadcast_in_dim3A_172 = arith.constant 65536 : i32
      %broadcast_in_dim3A_173 = vector.broadcast %broadcast_in_dim3A_172 : i32 to vector<16xi32>
      %broadcast_in_dim3A_174 = arith.constant -65536 : i32
      %broadcast_in_dim3A_175 = vector.broadcast %broadcast_in_dim3A_174 : i32 to vector<16xi32>
      %scan3A_176 = arith.constant 0 : i32
      %scan3A_177 = arith.constant 0 : i32
      %scan3A_178 = arith.constant 32 : i32
      %scan3A_179 = arith.addi %scan3A_177, %scan3A_178 : i32
      %scan3A_180 = arith.constant 1 : i32
      scf.for %scan3A_203 = %scan3A_177 to %scan3A_179 step %scan3A_180  : i32 {
        %mul3A_204 = arith.constant 10 : i32
        %mul3A_205 = arith.muli %scan3A_203, %mul3A_204 : i32
        %get3A = arith.index_cast %mul3A_205 : i32 to index
        %get3A_206 = arith.constant 0 : index
        %get3A_207 = tpu.vector_load %arg19[%get3A, %get3A_206] {strides = array<i32>} : memref<320x64xi32, #tpu.memory_space<vmem>>, vector<1x16xi32>,
        %get3A_208 = vector.shape_cast %get3A_207 : vector<1x16xi32> to vector<16xi32>
        %mul3A_209 = arith.muli %get3A_208, %broadcast_in_dim3A_173 : vector<16xi32>
        %bitcast_convert_type3A = tpu.bitcast %mul3A_209 : vector<16xi32> -> vector<16xf32>
        %and3A_210 = arith.andi %get3A_208, %broadcast_in_dim3A_175 : vector<16xi32>
        %bitcast_convert_type3A_211 = tpu.bitcast %and3A_210 : vector<16xi32> -> vector<16xf32>
        %add3A_212 = arith.constant 1 : i32
        %add3A_213 = arith.addi %mul3A_205, %add3A_212 : i32
        %get3A_214 = arith.index_cast %add3A_213 : i32 to index
        %get3A_215 = arith.constant 0 : index
        %get3A_216 = tpu.vector_load %arg19[%get3A_214, %get3A_215] {strides = array<i32>} : memref<320x64xi32, #tpu.memory_space<vmem>>, vector<1x16xi32>,
        %get3A_217 = vector.shape_cast %get3A_216 : vector<1x16xi32> to vector<16xi32>
        %mul3A_218 = arith.muli %get3A_217, %broadcast_in_dim3A_173 : vector<16xi32>
        %bitcast_convert_type3A_219 = tpu.bitcast %mul3A_218 : vector<16xi32> -> vector<16xf32>
        %add3A_220 = arith.addf %bitcast_convert_type3A, %bitcast_convert_type3A_219 : vector<16xf32>
        %and3A_221 = arith.andi %get3A_217, %broadcast_in_dim3A_175 : vector<16xi32>
        %bitcast_convert_type3A_222 = tpu.bitcast %and3A_221 : vector<16xi32> -> vector<16xf32>
        %add3A_223 = arith.addf %bitcast_convert_type3A_211, %bitcast_convert_type3A_222 : vector<16xf32>
        %add3A_224 = arith.constant 2 : i32
        %add3A_225 = arith.addi %mul3A_205, %add3A_224 : i32
        %get3A_226 = arith.index_cast %add3A_225 : i32 to index
        %get3A_227 = arith.constant 0 : index
        %get3A_228 = tpu.vector_load %arg19[%get3A_226, %get3A_227] {strides = array<i32>} : memref<320x64xi32, #tpu.memory_space<vmem>>, vector<1x16xi32>,
        %get3A_229 = vector.shape_cast %get3A_228 : vector<1x16xi32> to vector<16xi32>
        %mul3A_230 = arith.muli %get3A_229, %broadcast_in_dim3A_173 : vector<16xi32>
        %bitcast_convert_type3A_231 = tpu.bitcast %mul3A_230 : vector<16xi32> -> vector<16xf32>
        %add3A_232 = arith.addf %add3A_220, %bitcast_convert_type3A_231 : vector<16xf32>
        %and3A_233 = arith.andi %get3A_229, %broadcast_in_dim3A_175 : vector<16xi32>
        %bitcast_convert_type3A_234 = tpu.bitcast %and3A_233 : vector<16xi32> -> vector<16xf32>
        %add3A_235 = arith.addf %add3A_223, %bitcast_convert_type3A_234 : vector<16xf32>
        %add3A_236 = arith.constant 3 : i32
        %add3A_237 = arith.addi %mul3A_205, %add3A_236 : i32
        %get3A_238 = arith.index_cast %add3A_237 : i32 to index
        %get3A_239 = arith.constant 0 : index
        %get3A_240 = tpu.vector_load %arg19[%get3A_238, %get3A_239] {strides = array<i32>} : memref<320x64xi32, #tpu.memory_space<vmem>>, vector<1x16xi32>,
        %get3A_241 = vector.shape_cast %get3A_240 : vector<1x16xi32> to vector<16xi32>
        %mul3A_242 = arith.muli %get3A_241, %broadcast_in_dim3A_173 : vector<16xi32>
        %bitcast_convert_type3A_243 = tpu.bitcast %mul3A_242 : vector<16xi32> -> vector<16xf32>
        %add3A_244 = arith.addf %add3A_232, %bitcast_convert_type3A_243 : vector<16xf32>
        %and3A_245 = arith.andi %get3A_241, %broadcast_in_dim3A_175 : vector<16xi32>
        %bitcast_convert_type3A_246 = tpu.bitcast %and3A_245 : vector<16xi32> -> vector<16xf32>
        %add3A_247 = arith.addf %add3A_235, %bitcast_convert_type3A_246 : vector<16xf32>
        %add3A_248 = arith.constant 4 : i32
        %add3A_249 = arith.addi %mul3A_205, %add3A_248 : i32
        %get3A_250 = arith.index_cast %add3A_249 : i32 to index
        %get3A_251 = arith.constant 0 : index
        %get3A_252 = tpu.vector_load %arg19[%get3A_250, %get3A_251] {strides = array<i32>} : memref<320x64xi32, #tpu.memory_space<vmem>>, vector<1x16xi32>,
        %get3A_253 = vector.shape_cast %get3A_252 : vector<1x16xi32> to vector<16xi32>
        %mul3A_254 = arith.muli %get3A_253, %broadcast_in_dim3A_173 : vector<16xi32>
        %bitcast_convert_type3A_255 = tpu.bitcast %mul3A_254 : vector<16xi32> -> vector<16xf32>
        %add3A_256 = arith.addf %add3A_244, %bitcast_convert_type3A_255 : vector<16xf32>
        %and3A_257 = arith.andi %get3A_253, %broadcast_in_dim3A_175 : vector<16xi32>
        %bitcast_convert_type3A_258 = tpu.bitcast %and3A_257 : vector<16xi32> -> vector<16xf32>
        %add3A_259 = arith.addf %add3A_247, %bitcast_convert_type3A_258 : vector<16xf32>
        %add3A_260 = arith.constant 5 : i32
        %add3A_261 = arith.addi %mul3A_205, %add3A_260 : i32
        %get3A_262 = arith.index_cast %add3A_261 : i32 to index
        %get3A_263 = arith.constant 0 : index
        %get3A_264 = tpu.vector_load %arg19[%get3A_262, %get3A_263] {strides = array<i32>} : memref<320x64xi32, #tpu.memory_space<vmem>>, vector<1x16xi32>,
        %get3A_265 = vector.shape_cast %get3A_264 : vector<1x16xi32> to vector<16xi32>
        %mul3A_266 = arith.muli %get3A_265, %broadcast_in_dim3A_173 : vector<16xi32>
        %bitcast_convert_type3A_267 = tpu.bitcast %mul3A_266 : vector<16xi32> -> vector<16xf32>
        %add3A_268 = arith.addf %add3A_256, %bitcast_convert_type3A_267 : vector<16xf32>
        %and3A_269 = arith.andi %get3A_265, %broadcast_in_dim3A_175 : vector<16xi32>
        %bitcast_convert_type3A_270 = tpu.bitcast %and3A_269 : vector<16xi32> -> vector<16xf32>
        %add3A_271 = arith.addf %add3A_259, %bitcast_convert_type3A_270 : vector<16xf32>
        %add3A_272 = arith.constant 6 : i32
        %add3A_273 = arith.addi %mul3A_205, %add3A_272 : i32
        %get3A_274 = arith.index_cast %add3A_273 : i32 to index
        %get3A_275 = arith.constant 0 : index
        %get3A_276 = tpu.vector_load %arg19[%get3A_274, %get3A_275] {strides = array<i32>} : memref<320x64xi32, #tpu.memory_space<vmem>>, vector<1x16xi32>,
        %get3A_277 = vector.shape_cast %get3A_276 : vector<1x16xi32> to vector<16xi32>
        %mul3A_278 = arith.muli %get3A_277, %broadcast_in_dim3A_173 : vector<16xi32>
        %bitcast_convert_type3A_279 = tpu.bitcast %mul3A_278 : vector<16xi32> -> vector<16xf32>
        %add3A_280 = arith.addf %add3A_268, %bitcast_convert_type3A_279 : vector<16xf32>
        %and3A_281 = arith.andi %get3A_277, %broadcast_in_dim3A_175 : vector<16xi32>
        %bitcast_convert_type3A_282 = tpu.bitcast %and3A_281 : vector<16xi32> -> vector<16xf32>
        %add3A_283 = arith.addf %add3A_271, %bitcast_convert_type3A_282 : vector<16xf32>
        %add3A_284 = arith.constant 7 : i32
        %add3A_285 = arith.addi %mul3A_205, %add3A_284 : i32
        %get3A_286 = arith.index_cast %add3A_285 : i32 to index
        %get3A_287 = arith.constant 0 : index
        %get3A_288 = tpu.vector_load %arg19[%get3A_286, %get3A_287] {strides = array<i32>} : memref<320x64xi32, #tpu.memory_space<vmem>>, vector<1x16xi32>,
        %get3A_289 = vector.shape_cast %get3A_288 : vector<1x16xi32> to vector<16xi32>
        %mul3A_290 = arith.muli %get3A_289, %broadcast_in_dim3A_173 : vector<16xi32>
        %bitcast_convert_type3A_291 = tpu.bitcast %mul3A_290 : vector<16xi32> -> vector<16xf32>
        %add3A_292 = arith.addf %add3A_280, %bitcast_convert_type3A_291 : vector<16xf32>
        %and3A_293 = arith.andi %get3A_289, %broadcast_in_dim3A_175 : vector<16xi32>
        %bitcast_convert_type3A_294 = tpu.bitcast %and3A_293 : vector<16xi32> -> vector<16xf32>
        %add3A_295 = arith.addf %add3A_283, %bitcast_convert_type3A_294 : vector<16xf32>
        %add3A_296 = arith.constant 8 : i32
        %add3A_297 = arith.addi %mul3A_205, %add3A_296 : i32
        %get3A_298 = arith.index_cast %add3A_297 : i32 to index
        %get3A_299 = arith.constant 0 : index
        %get3A_300 = tpu.vector_load %arg19[%get3A_298, %get3A_299] {strides = array<i32>} : memref<320x64xi32, #tpu.memory_space<vmem>>, vector<1x16xi32>,
        %get3A_301 = vector.shape_cast %get3A_300 : vector<1x16xi32> to vector<16xi32>
        %mul3A_302 = arith.muli %get3A_301, %broadcast_in_dim3A_173 : vector<16xi32>
        %bitcast_convert_type3A_303 = tpu.bitcast %mul3A_302 : vector<16xi32> -> vector<16xf32>
        %add3A_304 = arith.addf %add3A_292, %bitcast_convert_type3A_303 : vector<16xf32>
        %and3A_305 = arith.andi %get3A_301, %broadcast_in_dim3A_175 : vector<16xi32>
        %bitcast_convert_type3A_306 = tpu.bitcast %and3A_305 : vector<16xi32> -> vector<16xf32>
        %add3A_307 = arith.addf %add3A_295, %bitcast_convert_type3A_306 : vector<16xf32>
        %add3A_308 = arith.constant 9 : i32
        %add3A_309 = arith.addi %mul3A_205, %add3A_308 : i32
        %get3A_310 = arith.index_cast %add3A_309 : i32 to index
        %get3A_311 = arith.constant 0 : index
        %get3A_312 = tpu.vector_load %arg19[%get3A_310, %get3A_311] {strides = array<i32>} : memref<320x64xi32, #tpu.memory_space<vmem>>, vector<1x16xi32>,
        %get3A_313 = vector.shape_cast %get3A_312 : vector<1x16xi32> to vector<16xi32>
        %mul3A_314 = arith.muli %get3A_313, %broadcast_in_dim3A_173 : vector<16xi32>
        %bitcast_convert_type3A_315 = tpu.bitcast %mul3A_314 : vector<16xi32> -> vector<16xf32>
        %add3A_316 = arith.addf %add3A_304, %bitcast_convert_type3A_315 : vector<16xf32>
        %and3A_317 = arith.andi %get3A_313, %broadcast_in_dim3A_175 : vector<16xi32>
        %bitcast_convert_type3A_318 = tpu.bitcast %and3A_317 : vector<16xi32> -> vector<16xf32>
        %add3A_319 = arith.addf %add3A_307, %bitcast_convert_type3A_318 : vector<16xf32>
        %swap3A = arith.index_cast %scan3A_203 : i32 to index
        %swap3A_320 = arith.constant 0 : index
        %swap3A_321 = tpu.vector_load %arg22[%swap3A, %swap3A_320] {strides = array<i32>} : memref<32x128xf32, #tpu.memory_space<vmem>>, vector<1x16xf32>,
        %swap3A_322 = vector.shape_cast %swap3A_321 : vector<1x16xf32> to vector<16xf32>
        %swap3A_323 = vector.shape_cast %add3A_316 : vector<16xf32> to vector<1x16xf32>
        tpu.vector_store %arg22[%swap3A, %swap3A_320], %swap3A_323 {strides = array<i32>} : memref<32x128xf32, #tpu.memory_space<vmem>>, vector<1x16xf32>,
        %swap3A_324 = arith.index_cast %scan3A_203 : i32 to index
        %swap3A_325 = arith.constant 16 : index
        %swap3A_326 = tpu.vector_load %arg22[%swap3A_324, %swap3A_325] {strides = array<i32>} : memref<32x128xf32, #tpu.memory_space<vmem>>, vector<1x16xf32>,
        %swap3A_327 = vector.shape_cast %swap3A_326 : vector<1x16xf32> to vector<16xf32>
        %swap3A_328 = vector.shape_cast %add3A_319 : vector<16xf32> to vector<1x16xf32>
        tpu.vector_store %arg22[%swap3A_324, %swap3A_325], %swap3A_328 {strides = array<i32>} : memref<32x128xf32, #tpu.memory_space<vmem>>, vector<1x16xf32>,
        %get3A_329 = arith.index_cast %mul3A_205 : i32 to index
        %get3A_330 = arith.constant 16 : index
        %get3A_331 = tpu.vector_load %arg19[%get3A_329, %get3A_330] {strides = array<i32>} : memref<320x64xi32, #tpu.memory_space<vmem>>, vector<1x16xi32>,
        %get3A_332 = vector.shape_cast %get3A_331 : vector<1x16xi32> to vector<16xi32>
        %mul3A_333 = arith.muli %get3A_332, %broadcast_in_dim3A_173 : vector<16xi32>
        %bitcast_convert_type3A_334 = tpu.bitcast %mul3A_333 : vector<16xi32> -> vector<16xf32>
        %and3A_335 = arith.andi %get3A_332, %broadcast_in_dim3A_175 : vector<16xi32>
        %bitcast_convert_type3A_336 = tpu.bitcast %and3A_335 : vector<16xi32> -> vector<16xf32>
        %add3A_337 = arith.constant 1 : i32
        %add3A_338 = arith.addi %mul3A_205, %add3A_337 : i32
        %get3A_339 = arith.index_cast %add3A_338 : i32 to index
        %get3A_340 = arith.constant 16 : index
        %get3A_341 = tpu.vector_load %arg19[%get3A_339, %get3A_340] {strides = array<i32>} : memref<320x64xi32, #tpu.memory_space<vmem>>, vector<1x16xi32>,
        %get3A_342 = vector.shape_cast %get3A_341 : vector<1x16xi32> to vector<16xi32>
        %mul3A_343 = arith.muli %get3A_342, %broadcast_in_dim3A_173 : vector<16xi32>
        %bitcast_convert_type3A_344 = tpu.bitcast %mul3A_343 : vector<16xi32> -> vector<16xf32>
        %add3A_345 = arith.addf %bitcast_convert_type3A_334, %bitcast_convert_type3A_344 : vector<16xf32>
        %and3A_346 = arith.andi %get3A_342, %broadcast_in_dim3A_175 : vector<16xi32>
        %bitcast_convert_type3A_347 = tpu.bitcast %and3A_346 : vector<16xi32> -> vector<16xf32>
        %add3A_348 = arith.addf %bitcast_convert_type3A_336, %bitcast_convert_type3A_347 : vector<16xf32>
        %add3A_349 = arith.constant 2 : i32
        %add3A_350 = arith.addi %mul3A_205, %add3A_349 : i32
        %get3A_351 = arith.index_cast %add3A_350 : i32 to index
        %get3A_352 = arith.constant 16 : index
        %get3A_353 = tpu.vector_load %arg19[%get3A_351, %get3A_352] {strides = array<i32>} : memref<320x64xi32, #tpu.memory_space<vmem>>, vector<1x16xi32>,
        %get3A_354 = vector.shape_cast %get3A_353 : vector<1x16xi32> to vector<16xi32>
        %mul3A_355 = arith.muli %get3A_354, %broadcast_in_dim3A_173 : vector<16xi32>
        %bitcast_convert_type3A_356 = tpu.bitcast %mul3A_355 : vector<16xi32> -> vector<16xf32>
        %add3A_357 = arith.addf %add3A_345, %bitcast_convert_type3A_356 : vector<16xf32>
        %and3A_358 = arith.andi %get3A_354, %broadcast_in_dim3A_175 : vector<16xi32>
        %bitcast_convert_type3A_359 = tpu.bitcast %and3A_358 : vector<16xi32> -> vector<16xf32>
        %add3A_360 = arith.addf %add3A_348, %bitcast_convert_type3A_359 : vector<16xf32>
        %add3A_361 = arith.constant 3 : i32
        %add3A_362 = arith.addi %mul3A_205, %add3A_361 : i32
        %get3A_363 = arith.index_cast %add3A_362 : i32 to index
        %get3A_364 = arith.constant 16 : index
        %get3A_365 = tpu.vector_load %arg19[%get3A_363, %get3A_364] {strides = array<i32>} : memref<320x64xi32, #tpu.memory_space<vmem>>, vector<1x16xi32>,
        %get3A_366 = vector.shape_cast %get3A_365 : vector<1x16xi32> to vector<16xi32>
        %mul3A_367 = arith.muli %get3A_366, %broadcast_in_dim3A_173 : vector<16xi32>
        %bitcast_convert_type3A_368 = tpu.bitcast %mul3A_367 : vector<16xi32> -> vector<16xf32>
        %add3A_369 = arith.addf %add3A_357, %bitcast_convert_type3A_368 : vector<16xf32>
        %and3A_370 = arith.andi %get3A_366, %broadcast_in_dim3A_175 : vector<16xi32>
        %bitcast_convert_type3A_371 = tpu.bitcast %and3A_370 : vector<16xi32> -> vector<16xf32>
        %add3A_372 = arith.addf %add3A_360, %bitcast_convert_type3A_371 : vector<16xf32>
        %add3A_373 = arith.constant 4 : i32
        %add3A_374 = arith.addi %mul3A_205, %add3A_373 : i32
        %get3A_375 = arith.index_cast %add3A_374 : i32 to index
        %get3A_376 = arith.constant 16 : index
        %get3A_377 = tpu.vector_load %arg19[%get3A_375, %get3A_376] {strides = array<i32>} : memref<320x64xi32, #tpu.memory_space<vmem>>, vector<1x16xi32>,
        %get3A_378 = vector.shape_cast %get3A_377 : vector<1x16xi32> to vector<16xi32>
        %mul3A_379 = arith.muli %get3A_378, %broadcast_in_dim3A_173 : vector<16xi32>
        %bitcast_convert_type3A_380 = tpu.bitcast %mul3A_379 : vector<16xi32> -> vector<16xf32>
        %add3A_381 = arith.addf %add3A_369, %bitcast_convert_type3A_380 : vector<16xf32>
        %and3A_382 = arith.andi %get3A_378, %broadcast_in_dim3A_175 : vector<16xi32>
        %bitcast_convert_type3A_383 = tpu.bitcast %and3A_382 : vector<16xi32> -> vector<16xf32>
        %add3A_384 = arith.addf %add3A_372, %bitcast_convert_type3A_383 : vector<16xf32>
        %add3A_385 = arith.constant 5 : i32
        %add3A_386 = arith.addi %mul3A_205, %add3A_385 : i32
        %get3A_387 = arith.index_cast %add3A_386 : i32 to index
        %get3A_388 = arith.constant 16 : index
        %get3A_389 = tpu.vector_load %arg19[%get3A_387, %get3A_388] {strides = array<i32>} : memref<320x64xi32, #tpu.memory_space<vmem>>, vector<1x16xi32>,
        %get3A_390 = vector.shape_cast %get3A_389 : vector<1x16xi32> to vector<16xi32>
        %mul3A_391 = arith.muli %get3A_390, %broadcast_in_dim3A_173 : vector<16xi32>
        %bitcast_convert_type3A_392 = tpu.bitcast %mul3A_391 : vector<16xi32> -> vector<16xf32>
        %add3A_393 = arith.addf %add3A_381, %bitcast_convert_type3A_392 : vector<16xf32>
        %and3A_394 = arith.andi %get3A_390, %broadcast_in_dim3A_175 : vector<16xi32>
        %bitcast_convert_type3A_395 = tpu.bitcast %and3A_394 : vector<16xi32> -> vector<16xf32>
        %add3A_396 = arith.addf %add3A_384, %bitcast_convert_type3A_395 : vector<16xf32>
        %add3A_397 = arith.constant 6 : i32
        %add3A_398 = arith.addi %mul3A_205, %add3A_397 : i32
        %get3A_399 = arith.index_cast %add3A_398 : i32 to index
        %get3A_400 = arith.constant 16 : index
        %get3A_401 = tpu.vector_load %arg19[%get3A_399, %get3A_400] {strides = array<i32>} : memref<320x64xi32, #tpu.memory_space<vmem>>, vector<1x16xi32>,
        %get3A_402 = vector.shape_cast %get3A_401 : vector<1x16xi32> to vector<16xi32>
        %mul3A_403 = arith.muli %get3A_402, %broadcast_in_dim3A_173 : vector<16xi32>
        %bitcast_convert_type3A_404 = tpu.bitcast %mul3A_403 : vector<16xi32> -> vector<16xf32>
        %add3A_405 = arith.addf %add3A_393, %bitcast_convert_type3A_404 : vector<16xf32>
        %and3A_406 = arith.andi %get3A_402, %broadcast_in_dim3A_175 : vector<16xi32>
        %bitcast_convert_type3A_407 = tpu.bitcast %and3A_406 : vector<16xi32> -> vector<16xf32>
        %add3A_408 = arith.addf %add3A_396, %bitcast_convert_type3A_407 : vector<16xf32>
        %add3A_409 = arith.constant 7 : i32
        %add3A_410 = arith.addi %mul3A_205, %add3A_409 : i32
        %get3A_411 = arith.index_cast %add3A_410 : i32 to index
        %get3A_412 = arith.constant 16 : index
        %get3A_413 = tpu.vector_load %arg19[%get3A_411, %get3A_412] {strides = array<i32>} : memref<320x64xi32, #tpu.memory_space<vmem>>, vector<1x16xi32>,
        %get3A_414 = vector.shape_cast %get3A_413 : vector<1x16xi32> to vector<16xi32>
        %mul3A_415 = arith.muli %get3A_414, %broadcast_in_dim3A_173 : vector<16xi32>
        %bitcast_convert_type3A_416 = tpu.bitcast %mul3A_415 : vector<16xi32> -> vector<16xf32>
        %add3A_417 = arith.addf %add3A_405, %bitcast_convert_type3A_416 : vector<16xf32>
        %and3A_418 = arith.andi %get3A_414, %broadcast_in_dim3A_175 : vector<16xi32>
        %bitcast_convert_type3A_419 = tpu.bitcast %and3A_418 : vector<16xi32> -> vector<16xf32>
        %add3A_420 = arith.addf %add3A_408, %bitcast_convert_type3A_419 : vector<16xf32>
        %add3A_421 = arith.constant 8 : i32
        %add3A_422 = arith.addi %mul3A_205, %add3A_421 : i32
        %get3A_423 = arith.index_cast %add3A_422 : i32 to index
        %get3A_424 = arith.constant 16 : index
        %get3A_425 = tpu.vector_load %arg19[%get3A_423, %get3A_424] {strides = array<i32>} : memref<320x64xi32, #tpu.memory_space<vmem>>, vector<1x16xi32>,
        %get3A_426 = vector.shape_cast %get3A_425 : vector<1x16xi32> to vector<16xi32>
        %mul3A_427 = arith.muli %get3A_426, %broadcast_in_dim3A_173 : vector<16xi32>
        %bitcast_convert_type3A_428 = tpu.bitcast %mul3A_427 : vector<16xi32> -> vector<16xf32>
        %add3A_429 = arith.addf %add3A_417, %bitcast_convert_type3A_428 : vector<16xf32>
        %and3A_430 = arith.andi %get3A_426, %broadcast_in_dim3A_175 : vector<16xi32>
        %bitcast_convert_type3A_431 = tpu.bitcast %and3A_430 : vector<16xi32> -> vector<16xf32>
        %add3A_432 = arith.addf %add3A_420, %bitcast_convert_type3A_431 : vector<16xf32>
        %add3A_433 = arith.constant 9 : i32
        %add3A_434 = arith.addi %mul3A_205, %add3A_433 : i32
        %get3A_435 = arith.index_cast %add3A_434 : i32 to index
        %get3A_436 = arith.constant 16 : index
        %get3A_437 = tpu.vector_load %arg19[%get3A_435, %get3A_436] {strides = array<i32>} : memref<320x64xi32, #tpu.memory_space<vmem>>, vector<1x16xi32>,
        %get3A_438 = vector.shape_cast %get3A_437 : vector<1x16xi32> to vector<16xi32>
        %mul3A_439 = arith.muli %get3A_438, %broadcast_in_dim3A_173 : vector<16xi32>
        %bitcast_convert_type3A_440 = tpu.bitcast %mul3A_439 : vector<16xi32> -> vector<16xf32>
        %add3A_441 = arith.addf %add3A_429, %bitcast_convert_type3A_440 : vector<16xf32>
        %and3A_442 = arith.andi %get3A_438, %broadcast_in_dim3A_175 : vector<16xi32>
        %bitcast_convert_type3A_443 = tpu.bitcast %and3A_442 : vector<16xi32> -> vector<16xf32>
        %add3A_444 = arith.addf %add3A_432, %bitcast_convert_type3A_443 : vector<16xf32>
        %swap3A_445 = arith.index_cast %scan3A_203 : i32 to index
        %swap3A_446 = arith.constant 32 : index
        %swap3A_447 = tpu.vector_load %arg22[%swap3A_445, %swap3A_446] {strides = array<i32>} : memref<32x128xf32, #tpu.memory_space<vmem>>, vector<1x16xf32>,
        %swap3A_448 = vector.shape_cast %swap3A_447 : vector<1x16xf32> to vector<16xf32>
        %swap3A_449 = vector.shape_cast %add3A_441 : vector<16xf32> to vector<1x16xf32>
        tpu.vector_store %arg22[%swap3A_445, %swap3A_446], %swap3A_449 {strides = array<i32>} : memref<32x128xf32, #tpu.memory_space<vmem>>, vector<1x16xf32>,
        %swap3A_450 = arith.index_cast %scan3A_203 : i32 to index
        %swap3A_451 = arith.constant 48 : index
        %swap3A_452 = tpu.vector_load %arg22[%swap3A_450, %swap3A_451] {strides = array<i32>} : memref<32x128xf32, #tpu.memory_space<vmem>>, vector<1x16xf32>,
        %swap3A_453 = vector.shape_cast %swap3A_452 : vector<1x16xf32> to vector<16xf32>
        %swap3A_454 = vector.shape_cast %add3A_444 : vector<16xf32> to vector<1x16xf32>
        tpu.vector_store %arg22[%swap3A_450, %swap3A_451], %swap3A_454 {strides = array<i32>} : memref<32x128xf32, #tpu.memory_space<vmem>>, vector<1x16xf32>,
        %get3A_455 = arith.index_cast %mul3A_205 : i32 to index
        %get3A_456 = arith.constant 32 : index
        %get3A_457 = tpu.vector_load %arg19[%get3A_455, %get3A_456] {strides = array<i32>} : memref<320x64xi32, #tpu.memory_space<vmem>>, vector<1x16xi32>,
        %get3A_458 = vector.shape_cast %get3A_457 : vector<1x16xi32> to vector<16xi32>
        %mul3A_459 = arith.muli %get3A_458, %broadcast_in_dim3A_173 : vector<16xi32>
        %bitcast_convert_type3A_460 = tpu.bitcast %mul3A_459 : vector<16xi32> -> vector<16xf32>
        %and3A_461 = arith.andi %get3A_458, %broadcast_in_dim3A_175 : vector<16xi32>
        %bitcast_convert_type3A_462 = tpu.bitcast %and3A_461 : vector<16xi32> -> vector<16xf32>
        %add3A_463 = arith.constant 1 : i32
        %add3A_464 = arith.addi %mul3A_205, %add3A_463 : i32
        %get3A_465 = arith.index_cast %add3A_464 : i32 to index
        %get3A_466 = arith.constant 32 : index
        %get3A_467 = tpu.vector_load %arg19[%get3A_465, %get3A_466] {strides = array<i32>} : memref<320x64xi32, #tpu.memory_space<vmem>>, vector<1x16xi32>,
        %get3A_468 = vector.shape_cast %get3A_467 : vector<1x16xi32> to vector<16xi32>
        %mul3A_469 = arith.muli %get3A_468, %broadcast_in_dim3A_173 : vector<16xi32>
        %bitcast_convert_type3A_470 = tpu.bitcast %mul3A_469 : vector<16xi32> -> vector<16xf32>
        %add3A_471 = arith.addf %bitcast_convert_type3A_460, %bitcast_convert_type3A_470 : vector<16xf32>
        %and3A_472 = arith.andi %get3A_468, %broadcast_in_dim3A_175 : vector<16xi32>
        %bitcast_convert_type3A_473 = tpu.bitcast %and3A_472 : vector<16xi32> -> vector<16xf32>
        %add3A_474 = arith.addf %bitcast_convert_type3A_462, %bitcast_convert_type3A_473 : vector<16xf32>
        %add3A_475 = arith.constant 2 : i32
        %add3A_476 = arith.addi %mul3A_205, %add3A_475 : i32
        %get3A_477 = arith.index_cast %add3A_476 : i32 to index
        %get3A_478 = arith.constant 32 : index
        %get3A_479 = tpu.vector_load %arg19[%get3A_477, %get3A_478] {strides = array<i32>} : memref<320x64xi32, #tpu.memory_space<vmem>>, vector<1x16xi32>,
        %get3A_480 = vector.shape_cast %get3A_479 : vector<1x16xi32> to vector<16xi32>
        %mul3A_481 = arith.muli %get3A_480, %broadcast_in_dim3A_173 : vector<16xi32>
        %bitcast_convert_type3A_482 = tpu.bitcast %mul3A_481 : vector<16xi32> -> vector<16xf32>
        %add3A_483 = arith.addf %add3A_471, %bitcast_convert_type3A_482 : vector<16xf32>
        %and3A_484 = arith.andi %get3A_480, %broadcast_in_dim3A_175 : vector<16xi32>
        %bitcast_convert_type3A_485 = tpu.bitcast %and3A_484 : vector<16xi32> -> vector<16xf32>
        %add3A_486 = arith.addf %add3A_474, %bitcast_convert_type3A_485 : vector<16xf32>
        %add3A_487 = arith.constant 3 : i32
        %add3A_488 = arith.addi %mul3A_205, %add3A_487 : i32
        %get3A_489 = arith.index_cast %add3A_488 : i32 to index
        %get3A_490 = arith.constant 32 : index
        %get3A_491 = tpu.vector_load %arg19[%get3A_489, %get3A_490] {strides = array<i32>} : memref<320x64xi32, #tpu.memory_space<vmem>>, vector<1x16xi32>,
        %get3A_492 = vector.shape_cast %get3A_491 : vector<1x16xi32> to vector<16xi32>
        %mul3A_493 = arith.muli %get3A_492, %broadcast_in_dim3A_173 : vector<16xi32>
        %bitcast_convert_type3A_494 = tpu.bitcast %mul3A_493 : vector<16xi32> -> vector<16xf32>
        %add3A_495 = arith.addf %add3A_483, %bitcast_convert_type3A_494 : vector<16xf32>
        %and3A_496 = arith.andi %get3A_492, %broadcast_in_dim3A_175 : vector<16xi32>
        %bitcast_convert_type3A_497 = tpu.bitcast %and3A_496 : vector<16xi32> -> vector<16xf32>
        %add3A_498 = arith.addf %add3A_486, %bitcast_convert_type3A_497 : vector<16xf32>
        %add3A_499 = arith.constant 4 : i32
        %add3A_500 = arith.addi %mul3A_205, %add3A_499 : i32
        %get3A_501 = arith.index_cast %add3A_500 : i32 to index
        %get3A_502 = arith.constant 32 : index
        %get3A_503 = tpu.vector_load %arg19[%get3A_501, %get3A_502] {strides = array<i32>} : memref<320x64xi32, #tpu.memory_space<vmem>>, vector<1x16xi32>,
        %get3A_504 = vector.shape_cast %get3A_503 : vector<1x16xi32> to vector<16xi32>
        %mul3A_505 = arith.muli %get3A_504, %broadcast_in_dim3A_173 : vector<16xi32>
        %bitcast_convert_type3A_506 = tpu.bitcast %mul3A_505 : vector<16xi32> -> vector<16xf32>
        %add3A_507 = arith.addf %add3A_495, %bitcast_convert_type3A_506 : vector<16xf32>
        %and3A_508 = arith.andi %get3A_504, %broadcast_in_dim3A_175 : vector<16xi32>
        %bitcast_convert_type3A_509 = tpu.bitcast %and3A_508 : vector<16xi32> -> vector<16xf32>
        %add3A_510 = arith.addf %add3A_498, %bitcast_convert_type3A_509 : vector<16xf32>
        %add3A_511 = arith.constant 5 : i32
        %add3A_512 = arith.addi %mul3A_205, %add3A_511 : i32
        %get3A_513 = arith.index_cast %add3A_512 : i32 to index
        %get3A_514 = arith.constant 32 : index
        %get3A_515 = tpu.vector_load %arg19[%get3A_513, %get3A_514] {strides = array<i32>} : memref<320x64xi32, #tpu.memory_space<vmem>>, vector<1x16xi32>,
        %get3A_516 = vector.shape_cast %get3A_515 : vector<1x16xi32> to vector<16xi32>
        %mul3A_517 = arith.muli %get3A_516, %broadcast_in_dim3A_173 : vector<16xi32>
        %bitcast_convert_type3A_518 = tpu.bitcast %mul3A_517 : vector<16xi32> -> vector<16xf32>
        %add3A_519 = arith.addf %add3A_507, %bitcast_convert_type3A_518 : vector<16xf32>
        %and3A_520 = arith.andi %get3A_516, %broadcast_in_dim3A_175 : vector<16xi32>
        %bitcast_convert_type3A_521 = tpu.bitcast %and3A_520 : vector<16xi32> -> vector<16xf32>
        %add3A_522 = arith.addf %add3A_510, %bitcast_convert_type3A_521 : vector<16xf32>
        %add3A_523 = arith.constant 6 : i32
        %add3A_524 = arith.addi %mul3A_205, %add3A_523 : i32
        %get3A_525 = arith.index_cast %add3A_524 : i32 to index
        %get3A_526 = arith.constant 32 : index
        %get3A_527 = tpu.vector_load %arg19[%get3A_525, %get3A_526] {strides = array<i32>} : memref<320x64xi32, #tpu.memory_space<vmem>>, vector<1x16xi32>,
        %get3A_528 = vector.shape_cast %get3A_527 : vector<1x16xi32> to vector<16xi32>
        %mul3A_529 = arith.muli %get3A_528, %broadcast_in_dim3A_173 : vector<16xi32>
        %bitcast_convert_type3A_530 = tpu.bitcast %mul3A_529 : vector<16xi32> -> vector<16xf32>
        %add3A_531 = arith.addf %add3A_519, %bitcast_convert_type3A_530 : vector<16xf32>
        %and3A_532 = arith.andi %get3A_528, %broadcast_in_dim3A_175 : vector<16xi32>
        %bitcast_convert_type3A_533 = tpu.bitcast %and3A_532 : vector<16xi32> -> vector<16xf32>
        %add3A_534 = arith.addf %add3A_522, %bitcast_convert_type3A_533 : vector<16xf32>
        %add3A_535 = arith.constant 7 : i32
        %add3A_536 = arith.addi %mul3A_205, %add3A_535 : i32
        %get3A_537 = arith.index_cast %add3A_536 : i32 to index
        %get3A_538 = arith.constant 32 : index
        %get3A_539 = tpu.vector_load %arg19[%get3A_537, %get3A_538] {strides = array<i32>} : memref<320x64xi32, #tpu.memory_space<vmem>>, vector<1x16xi32>,
        %get3A_540 = vector.shape_cast %get3A_539 : vector<1x16xi32> to vector<16xi32>
        %mul3A_541 = arith.muli %get3A_540, %broadcast_in_dim3A_173 : vector<16xi32>
        %bitcast_convert_type3A_542 = tpu.bitcast %mul3A_541 : vector<16xi32> -> vector<16xf32>
        %add3A_543 = arith.addf %add3A_531, %bitcast_convert_type3A_542 : vector<16xf32>
        %and3A_544 = arith.andi %get3A_540, %broadcast_in_dim3A_175 : vector<16xi32>
        %bitcast_convert_type3A_545 = tpu.bitcast %and3A_544 : vector<16xi32> -> vector<16xf32>
        %add3A_546 = arith.addf %add3A_534, %bitcast_convert_type3A_545 : vector<16xf32>
        %add3A_547 = arith.constant 8 : i32
        %add3A_548 = arith.addi %mul3A_205, %add3A_547 : i32
        %get3A_549 = arith.index_cast %add3A_548 : i32 to index
        %get3A_550 = arith.constant 32 : index
        %get3A_551 = tpu.vector_load %arg19[%get3A_549, %get3A_550] {strides = array<i32>} : memref<320x64xi32, #tpu.memory_space<vmem>>, vector<1x16xi32>,
        %get3A_552 = vector.shape_cast %get3A_551 : vector<1x16xi32> to vector<16xi32>
        %mul3A_553 = arith.muli %get3A_552, %broadcast_in_dim3A_173 : vector<16xi32>
        %bitcast_convert_type3A_554 = tpu.bitcast %mul3A_553 : vector<16xi32> -> vector<16xf32>
        %add3A_555 = arith.addf %add3A_543, %bitcast_convert_type3A_554 : vector<16xf32>
        %and3A_556 = arith.andi %get3A_552, %broadcast_in_dim3A_175 : vector<16xi32>
        %bitcast_convert_type3A_557 = tpu.bitcast %and3A_556 : vector<16xi32> -> vector<16xf32>
        %add3A_558 = arith.addf %add3A_546, %bitcast_convert_type3A_557 : vector<16xf32>
        %add3A_559 = arith.constant 9 : i32
        %add3A_560 = arith.addi %mul3A_205, %add3A_559 : i32
        %get3A_561 = arith.index_cast %add3A_560 : i32 to index
        %get3A_562 = arith.constant 32 : index
        %get3A_563 = tpu.vector_load %arg19[%get3A_561, %get3A_562] {strides = array<i32>} : memref<320x64xi32, #tpu.memory_space<vmem>>, vector<1x16xi32>,
        %get3A_564 = vector.shape_cast %get3A_563 : vector<1x16xi32> to vector<16xi32>
        %mul3A_565 = arith.muli %get3A_564, %broadcast_in_dim3A_173 : vector<16xi32>
        %bitcast_convert_type3A_566 = tpu.bitcast %mul3A_565 : vector<16xi32> -> vector<16xf32>
        %add3A_567 = arith.addf %add3A_555, %bitcast_convert_type3A_566 : vector<16xf32>
        %and3A_568 = arith.andi %get3A_564, %broadcast_in_dim3A_175 : vector<16xi32>
        %bitcast_convert_type3A_569 = tpu.bitcast %and3A_568 : vector<16xi32> -> vector<16xf32>
        %add3A_570 = arith.addf %add3A_558, %bitcast_convert_type3A_569 : vector<16xf32>
        %swap3A_571 = arith.index_cast %scan3A_203 : i32 to index
        %swap3A_572 = arith.constant 64 : index
        %swap3A_573 = tpu.vector_load %arg22[%swap3A_571, %swap3A_572] {strides = array<i32>} : memref<32x128xf32, #tpu.memory_space<vmem>>, vector<1x16xf32>,
        %swap3A_574 = vector.shape_cast %swap3A_573 : vector<1x16xf32> to vector<16xf32>
        %swap3A_575 = vector.shape_cast %add3A_567 : vector<16xf32> to vector<1x16xf32>
        tpu.vector_store %arg22[%swap3A_571, %swap3A_572], %swap3A_575 {strides = array<i32>} : memref<32x128xf32, #tpu.memory_space<vmem>>, vector<1x16xf32>,
        %swap3A_576 = arith.index_cast %scan3A_203 : i32 to index
        %swap3A_577 = arith.constant 80 : index
        %swap3A_578 = tpu.vector_load %arg22[%swap3A_576, %swap3A_577] {strides = array<i32>} : memref<32x128xf32, #tpu.memory_space<vmem>>, vector<1x16xf32>,
        %swap3A_579 = vector.shape_cast %swap3A_578 : vector<1x16xf32> to vector<16xf32>
        %swap3A_580 = vector.shape_cast %add3A_570 : vector<16xf32> to vector<1x16xf32>
        tpu.vector_store %arg22[%swap3A_576, %swap3A_577], %swap3A_580 {strides = array<i32>} : memref<32x128xf32, #tpu.memory_space<vmem>>, vector<1x16xf32>,
        %get3A_581 = arith.index_cast %mul3A_205 : i32 to index
        %get3A_582 = arith.constant 48 : index
        %get3A_583 = tpu.vector_load %arg19[%get3A_581, %get3A_582] {strides = array<i32>} : memref<320x64xi32, #tpu.memory_space<vmem>>, vector<1x16xi32>,
        %get3A_584 = vector.shape_cast %get3A_583 : vector<1x16xi32> to vector<16xi32>
        %mul3A_585 = arith.muli %get3A_584, %broadcast_in_dim3A_173 : vector<16xi32>
        %bitcast_convert_type3A_586 = tpu.bitcast %mul3A_585 : vector<16xi32> -> vector<16xf32>
        %and3A_587 = arith.andi %get3A_584, %broadcast_in_dim3A_175 : vector<16xi32>
        %bitcast_convert_type3A_588 = tpu.bitcast %and3A_587 : vector<16xi32> -> vector<16xf32>
        %add3A_589 = arith.constant 1 : i32
        %add3A_590 = arith.addi %mul3A_205, %add3A_589 : i32
        %get3A_591 = arith.index_cast %add3A_590 : i32 to index
        %get3A_592 = arith.constant 48 : index
        %get3A_593 = tpu.vector_load %arg19[%get3A_591, %get3A_592] {strides = array<i32>} : memref<320x64xi32, #tpu.memory_space<vmem>>, vector<1x16xi32>,
        %get3A_594 = vector.shape_cast %get3A_593 : vector<1x16xi32> to vector<16xi32>
        %mul3A_595 = arith.muli %get3A_594, %broadcast_in_dim3A_173 : vector<16xi32>
        %bitcast_convert_type3A_596 = tpu.bitcast %mul3A_595 : vector<16xi32> -> vector<16xf32>
        %add3A_597 = arith.addf %bitcast_convert_type3A_586, %bitcast_convert_type3A_596 : vector<16xf32>
        %and3A_598 = arith.andi %get3A_594, %broadcast_in_dim3A_175 : vector<16xi32>
        %bitcast_convert_type3A_599 = tpu.bitcast %and3A_598 : vector<16xi32> -> vector<16xf32>
        %add3A_600 = arith.addf %bitcast_convert_type3A_588, %bitcast_convert_type3A_599 : vector<16xf32>
        %add3A_601 = arith.constant 2 : i32
        %add3A_602 = arith.addi %mul3A_205, %add3A_601 : i32
        %get3A_603 = arith.index_cast %add3A_602 : i32 to index
        %get3A_604 = arith.constant 48 : index
        %get3A_605 = tpu.vector_load %arg19[%get3A_603, %get3A_604] {strides = array<i32>} : memref<320x64xi32, #tpu.memory_space<vmem>>, vector<1x16xi32>,
        %get3A_606 = vector.shape_cast %get3A_605 : vector<1x16xi32> to vector<16xi32>
        %mul3A_607 = arith.muli %get3A_606, %broadcast_in_dim3A_173 : vector<16xi32>
        %bitcast_convert_type3A_608 = tpu.bitcast %mul3A_607 : vector<16xi32> -> vector<16xf32>
        %add3A_609 = arith.addf %add3A_597, %bitcast_convert_type3A_608 : vector<16xf32>
        %and3A_610 = arith.andi %get3A_606, %broadcast_in_dim3A_175 : vector<16xi32>
        %bitcast_convert_type3A_611 = tpu.bitcast %and3A_610 : vector<16xi32> -> vector<16xf32>
        %add3A_612 = arith.addf %add3A_600, %bitcast_convert_type3A_611 : vector<16xf32>
        %add3A_613 = arith.constant 3 : i32
        %add3A_614 = arith.addi %mul3A_205, %add3A_613 : i32
        %get3A_615 = arith.index_cast %add3A_614 : i32 to index
        %get3A_616 = arith.constant 48 : index
        %get3A_617 = tpu.vector_load %arg19[%get3A_615, %get3A_616] {strides = array<i32>} : memref<320x64xi32, #tpu.memory_space<vmem>>, vector<1x16xi32>,
        %get3A_618 = vector.shape_cast %get3A_617 : vector<1x16xi32> to vector<16xi32>
        %mul3A_619 = arith.muli %get3A_618, %broadcast_in_dim3A_173 : vector<16xi32>
        %bitcast_convert_type3A_620 = tpu.bitcast %mul3A_619 : vector<16xi32> -> vector<16xf32>
        %add3A_621 = arith.addf %add3A_609, %bitcast_convert_type3A_620 : vector<16xf32>
        %and3A_622 = arith.andi %get3A_618, %broadcast_in_dim3A_175 : vector<16xi32>
        %bitcast_convert_type3A_623 = tpu.bitcast %and3A_622 : vector<16xi32> -> vector<16xf32>
        %add3A_624 = arith.addf %add3A_612, %bitcast_convert_type3A_623 : vector<16xf32>
        %add3A_625 = arith.constant 4 : i32
        %add3A_626 = arith.addi %mul3A_205, %add3A_625 : i32
        %get3A_627 = arith.index_cast %add3A_626 : i32 to index
        %get3A_628 = arith.constant 48 : index
        %get3A_629 = tpu.vector_load %arg19[%get3A_627, %get3A_628] {strides = array<i32>} : memref<320x64xi32, #tpu.memory_space<vmem>>, vector<1x16xi32>,
        %get3A_630 = vector.shape_cast %get3A_629 : vector<1x16xi32> to vector<16xi32>
        %mul3A_631 = arith.muli %get3A_630, %broadcast_in_dim3A_173 : vector<16xi32>
        %bitcast_convert_type3A_632 = tpu.bitcast %mul3A_631 : vector<16xi32> -> vector<16xf32>
        %add3A_633 = arith.addf %add3A_621, %bitcast_convert_type3A_632 : vector<16xf32>
        %and3A_634 = arith.andi %get3A_630, %broadcast_in_dim3A_175 : vector<16xi32>
        %bitcast_convert_type3A_635 = tpu.bitcast %and3A_634 : vector<16xi32> -> vector<16xf32>
        %add3A_636 = arith.addf %add3A_624, %bitcast_convert_type3A_635 : vector<16xf32>
        %add3A_637 = arith.constant 5 : i32
        %add3A_638 = arith.addi %mul3A_205, %add3A_637 : i32
        %get3A_639 = arith.index_cast %add3A_638 : i32 to index
        %get3A_640 = arith.constant 48 : index
        %get3A_641 = tpu.vector_load %arg19[%get3A_639, %get3A_640] {strides = array<i32>} : memref<320x64xi32, #tpu.memory_space<vmem>>, vector<1x16xi32>,
        %get3A_642 = vector.shape_cast %get3A_641 : vector<1x16xi32> to vector<16xi32>
        %mul3A_643 = arith.muli %get3A_642, %broadcast_in_dim3A_173 : vector<16xi32>
        %bitcast_convert_type3A_644 = tpu.bitcast %mul3A_643 : vector<16xi32> -> vector<16xf32>
        %add3A_645 = arith.addf %add3A_633, %bitcast_convert_type3A_644 : vector<16xf32>
        %and3A_646 = arith.andi %get3A_642, %broadcast_in_dim3A_175 : vector<16xi32>
        %bitcast_convert_type3A_647 = tpu.bitcast %and3A_646 : vector<16xi32> -> vector<16xf32>
        %add3A_648 = arith.addf %add3A_636, %bitcast_convert_type3A_647 : vector<16xf32>
        %add3A_649 = arith.constant 6 : i32
        %add3A_650 = arith.addi %mul3A_205, %add3A_649 : i32
        %get3A_651 = arith.index_cast %add3A_650 : i32 to index
        %get3A_652 = arith.constant 48 : index
        %get3A_653 = tpu.vector_load %arg19[%get3A_651, %get3A_652] {strides = array<i32>} : memref<320x64xi32, #tpu.memory_space<vmem>>, vector<1x16xi32>,
        %get3A_654 = vector.shape_cast %get3A_653 : vector<1x16xi32> to vector<16xi32>
        %mul3A_655 = arith.muli %get3A_654, %broadcast_in_dim3A_173 : vector<16xi32>
        %bitcast_convert_type3A_656 = tpu.bitcast %mul3A_655 : vector<16xi32> -> vector<16xf32>
        %add3A_657 = arith.addf %add3A_645, %bitcast_convert_type3A_656 : vector<16xf32>
        %and3A_658 = arith.andi %get3A_654, %broadcast_in_dim3A_175 : vector<16xi32>
        %bitcast_convert_type3A_659 = tpu.bitcast %and3A_658 : vector<16xi32> -> vector<16xf32>
        %add3A_660 = arith.addf %add3A_648, %bitcast_convert_type3A_659 : vector<16xf32>
        %add3A_661 = arith.constant 7 : i32
        %add3A_662 = arith.addi %mul3A_205, %add3A_661 : i32
        %get3A_663 = arith.index_cast %add3A_662 : i32 to index
        %get3A_664 = arith.constant 48 : index
        %get3A_665 = tpu.vector_load %arg19[%get3A_663, %get3A_664] {strides = array<i32>} : memref<320x64xi32, #tpu.memory_space<vmem>>, vector<1x16xi32>,
        %get3A_666 = vector.shape_cast %get3A_665 : vector<1x16xi32> to vector<16xi32>
        %mul3A_667 = arith.muli %get3A_666, %broadcast_in_dim3A_173 : vector<16xi32>
        %bitcast_convert_type3A_668 = tpu.bitcast %mul3A_667 : vector<16xi32> -> vector<16xf32>
        %add3A_669 = arith.addf %add3A_657, %bitcast_convert_type3A_668 : vector<16xf32>
        %and3A_670 = arith.andi %get3A_666, %broadcast_in_dim3A_175 : vector<16xi32>
        %bitcast_convert_type3A_671 = tpu.bitcast %and3A_670 : vector<16xi32> -> vector<16xf32>
        %add3A_672 = arith.addf %add3A_660, %bitcast_convert_type3A_671 : vector<16xf32>
        %add3A_673 = arith.constant 8 : i32
        %add3A_674 = arith.addi %mul3A_205, %add3A_673 : i32
        %get3A_675 = arith.index_cast %add3A_674 : i32 to index
        %get3A_676 = arith.constant 48 : index
        %get3A_677 = tpu.vector_load %arg19[%get3A_675, %get3A_676] {strides = array<i32>} : memref<320x64xi32, #tpu.memory_space<vmem>>, vector<1x16xi32>,
        %get3A_678 = vector.shape_cast %get3A_677 : vector<1x16xi32> to vector<16xi32>
        %mul3A_679 = arith.muli %get3A_678, %broadcast_in_dim3A_173 : vector<16xi32>
        %bitcast_convert_type3A_680 = tpu.bitcast %mul3A_679 : vector<16xi32> -> vector<16xf32>
        %add3A_681 = arith.addf %add3A_669, %bitcast_convert_type3A_680 : vector<16xf32>
        %and3A_682 = arith.andi %get3A_678, %broadcast_in_dim3A_175 : vector<16xi32>
        %bitcast_convert_type3A_683 = tpu.bitcast %and3A_682 : vector<16xi32> -> vector<16xf32>
        %add3A_684 = arith.addf %add3A_672, %bitcast_convert_type3A_683 : vector<16xf32>
        %add3A_685 = arith.constant 9 : i32
        %add3A_686 = arith.addi %mul3A_205, %add3A_685 : i32
        %get3A_687 = arith.index_cast %add3A_686 : i32 to index
        %get3A_688 = arith.constant 48 : index
        %get3A_689 = tpu.vector_load %arg19[%get3A_687, %get3A_688] {strides = array<i32>} : memref<320x64xi32, #tpu.memory_space<vmem>>, vector<1x16xi32>,
        %get3A_690 = vector.shape_cast %get3A_689 : vector<1x16xi32> to vector<16xi32>
        %mul3A_691 = arith.muli %get3A_690, %broadcast_in_dim3A_173 : vector<16xi32>
        %bitcast_convert_type3A_692 = tpu.bitcast %mul3A_691 : vector<16xi32> -> vector<16xf32>
        %add3A_693 = arith.addf %add3A_681, %bitcast_convert_type3A_692 : vector<16xf32>
        %and3A_694 = arith.andi %get3A_690, %broadcast_in_dim3A_175 : vector<16xi32>
        %bitcast_convert_type3A_695 = tpu.bitcast %and3A_694 : vector<16xi32> -> vector<16xf32>
        %add3A_696 = arith.addf %add3A_684, %bitcast_convert_type3A_695 : vector<16xf32>
        %swap3A_697 = arith.index_cast %scan3A_203 : i32 to index
        %swap3A_698 = arith.constant 96 : index
        %swap3A_699 = tpu.vector_load %arg22[%swap3A_697, %swap3A_698] {strides = array<i32>} : memref<32x128xf32, #tpu.memory_space<vmem>>, vector<1x16xf32>,
        %swap3A_700 = vector.shape_cast %swap3A_699 : vector<1x16xf32> to vector<16xf32>
        %swap3A_701 = vector.shape_cast %add3A_693 : vector<16xf32> to vector<1x16xf32>
        tpu.vector_store %arg22[%swap3A_697, %swap3A_698], %swap3A_701 {strides = array<i32>} : memref<32x128xf32, #tpu.memory_space<vmem>>, vector<1x16xf32>,
        %swap3A_702 = arith.index_cast %scan3A_203 : i32 to index
        %swap3A_703 = arith.constant 112 : index
        %swap3A_704 = tpu.vector_load %arg22[%swap3A_702, %swap3A_703] {strides = array<i32>} : memref<32x128xf32, #tpu.memory_space<vmem>>, vector<1x16xf32>,
        %swap3A_705 = vector.shape_cast %swap3A_704 : vector<1x16xf32> to vector<16xf32>
        %swap3A_706 = vector.shape_cast %add3A_696 : vector<16xf32> to vector<1x16xf32>
        tpu.vector_store %arg22[%swap3A_702, %swap3A_703], %swap3A_706 {strides = array<i32>} : memref<32x128xf32, #tpu.memory_space<vmem>>, vector<1x16xf32>,
      }
      %scan3A_181 = arith.constant 32 : i32
      %dma_start3A_182 = arith.constant 0 : i32
      %dma_start3A_183 = tpu.memref_slice %arg12[%add3A_62, %dma_start3A_182] : memref<10240x128xf32, #tpu.memory_space<hbm>> -> memref<32x128xf32, #tpu.memory_space<hbm>>
      %dma_start3A_184 = arith.constant 0 : i32
      %dma_start3A_185 = tpu.memref_slice %arg12[%add3A_62, %dma_start3A_184] : memref<10240x128xf32, #tpu.memory_space<hbm>> -> memref<32x128xf32, #tpu.memory_space<hbm>>
      tpu.enqueue_dma source(%arg22 : memref<32x128xf32, #tpu.memory_space<vmem>>) target(%dma_start3A_185 : memref<32x128xf32, #tpu.memory_space<hbm>>) target_semaphore(%arg32 : memref<!tpu.dma_semaphore, #tpu.memory_space<semaphore_mem>>)
      %sub3A = arith.constant 1 : i32
      %sub3A_186 = arith.subi %select_n3A_8, %sub3A : i32
      %lt3A_187 = arith.cmpi slt, %while3A_59, %sub3A_186 : i32
      %convert_element_type3A_188 = arith.extui %lt3A_187 : i1 to i32
      %cond3A_189 = arith.constant 0 : i32
      %cond3A_190 = arith.cmpi ne, %convert_element_type3A_188, %cond3A_189 : i32
      scf.if %cond3A_190 {
        %add3A_203 = arith.constant 1 : i32
        %add3A_204 = arith.addi %while3A_59, %add3A_203 : i32
        %mul3A_205 = arith.constant 320 : i32
        %mul3A_206 = arith.muli %add3A_204, %mul3A_205 : i32
        %dma_start3A_207 = tpu.memref_slice %arg13[%mul3A_206] : memref<4480xi32, #tpu.memory_space<vmem>> -> memref<320xi32, #tpu.memory_space<vmem>>
        %dma_start3A_208 = arith.constant 0 : i32
        %dma_start3A_209 = arith.constant 0 : i32
        %dma_start3A_210 = tpu.memref_slice %arg6[%dma_start3A_208, %dma_start3A_209] : memref<100000x128xf32, #tpu.memory_space<hbm>> -> memref<100000x128xf32, #tpu.memory_space<hbm>>
        tpu.enqueue_indirect_dma source(%dma_start3A_210 : memref<100000x128xf32, #tpu.memory_space<hbm>>) target(%arg17 : memref<320x128xf32, #tpu.memory_space<vmem>>) offsets(%dma_start3A_207 : memref<320xi32, #tpu.memory_space<vmem>>) semaphore(%arg26 : memref<!tpu.dma_semaphore, #tpu.memory_space<semaphore_mem>>)
      } else {
      }
      %dma_wait3A_191 = arith.constant 0 : i32
      %dma_wait3A_192 = arith.constant 0 : i32
      %dma_wait3A_193 = tpu.memref_slice %arg6[%dma_wait3A_191, %dma_wait3A_192] : memref<100000x128xf32, #tpu.memory_space<hbm>> -> memref<32x128xf32, #tpu.memory_space<hbm>>
      %dma_wait3A_194 = arith.constant 0 : i32
      %dma_wait3A_195 = arith.constant 0 : i32
      %dma_wait3A_196 = tpu.memref_slice %arg6[%dma_wait3A_194, %dma_wait3A_195] : memref<100000x128xf32, #tpu.memory_space<hbm>> -> memref<32x128xf32, #tpu.memory_space<hbm>>
      tpu.wait_dma2 semaphore(%arg29 : memref<!tpu.dma_semaphore, #tpu.memory_space<semaphore_mem>>) src(%dma_wait3A_196 : memref<32x128xf32, #tpu.memory_space<hbm>>) dst(%arg23 : memref<32x128xf32, #tpu.memory_space<vmem>>)
      %convert_element_type3A_197 = arith.extui %eq3A_136 : i1 to i32
      %cond3A_198 = arith.constant 0 : i32
      %cond3A_199 = arith.cmpi ne, %convert_element_type3A_197, %cond3A_198 : i32
      scf.if %cond3A_199 {
        %dma_start3A_203 = arith.constant 0 : i32
        %dma_start3A_204 = tpu.memref_slice %arg9[%add3A_62, %dma_start3A_203] : memref<10240x128xf32, #tpu.memory_space<hbm>> -> memref<32x128xf32, #tpu.memory_space<hbm>>
        %dma_start3A_205 = arith.constant 0 : i32
        %dma_start3A_206 = tpu.memref_slice %arg9[%add3A_62, %dma_start3A_205] : memref<10240x128xf32, #tpu.memory_space<hbm>> -> memref<32x128xf32, #tpu.memory_space<hbm>>
        tpu.enqueue_dma source(%arg23 : memref<32x128xf32, #tpu.memory_space<vmem>>) target(%dma_start3A_206 : memref<32x128xf32, #tpu.memory_space<hbm>>) target_semaphore(%arg33 : memref<!tpu.dma_semaphore, #tpu.memory_space<semaphore_mem>>)
      } else {
      }
      %convert_element_type3A_200 = arith.extui %eq3A_154 : i1 to i32
      %cond3A_201 = arith.constant 0 : i32
      %cond3A_202 = arith.cmpi ne, %convert_element_type3A_200, %cond3A_201 : i32
      scf.if %cond3A_202 {
        %dma_start3A_203 = arith.constant 0 : i32
        %dma_start3A_204 = tpu.memref_slice %arg9[%add3A_62, %dma_start3A_203] : memref<10240x128xf32, #tpu.memory_space<hbm>> -> memref<32x128xf32, #tpu.memory_space<hbm>>
        %dma_start3A_205 = arith.constant 0 : i32
        %dma_start3A_206 = tpu.memref_slice %arg9[%add3A_62, %dma_start3A_205] : memref<10240x128xf32, #tpu.memory_space<hbm>> -> memref<32x128xf32, #tpu.memory_space<hbm>>
        tpu.enqueue_dma source(%arg24 : memref<32x128xf32, #tpu.memory_space<vmem>>) target(%dma_start3A_206 : memref<32x128xf32, #tpu.memory_space<hbm>>) target_semaphore(%arg33 : memref<!tpu.dma_semaphore, #tpu.memory_space<semaphore_mem>>)
      } else {
      }
    }
    %while3A_29 = arith.constant 1 : i32
    scf.for %while3A_59 = %while3A_27 to %while3A_23 step %while3A_29  : i32 {
      %mul3A_60 = arith.constant 32 : i32
      %mul3A_61 = arith.muli %while3A_59, %mul3A_60 : i32
      %add3A_62 = arith.addi %select_n3A, %mul3A_61 : i32
      %mul3A_63 = arith.constant 320 : i32
      %mul3A_64 = arith.muli %while3A_59, %mul3A_63 : i32
      %dma_start3A_65 = tpu.memref_slice %arg14[%mul3A_64] : memref<4480xi32, #tpu.memory_space<vmem>> -> memref<320xi32, #tpu.memory_space<vmem>>
      %dma_start3A_66 = arith.constant 0 : i32
      %dma_start3A_67 = arith.constant 0 : i32
      %dma_start3A_68 = tpu.memref_slice %arg7[%dma_start3A_66, %dma_start3A_67] : memref<10000x64xi32, #tpu.memory_space<hbm>> -> memref<10000x64xi32, #tpu.memory_space<hbm>>
      tpu.enqueue_indirect_dma source(%dma_start3A_68 : memref<10000x64xi32, #tpu.memory_space<hbm>>) target(%arg18 : memref<320x64xi32, #tpu.memory_space<vmem>>) offsets(%dma_start3A_65 : memref<320xi32, #tpu.memory_space<vmem>>) semaphore(%arg27 : memref<!tpu.dma_semaphore, #tpu.memory_space<semaphore_mem>>)
      %dma_wait3A_69 = arith.constant 0 : i32
      %dma_wait3A_70 = arith.constant 0 : i32
      %dma_wait3A_71 = tpu.memref_slice %arg6[%dma_wait3A_69, %dma_wait3A_70] : memref<100000x128xf32, #tpu.memory_space<hbm>> -> memref<320x128xf32, #tpu.memory_space<hbm>>
      %dma_wait3A_72 = arith.constant 0 : i32
      %dma_wait3A_73 = arith.constant 0 : i32
      %dma_wait3A_74 = tpu.memref_slice %arg6[%dma_wait3A_72, %dma_wait3A_73] : memref<100000x128xf32, #tpu.memory_space<hbm>> -> memref<320x128xf32, #tpu.memory_space<hbm>>
      tpu.wait_dma2 semaphore(%arg26 : memref<!tpu.dma_semaphore, #tpu.memory_space<semaphore_mem>>) src(%dma_wait3A_74 : memref<320x128xf32, #tpu.memory_space<hbm>>) dst(%arg17 : memref<320x128xf32, #tpu.memory_space<vmem>>)
      %gt3A = arith.constant 0 : i32
      %gt3A_75 = arith.cmpi sgt, %while3A_59, %gt3A : i32
      %convert_element_type3A_76 = arith.extui %gt3A_75 : i1 to i32
      %cond3A_77 = arith.constant 0 : i32
      %cond3A_78 = arith.cmpi ne, %convert_element_type3A_76, %cond3A_77 : i32
      scf.if %cond3A_78 {
        %dma_wait3A_203 = arith.constant 0 : i32
        %dma_wait3A_204 = arith.constant 0 : i32
        %dma_wait3A_205 = tpu.memref_slice %arg10[%dma_wait3A_203, %dma_wait3A_204] : memref<10240x128xf32, #tpu.memory_space<hbm>> -> memref<32x128xf32, #tpu.memory_space<hbm>>
        %dma_wait3A_206 = arith.constant 0 : i32
        %dma_wait3A_207 = arith.constant 0 : i32
        %dma_wait3A_208 = tpu.memref_slice %arg10[%dma_wait3A_206, %dma_wait3A_207] : memref<10240x128xf32, #tpu.memory_space<hbm>> -> memref<32x128xf32, #tpu.memory_space<hbm>>
        tpu.wait_dma2 semaphore(%arg30 : memref<!tpu.dma_semaphore, #tpu.memory_space<semaphore_mem>>) src(%arg20 : memref<32x128xf32, #tpu.memory_space<vmem>>) dst(%dma_wait3A_208 : memref<32x128xf32, #tpu.memory_space<hbm>>)
      } else {
      }
      %scan3A = arith.constant 0 : i32
      %scan3A_79 = arith.constant 0 : i32
      %scan3A_80 = arith.constant 32 : i32
      %scan3A_81 = arith.addi %scan3A_79, %scan3A_80 : i32
      %scan3A_82 = arith.constant 1 : i32
      scf.for %scan3A_203 = %scan3A_79 to %scan3A_81 step %scan3A_82  : i32 {
        %mul3A_204 = arith.constant 10 : i32
        %mul3A_205 = arith.muli %scan3A_203, %mul3A_204 : i32
        %get3A = arith.index_cast %mul3A_205 : i32 to index
        %get3A_206 = arith.constant 0 : index
        %get3A_207 = tpu.vector_load %arg17[%get3A, %get3A_206] {strides = array<i32>} : memref<320x128xf32, #tpu.memory_space<vmem>>, vector<1x16xf32>,
        %get3A_208 = vector.shape_cast %get3A_207 : vector<1x16xf32> to vector<16xf32>
        %add3A_209 = arith.constant 1 : i32
        %add3A_210 = arith.addi %mul3A_205, %add3A_209 : i32
        %get3A_211 = arith.index_cast %add3A_210 : i32 to index
        %get3A_212 = arith.constant 0 : index
        %get3A_213 = tpu.vector_load %arg17[%get3A_211, %get3A_212] {strides = array<i32>} : memref<320x128xf32, #tpu.memory_space<vmem>>, vector<1x16xf32>,
        %get3A_214 = vector.shape_cast %get3A_213 : vector<1x16xf32> to vector<16xf32>
        %add3A_215 = arith.addf %get3A_208, %get3A_214 : vector<16xf32>
        %add3A_216 = arith.constant 2 : i32
        %add3A_217 = arith.addi %mul3A_205, %add3A_216 : i32
        %get3A_218 = arith.index_cast %add3A_217 : i32 to index
        %get3A_219 = arith.constant 0 : index
        %get3A_220 = tpu.vector_load %arg17[%get3A_218, %get3A_219] {strides = array<i32>} : memref<320x128xf32, #tpu.memory_space<vmem>>, vector<1x16xf32>,
        %get3A_221 = vector.shape_cast %get3A_220 : vector<1x16xf32> to vector<16xf32>
        %add3A_222 = arith.addf %add3A_215, %get3A_221 : vector<16xf32>
        %add3A_223 = arith.constant 3 : i32
        %add3A_224 = arith.addi %mul3A_205, %add3A_223 : i32
        %get3A_225 = arith.index_cast %add3A_224 : i32 to index
        %get3A_226 = arith.constant 0 : index
        %get3A_227 = tpu.vector_load %arg17[%get3A_225, %get3A_226] {strides = array<i32>} : memref<320x128xf32, #tpu.memory_space<vmem>>, vector<1x16xf32>,
        %get3A_228 = vector.shape_cast %get3A_227 : vector<1x16xf32> to vector<16xf32>
        %add3A_229 = arith.addf %add3A_222, %get3A_228 : vector<16xf32>
        %add3A_230 = arith.constant 4 : i32
        %add3A_231 = arith.addi %mul3A_205, %add3A_230 : i32
        %get3A_232 = arith.index_cast %add3A_231 : i32 to index
        %get3A_233 = arith.constant 0 : index
        %get3A_234 = tpu.vector_load %arg17[%get3A_232, %get3A_233] {strides = array<i32>} : memref<320x128xf32, #tpu.memory_space<vmem>>, vector<1x16xf32>,
        %get3A_235 = vector.shape_cast %get3A_234 : vector<1x16xf32> to vector<16xf32>
        %add3A_236 = arith.addf %add3A_229, %get3A_235 : vector<16xf32>
        %add3A_237 = arith.constant 5 : i32
        %add3A_238 = arith.addi %mul3A_205, %add3A_237 : i32
        %get3A_239 = arith.index_cast %add3A_238 : i32 to index
        %get3A_240 = arith.constant 0 : index
        %get3A_241 = tpu.vector_load %arg17[%get3A_239, %get3A_240] {strides = array<i32>} : memref<320x128xf32, #tpu.memory_space<vmem>>, vector<1x16xf32>,
        %get3A_242 = vector.shape_cast %get3A_241 : vector<1x16xf32> to vector<16xf32>
        %add3A_243 = arith.addf %add3A_236, %get3A_242 : vector<16xf32>
        %add3A_244 = arith.constant 6 : i32
        %add3A_245 = arith.addi %mul3A_205, %add3A_244 : i32
        %get3A_246 = arith.index_cast %add3A_245 : i32 to index
        %get3A_247 = arith.constant 0 : index
        %get3A_248 = tpu.vector_load %arg17[%get3A_246, %get3A_247] {strides = array<i32>} : memref<320x128xf32, #tpu.memory_space<vmem>>, vector<1x16xf32>,
        %get3A_249 = vector.shape_cast %get3A_248 : vector<1x16xf32> to vector<16xf32>
        %add3A_250 = arith.addf %add3A_243, %get3A_249 : vector<16xf32>
        %add3A_251 = arith.constant 7 : i32
        %add3A_252 = arith.addi %mul3A_205, %add3A_251 : i32
        %get3A_253 = arith.index_cast %add3A_252 : i32 to index
        %get3A_254 = arith.constant 0 : index
        %get3A_255 = tpu.vector_load %arg17[%get3A_253, %get3A_254] {strides = array<i32>} : memref<320x128xf32, #tpu.memory_space<vmem>>, vector<1x16xf32>,
        %get3A_256 = vector.shape_cast %get3A_255 : vector<1x16xf32> to vector<16xf32>
        %add3A_257 = arith.addf %add3A_250, %get3A_256 : vector<16xf32>
        %add3A_258 = arith.constant 8 : i32
        %add3A_259 = arith.addi %mul3A_205, %add3A_258 : i32
        %get3A_260 = arith.index_cast %add3A_259 : i32 to index
        %get3A_261 = arith.constant 0 : index
        %get3A_262 = tpu.vector_load %arg17[%get3A_260, %get3A_261] {strides = array<i32>} : memref<320x128xf32, #tpu.memory_space<vmem>>, vector<1x16xf32>,
        %get3A_263 = vector.shape_cast %get3A_262 : vector<1x16xf32> to vector<16xf32>
        %add3A_264 = arith.addf %add3A_257, %get3A_263 : vector<16xf32>
        %add3A_265 = arith.constant 9 : i32
        %add3A_266 = arith.addi %mul3A_205, %add3A_265 : i32
        %get3A_267 = arith.index_cast %add3A_266 : i32 to index
        %get3A_268 = arith.constant 0 : index
        %get3A_269 = tpu.vector_load %arg17[%get3A_267, %get3A_268] {strides = array<i32>} : memref<320x128xf32, #tpu.memory_space<vmem>>, vector<1x16xf32>,
        %get3A_270 = vector.shape_cast %get3A_269 : vector<1x16xf32> to vector<16xf32>
        %add3A_271 = arith.addf %add3A_264, %get3A_270 : vector<16xf32>
        %swap3A = arith.index_cast %scan3A_203 : i32 to index
        %swap3A_272 = arith.constant 0 : index
        %swap3A_273 = tpu.vector_load %arg20[%swap3A, %swap3A_272] {strides = array<i32>} : memref<32x128xf32, #tpu.memory_space<vmem>>, vector<1x16xf32>,
        %swap3A_274 = vector.shape_cast %swap3A_273 : vector<1x16xf32> to vector<16xf32>
        %swap3A_275 = vector.shape_cast %add3A_271 : vector<16xf32> to vector<1x16xf32>
        tpu.vector_store %arg20[%swap3A, %swap3A_272], %swap3A_275 {strides = array<i32>} : memref<32x128xf32, #tpu.memory_space<vmem>>, vector<1x16xf32>,
        %get3A_276 = arith.index_cast %mul3A_205 : i32 to index
        %get3A_277 = arith.constant 16 : index
        %get3A_278 = tpu.vector_load %arg17[%get3A_276, %get3A_277] {strides = array<i32>} : memref<320x128xf32, #tpu.memory_space<vmem>>, vector<1x16xf32>,
        %get3A_279 = vector.shape_cast %get3A_278 : vector<1x16xf32> to vector<16xf32>
        %add3A_280 = arith.constant 1 : i32
        %add3A_281 = arith.addi %mul3A_205, %add3A_280 : i32
        %get3A_282 = arith.index_cast %add3A_281 : i32 to index
        %get3A_283 = arith.constant 16 : index
        %get3A_284 = tpu.vector_load %arg17[%get3A_282, %get3A_283] {strides = array<i32>} : memref<320x128xf32, #tpu.memory_space<vmem>>, vector<1x16xf32>,
        %get3A_285 = vector.shape_cast %get3A_284 : vector<1x16xf32> to vector<16xf32>
        %add3A_286 = arith.addf %get3A_279, %get3A_285 : vector<16xf32>
        %add3A_287 = arith.constant 2 : i32
        %add3A_288 = arith.addi %mul3A_205, %add3A_287 : i32
        %get3A_289 = arith.index_cast %add3A_288 : i32 to index
        %get3A_290 = arith.constant 16 : index
        %get3A_291 = tpu.vector_load %arg17[%get3A_289, %get3A_290] {strides = array<i32>} : memref<320x128xf32, #tpu.memory_space<vmem>>, vector<1x16xf32>,
        %get3A_292 = vector.shape_cast %get3A_291 : vector<1x16xf32> to vector<16xf32>
        %add3A_293 = arith.addf %add3A_286, %get3A_292 : vector<16xf32>
        %add3A_294 = arith.constant 3 : i32
        %add3A_295 = arith.addi %mul3A_205, %add3A_294 : i32
        %get3A_296 = arith.index_cast %add3A_295 : i32 to index
        %get3A_297 = arith.constant 16 : index
        %get3A_298 = tpu.vector_load %arg17[%get3A_296, %get3A_297] {strides = array<i32>} : memref<320x128xf32, #tpu.memory_space<vmem>>, vector<1x16xf32>,
        %get3A_299 = vector.shape_cast %get3A_298 : vector<1x16xf32> to vector<16xf32>
        %add3A_300 = arith.addf %add3A_293, %get3A_299 : vector<16xf32>
        %add3A_301 = arith.constant 4 : i32
        %add3A_302 = arith.addi %mul3A_205, %add3A_301 : i32
        %get3A_303 = arith.index_cast %add3A_302 : i32 to index
        %get3A_304 = arith.constant 16 : index
        %get3A_305 = tpu.vector_load %arg17[%get3A_303, %get3A_304] {strides = array<i32>} : memref<320x128xf32, #tpu.memory_space<vmem>>, vector<1x16xf32>,
        %get3A_306 = vector.shape_cast %get3A_305 : vector<1x16xf32> to vector<16xf32>
        %add3A_307 = arith.addf %add3A_300, %get3A_306 : vector<16xf32>
        %add3A_308 = arith.constant 5 : i32
        %add3A_309 = arith.addi %mul3A_205, %add3A_308 : i32
        %get3A_310 = arith.index_cast %add3A_309 : i32 to index
        %get3A_311 = arith.constant 16 : index
        %get3A_312 = tpu.vector_load %arg17[%get3A_310, %get3A_311] {strides = array<i32>} : memref<320x128xf32, #tpu.memory_space<vmem>>, vector<1x16xf32>,
        %get3A_313 = vector.shape_cast %get3A_312 : vector<1x16xf32> to vector<16xf32>
        %add3A_314 = arith.addf %add3A_307, %get3A_313 : vector<16xf32>
        %add3A_315 = arith.constant 6 : i32
        %add3A_316 = arith.addi %mul3A_205, %add3A_315 : i32
        %get3A_317 = arith.index_cast %add3A_316 : i32 to index
        %get3A_318 = arith.constant 16 : index
        %get3A_319 = tpu.vector_load %arg17[%get3A_317, %get3A_318] {strides = array<i32>} : memref<320x128xf32, #tpu.memory_space<vmem>>, vector<1x16xf32>,
        %get3A_320 = vector.shape_cast %get3A_319 : vector<1x16xf32> to vector<16xf32>
        %add3A_321 = arith.addf %add3A_314, %get3A_320 : vector<16xf32>
        %add3A_322 = arith.constant 7 : i32
        %add3A_323 = arith.addi %mul3A_205, %add3A_322 : i32
        %get3A_324 = arith.index_cast %add3A_323 : i32 to index
        %get3A_325 = arith.constant 16 : index
        %get3A_326 = tpu.vector_load %arg17[%get3A_324, %get3A_325] {strides = array<i32>} : memref<320x128xf32, #tpu.memory_space<vmem>>, vector<1x16xf32>,
        %get3A_327 = vector.shape_cast %get3A_326 : vector<1x16xf32> to vector<16xf32>
        %add3A_328 = arith.addf %add3A_321, %get3A_327 : vector<16xf32>
        %add3A_329 = arith.constant 8 : i32
        %add3A_330 = arith.addi %mul3A_205, %add3A_329 : i32
        %get3A_331 = arith.index_cast %add3A_330 : i32 to index
        %get3A_332 = arith.constant 16 : index
        %get3A_333 = tpu.vector_load %arg17[%get3A_331, %get3A_332] {strides = array<i32>} : memref<320x128xf32, #tpu.memory_space<vmem>>, vector<1x16xf32>,
        %get3A_334 = vector.shape_cast %get3A_333 : vector<1x16xf32> to vector<16xf32>
        %add3A_335 = arith.addf %add3A_328, %get3A_334 : vector<16xf32>
        %add3A_336 = arith.constant 9 : i32
        %add3A_337 = arith.addi %mul3A_205, %add3A_336 : i32
        %get3A_338 = arith.index_cast %add3A_337 : i32 to index
        %get3A_339 = arith.constant 16 : index
        %get3A_340 = tpu.vector_load %arg17[%get3A_338, %get3A_339] {strides = array<i32>} : memref<320x128xf32, #tpu.memory_space<vmem>>, vector<1x16xf32>,
        %get3A_341 = vector.shape_cast %get3A_340 : vector<1x16xf32> to vector<16xf32>
        %add3A_342 = arith.addf %add3A_335, %get3A_341 : vector<16xf32>
        %swap3A_343 = arith.index_cast %scan3A_203 : i32 to index
        %swap3A_344 = arith.constant 16 : index
        %swap3A_345 = tpu.vector_load %arg20[%swap3A_343, %swap3A_344] {strides = array<i32>} : memref<32x128xf32, #tpu.memory_space<vmem>>, vector<1x16xf32>,
        %swap3A_346 = vector.shape_cast %swap3A_345 : vector<1x16xf32> to vector<16xf32>
        %swap3A_347 = vector.shape_cast %add3A_342 : vector<16xf32> to vector<1x16xf32>
        tpu.vector_store %arg20[%swap3A_343, %swap3A_344], %swap3A_347 {strides = array<i32>} : memref<32x128xf32, #tpu.memory_space<vmem>>, vector<1x16xf32>,
        %get3A_348 = arith.index_cast %mul3A_205 : i32 to index
        %get3A_349 = arith.constant 32 : index
        %get3A_350 = tpu.vector_load %arg17[%get3A_348, %get3A_349] {strides = array<i32>} : memref<320x128xf32, #tpu.memory_space<vmem>>, vector<1x16xf32>,
        %get3A_351 = vector.shape_cast %get3A_350 : vector<1x16xf32> to vector<16xf32>
        %add3A_352 = arith.constant 1 : i32
        %add3A_353 = arith.addi %mul3A_205, %add3A_352 : i32
        %get3A_354 = arith.index_cast %add3A_353 : i32 to index
        %get3A_355 = arith.constant 32 : index
        %get3A_356 = tpu.vector_load %arg17[%get3A_354, %get3A_355] {strides = array<i32>} : memref<320x128xf32, #tpu.memory_space<vmem>>, vector<1x16xf32>,
        %get3A_357 = vector.shape_cast %get3A_356 : vector<1x16xf32> to vector<16xf32>
        %add3A_358 = arith.addf %get3A_351, %get3A_357 : vector<16xf32>
        %add3A_359 = arith.constant 2 : i32
        %add3A_360 = arith.addi %mul3A_205, %add3A_359 : i32
        %get3A_361 = arith.index_cast %add3A_360 : i32 to index
        %get3A_362 = arith.constant 32 : index
        %get3A_363 = tpu.vector_load %arg17[%get3A_361, %get3A_362] {strides = array<i32>} : memref<320x128xf32, #tpu.memory_space<vmem>>, vector<1x16xf32>,
        %get3A_364 = vector.shape_cast %get3A_363 : vector<1x16xf32> to vector<16xf32>
        %add3A_365 = arith.addf %add3A_358, %get3A_364 : vector<16xf32>
        %add3A_366 = arith.constant 3 : i32
        %add3A_367 = arith.addi %mul3A_205, %add3A_366 : i32
        %get3A_368 = arith.index_cast %add3A_367 : i32 to index
        %get3A_369 = arith.constant 32 : index
        %get3A_370 = tpu.vector_load %arg17[%get3A_368, %get3A_369] {strides = array<i32>} : memref<320x128xf32, #tpu.memory_space<vmem>>, vector<1x16xf32>,
        %get3A_371 = vector.shape_cast %get3A_370 : vector<1x16xf32> to vector<16xf32>
        %add3A_372 = arith.addf %add3A_365, %get3A_371 : vector<16xf32>
        %add3A_373 = arith.constant 4 : i32
        %add3A_374 = arith.addi %mul3A_205, %add3A_373 : i32
        %get3A_375 = arith.index_cast %add3A_374 : i32 to index
        %get3A_376 = arith.constant 32 : index
        %get3A_377 = tpu.vector_load %arg17[%get3A_375, %get3A_376] {strides = array<i32>} : memref<320x128xf32, #tpu.memory_space<vmem>>, vector<1x16xf32>,
        %get3A_378 = vector.shape_cast %get3A_377 : vector<1x16xf32> to vector<16xf32>
        %add3A_379 = arith.addf %add3A_372, %get3A_378 : vector<16xf32>
        %add3A_380 = arith.constant 5 : i32
        %add3A_381 = arith.addi %mul3A_205, %add3A_380 : i32
        %get3A_382 = arith.index_cast %add3A_381 : i32 to index
        %get3A_383 = arith.constant 32 : index
        %get3A_384 = tpu.vector_load %arg17[%get3A_382, %get3A_383] {strides = array<i32>} : memref<320x128xf32, #tpu.memory_space<vmem>>, vector<1x16xf32>,
        %get3A_385 = vector.shape_cast %get3A_384 : vector<1x16xf32> to vector<16xf32>
        %add3A_386 = arith.addf %add3A_379, %get3A_385 : vector<16xf32>
        %add3A_387 = arith.constant 6 : i32
        %add3A_388 = arith.addi %mul3A_205, %add3A_387 : i32
        %get3A_389 = arith.index_cast %add3A_388 : i32 to index
        %get3A_390 = arith.constant 32 : index
        %get3A_391 = tpu.vector_load %arg17[%get3A_389, %get3A_390] {strides = array<i32>} : memref<320x128xf32, #tpu.memory_space<vmem>>, vector<1x16xf32>,
        %get3A_392 = vector.shape_cast %get3A_391 : vector<1x16xf32> to vector<16xf32>
        %add3A_393 = arith.addf %add3A_386, %get3A_392 : vector<16xf32>
        %add3A_394 = arith.constant 7 : i32
        %add3A_395 = arith.addi %mul3A_205, %add3A_394 : i32
        %get3A_396 = arith.index_cast %add3A_395 : i32 to index
        %get3A_397 = arith.constant 32 : index
        %get3A_398 = tpu.vector_load %arg17[%get3A_396, %get3A_397] {strides = array<i32>} : memref<320x128xf32, #tpu.memory_space<vmem>>, vector<1x16xf32>,
        %get3A_399 = vector.shape_cast %get3A_398 : vector<1x16xf32> to vector<16xf32>
        %add3A_400 = arith.addf %add3A_393, %get3A_399 : vector<16xf32>
        %add3A_401 = arith.constant 8 : i32
        %add3A_402 = arith.addi %mul3A_205, %add3A_401 : i32
        %get3A_403 = arith.index_cast %add3A_402 : i32 to index
        %get3A_404 = arith.constant 32 : index
        %get3A_405 = tpu.vector_load %arg17[%get3A_403, %get3A_404] {strides = array<i32>} : memref<320x128xf32, #tpu.memory_space<vmem>>, vector<1x16xf32>,
        %get3A_406 = vector.shape_cast %get3A_405 : vector<1x16xf32> to vector<16xf32>
        %add3A_407 = arith.addf %add3A_400, %get3A_406 : vector<16xf32>
        %add3A_408 = arith.constant 9 : i32
        %add3A_409 = arith.addi %mul3A_205, %add3A_408 : i32
        %get3A_410 = arith.index_cast %add3A_409 : i32 to index
        %get3A_411 = arith.constant 32 : index
        %get3A_412 = tpu.vector_load %arg17[%get3A_410, %get3A_411] {strides = array<i32>} : memref<320x128xf32, #tpu.memory_space<vmem>>, vector<1x16xf32>,
        %get3A_413 = vector.shape_cast %get3A_412 : vector<1x16xf32> to vector<16xf32>
        %add3A_414 = arith.addf %add3A_407, %get3A_413 : vector<16xf32>
        %swap3A_415 = arith.index_cast %scan3A_203 : i32 to index
        %swap3A_416 = arith.constant 32 : index
        %swap3A_417 = tpu.vector_load %arg20[%swap3A_415, %swap3A_416] {strides = array<i32>} : memref<32x128xf32, #tpu.memory_space<vmem>>, vector<1x16xf32>,
        %swap3A_418 = vector.shape_cast %swap3A_417 : vector<1x16xf32> to vector<16xf32>
        %swap3A_419 = vector.shape_cast %add3A_414 : vector<16xf32> to vector<1x16xf32>
        tpu.vector_store %arg20[%swap3A_415, %swap3A_416], %swap3A_419 {strides = array<i32>} : memref<32x128xf32, #tpu.memory_space<vmem>>, vector<1x16xf32>,
        %get3A_420 = arith.index_cast %mul3A_205 : i32 to index
        %get3A_421 = arith.constant 48 : index
        %get3A_422 = tpu.vector_load %arg17[%get3A_420, %get3A_421] {strides = array<i32>} : memref<320x128xf32, #tpu.memory_space<vmem>>, vector<1x16xf32>,
        %get3A_423 = vector.shape_cast %get3A_422 : vector<1x16xf32> to vector<16xf32>
        %add3A_424 = arith.constant 1 : i32
        %add3A_425 = arith.addi %mul3A_205, %add3A_424 : i32
        %get3A_426 = arith.index_cast %add3A_425 : i32 to index
        %get3A_427 = arith.constant 48 : index
        %get3A_428 = tpu.vector_load %arg17[%get3A_426, %get3A_427] {strides = array<i32>} : memref<320x128xf32, #tpu.memory_space<vmem>>, vector<1x16xf32>,
        %get3A_429 = vector.shape_cast %get3A_428 : vector<1x16xf32> to vector<16xf32>
        %add3A_430 = arith.addf %get3A_423, %get3A_429 : vector<16xf32>
        %add3A_431 = arith.constant 2 : i32
        %add3A_432 = arith.addi %mul3A_205, %add3A_431 : i32
        %get3A_433 = arith.index_cast %add3A_432 : i32 to index
        %get3A_434 = arith.constant 48 : index
        %get3A_435 = tpu.vector_load %arg17[%get3A_433, %get3A_434] {strides = array<i32>} : memref<320x128xf32, #tpu.memory_space<vmem>>, vector<1x16xf32>,
        %get3A_436 = vector.shape_cast %get3A_435 : vector<1x16xf32> to vector<16xf32>
        %add3A_437 = arith.addf %add3A_430, %get3A_436 : vector<16xf32>
        %add3A_438 = arith.constant 3 : i32
        %add3A_439 = arith.addi %mul3A_205, %add3A_438 : i32
        %get3A_440 = arith.index_cast %add3A_439 : i32 to index
        %get3A_441 = arith.constant 48 : index
        %get3A_442 = tpu.vector_load %arg17[%get3A_440, %get3A_441] {strides = array<i32>} : memref<320x128xf32, #tpu.memory_space<vmem>>, vector<1x16xf32>,
        %get3A_443 = vector.shape_cast %get3A_442 : vector<1x16xf32> to vector<16xf32>
        %add3A_444 = arith.addf %add3A_437, %get3A_443 : vector<16xf32>
        %add3A_445 = arith.constant 4 : i32
        %add3A_446 = arith.addi %mul3A_205, %add3A_445 : i32
        %get3A_447 = arith.index_cast %add3A_446 : i32 to index
        %get3A_448 = arith.constant 48 : index
        %get3A_449 = tpu.vector_load %arg17[%get3A_447, %get3A_448] {strides = array<i32>} : memref<320x128xf32, #tpu.memory_space<vmem>>, vector<1x16xf32>,
        %get3A_450 = vector.shape_cast %get3A_449 : vector<1x16xf32> to vector<16xf32>
        %add3A_451 = arith.addf %add3A_444, %get3A_450 : vector<16xf32>
        %add3A_452 = arith.constant 5 : i32
        %add3A_453 = arith.addi %mul3A_205, %add3A_452 : i32
        %get3A_454 = arith.index_cast %add3A_453 : i32 to index
        %get3A_455 = arith.constant 48 : index
        %get3A_456 = tpu.vector_load %arg17[%get3A_454, %get3A_455] {strides = array<i32>} : memref<320x128xf32, #tpu.memory_space<vmem>>, vector<1x16xf32>,
        %get3A_457 = vector.shape_cast %get3A_456 : vector<1x16xf32> to vector<16xf32>
        %add3A_458 = arith.addf %add3A_451, %get3A_457 : vector<16xf32>
        %add3A_459 = arith.constant 6 : i32
        %add3A_460 = arith.addi %mul3A_205, %add3A_459 : i32
        %get3A_461 = arith.index_cast %add3A_460 : i32 to index
        %get3A_462 = arith.constant 48 : index
        %get3A_463 = tpu.vector_load %arg17[%get3A_461, %get3A_462] {strides = array<i32>} : memref<320x128xf32, #tpu.memory_space<vmem>>, vector<1x16xf32>,
        %get3A_464 = vector.shape_cast %get3A_463 : vector<1x16xf32> to vector<16xf32>
        %add3A_465 = arith.addf %add3A_458, %get3A_464 : vector<16xf32>
        %add3A_466 = arith.constant 7 : i32
        %add3A_467 = arith.addi %mul3A_205, %add3A_466 : i32
        %get3A_468 = arith.index_cast %add3A_467 : i32 to index
        %get3A_469 = arith.constant 48 : index
        %get3A_470 = tpu.vector_load %arg17[%get3A_468, %get3A_469] {strides = array<i32>} : memref<320x128xf32, #tpu.memory_space<vmem>>, vector<1x16xf32>,
        %get3A_471 = vector.shape_cast %get3A_470 : vector<1x16xf32> to vector<16xf32>
        %add3A_472 = arith.addf %add3A_465, %get3A_471 : vector<16xf32>
        %add3A_473 = arith.constant 8 : i32
        %add3A_474 = arith.addi %mul3A_205, %add3A_473 : i32
        %get3A_475 = arith.index_cast %add3A_474 : i32 to index
        %get3A_476 = arith.constant 48 : index
        %get3A_477 = tpu.vector_load %arg17[%get3A_475, %get3A_476] {strides = array<i32>} : memref<320x128xf32, #tpu.memory_space<vmem>>, vector<1x16xf32>,
        %get3A_478 = vector.shape_cast %get3A_477 : vector<1x16xf32> to vector<16xf32>
        %add3A_479 = arith.addf %add3A_472, %get3A_478 : vector<16xf32>
        %add3A_480 = arith.constant 9 : i32
        %add3A_481 = arith.addi %mul3A_205, %add3A_480 : i32
        %get3A_482 = arith.index_cast %add3A_481 : i32 to index
        %get3A_483 = arith.constant 48 : index
        %get3A_484 = tpu.vector_load %arg17[%get3A_482, %get3A_483] {strides = array<i32>} : memref<320x128xf32, #tpu.memory_space<vmem>>, vector<1x16xf32>,
        %get3A_485 = vector.shape_cast %get3A_484 : vector<1x16xf32> to vector<16xf32>
        %add3A_486 = arith.addf %add3A_479, %get3A_485 : vector<16xf32>
        %swap3A_487 = arith.index_cast %scan3A_203 : i32 to index
        %swap3A_488 = arith.constant 48 : index
        %swap3A_489 = tpu.vector_load %arg20[%swap3A_487, %swap3A_488] {strides = array<i32>} : memref<32x128xf32, #tpu.memory_space<vmem>>, vector<1x16xf32>,
        %swap3A_490 = vector.shape_cast %swap3A_489 : vector<1x16xf32> to vector<16xf32>
        %swap3A_491 = vector.shape_cast %add3A_486 : vector<16xf32> to vector<1x16xf32>
        tpu.vector_store %arg20[%swap3A_487, %swap3A_488], %swap3A_491 {strides = array<i32>} : memref<32x128xf32, #tpu.memory_space<vmem>>, vector<1x16xf32>,
        %get3A_492 = arith.index_cast %mul3A_205 : i32 to index
        %get3A_493 = arith.constant 64 : index
        %get3A_494 = tpu.vector_load %arg17[%get3A_492, %get3A_493] {strides = array<i32>} : memref<320x128xf32, #tpu.memory_space<vmem>>, vector<1x16xf32>,
        %get3A_495 = vector.shape_cast %get3A_494 : vector<1x16xf32> to vector<16xf32>
        %add3A_496 = arith.constant 1 : i32
        %add3A_497 = arith.addi %mul3A_205, %add3A_496 : i32
        %get3A_498 = arith.index_cast %add3A_497 : i32 to index
        %get3A_499 = arith.constant 64 : index
        %get3A_500 = tpu.vector_load %arg17[%get3A_498, %get3A_499] {strides = array<i32>} : memref<320x128xf32, #tpu.memory_space<vmem>>, vector<1x16xf32>,
        %get3A_501 = vector.shape_cast %get3A_500 : vector<1x16xf32> to vector<16xf32>
        %add3A_502 = arith.addf %get3A_495, %get3A_501 : vector<16xf32>
        %add3A_503 = arith.constant 2 : i32
        %add3A_504 = arith.addi %mul3A_205, %add3A_503 : i32
        %get3A_505 = arith.index_cast %add3A_504 : i32 to index
        %get3A_506 = arith.constant 64 : index
        %get3A_507 = tpu.vector_load %arg17[%get3A_505, %get3A_506] {strides = array<i32>} : memref<320x128xf32, #tpu.memory_space<vmem>>, vector<1x16xf32>,
        %get3A_508 = vector.shape_cast %get3A_507 : vector<1x16xf32> to vector<16xf32>
        %add3A_509 = arith.addf %add3A_502, %get3A_508 : vector<16xf32>
        %add3A_510 = arith.constant 3 : i32
        %add3A_511 = arith.addi %mul3A_205, %add3A_510 : i32
        %get3A_512 = arith.index_cast %add3A_511 : i32 to index
        %get3A_513 = arith.constant 64 : index
        %get3A_514 = tpu.vector_load %arg17[%get3A_512, %get3A_513] {strides = array<i32>} : memref<320x128xf32, #tpu.memory_space<vmem>>, vector<1x16xf32>,
        %get3A_515 = vector.shape_cast %get3A_514 : vector<1x16xf32> to vector<16xf32>
        %add3A_516 = arith.addf %add3A_509, %get3A_515 : vector<16xf32>
        %add3A_517 = arith.constant 4 : i32
        %add3A_518 = arith.addi %mul3A_205, %add3A_517 : i32
        %get3A_519 = arith.index_cast %add3A_518 : i32 to index
        %get3A_520 = arith.constant 64 : index
        %get3A_521 = tpu.vector_load %arg17[%get3A_519, %get3A_520] {strides = array<i32>} : memref<320x128xf32, #tpu.memory_space<vmem>>, vector<1x16xf32>,
        %get3A_522 = vector.shape_cast %get3A_521 : vector<1x16xf32> to vector<16xf32>
        %add3A_523 = arith.addf %add3A_516, %get3A_522 : vector<16xf32>
        %add3A_524 = arith.constant 5 : i32
        %add3A_525 = arith.addi %mul3A_205, %add3A_524 : i32
        %get3A_526 = arith.index_cast %add3A_525 : i32 to index
        %get3A_527 = arith.constant 64 : index
        %get3A_528 = tpu.vector_load %arg17[%get3A_526, %get3A_527] {strides = array<i32>} : memref<320x128xf32, #tpu.memory_space<vmem>>, vector<1x16xf32>,
        %get3A_529 = vector.shape_cast %get3A_528 : vector<1x16xf32> to vector<16xf32>
        %add3A_530 = arith.addf %add3A_523, %get3A_529 : vector<16xf32>
        %add3A_531 = arith.constant 6 : i32
        %add3A_532 = arith.addi %mul3A_205, %add3A_531 : i32
        %get3A_533 = arith.index_cast %add3A_532 : i32 to index
        %get3A_534 = arith.constant 64 : index
        %get3A_535 = tpu.vector_load %arg17[%get3A_533, %get3A_534] {strides = array<i32>} : memref<320x128xf32, #tpu.memory_space<vmem>>, vector<1x16xf32>,
        %get3A_536 = vector.shape_cast %get3A_535 : vector<1x16xf32> to vector<16xf32>
        %add3A_537 = arith.addf %add3A_530, %get3A_536 : vector<16xf32>
        %add3A_538 = arith.constant 7 : i32
        %add3A_539 = arith.addi %mul3A_205, %add3A_538 : i32
        %get3A_540 = arith.index_cast %add3A_539 : i32 to index
        %get3A_541 = arith.constant 64 : index
        %get3A_542 = tpu.vector_load %arg17[%get3A_540, %get3A_541] {strides = array<i32>} : memref<320x128xf32, #tpu.memory_space<vmem>>, vector<1x16xf32>,
        %get3A_543 = vector.shape_cast %get3A_542 : vector<1x16xf32> to vector<16xf32>
        %add3A_544 = arith.addf %add3A_537, %get3A_543 : vector<16xf32>
        %add3A_545 = arith.constant 8 : i32
        %add3A_546 = arith.addi %mul3A_205, %add3A_545 : i32
        %get3A_547 = arith.index_cast %add3A_546 : i32 to index
        %get3A_548 = arith.constant 64 : index
        %get3A_549 = tpu.vector_load %arg17[%get3A_547, %get3A_548] {strides = array<i32>} : memref<320x128xf32, #tpu.memory_space<vmem>>, vector<1x16xf32>,
        %get3A_550 = vector.shape_cast %get3A_549 : vector<1x16xf32> to vector<16xf32>
        %add3A_551 = arith.addf %add3A_544, %get3A_550 : vector<16xf32>
        %add3A_552 = arith.constant 9 : i32
        %add3A_553 = arith.addi %mul3A_205, %add3A_552 : i32
        %get3A_554 = arith.index_cast %add3A_553 : i32 to index
        %get3A_555 = arith.constant 64 : index
        %get3A_556 = tpu.vector_load %arg17[%get3A_554, %get3A_555] {strides = array<i32>} : memref<320x128xf32, #tpu.memory_space<vmem>>, vector<1x16xf32>,
        %get3A_557 = vector.shape_cast %get3A_556 : vector<1x16xf32> to vector<16xf32>
        %add3A_558 = arith.addf %add3A_551, %get3A_557 : vector<16xf32>
        %swap3A_559 = arith.index_cast %scan3A_203 : i32 to index
        %swap3A_560 = arith.constant 64 : index
        %swap3A_561 = tpu.vector_load %arg20[%swap3A_559, %swap3A_560] {strides = array<i32>} : memref<32x128xf32, #tpu.memory_space<vmem>>, vector<1x16xf32>,
        %swap3A_562 = vector.shape_cast %swap3A_561 : vector<1x16xf32> to vector<16xf32>
        %swap3A_563 = vector.shape_cast %add3A_558 : vector<16xf32> to vector<1x16xf32>
        tpu.vector_store %arg20[%swap3A_559, %swap3A_560], %swap3A_563 {strides = array<i32>} : memref<32x128xf32, #tpu.memory_space<vmem>>, vector<1x16xf32>,
        %get3A_564 = arith.index_cast %mul3A_205 : i32 to index
        %get3A_565 = arith.constant 80 : index
        %get3A_566 = tpu.vector_load %arg17[%get3A_564, %get3A_565] {strides = array<i32>} : memref<320x128xf32, #tpu.memory_space<vmem>>, vector<1x16xf32>,
        %get3A_567 = vector.shape_cast %get3A_566 : vector<1x16xf32> to vector<16xf32>
        %add3A_568 = arith.constant 1 : i32
        %add3A_569 = arith.addi %mul3A_205, %add3A_568 : i32
        %get3A_570 = arith.index_cast %add3A_569 : i32 to index
        %get3A_571 = arith.constant 80 : index
        %get3A_572 = tpu.vector_load %arg17[%get3A_570, %get3A_571] {strides = array<i32>} : memref<320x128xf32, #tpu.memory_space<vmem>>, vector<1x16xf32>,
        %get3A_573 = vector.shape_cast %get3A_572 : vector<1x16xf32> to vector<16xf32>
        %add3A_574 = arith.addf %get3A_567, %get3A_573 : vector<16xf32>
        %add3A_575 = arith.constant 2 : i32
        %add3A_576 = arith.addi %mul3A_205, %add3A_575 : i32
        %get3A_577 = arith.index_cast %add3A_576 : i32 to index
        %get3A_578 = arith.constant 80 : index
        %get3A_579 = tpu.vector_load %arg17[%get3A_577, %get3A_578] {strides = array<i32>} : memref<320x128xf32, #tpu.memory_space<vmem>>, vector<1x16xf32>,
        %get3A_580 = vector.shape_cast %get3A_579 : vector<1x16xf32> to vector<16xf32>
        %add3A_581 = arith.addf %add3A_574, %get3A_580 : vector<16xf32>
        %add3A_582 = arith.constant 3 : i32
        %add3A_583 = arith.addi %mul3A_205, %add3A_582 : i32
        %get3A_584 = arith.index_cast %add3A_583 : i32 to index
        %get3A_585 = arith.constant 80 : index
        %get3A_586 = tpu.vector_load %arg17[%get3A_584, %get3A_585] {strides = array<i32>} : memref<320x128xf32, #tpu.memory_space<vmem>>, vector<1x16xf32>,
        %get3A_587 = vector.shape_cast %get3A_586 : vector<1x16xf32> to vector<16xf32>
        %add3A_588 = arith.addf %add3A_581, %get3A_587 : vector<16xf32>
        %add3A_589 = arith.constant 4 : i32
        %add3A_590 = arith.addi %mul3A_205, %add3A_589 : i32
        %get3A_591 = arith.index_cast %add3A_590 : i32 to index
        %get3A_592 = arith.constant 80 : index
        %get3A_593 = tpu.vector_load %arg17[%get3A_591, %get3A_592] {strides = array<i32>} : memref<320x128xf32, #tpu.memory_space<vmem>>, vector<1x16xf32>,
        %get3A_594 = vector.shape_cast %get3A_593 : vector<1x16xf32> to vector<16xf32>
        %add3A_595 = arith.addf %add3A_588, %get3A_594 : vector<16xf32>
        %add3A_596 = arith.constant 5 : i32
        %add3A_597 = arith.addi %mul3A_205, %add3A_596 : i32
        %get3A_598 = arith.index_cast %add3A_597 : i32 to index
        %get3A_599 = arith.constant 80 : index
        %get3A_600 = tpu.vector_load %arg17[%get3A_598, %get3A_599] {strides = array<i32>} : memref<320x128xf32, #tpu.memory_space<vmem>>, vector<1x16xf32>,
        %get3A_601 = vector.shape_cast %get3A_600 : vector<1x16xf32> to vector<16xf32>
        %add3A_602 = arith.addf %add3A_595, %get3A_601 : vector<16xf32>
        %add3A_603 = arith.constant 6 : i32
        %add3A_604 = arith.addi %mul3A_205, %add3A_603 : i32
        %get3A_605 = arith.index_cast %add3A_604 : i32 to index
        %get3A_606 = arith.constant 80 : index
        %get3A_607 = tpu.vector_load %arg17[%get3A_605, %get3A_606] {strides = array<i32>} : memref<320x128xf32, #tpu.memory_space<vmem>>, vector<1x16xf32>,
        %get3A_608 = vector.shape_cast %get3A_607 : vector<1x16xf32> to vector<16xf32>
        %add3A_609 = arith.addf %add3A_602, %get3A_608 : vector<16xf32>
        %add3A_610 = arith.constant 7 : i32
        %add3A_611 = arith.addi %mul3A_205, %add3A_610 : i32
        %get3A_612 = arith.index_cast %add3A_611 : i32 to index
        %get3A_613 = arith.constant 80 : index
        %get3A_614 = tpu.vector_load %arg17[%get3A_612, %get3A_613] {strides = array<i32>} : memref<320x128xf32, #tpu.memory_space<vmem>>, vector<1x16xf32>,
        %get3A_615 = vector.shape_cast %get3A_614 : vector<1x16xf32> to vector<16xf32>
        %add3A_616 = arith.addf %add3A_609, %get3A_615 : vector<16xf32>
        %add3A_617 = arith.constant 8 : i32
        %add3A_618 = arith.addi %mul3A_205, %add3A_617 : i32
        %get3A_619 = arith.index_cast %add3A_618 : i32 to index
        %get3A_620 = arith.constant 80 : index
        %get3A_621 = tpu.vector_load %arg17[%get3A_619, %get3A_620] {strides = array<i32>} : memref<320x128xf32, #tpu.memory_space<vmem>>, vector<1x16xf32>,
        %get3A_622 = vector.shape_cast %get3A_621 : vector<1x16xf32> to vector<16xf32>
        %add3A_623 = arith.addf %add3A_616, %get3A_622 : vector<16xf32>
        %add3A_624 = arith.constant 9 : i32
        %add3A_625 = arith.addi %mul3A_205, %add3A_624 : i32
        %get3A_626 = arith.index_cast %add3A_625 : i32 to index
        %get3A_627 = arith.constant 80 : index
        %get3A_628 = tpu.vector_load %arg17[%get3A_626, %get3A_627] {strides = array<i32>} : memref<320x128xf32, #tpu.memory_space<vmem>>, vector<1x16xf32>,
        %get3A_629 = vector.shape_cast %get3A_628 : vector<1x16xf32> to vector<16xf32>
        %add3A_630 = arith.addf %add3A_623, %get3A_629 : vector<16xf32>
        %swap3A_631 = arith.index_cast %scan3A_203 : i32 to index
        %swap3A_632 = arith.constant 80 : index
        %swap3A_633 = tpu.vector_load %arg20[%swap3A_631, %swap3A_632] {strides = array<i32>} : memref<32x128xf32, #tpu.memory_space<vmem>>, vector<1x16xf32>,
        %swap3A_634 = vector.shape_cast %swap3A_633 : vector<1x16xf32> to vector<16xf32>
        %swap3A_635 = vector.shape_cast %add3A_630 : vector<16xf32> to vector<1x16xf32>
        tpu.vector_store %arg20[%swap3A_631, %swap3A_632], %swap3A_635 {strides = array<i32>} : memref<32x128xf32, #tpu.memory_space<vmem>>, vector<1x16xf32>,
        %get3A_636 = arith.index_cast %mul3A_205 : i32 to index
        %get3A_637 = arith.constant 96 : index
        %get3A_638 = tpu.vector_load %arg17[%get3A_636, %get3A_637] {strides = array<i32>} : memref<320x128xf32, #tpu.memory_space<vmem>>, vector<1x16xf32>,
        %get3A_639 = vector.shape_cast %get3A_638 : vector<1x16xf32> to vector<16xf32>
        %add3A_640 = arith.constant 1 : i32
        %add3A_641 = arith.addi %mul3A_205, %add3A_640 : i32
        %get3A_642 = arith.index_cast %add3A_641 : i32 to index
        %get3A_643 = arith.constant 96 : index
        %get3A_644 = tpu.vector_load %arg17[%get3A_642, %get3A_643] {strides = array<i32>} : memref<320x128xf32, #tpu.memory_space<vmem>>, vector<1x16xf32>,
        %get3A_645 = vector.shape_cast %get3A_644 : vector<1x16xf32> to vector<16xf32>
        %add3A_646 = arith.addf %get3A_639, %get3A_645 : vector<16xf32>
        %add3A_647 = arith.constant 2 : i32
        %add3A_648 = arith.addi %mul3A_205, %add3A_647 : i32
        %get3A_649 = arith.index_cast %add3A_648 : i32 to index
        %get3A_650 = arith.constant 96 : index
        %get3A_651 = tpu.vector_load %arg17[%get3A_649, %get3A_650] {strides = array<i32>} : memref<320x128xf32, #tpu.memory_space<vmem>>, vector<1x16xf32>,
        %get3A_652 = vector.shape_cast %get3A_651 : vector<1x16xf32> to vector<16xf32>
        %add3A_653 = arith.addf %add3A_646, %get3A_652 : vector<16xf32>
        %add3A_654 = arith.constant 3 : i32
        %add3A_655 = arith.addi %mul3A_205, %add3A_654 : i32
        %get3A_656 = arith.index_cast %add3A_655 : i32 to index
        %get3A_657 = arith.constant 96 : index
        %get3A_658 = tpu.vector_load %arg17[%get3A_656, %get3A_657] {strides = array<i32>} : memref<320x128xf32, #tpu.memory_space<vmem>>, vector<1x16xf32>,
        %get3A_659 = vector.shape_cast %get3A_658 : vector<1x16xf32> to vector<16xf32>
        %add3A_660 = arith.addf %add3A_653, %get3A_659 : vector<16xf32>
        %add3A_661 = arith.constant 4 : i32
        %add3A_662 = arith.addi %mul3A_205, %add3A_661 : i32
        %get3A_663 = arith.index_cast %add3A_662 : i32 to index
        %get3A_664 = arith.constant 96 : index
        %get3A_665 = tpu.vector_load %arg17[%get3A_663, %get3A_664] {strides = array<i32>} : memref<320x128xf32, #tpu.memory_space<vmem>>, vector<1x16xf32>,
        %get3A_666 = vector.shape_cast %get3A_665 : vector<1x16xf32> to vector<16xf32>
        %add3A_667 = arith.addf %add3A_660, %get3A_666 : vector<16xf32>
        %add3A_668 = arith.constant 5 : i32
        %add3A_669 = arith.addi %mul3A_205, %add3A_668 : i32
        %get3A_670 = arith.index_cast %add3A_669 : i32 to index
        %get3A_671 = arith.constant 96 : index
        %get3A_672 = tpu.vector_load %arg17[%get3A_670, %get3A_671] {strides = array<i32>} : memref<320x128xf32, #tpu.memory_space<vmem>>, vector<1x16xf32>,
        %get3A_673 = vector.shape_cast %get3A_672 : vector<1x16xf32> to vector<16xf32>
        %add3A_674 = arith.addf %add3A_667, %get3A_673 : vector<16xf32>
        %add3A_675 = arith.constant 6 : i32
        %add3A_676 = arith.addi %mul3A_205, %add3A_675 : i32
        %get3A_677 = arith.index_cast %add3A_676 : i32 to index
        %get3A_678 = arith.constant 96 : index
        %get3A_679 = tpu.vector_load %arg17[%get3A_677, %get3A_678] {strides = array<i32>} : memref<320x128xf32, #tpu.memory_space<vmem>>, vector<1x16xf32>,
        %get3A_680 = vector.shape_cast %get3A_679 : vector<1x16xf32> to vector<16xf32>
        %add3A_681 = arith.addf %add3A_674, %get3A_680 : vector<16xf32>
        %add3A_682 = arith.constant 7 : i32
        %add3A_683 = arith.addi %mul3A_205, %add3A_682 : i32
        %get3A_684 = arith.index_cast %add3A_683 : i32 to index
        %get3A_685 = arith.constant 96 : index
        %get3A_686 = tpu.vector_load %arg17[%get3A_684, %get3A_685] {strides = array<i32>} : memref<320x128xf32, #tpu.memory_space<vmem>>, vector<1x16xf32>,
        %get3A_687 = vector.shape_cast %get3A_686 : vector<1x16xf32> to vector<16xf32>
        %add3A_688 = arith.addf %add3A_681, %get3A_687 : vector<16xf32>
        %add3A_689 = arith.constant 8 : i32
        %add3A_690 = arith.addi %mul3A_205, %add3A_689 : i32
        %get3A_691 = arith.index_cast %add3A_690 : i32 to index
        %get3A_692 = arith.constant 96 : index
        %get3A_693 = tpu.vector_load %arg17[%get3A_691, %get3A_692] {strides = array<i32>} : memref<320x128xf32, #tpu.memory_space<vmem>>, vector<1x16xf32>,
        %get3A_694 = vector.shape_cast %get3A_693 : vector<1x16xf32> to vector<16xf32>
        %add3A_695 = arith.addf %add3A_688, %get3A_694 : vector<16xf32>
        %add3A_696 = arith.constant 9 : i32
        %add3A_697 = arith.addi %mul3A_205, %add3A_696 : i32
        %get3A_698 = arith.index_cast %add3A_697 : i32 to index
        %get3A_699 = arith.constant 96 : index
        %get3A_700 = tpu.vector_load %arg17[%get3A_698, %get3A_699] {strides = array<i32>} : memref<320x128xf32, #tpu.memory_space<vmem>>, vector<1x16xf32>,
        %get3A_701 = vector.shape_cast %get3A_700 : vector<1x16xf32> to vector<16xf32>
        %add3A_702 = arith.addf %add3A_695, %get3A_701 : vector<16xf32>
        %swap3A_703 = arith.index_cast %scan3A_203 : i32 to index
        %swap3A_704 = arith.constant 96 : index
        %swap3A_705 = tpu.vector_load %arg20[%swap3A_703, %swap3A_704] {strides = array<i32>} : memref<32x128xf32, #tpu.memory_space<vmem>>, vector<1x16xf32>,
        %swap3A_706 = vector.shape_cast %swap3A_705 : vector<1x16xf32> to vector<16xf32>
        %swap3A_707 = vector.shape_cast %add3A_702 : vector<16xf32> to vector<1x16xf32>
        tpu.vector_store %arg20[%swap3A_703, %swap3A_704], %swap3A_707 {strides = array<i32>} : memref<32x128xf32, #tpu.memory_space<vmem>>, vector<1x16xf32>,
        %get3A_708 = arith.index_cast %mul3A_205 : i32 to index
        %get3A_709 = arith.constant 112 : index
        %get3A_710 = tpu.vector_load %arg17[%get3A_708, %get3A_709] {strides = array<i32>} : memref<320x128xf32, #tpu.memory_space<vmem>>, vector<1x16xf32>,
        %get3A_711 = vector.shape_cast %get3A_710 : vector<1x16xf32> to vector<16xf32>
        %add3A_712 = arith.constant 1 : i32
        %add3A_713 = arith.addi %mul3A_205, %add3A_712 : i32
        %get3A_714 = arith.index_cast %add3A_713 : i32 to index
        %get3A_715 = arith.constant 112 : index
        %get3A_716 = tpu.vector_load %arg17[%get3A_714, %get3A_715] {strides = array<i32>} : memref<320x128xf32, #tpu.memory_space<vmem>>, vector<1x16xf32>,
        %get3A_717 = vector.shape_cast %get3A_716 : vector<1x16xf32> to vector<16xf32>
        %add3A_718 = arith.addf %get3A_711, %get3A_717 : vector<16xf32>
        %add3A_719 = arith.constant 2 : i32
        %add3A_720 = arith.addi %mul3A_205, %add3A_719 : i32
        %get3A_721 = arith.index_cast %add3A_720 : i32 to index
        %get3A_722 = arith.constant 112 : index
        %get3A_723 = tpu.vector_load %arg17[%get3A_721, %get3A_722] {strides = array<i32>} : memref<320x128xf32, #tpu.memory_space<vmem>>, vector<1x16xf32>,
        %get3A_724 = vector.shape_cast %get3A_723 : vector<1x16xf32> to vector<16xf32>
        %add3A_725 = arith.addf %add3A_718, %get3A_724 : vector<16xf32>
        %add3A_726 = arith.constant 3 : i32
        %add3A_727 = arith.addi %mul3A_205, %add3A_726 : i32
        %get3A_728 = arith.index_cast %add3A_727 : i32 to index
        %get3A_729 = arith.constant 112 : index
        %get3A_730 = tpu.vector_load %arg17[%get3A_728, %get3A_729] {strides = array<i32>} : memref<320x128xf32, #tpu.memory_space<vmem>>, vector<1x16xf32>,
        %get3A_731 = vector.shape_cast %get3A_730 : vector<1x16xf32> to vector<16xf32>
        %add3A_732 = arith.addf %add3A_725, %get3A_731 : vector<16xf32>
        %add3A_733 = arith.constant 4 : i32
        %add3A_734 = arith.addi %mul3A_205, %add3A_733 : i32
        %get3A_735 = arith.index_cast %add3A_734 : i32 to index
        %get3A_736 = arith.constant 112 : index
        %get3A_737 = tpu.vector_load %arg17[%get3A_735, %get3A_736] {strides = array<i32>} : memref<320x128xf32, #tpu.memory_space<vmem>>, vector<1x16xf32>,
        %get3A_738 = vector.shape_cast %get3A_737 : vector<1x16xf32> to vector<16xf32>
        %add3A_739 = arith.addf %add3A_732, %get3A_738 : vector<16xf32>
        %add3A_740 = arith.constant 5 : i32
        %add3A_741 = arith.addi %mul3A_205, %add3A_740 : i32
        %get3A_742 = arith.index_cast %add3A_741 : i32 to index
        %get3A_743 = arith.constant 112 : index
        %get3A_744 = tpu.vector_load %arg17[%get3A_742, %get3A_743] {strides = array<i32>} : memref<320x128xf32, #tpu.memory_space<vmem>>, vector<1x16xf32>,
        %get3A_745 = vector.shape_cast %get3A_744 : vector<1x16xf32> to vector<16xf32>
        %add3A_746 = arith.addf %add3A_739, %get3A_745 : vector<16xf32>
        %add3A_747 = arith.constant 6 : i32
        %add3A_748 = arith.addi %mul3A_205, %add3A_747 : i32
        %get3A_749 = arith.index_cast %add3A_748 : i32 to index
        %get3A_750 = arith.constant 112 : index
        %get3A_751 = tpu.vector_load %arg17[%get3A_749, %get3A_750] {strides = array<i32>} : memref<320x128xf32, #tpu.memory_space<vmem>>, vector<1x16xf32>,
        %get3A_752 = vector.shape_cast %get3A_751 : vector<1x16xf32> to vector<16xf32>
        %add3A_753 = arith.addf %add3A_746, %get3A_752 : vector<16xf32>
        %add3A_754 = arith.constant 7 : i32
        %add3A_755 = arith.addi %mul3A_205, %add3A_754 : i32
        %get3A_756 = arith.index_cast %add3A_755 : i32 to index
        %get3A_757 = arith.constant 112 : index
        %get3A_758 = tpu.vector_load %arg17[%get3A_756, %get3A_757] {strides = array<i32>} : memref<320x128xf32, #tpu.memory_space<vmem>>, vector<1x16xf32>,
        %get3A_759 = vector.shape_cast %get3A_758 : vector<1x16xf32> to vector<16xf32>
        %add3A_760 = arith.addf %add3A_753, %get3A_759 : vector<16xf32>
        %add3A_761 = arith.constant 8 : i32
        %add3A_762 = arith.addi %mul3A_205, %add3A_761 : i32
        %get3A_763 = arith.index_cast %add3A_762 : i32 to index
        %get3A_764 = arith.constant 112 : index
        %get3A_765 = tpu.vector_load %arg17[%get3A_763, %get3A_764] {strides = array<i32>} : memref<320x128xf32, #tpu.memory_space<vmem>>, vector<1x16xf32>,
        %get3A_766 = vector.shape_cast %get3A_765 : vector<1x16xf32> to vector<16xf32>
        %add3A_767 = arith.addf %add3A_760, %get3A_766 : vector<16xf32>
        %add3A_768 = arith.constant 9 : i32
        %add3A_769 = arith.addi %mul3A_205, %add3A_768 : i32
        %get3A_770 = arith.index_cast %add3A_769 : i32 to index
        %get3A_771 = arith.constant 112 : index
        %get3A_772 = tpu.vector_load %arg17[%get3A_770, %get3A_771] {strides = array<i32>} : memref<320x128xf32, #tpu.memory_space<vmem>>, vector<1x16xf32>,
        %get3A_773 = vector.shape_cast %get3A_772 : vector<1x16xf32> to vector<16xf32>
        %add3A_774 = arith.addf %add3A_767, %get3A_773 : vector<16xf32>
        %swap3A_775 = arith.index_cast %scan3A_203 : i32 to index
        %swap3A_776 = arith.constant 112 : index
        %swap3A_777 = tpu.vector_load %arg20[%swap3A_775, %swap3A_776] {strides = array<i32>} : memref<32x128xf32, #tpu.memory_space<vmem>>, vector<1x16xf32>,
        %swap3A_778 = vector.shape_cast %swap3A_777 : vector<1x16xf32> to vector<16xf32>
        %swap3A_779 = vector.shape_cast %add3A_774 : vector<16xf32> to vector<1x16xf32>
        tpu.vector_store %arg20[%swap3A_775, %swap3A_776], %swap3A_779 {strides = array<i32>} : memref<32x128xf32, #tpu.memory_space<vmem>>, vector<1x16xf32>,
      }
      %scan3A_83 = arith.constant 32 : i32
      %dma_start3A_84 = arith.constant 0 : i32
      %dma_start3A_85 = tpu.memref_slice %arg10[%add3A_62, %dma_start3A_84] : memref<10240x128xf32, #tpu.memory_space<hbm>> -> memref<32x128xf32, #tpu.memory_space<hbm>>
      %dma_start3A_86 = arith.constant 0 : i32
      %dma_start3A_87 = tpu.memref_slice %arg10[%add3A_62, %dma_start3A_86] : memref<10240x128xf32, #tpu.memory_space<hbm>> -> memref<32x128xf32, #tpu.memory_space<hbm>>
      tpu.enqueue_dma source(%arg20 : memref<32x128xf32, #tpu.memory_space<vmem>>) target(%dma_start3A_87 : memref<32x128xf32, #tpu.memory_space<hbm>>) target_semaphore(%arg30 : memref<!tpu.dma_semaphore, #tpu.memory_space<semaphore_mem>>)
      %mul3A_88 = arith.constant 320 : i32
      %mul3A_89 = arith.muli %while3A_59, %mul3A_88 : i32
      %dma_start3A_90 = tpu.memref_slice %arg15[%mul3A_89] : memref<4480xi32, #tpu.memory_space<vmem>> -> memref<320xi32, #tpu.memory_space<vmem>>
      %dma_start3A_91 = arith.constant 0 : i32
      %dma_start3A_92 = arith.constant 0 : i32
      %dma_start3A_93 = tpu.memref_slice %arg25[%dma_start3A_91, %dma_start3A_92] : memref<1000x64xi32, #tpu.memory_space<vmem_shared>> -> memref<1000x64xi32, #tpu.memory_space<vmem_shared>>
      tpu.enqueue_indirect_dma source(%dma_start3A_93 : memref<1000x64xi32, #tpu.memory_space<vmem_shared>>) target(%arg19 : memref<320x64xi32, #tpu.memory_space<vmem>>) offsets(%dma_start3A_90 : memref<320xi32, #tpu.memory_space<vmem>>) semaphore(%arg28 : memref<!tpu.dma_semaphore, #tpu.memory_space<semaphore_mem>>)
      %dma_wait3A_94 = arith.constant 0 : i32
      %dma_wait3A_95 = arith.constant 0 : i32
      %dma_wait3A_96 = tpu.memref_slice %arg7[%dma_wait3A_94, %dma_wait3A_95] : memref<10000x64xi32, #tpu.memory_space<hbm>> -> memref<320x64xi32, #tpu.memory_space<hbm>>
      %dma_wait3A_97 = arith.constant 0 : i32
      %dma_wait3A_98 = arith.constant 0 : i32
      %dma_wait3A_99 = tpu.memref_slice %arg7[%dma_wait3A_97, %dma_wait3A_98] : memref<10000x64xi32, #tpu.memory_space<hbm>> -> memref<320x64xi32, #tpu.memory_space<hbm>>
      tpu.wait_dma2 semaphore(%arg27 : memref<!tpu.dma_semaphore, #tpu.memory_space<semaphore_mem>>) src(%dma_wait3A_99 : memref<320x64xi32, #tpu.memory_space<hbm>>) dst(%arg18 : memref<320x64xi32, #tpu.memory_space<vmem>>)
      %gt3A_100 = arith.constant 0 : i32
      %gt3A_101 = arith.cmpi sgt, %while3A_59, %gt3A_100 : i32
      %convert_element_type3A_102 = arith.extui %gt3A_101 : i1 to i32
      %cond3A_103 = arith.constant 0 : i32
      %cond3A_104 = arith.cmpi ne, %convert_element_type3A_102, %cond3A_103 : i32
      scf.if %cond3A_104 {
        %dma_wait3A_203 = arith.constant 0 : i32
        %dma_wait3A_204 = arith.constant 0 : i32
        %dma_wait3A_205 = tpu.memref_slice %arg11[%dma_wait3A_203, %dma_wait3A_204] : memref<10240x128xf32, #tpu.memory_space<hbm>> -> memref<32x128xf32, #tpu.memory_space<hbm>>
        %dma_wait3A_206 = arith.constant 0 : i32
        %dma_wait3A_207 = arith.constant 0 : i32
        %dma_wait3A_208 = tpu.memref_slice %arg11[%dma_wait3A_206, %dma_wait3A_207] : memref<10240x128xf32, #tpu.memory_space<hbm>> -> memref<32x128xf32, #tpu.memory_space<hbm>>
        tpu.wait_dma2 semaphore(%arg31 : memref<!tpu.dma_semaphore, #tpu.memory_space<semaphore_mem>>) src(%arg21 : memref<32x128xf32, #tpu.memory_space<vmem>>) dst(%dma_wait3A_208 : memref<32x128xf32, #tpu.memory_space<hbm>>)
      } else {
      }
      %broadcast_in_dim3A = arith.constant 65536 : i32
      %broadcast_in_dim3A_105 = vector.broadcast %broadcast_in_dim3A : i32 to vector<16xi32>
      %broadcast_in_dim3A_106 = arith.constant -65536 : i32
      %broadcast_in_dim3A_107 = vector.broadcast %broadcast_in_dim3A_106 : i32 to vector<16xi32>
      %scan3A_108 = arith.constant 0 : i32
      %scan3A_109 = arith.constant 0 : i32
      %scan3A_110 = arith.constant 32 : i32
      %scan3A_111 = arith.addi %scan3A_109, %scan3A_110 : i32
      %scan3A_112 = arith.constant 1 : i32
      scf.for %scan3A_203 = %scan3A_109 to %scan3A_111 step %scan3A_112  : i32 {
        %mul3A_204 = arith.constant 10 : i32
        %mul3A_205 = arith.muli %scan3A_203, %mul3A_204 : i32
        %get3A = arith.index_cast %mul3A_205 : i32 to index
        %get3A_206 = arith.constant 0 : index
        %get3A_207 = tpu.vector_load %arg18[%get3A, %get3A_206] {strides = array<i32>} : memref<320x64xi32, #tpu.memory_space<vmem>>, vector<1x16xi32>,
        %get3A_208 = vector.shape_cast %get3A_207 : vector<1x16xi32> to vector<16xi32>
        %mul3A_209 = arith.muli %get3A_208, %broadcast_in_dim3A_105 : vector<16xi32>
        %bitcast_convert_type3A = tpu.bitcast %mul3A_209 : vector<16xi32> -> vector<16xf32>
        %and3A_210 = arith.andi %get3A_208, %broadcast_in_dim3A_107 : vector<16xi32>
        %bitcast_convert_type3A_211 = tpu.bitcast %and3A_210 : vector<16xi32> -> vector<16xf32>
        %add3A_212 = arith.constant 1 : i32
        %add3A_213 = arith.addi %mul3A_205, %add3A_212 : i32
        %get3A_214 = arith.index_cast %add3A_213 : i32 to index
        %get3A_215 = arith.constant 0 : index
        %get3A_216 = tpu.vector_load %arg18[%get3A_214, %get3A_215] {strides = array<i32>} : memref<320x64xi32, #tpu.memory_space<vmem>>, vector<1x16xi32>,
        %get3A_217 = vector.shape_cast %get3A_216 : vector<1x16xi32> to vector<16xi32>
        %mul3A_218 = arith.muli %get3A_217, %broadcast_in_dim3A_105 : vector<16xi32>
        %bitcast_convert_type3A_219 = tpu.bitcast %mul3A_218 : vector<16xi32> -> vector<16xf32>
        %add3A_220 = arith.addf %bitcast_convert_type3A, %bitcast_convert_type3A_219 : vector<16xf32>
        %and3A_221 = arith.andi %get3A_217, %broadcast_in_dim3A_107 : vector<16xi32>
        %bitcast_convert_type3A_222 = tpu.bitcast %and3A_221 : vector<16xi32> -> vector<16xf32>
        %add3A_223 = arith.addf %bitcast_convert_type3A_211, %bitcast_convert_type3A_222 : vector<16xf32>
        %add3A_224 = arith.constant 2 : i32
        %add3A_225 = arith.addi %mul3A_205, %add3A_224 : i32
        %get3A_226 = arith.index_cast %add3A_225 : i32 to index
        %get3A_227 = arith.constant 0 : index
        %get3A_228 = tpu.vector_load %arg18[%get3A_226, %get3A_227] {strides = array<i32>} : memref<320x64xi32, #tpu.memory_space<vmem>>, vector<1x16xi32>,
        %get3A_229 = vector.shape_cast %get3A_228 : vector<1x16xi32> to vector<16xi32>
        %mul3A_230 = arith.muli %get3A_229, %broadcast_in_dim3A_105 : vector<16xi32>
        %bitcast_convert_type3A_231 = tpu.bitcast %mul3A_230 : vector<16xi32> -> vector<16xf32>
        %add3A_232 = arith.addf %add3A_220, %bitcast_convert_type3A_231 : vector<16xf32>
        %and3A_233 = arith.andi %get3A_229, %broadcast_in_dim3A_107 : vector<16xi32>
        %bitcast_convert_type3A_234 = tpu.bitcast %and3A_233 : vector<16xi32> -> vector<16xf32>
        %add3A_235 = arith.addf %add3A_223, %bitcast_convert_type3A_234 : vector<16xf32>
        %add3A_236 = arith.constant 3 : i32
        %add3A_237 = arith.addi %mul3A_205, %add3A_236 : i32
        %get3A_238 = arith.index_cast %add3A_237 : i32 to index
        %get3A_239 = arith.constant 0 : index
        %get3A_240 = tpu.vector_load %arg18[%get3A_238, %get3A_239] {strides = array<i32>} : memref<320x64xi32, #tpu.memory_space<vmem>>, vector<1x16xi32>,
        %get3A_241 = vector.shape_cast %get3A_240 : vector<1x16xi32> to vector<16xi32>
        %mul3A_242 = arith.muli %get3A_241, %broadcast_in_dim3A_105 : vector<16xi32>
        %bitcast_convert_type3A_243 = tpu.bitcast %mul3A_242 : vector<16xi32> -> vector<16xf32>
        %add3A_244 = arith.addf %add3A_232, %bitcast_convert_type3A_243 : vector<16xf32>
        %and3A_245 = arith.andi %get3A_241, %broadcast_in_dim3A_107 : vector<16xi32>
        %bitcast_convert_type3A_246 = tpu.bitcast %and3A_245 : vector<16xi32> -> vector<16xf32>
        %add3A_247 = arith.addf %add3A_235, %bitcast_convert_type3A_246 : vector<16xf32>
        %add3A_248 = arith.constant 4 : i32
        %add3A_249 = arith.addi %mul3A_205, %add3A_248 : i32
        %get3A_250 = arith.index_cast %add3A_249 : i32 to index
        %get3A_251 = arith.constant 0 : index
        %get3A_252 = tpu.vector_load %arg18[%get3A_250, %get3A_251] {strides = array<i32>} : memref<320x64xi32, #tpu.memory_space<vmem>>, vector<1x16xi32>,
        %get3A_253 = vector.shape_cast %get3A_252 : vector<1x16xi32> to vector<16xi32>
        %mul3A_254 = arith.muli %get3A_253, %broadcast_in_dim3A_105 : vector<16xi32>
        %bitcast_convert_type3A_255 = tpu.bitcast %mul3A_254 : vector<16xi32> -> vector<16xf32>
        %add3A_256 = arith.addf %add3A_244, %bitcast_convert_type3A_255 : vector<16xf32>
        %and3A_257 = arith.andi %get3A_253, %broadcast_in_dim3A_107 : vector<16xi32>
        %bitcast_convert_type3A_258 = tpu.bitcast %and3A_257 : vector<16xi32> -> vector<16xf32>
        %add3A_259 = arith.addf %add3A_247, %bitcast_convert_type3A_258 : vector<16xf32>
        %add3A_260 = arith.constant 5 : i32
        %add3A_261 = arith.addi %mul3A_205, %add3A_260 : i32
        %get3A_262 = arith.index_cast %add3A_261 : i32 to index
        %get3A_263 = arith.constant 0 : index
        %get3A_264 = tpu.vector_load %arg18[%get3A_262, %get3A_263] {strides = array<i32>} : memref<320x64xi32, #tpu.memory_space<vmem>>, vector<1x16xi32>,
        %get3A_265 = vector.shape_cast %get3A_264 : vector<1x16xi32> to vector<16xi32>
        %mul3A_266 = arith.muli %get3A_265, %broadcast_in_dim3A_105 : vector<16xi32>
        %bitcast_convert_type3A_267 = tpu.bitcast %mul3A_266 : vector<16xi32> -> vector<16xf32>
        %add3A_268 = arith.addf %add3A_256, %bitcast_convert_type3A_267 : vector<16xf32>
        %and3A_269 = arith.andi %get3A_265, %broadcast_in_dim3A_107 : vector<16xi32>
        %bitcast_convert_type3A_270 = tpu.bitcast %and3A_269 : vector<16xi32> -> vector<16xf32>
        %add3A_271 = arith.addf %add3A_259, %bitcast_convert_type3A_270 : vector<16xf32>
        %add3A_272 = arith.constant 6 : i32
        %add3A_273 = arith.addi %mul3A_205, %add3A_272 : i32
        %get3A_274 = arith.index_cast %add3A_273 : i32 to index
        %get3A_275 = arith.constant 0 : index
        %get3A_276 = tpu.vector_load %arg18[%get3A_274, %get3A_275] {strides = array<i32>} : memref<320x64xi32, #tpu.memory_space<vmem>>, vector<1x16xi32>,
        %get3A_277 = vector.shape_cast %get3A_276 : vector<1x16xi32> to vector<16xi32>
        %mul3A_278 = arith.muli %get3A_277, %broadcast_in_dim3A_105 : vector<16xi32>
        %bitcast_convert_type3A_279 = tpu.bitcast %mul3A_278 : vector<16xi32> -> vector<16xf32>
        %add3A_280 = arith.addf %add3A_268, %bitcast_convert_type3A_279 : vector<16xf32>
        %and3A_281 = arith.andi %get3A_277, %broadcast_in_dim3A_107 : vector<16xi32>
        %bitcast_convert_type3A_282 = tpu.bitcast %and3A_281 : vector<16xi32> -> vector<16xf32>
        %add3A_283 = arith.addf %add3A_271, %bitcast_convert_type3A_282 : vector<16xf32>
        %add3A_284 = arith.constant 7 : i32
        %add3A_285 = arith.addi %mul3A_205, %add3A_284 : i32
        %get3A_286 = arith.index_cast %add3A_285 : i32 to index
        %get3A_287 = arith.constant 0 : index
        %get3A_288 = tpu.vector_load %arg18[%get3A_286, %get3A_287] {strides = array<i32>} : memref<320x64xi32, #tpu.memory_space<vmem>>, vector<1x16xi32>,
        %get3A_289 = vector.shape_cast %get3A_288 : vector<1x16xi32> to vector<16xi32>
        %mul3A_290 = arith.muli %get3A_289, %broadcast_in_dim3A_105 : vector<16xi32>
        %bitcast_convert_type3A_291 = tpu.bitcast %mul3A_290 : vector<16xi32> -> vector<16xf32>
        %add3A_292 = arith.addf %add3A_280, %bitcast_convert_type3A_291 : vector<16xf32>
        %and3A_293 = arith.andi %get3A_289, %broadcast_in_dim3A_107 : vector<16xi32>
        %bitcast_convert_type3A_294 = tpu.bitcast %and3A_293 : vector<16xi32> -> vector<16xf32>
        %add3A_295 = arith.addf %add3A_283, %bitcast_convert_type3A_294 : vector<16xf32>
        %add3A_296 = arith.constant 8 : i32
        %add3A_297 = arith.addi %mul3A_205, %add3A_296 : i32
        %get3A_298 = arith.index_cast %add3A_297 : i32 to index
        %get3A_299 = arith.constant 0 : index
        %get3A_300 = tpu.vector_load %arg18[%get3A_298, %get3A_299] {strides = array<i32>} : memref<320x64xi32, #tpu.memory_space<vmem>>, vector<1x16xi32>,
        %get3A_301 = vector.shape_cast %get3A_300 : vector<1x16xi32> to vector<16xi32>
        %mul3A_302 = arith.muli %get3A_301, %broadcast_in_dim3A_105 : vector<16xi32>
        %bitcast_convert_type3A_303 = tpu.bitcast %mul3A_302 : vector<16xi32> -> vector<16xf32>
        %add3A_304 = arith.addf %add3A_292, %bitcast_convert_type3A_303 : vector<16xf32>
        %and3A_305 = arith.andi %get3A_301, %broadcast_in_dim3A_107 : vector<16xi32>
        %bitcast_convert_type3A_306 = tpu.bitcast %and3A_305 : vector<16xi32> -> vector<16xf32>
        %add3A_307 = arith.addf %add3A_295, %bitcast_convert_type3A_306 : vector<16xf32>
        %add3A_308 = arith.constant 9 : i32
        %add3A_309 = arith.addi %mul3A_205, %add3A_308 : i32
        %get3A_310 = arith.index_cast %add3A_309 : i32 to index
        %get3A_311 = arith.constant 0 : index
        %get3A_312 = tpu.vector_load %arg18[%get3A_310, %get3A_311] {strides = array<i32>} : memref<320x64xi32, #tpu.memory_space<vmem>>, vector<1x16xi32>,
        %get3A_313 = vector.shape_cast %get3A_312 : vector<1x16xi32> to vector<16xi32>
        %mul3A_314 = arith.muli %get3A_313, %broadcast_in_dim3A_105 : vector<16xi32>
        %bitcast_convert_type3A_315 = tpu.bitcast %mul3A_314 : vector<16xi32> -> vector<16xf32>
        %add3A_316 = arith.addf %add3A_304, %bitcast_convert_type3A_315 : vector<16xf32>
        %and3A_317 = arith.andi %get3A_313, %broadcast_in_dim3A_107 : vector<16xi32>
        %bitcast_convert_type3A_318 = tpu.bitcast %and3A_317 : vector<16xi32> -> vector<16xf32>
        %add3A_319 = arith.addf %add3A_307, %bitcast_convert_type3A_318 : vector<16xf32>
        %swap3A = arith.index_cast %scan3A_203 : i32 to index
        %swap3A_320 = arith.constant 0 : index
        %swap3A_321 = tpu.vector_load %arg21[%swap3A, %swap3A_320] {strides = array<i32>} : memref<32x128xf32, #tpu.memory_space<vmem>>, vector<1x16xf32>,
        %swap3A_322 = vector.shape_cast %swap3A_321 : vector<1x16xf32> to vector<16xf32>
        %swap3A_323 = vector.shape_cast %add3A_316 : vector<16xf32> to vector<1x16xf32>
        tpu.vector_store %arg21[%swap3A, %swap3A_320], %swap3A_323 {strides = array<i32>} : memref<32x128xf32, #tpu.memory_space<vmem>>, vector<1x16xf32>,
        %swap3A_324 = arith.index_cast %scan3A_203 : i32 to index
        %swap3A_325 = arith.constant 16 : index
        %swap3A_326 = tpu.vector_load %arg21[%swap3A_324, %swap3A_325] {strides = array<i32>} : memref<32x128xf32, #tpu.memory_space<vmem>>, vector<1x16xf32>,
        %swap3A_327 = vector.shape_cast %swap3A_326 : vector<1x16xf32> to vector<16xf32>
        %swap3A_328 = vector.shape_cast %add3A_319 : vector<16xf32> to vector<1x16xf32>
        tpu.vector_store %arg21[%swap3A_324, %swap3A_325], %swap3A_328 {strides = array<i32>} : memref<32x128xf32, #tpu.memory_space<vmem>>, vector<1x16xf32>,
        %get3A_329 = arith.index_cast %mul3A_205 : i32 to index
        %get3A_330 = arith.constant 16 : index
        %get3A_331 = tpu.vector_load %arg18[%get3A_329, %get3A_330] {strides = array<i32>} : memref<320x64xi32, #tpu.memory_space<vmem>>, vector<1x16xi32>,
        %get3A_332 = vector.shape_cast %get3A_331 : vector<1x16xi32> to vector<16xi32>
        %mul3A_333 = arith.muli %get3A_332, %broadcast_in_dim3A_105 : vector<16xi32>
        %bitcast_convert_type3A_334 = tpu.bitcast %mul3A_333 : vector<16xi32> -> vector<16xf32>
        %and3A_335 = arith.andi %get3A_332, %broadcast_in_dim3A_107 : vector<16xi32>
        %bitcast_convert_type3A_336 = tpu.bitcast %and3A_335 : vector<16xi32> -> vector<16xf32>
        %add3A_337 = arith.constant 1 : i32
        %add3A_338 = arith.addi %mul3A_205, %add3A_337 : i32
        %get3A_339 = arith.index_cast %add3A_338 : i32 to index
        %get3A_340 = arith.constant 16 : index
        %get3A_341 = tpu.vector_load %arg18[%get3A_339, %get3A_340] {strides = array<i32>} : memref<320x64xi32, #tpu.memory_space<vmem>>, vector<1x16xi32>,
        %get3A_342 = vector.shape_cast %get3A_341 : vector<1x16xi32> to vector<16xi32>
        %mul3A_343 = arith.muli %get3A_342, %broadcast_in_dim3A_105 : vector<16xi32>
        %bitcast_convert_type3A_344 = tpu.bitcast %mul3A_343 : vector<16xi32> -> vector<16xf32>
        %add3A_345 = arith.addf %bitcast_convert_type3A_334, %bitcast_convert_type3A_344 : vector<16xf32>
        %and3A_346 = arith.andi %get3A_342, %broadcast_in_dim3A_107 : vector<16xi32>
        %bitcast_convert_type3A_347 = tpu.bitcast %and3A_346 : vector<16xi32> -> vector<16xf32>
        %add3A_348 = arith.addf %bitcast_convert_type3A_336, %bitcast_convert_type3A_347 : vector<16xf32>
        %add3A_349 = arith.constant 2 : i32
        %add3A_350 = arith.addi %mul3A_205, %add3A_349 : i32
        %get3A_351 = arith.index_cast %add3A_350 : i32 to index
        %get3A_352 = arith.constant 16 : index
        %get3A_353 = tpu.vector_load %arg18[%get3A_351, %get3A_352] {strides = array<i32>} : memref<320x64xi32, #tpu.memory_space<vmem>>, vector<1x16xi32>,
        %get3A_354 = vector.shape_cast %get3A_353 : vector<1x16xi32> to vector<16xi32>
        %mul3A_355 = arith.muli %get3A_354, %broadcast_in_dim3A_105 : vector<16xi32>
        %bitcast_convert_type3A_356 = tpu.bitcast %mul3A_355 : vector<16xi32> -> vector<16xf32>
        %add3A_357 = arith.addf %add3A_345, %bitcast_convert_type3A_356 : vector<16xf32>
        %and3A_358 = arith.andi %get3A_354, %broadcast_in_dim3A_107 : vector<16xi32>
        %bitcast_convert_type3A_359 = tpu.bitcast %and3A_358 : vector<16xi32> -> vector<16xf32>
        %add3A_360 = arith.addf %add3A_348, %bitcast_convert_type3A_359 : vector<16xf32>
        %add3A_361 = arith.constant 3 : i32
        %add3A_362 = arith.addi %mul3A_205, %add3A_361 : i32
        %get3A_363 = arith.index_cast %add3A_362 : i32 to index
        %get3A_364 = arith.constant 16 : index
        %get3A_365 = tpu.vector_load %arg18[%get3A_363, %get3A_364] {strides = array<i32>} : memref<320x64xi32, #tpu.memory_space<vmem>>, vector<1x16xi32>,
        %get3A_366 = vector.shape_cast %get3A_365 : vector<1x16xi32> to vector<16xi32>
        %mul3A_367 = arith.muli %get3A_366, %broadcast_in_dim3A_105 : vector<16xi32>
        %bitcast_convert_type3A_368 = tpu.bitcast %mul3A_367 : vector<16xi32> -> vector<16xf32>
        %add3A_369 = arith.addf %add3A_357, %bitcast_convert_type3A_368 : vector<16xf32>
        %and3A_370 = arith.andi %get3A_366, %broadcast_in_dim3A_107 : vector<16xi32>
        %bitcast_convert_type3A_371 = tpu.bitcast %and3A_370 : vector<16xi32> -> vector<16xf32>
        %add3A_372 = arith.addf %add3A_360, %bitcast_convert_type3A_371 : vector<16xf32>
        %add3A_373 = arith.constant 4 : i32
        %add3A_374 = arith.addi %mul3A_205, %add3A_373 : i32
        %get3A_375 = arith.index_cast %add3A_374 : i32 to index
        %get3A_376 = arith.constant 16 : index
        %get3A_377 = tpu.vector_load %arg18[%get3A_375, %get3A_376] {strides = array<i32>} : memref<320x64xi32, #tpu.memory_space<vmem>>, vector<1x16xi32>,
        %get3A_378 = vector.shape_cast %get3A_377 : vector<1x16xi32> to vector<16xi32>
        %mul3A_379 = arith.muli %get3A_378, %broadcast_in_dim3A_105 : vector<16xi32>
        %bitcast_convert_type3A_380 = tpu.bitcast %mul3A_379 : vector<16xi32> -> vector<16xf32>
        %add3A_381 = arith.addf %add3A_369, %bitcast_convert_type3A_380 : vector<16xf32>
        %and3A_382 = arith.andi %get3A_378, %broadcast_in_dim3A_107 : vector<16xi32>
        %bitcast_convert_type3A_383 = tpu.bitcast %and3A_382 : vector<16xi32> -> vector<16xf32>
        %add3A_384 = arith.addf %add3A_372, %bitcast_convert_type3A_383 : vector<16xf32>
        %add3A_385 = arith.constant 5 : i32
        %add3A_386 = arith.addi %mul3A_205, %add3A_385 : i32
        %get3A_387 = arith.index_cast %add3A_386 : i32 to index
        %get3A_388 = arith.constant 16 : index
        %get3A_389 = tpu.vector_load %arg18[%get3A_387, %get3A_388] {strides = array<i32>} : memref<320x64xi32, #tpu.memory_space<vmem>>, vector<1x16xi32>,
        %get3A_390 = vector.shape_cast %get3A_389 : vector<1x16xi32> to vector<16xi32>
        %mul3A_391 = arith.muli %get3A_390, %broadcast_in_dim3A_105 : vector<16xi32>
        %bitcast_convert_type3A_392 = tpu.bitcast %mul3A_391 : vector<16xi32> -> vector<16xf32>
        %add3A_393 = arith.addf %add3A_381, %bitcast_convert_type3A_392 : vector<16xf32>
        %and3A_394 = arith.andi %get3A_390, %broadcast_in_dim3A_107 : vector<16xi32>
        %bitcast_convert_type3A_395 = tpu.bitcast %and3A_394 : vector<16xi32> -> vector<16xf32>
        %add3A_396 = arith.addf %add3A_384, %bitcast_convert_type3A_395 : vector<16xf32>
        %add3A_397 = arith.constant 6 : i32
        %add3A_398 = arith.addi %mul3A_205, %add3A_397 : i32
        %get3A_399 = arith.index_cast %add3A_398 : i32 to index
        %get3A_400 = arith.constant 16 : index
        %get3A_401 = tpu.vector_load %arg18[%get3A_399, %get3A_400] {strides = array<i32>} : memref<320x64xi32, #tpu.memory_space<vmem>>, vector<1x16xi32>,
        %get3A_402 = vector.shape_cast %get3A_401 : vector<1x16xi32> to vector<16xi32>
        %mul3A_403 = arith.muli %get3A_402, %broadcast_in_dim3A_105 : vector<16xi32>
        %bitcast_convert_type3A_404 = tpu.bitcast %mul3A_403 : vector<16xi32> -> vector<16xf32>
        %add3A_405 = arith.addf %add3A_393, %bitcast_convert_type3A_404 : vector<16xf32>
        %and3A_406 = arith.andi %get3A_402, %broadcast_in_dim3A_107 : vector<16xi32>
        %bitcast_convert_type3A_407 = tpu.bitcast %and3A_406 : vector<16xi32> -> vector<16xf32>
        %add3A_408 = arith.addf %add3A_396, %bitcast_convert_type3A_407 : vector<16xf32>
        %add3A_409 = arith.constant 7 : i32
        %add3A_410 = arith.addi %mul3A_205, %add3A_409 : i32
        %get3A_411 = arith.index_cast %add3A_410 : i32 to index
        %get3A_412 = arith.constant 16 : index
        %get3A_413 = tpu.vector_load %arg18[%get3A_411, %get3A_412] {strides = array<i32>} : memref<320x64xi32, #tpu.memory_space<vmem>>, vector<1x16xi32>,
        %get3A_414 = vector.shape_cast %get3A_413 : vector<1x16xi32> to vector<16xi32>
        %mul3A_415 = arith.muli %get3A_414, %broadcast_in_dim3A_105 : vector<16xi32>
        %bitcast_convert_type3A_416 = tpu.bitcast %mul3A_415 : vector<16xi32> -> vector<16xf32>
        %add3A_417 = arith.addf %add3A_405, %bitcast_convert_type3A_416 : vector<16xf32>
        %and3A_418 = arith.andi %get3A_414, %broadcast_in_dim3A_107 : vector<16xi32>
        %bitcast_convert_type3A_419 = tpu.bitcast %and3A_418 : vector<16xi32> -> vector<16xf32>
        %add3A_420 = arith.addf %add3A_408, %bitcast_convert_type3A_419 : vector<16xf32>
        %add3A_421 = arith.constant 8 : i32
        %add3A_422 = arith.addi %mul3A_205, %add3A_421 : i32
        %get3A_423 = arith.index_cast %add3A_422 : i32 to index
        %get3A_424 = arith.constant 16 : index
        %get3A_425 = tpu.vector_load %arg18[%get3A_423, %get3A_424] {strides = array<i32>} : memref<320x64xi32, #tpu.memory_space<vmem>>, vector<1x16xi32>,
        %get3A_426 = vector.shape_cast %get3A_425 : vector<1x16xi32> to vector<16xi32>
        %mul3A_427 = arith.muli %get3A_426, %broadcast_in_dim3A_105 : vector<16xi32>
        %bitcast_convert_type3A_428 = tpu.bitcast %mul3A_427 : vector<16xi32> -> vector<16xf32>
        %add3A_429 = arith.addf %add3A_417, %bitcast_convert_type3A_428 : vector<16xf32>
        %and3A_430 = arith.andi %get3A_426, %broadcast_in_dim3A_107 : vector<16xi32>
        %bitcast_convert_type3A_431 = tpu.bitcast %and3A_430 : vector<16xi32> -> vector<16xf32>
        %add3A_432 = arith.addf %add3A_420, %bitcast_convert_type3A_431 : vector<16xf32>
        %add3A_433 = arith.constant 9 : i32
        %add3A_434 = arith.addi %mul3A_205, %add3A_433 : i32
        %get3A_435 = arith.index_cast %add3A_434 : i32 to index
        %get3A_436 = arith.constant 16 : index
        %get3A_437 = tpu.vector_load %arg18[%get3A_435, %get3A_436] {strides = array<i32>} : memref<320x64xi32, #tpu.memory_space<vmem>>, vector<1x16xi32>,
        %get3A_438 = vector.shape_cast %get3A_437 : vector<1x16xi32> to vector<16xi32>
        %mul3A_439 = arith.muli %get3A_438, %broadcast_in_dim3A_105 : vector<16xi32>
        %bitcast_convert_type3A_440 = tpu.bitcast %mul3A_439 : vector<16xi32> -> vector<16xf32>
        %add3A_441 = arith.addf %add3A_429, %bitcast_convert_type3A_440 : vector<16xf32>
        %and3A_442 = arith.andi %get3A_438, %broadcast_in_dim3A_107 : vector<16xi32>
        %bitcast_convert_type3A_443 = tpu.bitcast %and3A_442 : vector<16xi32> -> vector<16xf32>
        %add3A_444 = arith.addf %add3A_432, %bitcast_convert_type3A_443 : vector<16xf32>
        %swap3A_445 = arith.index_cast %scan3A_203 : i32 to index
        %swap3A_446 = arith.constant 32 : index
        %swap3A_447 = tpu.vector_load %arg21[%swap3A_445, %swap3A_446] {strides = array<i32>} : memref<32x128xf32, #tpu.memory_space<vmem>>, vector<1x16xf32>,
        %swap3A_448 = vector.shape_cast %swap3A_447 : vector<1x16xf32> to vector<16xf32>
        %swap3A_449 = vector.shape_cast %add3A_441 : vector<16xf32> to vector<1x16xf32>
        tpu.vector_store %arg21[%swap3A_445, %swap3A_446], %swap3A_449 {strides = array<i32>} : memref<32x128xf32, #tpu.memory_space<vmem>>, vector<1x16xf32>,
        %swap3A_450 = arith.index_cast %scan3A_203 : i32 to index
        %swap3A_451 = arith.constant 48 : index
        %swap3A_452 = tpu.vector_load %arg21[%swap3A_450, %swap3A_451] {strides = array<i32>} : memref<32x128xf32, #tpu.memory_space<vmem>>, vector<1x16xf32>,
        %swap3A_453 = vector.shape_cast %swap3A_452 : vector<1x16xf32> to vector<16xf32>
        %swap3A_454 = vector.shape_cast %add3A_444 : vector<16xf32> to vector<1x16xf32>
        tpu.vector_store %arg21[%swap3A_450, %swap3A_451], %swap3A_454 {strides = array<i32>} : memref<32x128xf32, #tpu.memory_space<vmem>>, vector<1x16xf32>,
        %get3A_455 = arith.index_cast %mul3A_205 : i32 to index
        %get3A_456 = arith.constant 32 : index
        %get3A_457 = tpu.vector_load %arg18[%get3A_455, %get3A_456] {strides = array<i32>} : memref<320x64xi32, #tpu.memory_space<vmem>>, vector<1x16xi32>,
        %get3A_458 = vector.shape_cast %get3A_457 : vector<1x16xi32> to vector<16xi32>
        %mul3A_459 = arith.muli %get3A_458, %broadcast_in_dim3A_105 : vector<16xi32>
        %bitcast_convert_type3A_460 = tpu.bitcast %mul3A_459 : vector<16xi32> -> vector<16xf32>
        %and3A_461 = arith.andi %get3A_458, %broadcast_in_dim3A_107 : vector<16xi32>
        %bitcast_convert_type3A_462 = tpu.bitcast %and3A_461 : vector<16xi32> -> vector<16xf32>
        %add3A_463 = arith.constant 1 : i32
        %add3A_464 = arith.addi %mul3A_205, %add3A_463 : i32
        %get3A_465 = arith.index_cast %add3A_464 : i32 to index
        %get3A_466 = arith.constant 32 : index
        %get3A_467 = tpu.vector_load %arg18[%get3A_465, %get3A_466] {strides = array<i32>} : memref<320x64xi32, #tpu.memory_space<vmem>>, vector<1x16xi32>,
        %get3A_468 = vector.shape_cast %get3A_467 : vector<1x16xi32> to vector<16xi32>
        %mul3A_469 = arith.muli %get3A_468, %broadcast_in_dim3A_105 : vector<16xi32>
        %bitcast_convert_type3A_470 = tpu.bitcast %mul3A_469 : vector<16xi32> -> vector<16xf32>
        %add3A_471 = arith.addf %bitcast_convert_type3A_460, %bitcast_convert_type3A_470 : vector<16xf32>
        %and3A_472 = arith.andi %get3A_468, %broadcast_in_dim3A_107 : vector<16xi32>
        %bitcast_convert_type3A_473 = tpu.bitcast %and3A_472 : vector<16xi32> -> vector<16xf32>
        %add3A_474 = arith.addf %bitcast_convert_type3A_462, %bitcast_convert_type3A_473 : vector<16xf32>
        %add3A_475 = arith.constant 2 : i32
        %add3A_476 = arith.addi %mul3A_205, %add3A_475 : i32
        %get3A_477 = arith.index_cast %add3A_476 : i32 to index
        %get3A_478 = arith.constant 32 : index
        %get3A_479 = tpu.vector_load %arg18[%get3A_477, %get3A_478] {strides = array<i32>} : memref<320x64xi32, #tpu.memory_space<vmem>>, vector<1x16xi32>,
        %get3A_480 = vector.shape_cast %get3A_479 : vector<1x16xi32> to vector<16xi32>
        %mul3A_481 = arith.muli %get3A_480, %broadcast_in_dim3A_105 : vector<16xi32>
        %bitcast_convert_type3A_482 = tpu.bitcast %mul3A_481 : vector<16xi32> -> vector<16xf32>
        %add3A_483 = arith.addf %add3A_471, %bitcast_convert_type3A_482 : vector<16xf32>
        %and3A_484 = arith.andi %get3A_480, %broadcast_in_dim3A_107 : vector<16xi32>
        %bitcast_convert_type3A_485 = tpu.bitcast %and3A_484 : vector<16xi32> -> vector<16xf32>
        %add3A_486 = arith.addf %add3A_474, %bitcast_convert_type3A_485 : vector<16xf32>
        %add3A_487 = arith.constant 3 : i32
        %add3A_488 = arith.addi %mul3A_205, %add3A_487 : i32
        %get3A_489 = arith.index_cast %add3A_488 : i32 to index
        %get3A_490 = arith.constant 32 : index
        %get3A_491 = tpu.vector_load %arg18[%get3A_489, %get3A_490] {strides = array<i32>} : memref<320x64xi32, #tpu.memory_space<vmem>>, vector<1x16xi32>,
        %get3A_492 = vector.shape_cast %get3A_491 : vector<1x16xi32> to vector<16xi32>
        %mul3A_493 = arith.muli %get3A_492, %broadcast_in_dim3A_105 : vector<16xi32>
        %bitcast_convert_type3A_494 = tpu.bitcast %mul3A_493 : vector<16xi32> -> vector<16xf32>
        %add3A_495 = arith.addf %add3A_483, %bitcast_convert_type3A_494 : vector<16xf32>
        %and3A_496 = arith.andi %get3A_492, %broadcast_in_dim3A_107 : vector<16xi32>
        %bitcast_convert_type3A_497 = tpu.bitcast %and3A_496 : vector<16xi32> -> vector<16xf32>
        %add3A_498 = arith.addf %add3A_486, %bitcast_convert_type3A_497 : vector<16xf32>
        %add3A_499 = arith.constant 4 : i32
        %add3A_500 = arith.addi %mul3A_205, %add3A_499 : i32
        %get3A_501 = arith.index_cast %add3A_500 : i32 to index
        %get3A_502 = arith.constant 32 : index
        %get3A_503 = tpu.vector_load %arg18[%get3A_501, %get3A_502] {strides = array<i32>} : memref<320x64xi32, #tpu.memory_space<vmem>>, vector<1x16xi32>,
        %get3A_504 = vector.shape_cast %get3A_503 : vector<1x16xi32> to vector<16xi32>
        %mul3A_505 = arith.muli %get3A_504, %broadcast_in_dim3A_105 : vector<16xi32>
        %bitcast_convert_type3A_506 = tpu.bitcast %mul3A_505 : vector<16xi32> -> vector<16xf32>
        %add3A_507 = arith.addf %add3A_495, %bitcast_convert_type3A_506 : vector<16xf32>
        %and3A_508 = arith.andi %get3A_504, %broadcast_in_dim3A_107 : vector<16xi32>
        %bitcast_convert_type3A_509 = tpu.bitcast %and3A_508 : vector<16xi32> -> vector<16xf32>
        %add3A_510 = arith.addf %add3A_498, %bitcast_convert_type3A_509 : vector<16xf32>
        %add3A_511 = arith.constant 5 : i32
        %add3A_512 = arith.addi %mul3A_205, %add3A_511 : i32
        %get3A_513 = arith.index_cast %add3A_512 : i32 to index
        %get3A_514 = arith.constant 32 : index
        %get3A_515 = tpu.vector_load %arg18[%get3A_513, %get3A_514] {strides = array<i32>} : memref<320x64xi32, #tpu.memory_space<vmem>>, vector<1x16xi32>,
        %get3A_516 = vector.shape_cast %get3A_515 : vector<1x16xi32> to vector<16xi32>
        %mul3A_517 = arith.muli %get3A_516, %broadcast_in_dim3A_105 : vector<16xi32>
        %bitcast_convert_type3A_518 = tpu.bitcast %mul3A_517 : vector<16xi32> -> vector<16xf32>
        %add3A_519 = arith.addf %add3A_507, %bitcast_convert_type3A_518 : vector<16xf32>
        %and3A_520 = arith.andi %get3A_516, %broadcast_in_dim3A_107 : vector<16xi32>
        %bitcast_convert_type3A_521 = tpu.bitcast %and3A_520 : vector<16xi32> -> vector<16xf32>
        %add3A_522 = arith.addf %add3A_510, %bitcast_convert_type3A_521 : vector<16xf32>
        %add3A_523 = arith.constant 6 : i32
        %add3A_524 = arith.addi %mul3A_205, %add3A_523 : i32
        %get3A_525 = arith.index_cast %add3A_524 : i32 to index
        %get3A_526 = arith.constant 32 : index
        %get3A_527 = tpu.vector_load %arg18[%get3A_525, %get3A_526] {strides = array<i32>} : memref<320x64xi32, #tpu.memory_space<vmem>>, vector<1x16xi32>,
        %get3A_528 = vector.shape_cast %get3A_527 : vector<1x16xi32> to vector<16xi32>
        %mul3A_529 = arith.muli %get3A_528, %broadcast_in_dim3A_105 : vector<16xi32>
        %bitcast_convert_type3A_530 = tpu.bitcast %mul3A_529 : vector<16xi32> -> vector<16xf32>
        %add3A_531 = arith.addf %add3A_519, %bitcast_convert_type3A_530 : vector<16xf32>
        %and3A_532 = arith.andi %get3A_528, %broadcast_in_dim3A_107 : vector<16xi32>
        %bitcast_convert_type3A_533 = tpu.bitcast %and3A_532 : vector<16xi32> -> vector<16xf32>
        %add3A_534 = arith.addf %add3A_522, %bitcast_convert_type3A_533 : vector<16xf32>
        %add3A_535 = arith.constant 7 : i32
        %add3A_536 = arith.addi %mul3A_205, %add3A_535 : i32
        %get3A_537 = arith.index_cast %add3A_536 : i32 to index
        %get3A_538 = arith.constant 32 : index
        %get3A_539 = tpu.vector_load %arg18[%get3A_537, %get3A_538] {strides = array<i32>} : memref<320x64xi32, #tpu.memory_space<vmem>>, vector<1x16xi32>,
        %get3A_540 = vector.shape_cast %get3A_539 : vector<1x16xi32> to vector<16xi32>
        %mul3A_541 = arith.muli %get3A_540, %broadcast_in_dim3A_105 : vector<16xi32>
        %bitcast_convert_type3A_542 = tpu.bitcast %mul3A_541 : vector<16xi32> -> vector<16xf32>
        %add3A_543 = arith.addf %add3A_531, %bitcast_convert_type3A_542 : vector<16xf32>
        %and3A_544 = arith.andi %get3A_540, %broadcast_in_dim3A_107 : vector<16xi32>
        %bitcast_convert_type3A_545 = tpu.bitcast %and3A_544 : vector<16xi32> -> vector<16xf32>
        %add3A_546 = arith.addf %add3A_534, %bitcast_convert_type3A_545 : vector<16xf32>
        %add3A_547 = arith.constant 8 : i32
        %add3A_548 = arith.addi %mul3A_205, %add3A_547 : i32
        %get3A_549 = arith.index_cast %add3A_548 : i32 to index
        %get3A_550 = arith.constant 32 : index
        %get3A_551 = tpu.vector_load %arg18[%get3A_549, %get3A_550] {strides = array<i32>} : memref<320x64xi32, #tpu.memory_space<vmem>>, vector<1x16xi32>,
        %get3A_552 = vector.shape_cast %get3A_551 : vector<1x16xi32> to vector<16xi32>
        %mul3A_553 = arith.muli %get3A_552, %broadcast_in_dim3A_105 : vector<16xi32>
        %bitcast_convert_type3A_554 = tpu.bitcast %mul3A_553 : vector<16xi32> -> vector<16xf32>
        %add3A_555 = arith.addf %add3A_543, %bitcast_convert_type3A_554 : vector<16xf32>
        %and3A_556 = arith.andi %get3A_552, %broadcast_in_dim3A_107 : vector<16xi32>
        %bitcast_convert_type3A_557 = tpu.bitcast %and3A_556 : vector<16xi32> -> vector<16xf32>
        %add3A_558 = arith.addf %add3A_546, %bitcast_convert_type3A_557 : vector<16xf32>
        %add3A_559 = arith.constant 9 : i32
        %add3A_560 = arith.addi %mul3A_205, %add3A_559 : i32
        %get3A_561 = arith.index_cast %add3A_560 : i32 to index
        %get3A_562 = arith.constant 32 : index
        %get3A_563 = tpu.vector_load %arg18[%get3A_561, %get3A_562] {strides = array<i32>} : memref<320x64xi32, #tpu.memory_space<vmem>>, vector<1x16xi32>,
        %get3A_564 = vector.shape_cast %get3A_563 : vector<1x16xi32> to vector<16xi32>
        %mul3A_565 = arith.muli %get3A_564, %broadcast_in_dim3A_105 : vector<16xi32>
        %bitcast_convert_type3A_566 = tpu.bitcast %mul3A_565 : vector<16xi32> -> vector<16xf32>
        %add3A_567 = arith.addf %add3A_555, %bitcast_convert_type3A_566 : vector<16xf32>
        %and3A_568 = arith.andi %get3A_564, %broadcast_in_dim3A_107 : vector<16xi32>
        %bitcast_convert_type3A_569 = tpu.bitcast %and3A_568 : vector<16xi32> -> vector<16xf32>
        %add3A_570 = arith.addf %add3A_558, %bitcast_convert_type3A_569 : vector<16xf32>
        %swap3A_571 = arith.index_cast %scan3A_203 : i32 to index
        %swap3A_572 = arith.constant 64 : index
        %swap3A_573 = tpu.vector_load %arg21[%swap3A_571, %swap3A_572] {strides = array<i32>} : memref<32x128xf32, #tpu.memory_space<vmem>>, vector<1x16xf32>,
        %swap3A_574 = vector.shape_cast %swap3A_573 : vector<1x16xf32> to vector<16xf32>
        %swap3A_575 = vector.shape_cast %add3A_567 : vector<16xf32> to vector<1x16xf32>
        tpu.vector_store %arg21[%swap3A_571, %swap3A_572], %swap3A_575 {strides = array<i32>} : memref<32x128xf32, #tpu.memory_space<vmem>>, vector<1x16xf32>,
        %swap3A_576 = arith.index_cast %scan3A_203 : i32 to index
        %swap3A_577 = arith.constant 80 : index
        %swap3A_578 = tpu.vector_load %arg21[%swap3A_576, %swap3A_577] {strides = array<i32>} : memref<32x128xf32, #tpu.memory_space<vmem>>, vector<1x16xf32>,
        %swap3A_579 = vector.shape_cast %swap3A_578 : vector<1x16xf32> to vector<16xf32>
        %swap3A_580 = vector.shape_cast %add3A_570 : vector<16xf32> to vector<1x16xf32>
        tpu.vector_store %arg21[%swap3A_576, %swap3A_577], %swap3A_580 {strides = array<i32>} : memref<32x128xf32, #tpu.memory_space<vmem>>, vector<1x16xf32>,
        %get3A_581 = arith.index_cast %mul3A_205 : i32 to index
        %get3A_582 = arith.constant 48 : index
        %get3A_583 = tpu.vector_load %arg18[%get3A_581, %get3A_582] {strides = array<i32>} : memref<320x64xi32, #tpu.memory_space<vmem>>, vector<1x16xi32>,
        %get3A_584 = vector.shape_cast %get3A_583 : vector<1x16xi32> to vector<16xi32>
        %mul3A_585 = arith.muli %get3A_584, %broadcast_in_dim3A_105 : vector<16xi32>
        %bitcast_convert_type3A_586 = tpu.bitcast %mul3A_585 : vector<16xi32> -> vector<16xf32>
        %and3A_587 = arith.andi %get3A_584, %broadcast_in_dim3A_107 : vector<16xi32>
        %bitcast_convert_type3A_588 = tpu.bitcast %and3A_587 : vector<16xi32> -> vector<16xf32>
        %add3A_589 = arith.constant 1 : i32
        %add3A_590 = arith.addi %mul3A_205, %add3A_589 : i32
        %get3A_591 = arith.index_cast %add3A_590 : i32 to index
        %get3A_592 = arith.constant 48 : index
        %get3A_593 = tpu.vector_load %arg18[%get3A_591, %get3A_592] {strides = array<i32>} : memref<320x64xi32, #tpu.memory_space<vmem>>, vector<1x16xi32>,
        %get3A_594 = vector.shape_cast %get3A_593 : vector<1x16xi32> to vector<16xi32>
        %mul3A_595 = arith.muli %get3A_594, %broadcast_in_dim3A_105 : vector<16xi32>
        %bitcast_convert_type3A_596 = tpu.bitcast %mul3A_595 : vector<16xi32> -> vector<16xf32>
        %add3A_597 = arith.addf %bitcast_convert_type3A_586, %bitcast_convert_type3A_596 : vector<16xf32>
        %and3A_598 = arith.andi %get3A_594, %broadcast_in_dim3A_107 : vector<16xi32>
        %bitcast_convert_type3A_599 = tpu.bitcast %and3A_598 : vector<16xi32> -> vector<16xf32>
        %add3A_600 = arith.addf %bitcast_convert_type3A_588, %bitcast_convert_type3A_599 : vector<16xf32>
        %add3A_601 = arith.constant 2 : i32
        %add3A_602 = arith.addi %mul3A_205, %add3A_601 : i32
        %get3A_603 = arith.index_cast %add3A_602 : i32 to index
        %get3A_604 = arith.constant 48 : index
        %get3A_605 = tpu.vector_load %arg18[%get3A_603, %get3A_604] {strides = array<i32>} : memref<320x64xi32, #tpu.memory_space<vmem>>, vector<1x16xi32>,
        %get3A_606 = vector.shape_cast %get3A_605 : vector<1x16xi32> to vector<16xi32>
        %mul3A_607 = arith.muli %get3A_606, %broadcast_in_dim3A_105 : vector<16xi32>
        %bitcast_convert_type3A_608 = tpu.bitcast %mul3A_607 : vector<16xi32> -> vector<16xf32>
        %add3A_609 = arith.addf %add3A_597, %bitcast_convert_type3A_608 : vector<16xf32>
        %and3A_610 = arith.andi %get3A_606, %broadcast_in_dim3A_107 : vector<16xi32>
        %bitcast_convert_type3A_611 = tpu.bitcast %and3A_610 : vector<16xi32> -> vector<16xf32>
        %add3A_612 = arith.addf %add3A_600, %bitcast_convert_type3A_611 : vector<16xf32>
        %add3A_613 = arith.constant 3 : i32
        %add3A_614 = arith.addi %mul3A_205, %add3A_613 : i32
        %get3A_615 = arith.index_cast %add3A_614 : i32 to index
        %get3A_616 = arith.constant 48 : index
        %get3A_617 = tpu.vector_load %arg18[%get3A_615, %get3A_616] {strides = array<i32>} : memref<320x64xi32, #tpu.memory_space<vmem>>, vector<1x16xi32>,
        %get3A_618 = vector.shape_cast %get3A_617 : vector<1x16xi32> to vector<16xi32>
        %mul3A_619 = arith.muli %get3A_618, %broadcast_in_dim3A_105 : vector<16xi32>
        %bitcast_convert_type3A_620 = tpu.bitcast %mul3A_619 : vector<16xi32> -> vector<16xf32>
        %add3A_621 = arith.addf %add3A_609, %bitcast_convert_type3A_620 : vector<16xf32>
        %and3A_622 = arith.andi %get3A_618, %broadcast_in_dim3A_107 : vector<16xi32>
        %bitcast_convert_type3A_623 = tpu.bitcast %and3A_622 : vector<16xi32> -> vector<16xf32>
        %add3A_624 = arith.addf %add3A_612, %bitcast_convert_type3A_623 : vector<16xf32>
        %add3A_625 = arith.constant 4 : i32
        %add3A_626 = arith.addi %mul3A_205, %add3A_625 : i32
        %get3A_627 = arith.index_cast %add3A_626 : i32 to index
        %get3A_628 = arith.constant 48 : index
        %get3A_629 = tpu.vector_load %arg18[%get3A_627, %get3A_628] {strides = array<i32>} : memref<320x64xi32, #tpu.memory_space<vmem>>, vector<1x16xi32>,
        %get3A_630 = vector.shape_cast %get3A_629 : vector<1x16xi32> to vector<16xi32>
        %mul3A_631 = arith.muli %get3A_630, %broadcast_in_dim3A_105 : vector<16xi32>
        %bitcast_convert_type3A_632 = tpu.bitcast %mul3A_631 : vector<16xi32> -> vector<16xf32>
        %add3A_633 = arith.addf %add3A_621, %bitcast_convert_type3A_632 : vector<16xf32>
        %and3A_634 = arith.andi %get3A_630, %broadcast_in_dim3A_107 : vector<16xi32>
        %bitcast_convert_type3A_635 = tpu.bitcast %and3A_634 : vector<16xi32> -> vector<16xf32>
        %add3A_636 = arith.addf %add3A_624, %bitcast_convert_type3A_635 : vector<16xf32>
        %add3A_637 = arith.constant 5 : i32
        %add3A_638 = arith.addi %mul3A_205, %add3A_637 : i32
        %get3A_639 = arith.index_cast %add3A_638 : i32 to index
        %get3A_640 = arith.constant 48 : index
        %get3A_641 = tpu.vector_load %arg18[%get3A_639, %get3A_640] {strides = array<i32>} : memref<320x64xi32, #tpu.memory_space<vmem>>, vector<1x16xi32>,
        %get3A_642 = vector.shape_cast %get3A_641 : vector<1x16xi32> to vector<16xi32>
        %mul3A_643 = arith.muli %get3A_642, %broadcast_in_dim3A_105 : vector<16xi32>
        %bitcast_convert_type3A_644 = tpu.bitcast %mul3A_643 : vector<16xi32> -> vector<16xf32>
        %add3A_645 = arith.addf %add3A_633, %bitcast_convert_type3A_644 : vector<16xf32>
        %and3A_646 = arith.andi %get3A_642, %broadcast_in_dim3A_107 : vector<16xi32>
        %bitcast_convert_type3A_647 = tpu.bitcast %and3A_646 : vector<16xi32> -> vector<16xf32>
        %add3A_648 = arith.addf %add3A_636, %bitcast_convert_type3A_647 : vector<16xf32>
        %add3A_649 = arith.constant 6 : i32
        %add3A_650 = arith.addi %mul3A_205, %add3A_649 : i32
        %get3A_651 = arith.index_cast %add3A_650 : i32 to index
        %get3A_652 = arith.constant 48 : index
        %get3A_653 = tpu.vector_load %arg18[%get3A_651, %get3A_652] {strides = array<i32>} : memref<320x64xi32, #tpu.memory_space<vmem>>, vector<1x16xi32>,
        %get3A_654 = vector.shape_cast %get3A_653 : vector<1x16xi32> to vector<16xi32>
        %mul3A_655 = arith.muli %get3A_654, %broadcast_in_dim3A_105 : vector<16xi32>
        %bitcast_convert_type3A_656 = tpu.bitcast %mul3A_655 : vector<16xi32> -> vector<16xf32>
        %add3A_657 = arith.addf %add3A_645, %bitcast_convert_type3A_656 : vector<16xf32>
        %and3A_658 = arith.andi %get3A_654, %broadcast_in_dim3A_107 : vector<16xi32>
        %bitcast_convert_type3A_659 = tpu.bitcast %and3A_658 : vector<16xi32> -> vector<16xf32>
        %add3A_660 = arith.addf %add3A_648, %bitcast_convert_type3A_659 : vector<16xf32>
        %add3A_661 = arith.constant 7 : i32
        %add3A_662 = arith.addi %mul3A_205, %add3A_661 : i32
        %get3A_663 = arith.index_cast %add3A_662 : i32 to index
        %get3A_664 = arith.constant 48 : index
        %get3A_665 = tpu.vector_load %arg18[%get3A_663, %get3A_664] {strides = array<i32>} : memref<320x64xi32, #tpu.memory_space<vmem>>, vector<1x16xi32>,
        %get3A_666 = vector.shape_cast %get3A_665 : vector<1x16xi32> to vector<16xi32>
        %mul3A_667 = arith.muli %get3A_666, %broadcast_in_dim3A_105 : vector<16xi32>
        %bitcast_convert_type3A_668 = tpu.bitcast %mul3A_667 : vector<16xi32> -> vector<16xf32>
        %add3A_669 = arith.addf %add3A_657, %bitcast_convert_type3A_668 : vector<16xf32>
        %and3A_670 = arith.andi %get3A_666, %broadcast_in_dim3A_107 : vector<16xi32>
        %bitcast_convert_type3A_671 = tpu.bitcast %and3A_670 : vector<16xi32> -> vector<16xf32>
        %add3A_672 = arith.addf %add3A_660, %bitcast_convert_type3A_671 : vector<16xf32>
        %add3A_673 = arith.constant 8 : i32
        %add3A_674 = arith.addi %mul3A_205, %add3A_673 : i32
        %get3A_675 = arith.index_cast %add3A_674 : i32 to index
        %get3A_676 = arith.constant 48 : index
        %get3A_677 = tpu.vector_load %arg18[%get3A_675, %get3A_676] {strides = array<i32>} : memref<320x64xi32, #tpu.memory_space<vmem>>, vector<1x16xi32>,
        %get3A_678 = vector.shape_cast %get3A_677 : vector<1x16xi32> to vector<16xi32>
        %mul3A_679 = arith.muli %get3A_678, %broadcast_in_dim3A_105 : vector<16xi32>
        %bitcast_convert_type3A_680 = tpu.bitcast %mul3A_679 : vector<16xi32> -> vector<16xf32>
        %add3A_681 = arith.addf %add3A_669, %bitcast_convert_type3A_680 : vector<16xf32>
        %and3A_682 = arith.andi %get3A_678, %broadcast_in_dim3A_107 : vector<16xi32>
        %bitcast_convert_type3A_683 = tpu.bitcast %and3A_682 : vector<16xi32> -> vector<16xf32>
        %add3A_684 = arith.addf %add3A_672, %bitcast_convert_type3A_683 : vector<16xf32>
        %add3A_685 = arith.constant 9 : i32
        %add3A_686 = arith.addi %mul3A_205, %add3A_685 : i32
        %get3A_687 = arith.index_cast %add3A_686 : i32 to index
        %get3A_688 = arith.constant 48 : index
        %get3A_689 = tpu.vector_load %arg18[%get3A_687, %get3A_688] {strides = array<i32>} : memref<320x64xi32, #tpu.memory_space<vmem>>, vector<1x16xi32>,
        %get3A_690 = vector.shape_cast %get3A_689 : vector<1x16xi32> to vector<16xi32>
        %mul3A_691 = arith.muli %get3A_690, %broadcast_in_dim3A_105 : vector<16xi32>
        %bitcast_convert_type3A_692 = tpu.bitcast %mul3A_691 : vector<16xi32> -> vector<16xf32>
        %add3A_693 = arith.addf %add3A_681, %bitcast_convert_type3A_692 : vector<16xf32>
        %and3A_694 = arith.andi %get3A_690, %broadcast_in_dim3A_107 : vector<16xi32>
        %bitcast_convert_type3A_695 = tpu.bitcast %and3A_694 : vector<16xi32> -> vector<16xf32>
        %add3A_696 = arith.addf %add3A_684, %bitcast_convert_type3A_695 : vector<16xf32>
        %swap3A_697 = arith.index_cast %scan3A_203 : i32 to index
        %swap3A_698 = arith.constant 96 : index
        %swap3A_699 = tpu.vector_load %arg21[%swap3A_697, %swap3A_698] {strides = array<i32>} : memref<32x128xf32, #tpu.memory_space<vmem>>, vector<1x16xf32>,
        %swap3A_700 = vector.shape_cast %swap3A_699 : vector<1x16xf32> to vector<16xf32>
        %swap3A_701 = vector.shape_cast %add3A_693 : vector<16xf32> to vector<1x16xf32>
        tpu.vector_store %arg21[%swap3A_697, %swap3A_698], %swap3A_701 {strides = array<i32>} : memref<32x128xf32, #tpu.memory_space<vmem>>, vector<1x16xf32>,
        %swap3A_702 = arith.index_cast %scan3A_203 : i32 to index
        %swap3A_703 = arith.constant 112 : index
        %swap3A_704 = tpu.vector_load %arg21[%swap3A_702, %swap3A_703] {strides = array<i32>} : memref<32x128xf32, #tpu.memory_space<vmem>>, vector<1x16xf32>,
        %swap3A_705 = vector.shape_cast %swap3A_704 : vector<1x16xf32> to vector<16xf32>
        %swap3A_706 = vector.shape_cast %add3A_696 : vector<16xf32> to vector<1x16xf32>
        tpu.vector_store %arg21[%swap3A_702, %swap3A_703], %swap3A_706 {strides = array<i32>} : memref<32x128xf32, #tpu.memory_space<vmem>>, vector<1x16xf32>,
      }
      %scan3A_113 = arith.constant 32 : i32
      %dma_start3A_114 = arith.constant 0 : i32
      %dma_start3A_115 = tpu.memref_slice %arg11[%add3A_62, %dma_start3A_114] : memref<10240x128xf32, #tpu.memory_space<hbm>> -> memref<32x128xf32, #tpu.memory_space<hbm>>
      %dma_start3A_116 = arith.constant 0 : i32
      %dma_start3A_117 = tpu.memref_slice %arg11[%add3A_62, %dma_start3A_116] : memref<10240x128xf32, #tpu.memory_space<hbm>> -> memref<32x128xf32, #tpu.memory_space<hbm>>
      tpu.enqueue_dma source(%arg21 : memref<32x128xf32, #tpu.memory_space<vmem>>) target(%dma_start3A_117 : memref<32x128xf32, #tpu.memory_space<hbm>>) target_semaphore(%arg31 : memref<!tpu.dma_semaphore, #tpu.memory_space<semaphore_mem>>)
      %ge3A = arith.constant 2 : i32
      %ge3A_118 = arith.cmpi sge, %while3A_59, %ge3A : i32
      %convert_element_type3A_119 = arith.extui %ge3A_118 : i1 to i32
      %cond3A_120 = arith.constant 0 : i32
      %cond3A_121 = arith.cmpi ne, %convert_element_type3A_119, %cond3A_120 : i32
      scf.if %cond3A_121 {
        %dma_wait3A_203 = arith.constant 0 : i32
        %dma_wait3A_204 = arith.constant 0 : i32
        %dma_wait3A_205 = tpu.memref_slice %arg9[%dma_wait3A_203, %dma_wait3A_204] : memref<10240x128xf32, #tpu.memory_space<hbm>> -> memref<32x128xf32, #tpu.memory_space<hbm>>
        %dma_wait3A_206 = arith.constant 0 : i32
        %dma_wait3A_207 = arith.constant 0 : i32
        %dma_wait3A_208 = tpu.memref_slice %arg9[%dma_wait3A_206, %dma_wait3A_207] : memref<10240x128xf32, #tpu.memory_space<hbm>> -> memref<32x128xf32, #tpu.memory_space<hbm>>
        tpu.wait_dma2 semaphore(%arg33 : memref<!tpu.dma_semaphore, #tpu.memory_space<semaphore_mem>>) src(%arg23 : memref<32x128xf32, #tpu.memory_space<vmem>>) dst(%dma_wait3A_208 : memref<32x128xf32, #tpu.memory_space<hbm>>)
      } else {
      }
      %jit3A_122 = arith.constant 2 : i32
      %eq3A_123 = arith.constant 0 : i32
      %eq3A_124 = arith.cmpi eq, %jit3A_122, %eq3A_123 : i32
      %jit3A_125 = arith.constant 1 : i32
      %select_n3A_126 = arith.select %eq3A_124, %jit3A_125, %jit3A_122 : i32
      %rem3A = arith.remsi %while3A_59, %select_n3A_126 : i32
      %ne3A = arith.constant 0 : i32
      %ne3A_127 = arith.cmpi ne, %rem3A, %ne3A : i32
      %lt3A_128 = arith.constant 0 : i32
      %lt3A_129 = arith.cmpi slt, %rem3A, %lt3A_128 : i32
      %lt3A_130 = arith.constant 0 : i32
      %lt3A_131 = arith.cmpi slt, %select_n3A_126, %lt3A_130 : i32
      %ne3A_132 = arith.xori %lt3A_129, %lt3A_131 : i1
      %and3A = arith.andi %ne3A_132, %ne3A_127 : i1
      %add3A_133 = arith.addi %rem3A, %select_n3A_126 : i32
      %select_n3A_134 = arith.select %and3A, %add3A_133, %rem3A : i32
      %eq3A_135 = arith.constant 0 : i32
      %eq3A_136 = arith.cmpi eq, %select_n3A_134, %eq3A_135 : i32
      %jit3A_137 = arith.constant 2 : i32
      %eq3A_138 = arith.constant 0 : i32
      %eq3A_139 = arith.cmpi eq, %jit3A_137, %eq3A_138 : i32
      %jit3A_140 = arith.constant 1 : i32
      %select_n3A_141 = arith.select %eq3A_139, %jit3A_140, %jit3A_137 : i32
      %rem3A_142 = arith.remsi %while3A_59, %select_n3A_141 : i32
      %ne3A_143 = arith.constant 0 : i32
      %ne3A_144 = arith.cmpi ne, %rem3A_142, %ne3A_143 : i32
      %lt3A_145 = arith.constant 0 : i32
      %lt3A_146 = arith.cmpi slt, %rem3A_142, %lt3A_145 : i32
      %lt3A_147 = arith.constant 0 : i32
      %lt3A_148 = arith.cmpi slt, %select_n3A_141, %lt3A_147 : i32
      %ne3A_149 = arith.xori %lt3A_146, %lt3A_148 : i1
      %and3A_150 = arith.andi %ne3A_149, %ne3A_144 : i1
      %add3A_151 = arith.addi %rem3A_142, %select_n3A_141 : i32
      %select_n3A_152 = arith.select %and3A_150, %add3A_151, %rem3A_142 : i32
      %eq3A_153 = arith.constant 1 : i32
      %eq3A_154 = arith.cmpi eq, %select_n3A_152, %eq3A_153 : i32
      %convert_element_type3A_155 = arith.extui %eq3A_136 : i1 to i32
      %cond3A_156 = arith.constant 0 : i32
      %cond3A_157 = arith.cmpi ne, %convert_element_type3A_155, %cond3A_156 : i32
      scf.if %cond3A_157 {
        %mul3A_203 = arith.constant 32 : i32
        %mul3A_204 = arith.muli %while3A_59, %mul3A_203 : i32
        %dma_start3A_205 = tpu.memref_slice %arg16[%mul3A_204] : memref<448xi32, #tpu.memory_space<vmem>> -> memref<32xi32, #tpu.memory_space<vmem>>
        %dma_start3A_206 = arith.constant 0 : i32
        %dma_start3A_207 = arith.constant 0 : i32
        %dma_start3A_208 = tpu.memref_slice %arg6[%dma_start3A_206, %dma_start3A_207] : memref<100000x128xf32, #tpu.memory_space<hbm>> -> memref<100000x128xf32, #tpu.memory_space<hbm>>
        tpu.enqueue_indirect_dma source(%dma_start3A_208 : memref<100000x128xf32, #tpu.memory_space<hbm>>) target(%arg23 : memref<32x128xf32, #tpu.memory_space<vmem>>) offsets(%dma_start3A_205 : memref<32xi32, #tpu.memory_space<vmem>>) semaphore(%arg29 : memref<!tpu.dma_semaphore, #tpu.memory_space<semaphore_mem>>)
      } else {
      }
      %convert_element_type3A_158 = arith.extui %eq3A_154 : i1 to i32
      %cond3A_159 = arith.constant 0 : i32
      %cond3A_160 = arith.cmpi ne, %convert_element_type3A_158, %cond3A_159 : i32
      scf.if %cond3A_160 {
        %mul3A_203 = arith.constant 32 : i32
        %mul3A_204 = arith.muli %while3A_59, %mul3A_203 : i32
        %dma_start3A_205 = tpu.memref_slice %arg16[%mul3A_204] : memref<448xi32, #tpu.memory_space<vmem>> -> memref<32xi32, #tpu.memory_space<vmem>>
        %dma_start3A_206 = arith.constant 0 : i32
        %dma_start3A_207 = arith.constant 0 : i32
        %dma_start3A_208 = tpu.memref_slice %arg6[%dma_start3A_206, %dma_start3A_207] : memref<100000x128xf32, #tpu.memory_space<hbm>> -> memref<100000x128xf32, #tpu.memory_space<hbm>>
        tpu.enqueue_indirect_dma source(%dma_start3A_208 : memref<100000x128xf32, #tpu.memory_space<hbm>>) target(%arg24 : memref<32x128xf32, #tpu.memory_space<vmem>>) offsets(%dma_start3A_205 : memref<32xi32, #tpu.memory_space<vmem>>) semaphore(%arg29 : memref<!tpu.dma_semaphore, #tpu.memory_space<semaphore_mem>>)
      } else {
      }
      %dma_wait3A_161 = arith.constant 0 : i32
      %dma_wait3A_162 = arith.constant 0 : i32
      %dma_wait3A_163 = tpu.memref_slice %arg8[%dma_wait3A_161, %dma_wait3A_162] : memref<1000x64xi32, #tpu.memory_space<hbm>> -> memref<320x64xi32, #tpu.memory_space<hbm>>
      %dma_wait3A_164 = arith.constant 0 : i32
      %dma_wait3A_165 = arith.constant 0 : i32
      %dma_wait3A_166 = tpu.memref_slice %arg8[%dma_wait3A_164, %dma_wait3A_165] : memref<1000x64xi32, #tpu.memory_space<hbm>> -> memref<320x64xi32, #tpu.memory_space<hbm>>
      tpu.wait_dma2 semaphore(%arg28 : memref<!tpu.dma_semaphore, #tpu.memory_space<semaphore_mem>>) src(%dma_wait3A_166 : memref<320x64xi32, #tpu.memory_space<hbm>>) dst(%arg19 : memref<320x64xi32, #tpu.memory_space<vmem>>)
      %gt3A_167 = arith.constant 0 : i32
      %gt3A_168 = arith.cmpi sgt, %while3A_59, %gt3A_167 : i32
      %convert_element_type3A_169 = arith.extui %gt3A_168 : i1 to i32
      %cond3A_170 = arith.constant 0 : i32
      %cond3A_171 = arith.cmpi ne, %convert_element_type3A_169, %cond3A_170 : i32
      scf.if %cond3A_171 {
        %dma_wait3A_203 = arith.constant 0 : i32
        %dma_wait3A_204 = arith.constant 0 : i32
        %dma_wait3A_205 = tpu.memref_slice %arg12[%dma_wait3A_203, %dma_wait3A_204] : memref<10240x128xf32, #tpu.memory_space<hbm>> -> memref<32x128xf32, #tpu.memory_space<hbm>>
        %dma_wait3A_206 = arith.constant 0 : i32
        %dma_wait3A_207 = arith.constant 0 : i32
        %dma_wait3A_208 = tpu.memref_slice %arg12[%dma_wait3A_206, %dma_wait3A_207] : memref<10240x128xf32, #tpu.memory_space<hbm>> -> memref<32x128xf32, #tpu.memory_space<hbm>>
        tpu.wait_dma2 semaphore(%arg32 : memref<!tpu.dma_semaphore, #tpu.memory_space<semaphore_mem>>) src(%arg22 : memref<32x128xf32, #tpu.memory_space<vmem>>) dst(%dma_wait3A_208 : memref<32x128xf32, #tpu.memory_space<hbm>>)
      } else {
      }
      %broadcast_in_dim3A_172 = arith.constant 65536 : i32
      %broadcast_in_dim3A_173 = vector.broadcast %broadcast_in_dim3A_172 : i32 to vector<16xi32>
      %broadcast_in_dim3A_174 = arith.constant -65536 : i32
      %broadcast_in_dim3A_175 = vector.broadcast %broadcast_in_dim3A_174 : i32 to vector<16xi32>
      %scan3A_176 = arith.constant 0 : i32
      %scan3A_177 = arith.constant 0 : i32
      %scan3A_178 = arith.constant 32 : i32
      %scan3A_179 = arith.addi %scan3A_177, %scan3A_178 : i32
      %scan3A_180 = arith.constant 1 : i32
      scf.for %scan3A_203 = %scan3A_177 to %scan3A_179 step %scan3A_180  : i32 {
        %mul3A_204 = arith.constant 10 : i32
        %mul3A_205 = arith.muli %scan3A_203, %mul3A_204 : i32
        %get3A = arith.index_cast %mul3A_205 : i32 to index
        %get3A_206 = arith.constant 0 : index
        %get3A_207 = tpu.vector_load %arg19[%get3A, %get3A_206] {strides = array<i32>} : memref<320x64xi32, #tpu.memory_space<vmem>>, vector<1x16xi32>,
        %get3A_208 = vector.shape_cast %get3A_207 : vector<1x16xi32> to vector<16xi32>
        %mul3A_209 = arith.muli %get3A_208, %broadcast_in_dim3A_173 : vector<16xi32>
        %bitcast_convert_type3A = tpu.bitcast %mul3A_209 : vector<16xi32> -> vector<16xf32>
        %and3A_210 = arith.andi %get3A_208, %broadcast_in_dim3A_175 : vector<16xi32>
        %bitcast_convert_type3A_211 = tpu.bitcast %and3A_210 : vector<16xi32> -> vector<16xf32>
        %add3A_212 = arith.constant 1 : i32
        %add3A_213 = arith.addi %mul3A_205, %add3A_212 : i32
        %get3A_214 = arith.index_cast %add3A_213 : i32 to index
        %get3A_215 = arith.constant 0 : index
        %get3A_216 = tpu.vector_load %arg19[%get3A_214, %get3A_215] {strides = array<i32>} : memref<320x64xi32, #tpu.memory_space<vmem>>, vector<1x16xi32>,
        %get3A_217 = vector.shape_cast %get3A_216 : vector<1x16xi32> to vector<16xi32>
        %mul3A_218 = arith.muli %get3A_217, %broadcast_in_dim3A_173 : vector<16xi32>
        %bitcast_convert_type3A_219 = tpu.bitcast %mul3A_218 : vector<16xi32> -> vector<16xf32>
        %add3A_220 = arith.addf %bitcast_convert_type3A, %bitcast_convert_type3A_219 : vector<16xf32>
        %and3A_221 = arith.andi %get3A_217, %broadcast_in_dim3A_175 : vector<16xi32>
        %bitcast_convert_type3A_222 = tpu.bitcast %and3A_221 : vector<16xi32> -> vector<16xf32>
        %add3A_223 = arith.addf %bitcast_convert_type3A_211, %bitcast_convert_type3A_222 : vector<16xf32>
        %add3A_224 = arith.constant 2 : i32
        %add3A_225 = arith.addi %mul3A_205, %add3A_224 : i32
        %get3A_226 = arith.index_cast %add3A_225 : i32 to index
        %get3A_227 = arith.constant 0 : index
        %get3A_228 = tpu.vector_load %arg19[%get3A_226, %get3A_227] {strides = array<i32>} : memref<320x64xi32, #tpu.memory_space<vmem>>, vector<1x16xi32>,
        %get3A_229 = vector.shape_cast %get3A_228 : vector<1x16xi32> to vector<16xi32>
        %mul3A_230 = arith.muli %get3A_229, %broadcast_in_dim3A_173 : vector<16xi32>
        %bitcast_convert_type3A_231 = tpu.bitcast %mul3A_230 : vector<16xi32> -> vector<16xf32>
        %add3A_232 = arith.addf %add3A_220, %bitcast_convert_type3A_231 : vector<16xf32>
        %and3A_233 = arith.andi %get3A_229, %broadcast_in_dim3A_175 : vector<16xi32>
        %bitcast_convert_type3A_234 = tpu.bitcast %and3A_233 : vector<16xi32> -> vector<16xf32>
        %add3A_235 = arith.addf %add3A_223, %bitcast_convert_type3A_234 : vector<16xf32>
        %add3A_236 = arith.constant 3 : i32
        %add3A_237 = arith.addi %mul3A_205, %add3A_236 : i32
        %get3A_238 = arith.index_cast %add3A_237 : i32 to index
        %get3A_239 = arith.constant 0 : index
        %get3A_240 = tpu.vector_load %arg19[%get3A_238, %get3A_239] {strides = array<i32>} : memref<320x64xi32, #tpu.memory_space<vmem>>, vector<1x16xi32>,
        %get3A_241 = vector.shape_cast %get3A_240 : vector<1x16xi32> to vector<16xi32>
        %mul3A_242 = arith.muli %get3A_241, %broadcast_in_dim3A_173 : vector<16xi32>
        %bitcast_convert_type3A_243 = tpu.bitcast %mul3A_242 : vector<16xi32> -> vector<16xf32>
        %add3A_244 = arith.addf %add3A_232, %bitcast_convert_type3A_243 : vector<16xf32>
        %and3A_245 = arith.andi %get3A_241, %broadcast_in_dim3A_175 : vector<16xi32>
        %bitcast_convert_type3A_246 = tpu.bitcast %and3A_245 : vector<16xi32> -> vector<16xf32>
        %add3A_247 = arith.addf %add3A_235, %bitcast_convert_type3A_246 : vector<16xf32>
        %add3A_248 = arith.constant 4 : i32
        %add3A_249 = arith.addi %mul3A_205, %add3A_248 : i32
        %get3A_250 = arith.index_cast %add3A_249 : i32 to index
        %get3A_251 = arith.constant 0 : index
        %get3A_252 = tpu.vector_load %arg19[%get3A_250, %get3A_251] {strides = array<i32>} : memref<320x64xi32, #tpu.memory_space<vmem>>, vector<1x16xi32>,
        %get3A_253 = vector.shape_cast %get3A_252 : vector<1x16xi32> to vector<16xi32>
        %mul3A_254 = arith.muli %get3A_253, %broadcast_in_dim3A_173 : vector<16xi32>
        %bitcast_convert_type3A_255 = tpu.bitcast %mul3A_254 : vector<16xi32> -> vector<16xf32>
        %add3A_256 = arith.addf %add3A_244, %bitcast_convert_type3A_255 : vector<16xf32>
        %and3A_257 = arith.andi %get3A_253, %broadcast_in_dim3A_175 : vector<16xi32>
        %bitcast_convert_type3A_258 = tpu.bitcast %and3A_257 : vector<16xi32> -> vector<16xf32>
        %add3A_259 = arith.addf %add3A_247, %bitcast_convert_type3A_258 : vector<16xf32>
        %add3A_260 = arith.constant 5 : i32
        %add3A_261 = arith.addi %mul3A_205, %add3A_260 : i32
        %get3A_262 = arith.index_cast %add3A_261 : i32 to index
        %get3A_263 = arith.constant 0 : index
        %get3A_264 = tpu.vector_load %arg19[%get3A_262, %get3A_263] {strides = array<i32>} : memref<320x64xi32, #tpu.memory_space<vmem>>, vector<1x16xi32>,
        %get3A_265 = vector.shape_cast %get3A_264 : vector<1x16xi32> to vector<16xi32>
        %mul3A_266 = arith.muli %get3A_265, %broadcast_in_dim3A_173 : vector<16xi32>
        %bitcast_convert_type3A_267 = tpu.bitcast %mul3A_266 : vector<16xi32> -> vector<16xf32>
        %add3A_268 = arith.addf %add3A_256, %bitcast_convert_type3A_267 : vector<16xf32>
        %and3A_269 = arith.andi %get3A_265, %broadcast_in_dim3A_175 : vector<16xi32>
        %bitcast_convert_type3A_270 = tpu.bitcast %and3A_269 : vector<16xi32> -> vector<16xf32>
        %add3A_271 = arith.addf %add3A_259, %bitcast_convert_type3A_270 : vector<16xf32>
        %add3A_272 = arith.constant 6 : i32
        %add3A_273 = arith.addi %mul3A_205, %add3A_272 : i32
        %get3A_274 = arith.index_cast %add3A_273 : i32 to index
        %get3A_275 = arith.constant 0 : index
        %get3A_276 = tpu.vector_load %arg19[%get3A_274, %get3A_275] {strides = array<i32>} : memref<320x64xi32, #tpu.memory_space<vmem>>, vector<1x16xi32>,
        %get3A_277 = vector.shape_cast %get3A_276 : vector<1x16xi32> to vector<16xi32>
        %mul3A_278 = arith.muli %get3A_277, %broadcast_in_dim3A_173 : vector<16xi32>
        %bitcast_convert_type3A_279 = tpu.bitcast %mul3A_278 : vector<16xi32> -> vector<16xf32>
        %add3A_280 = arith.addf %add3A_268, %bitcast_convert_type3A_279 : vector<16xf32>
        %and3A_281 = arith.andi %get3A_277, %broadcast_in_dim3A_175 : vector<16xi32>
        %bitcast_convert_type3A_282 = tpu.bitcast %and3A_281 : vector<16xi32> -> vector<16xf32>
        %add3A_283 = arith.addf %add3A_271, %bitcast_convert_type3A_282 : vector<16xf32>
        %add3A_284 = arith.constant 7 : i32
        %add3A_285 = arith.addi %mul3A_205, %add3A_284 : i32
        %get3A_286 = arith.index_cast %add3A_285 : i32 to index
        %get3A_287 = arith.constant 0 : index
        %get3A_288 = tpu.vector_load %arg19[%get3A_286, %get3A_287] {strides = array<i32>} : memref<320x64xi32, #tpu.memory_space<vmem>>, vector<1x16xi32>,
        %get3A_289 = vector.shape_cast %get3A_288 : vector<1x16xi32> to vector<16xi32>
        %mul3A_290 = arith.muli %get3A_289, %broadcast_in_dim3A_173 : vector<16xi32>
        %bitcast_convert_type3A_291 = tpu.bitcast %mul3A_290 : vector<16xi32> -> vector<16xf32>
        %add3A_292 = arith.addf %add3A_280, %bitcast_convert_type3A_291 : vector<16xf32>
        %and3A_293 = arith.andi %get3A_289, %broadcast_in_dim3A_175 : vector<16xi32>
        %bitcast_convert_type3A_294 = tpu.bitcast %and3A_293 : vector<16xi32> -> vector<16xf32>
        %add3A_295 = arith.addf %add3A_283, %bitcast_convert_type3A_294 : vector<16xf32>
        %add3A_296 = arith.constant 8 : i32
        %add3A_297 = arith.addi %mul3A_205, %add3A_296 : i32
        %get3A_298 = arith.index_cast %add3A_297 : i32 to index
        %get3A_299 = arith.constant 0 : index
        %get3A_300 = tpu.vector_load %arg19[%get3A_298, %get3A_299] {strides = array<i32>} : memref<320x64xi32, #tpu.memory_space<vmem>>, vector<1x16xi32>,
        %get3A_301 = vector.shape_cast %get3A_300 : vector<1x16xi32> to vector<16xi32>
        %mul3A_302 = arith.muli %get3A_301, %broadcast_in_dim3A_173 : vector<16xi32>
        %bitcast_convert_type3A_303 = tpu.bitcast %mul3A_302 : vector<16xi32> -> vector<16xf32>
        %add3A_304 = arith.addf %add3A_292, %bitcast_convert_type3A_303 : vector<16xf32>
        %and3A_305 = arith.andi %get3A_301, %broadcast_in_dim3A_175 : vector<16xi32>
        %bitcast_convert_type3A_306 = tpu.bitcast %and3A_305 : vector<16xi32> -> vector<16xf32>
        %add3A_307 = arith.addf %add3A_295, %bitcast_convert_type3A_306 : vector<16xf32>
        %add3A_308 = arith.constant 9 : i32
        %add3A_309 = arith.addi %mul3A_205, %add3A_308 : i32
        %get3A_310 = arith.index_cast %add3A_309 : i32 to index
        %get3A_311 = arith.constant 0 : index
        %get3A_312 = tpu.vector_load %arg19[%get3A_310, %get3A_311] {strides = array<i32>} : memref<320x64xi32, #tpu.memory_space<vmem>>, vector<1x16xi32>,
        %get3A_313 = vector.shape_cast %get3A_312 : vector<1x16xi32> to vector<16xi32>
        %mul3A_314 = arith.muli %get3A_313, %broadcast_in_dim3A_173 : vector<16xi32>
        %bitcast_convert_type3A_315 = tpu.bitcast %mul3A_314 : vector<16xi32> -> vector<16xf32>
        %add3A_316 = arith.addf %add3A_304, %bitcast_convert_type3A_315 : vector<16xf32>
        %and3A_317 = arith.andi %get3A_313, %broadcast_in_dim3A_175 : vector<16xi32>
        %bitcast_convert_type3A_318 = tpu.bitcast %and3A_317 : vector<16xi32> -> vector<16xf32>
        %add3A_319 = arith.addf %add3A_307, %bitcast_convert_type3A_318 : vector<16xf32>
        %swap3A = arith.index_cast %scan3A_203 : i32 to index
        %swap3A_320 = arith.constant 0 : index
        %swap3A_321 = tpu.vector_load %arg22[%swap3A, %swap3A_320] {strides = array<i32>} : memref<32x128xf32, #tpu.memory_space<vmem>>, vector<1x16xf32>,
        %swap3A_322 = vector.shape_cast %swap3A_321 : vector<1x16xf32> to vector<16xf32>
        %swap3A_323 = vector.shape_cast %add3A_316 : vector<16xf32> to vector<1x16xf32>
        tpu.vector_store %arg22[%swap3A, %swap3A_320], %swap3A_323 {strides = array<i32>} : memref<32x128xf32, #tpu.memory_space<vmem>>, vector<1x16xf32>,
        %swap3A_324 = arith.index_cast %scan3A_203 : i32 to index
        %swap3A_325 = arith.constant 16 : index
        %swap3A_326 = tpu.vector_load %arg22[%swap3A_324, %swap3A_325] {strides = array<i32>} : memref<32x128xf32, #tpu.memory_space<vmem>>, vector<1x16xf32>,
        %swap3A_327 = vector.shape_cast %swap3A_326 : vector<1x16xf32> to vector<16xf32>
        %swap3A_328 = vector.shape_cast %add3A_319 : vector<16xf32> to vector<1x16xf32>
        tpu.vector_store %arg22[%swap3A_324, %swap3A_325], %swap3A_328 {strides = array<i32>} : memref<32x128xf32, #tpu.memory_space<vmem>>, vector<1x16xf32>,
        %get3A_329 = arith.index_cast %mul3A_205 : i32 to index
        %get3A_330 = arith.constant 16 : index
        %get3A_331 = tpu.vector_load %arg19[%get3A_329, %get3A_330] {strides = array<i32>} : memref<320x64xi32, #tpu.memory_space<vmem>>, vector<1x16xi32>,
        %get3A_332 = vector.shape_cast %get3A_331 : vector<1x16xi32> to vector<16xi32>
        %mul3A_333 = arith.muli %get3A_332, %broadcast_in_dim3A_173 : vector<16xi32>
        %bitcast_convert_type3A_334 = tpu.bitcast %mul3A_333 : vector<16xi32> -> vector<16xf32>
        %and3A_335 = arith.andi %get3A_332, %broadcast_in_dim3A_175 : vector<16xi32>
        %bitcast_convert_type3A_336 = tpu.bitcast %and3A_335 : vector<16xi32> -> vector<16xf32>
        %add3A_337 = arith.constant 1 : i32
        %add3A_338 = arith.addi %mul3A_205, %add3A_337 : i32
        %get3A_339 = arith.index_cast %add3A_338 : i32 to index
        %get3A_340 = arith.constant 16 : index
        %get3A_341 = tpu.vector_load %arg19[%get3A_339, %get3A_340] {strides = array<i32>} : memref<320x64xi32, #tpu.memory_space<vmem>>, vector<1x16xi32>,
        %get3A_342 = vector.shape_cast %get3A_341 : vector<1x16xi32> to vector<16xi32>
        %mul3A_343 = arith.muli %get3A_342, %broadcast_in_dim3A_173 : vector<16xi32>
        %bitcast_convert_type3A_344 = tpu.bitcast %mul3A_343 : vector<16xi32> -> vector<16xf32>
        %add3A_345 = arith.addf %bitcast_convert_type3A_334, %bitcast_convert_type3A_344 : vector<16xf32>
        %and3A_346 = arith.andi %get3A_342, %broadcast_in_dim3A_175 : vector<16xi32>
        %bitcast_convert_type3A_347 = tpu.bitcast %and3A_346 : vector<16xi32> -> vector<16xf32>
        %add3A_348 = arith.addf %bitcast_convert_type3A_336, %bitcast_convert_type3A_347 : vector<16xf32>
        %add3A_349 = arith.constant 2 : i32
        %add3A_350 = arith.addi %mul3A_205, %add3A_349 : i32
        %get3A_351 = arith.index_cast %add3A_350 : i32 to index
        %get3A_352 = arith.constant 16 : index
        %get3A_353 = tpu.vector_load %arg19[%get3A_351, %get3A_352] {strides = array<i32>} : memref<320x64xi32, #tpu.memory_space<vmem>>, vector<1x16xi32>,
        %get3A_354 = vector.shape_cast %get3A_353 : vector<1x16xi32> to vector<16xi32>
        %mul3A_355 = arith.muli %get3A_354, %broadcast_in_dim3A_173 : vector<16xi32>
        %bitcast_convert_type3A_356 = tpu.bitcast %mul3A_355 : vector<16xi32> -> vector<16xf32>
        %add3A_357 = arith.addf %add3A_345, %bitcast_convert_type3A_356 : vector<16xf32>
        %and3A_358 = arith.andi %get3A_354, %broadcast_in_dim3A_175 : vector<16xi32>
        %bitcast_convert_type3A_359 = tpu.bitcast %and3A_358 : vector<16xi32> -> vector<16xf32>
        %add3A_360 = arith.addf %add3A_348, %bitcast_convert_type3A_359 : vector<16xf32>
        %add3A_361 = arith.constant 3 : i32
        %add3A_362 = arith.addi %mul3A_205, %add3A_361 : i32
        %get3A_363 = arith.index_cast %add3A_362 : i32 to index
        %get3A_364 = arith.constant 16 : index
        %get3A_365 = tpu.vector_load %arg19[%get3A_363, %get3A_364] {strides = array<i32>} : memref<320x64xi32, #tpu.memory_space<vmem>>, vector<1x16xi32>,
        %get3A_366 = vector.shape_cast %get3A_365 : vector<1x16xi32> to vector<16xi32>
        %mul3A_367 = arith.muli %get3A_366, %broadcast_in_dim3A_173 : vector<16xi32>
        %bitcast_convert_type3A_368 = tpu.bitcast %mul3A_367 : vector<16xi32> -> vector<16xf32>
        %add3A_369 = arith.addf %add3A_357, %bitcast_convert_type3A_368 : vector<16xf32>
        %and3A_370 = arith.andi %get3A_366, %broadcast_in_dim3A_175 : vector<16xi32>
        %bitcast_convert_type3A_371 = tpu.bitcast %and3A_370 : vector<16xi32> -> vector<16xf32>
        %add3A_372 = arith.addf %add3A_360, %bitcast_convert_type3A_371 : vector<16xf32>
        %add3A_373 = arith.constant 4 : i32
        %add3A_374 = arith.addi %mul3A_205, %add3A_373 : i32
        %get3A_375 = arith.index_cast %add3A_374 : i32 to index
        %get3A_376 = arith.constant 16 : index
        %get3A_377 = tpu.vector_load %arg19[%get3A_375, %get3A_376] {strides = array<i32>} : memref<320x64xi32, #tpu.memory_space<vmem>>, vector<1x16xi32>,
        %get3A_378 = vector.shape_cast %get3A_377 : vector<1x16xi32> to vector<16xi32>
        %mul3A_379 = arith.muli %get3A_378, %broadcast_in_dim3A_173 : vector<16xi32>
        %bitcast_convert_type3A_380 = tpu.bitcast %mul3A_379 : vector<16xi32> -> vector<16xf32>
        %add3A_381 = arith.addf %add3A_369, %bitcast_convert_type3A_380 : vector<16xf32>
        %and3A_382 = arith.andi %get3A_378, %broadcast_in_dim3A_175 : vector<16xi32>
        %bitcast_convert_type3A_383 = tpu.bitcast %and3A_382 : vector<16xi32> -> vector<16xf32>
        %add3A_384 = arith.addf %add3A_372, %bitcast_convert_type3A_383 : vector<16xf32>
        %add3A_385 = arith.constant 5 : i32
        %add3A_386 = arith.addi %mul3A_205, %add3A_385 : i32
        %get3A_387 = arith.index_cast %add3A_386 : i32 to index
        %get3A_388 = arith.constant 16 : index
        %get3A_389 = tpu.vector_load %arg19[%get3A_387, %get3A_388] {strides = array<i32>} : memref<320x64xi32, #tpu.memory_space<vmem>>, vector<1x16xi32>,
        %get3A_390 = vector.shape_cast %get3A_389 : vector<1x16xi32> to vector<16xi32>
        %mul3A_391 = arith.muli %get3A_390, %broadcast_in_dim3A_173 : vector<16xi32>
        %bitcast_convert_type3A_392 = tpu.bitcast %mul3A_391 : vector<16xi32> -> vector<16xf32>
        %add3A_393 = arith.addf %add3A_381, %bitcast_convert_type3A_392 : vector<16xf32>
        %and3A_394 = arith.andi %get3A_390, %broadcast_in_dim3A_175 : vector<16xi32>
        %bitcast_convert_type3A_395 = tpu.bitcast %and3A_394 : vector<16xi32> -> vector<16xf32>
        %add3A_396 = arith.addf %add3A_384, %bitcast_convert_type3A_395 : vector<16xf32>
        %add3A_397 = arith.constant 6 : i32
        %add3A_398 = arith.addi %mul3A_205, %add3A_397 : i32
        %get3A_399 = arith.index_cast %add3A_398 : i32 to index
        %get3A_400 = arith.constant 16 : index
        %get3A_401 = tpu.vector_load %arg19[%get3A_399, %get3A_400] {strides = array<i32>} : memref<320x64xi32, #tpu.memory_space<vmem>>, vector<1x16xi32>,
        %get3A_402 = vector.shape_cast %get3A_401 : vector<1x16xi32> to vector<16xi32>
        %mul3A_403 = arith.muli %get3A_402, %broadcast_in_dim3A_173 : vector<16xi32>
        %bitcast_convert_type3A_404 = tpu.bitcast %mul3A_403 : vector<16xi32> -> vector<16xf32>
        %add3A_405 = arith.addf %add3A_393, %bitcast_convert_type3A_404 : vector<16xf32>
        %and3A_406 = arith.andi %get3A_402, %broadcast_in_dim3A_175 : vector<16xi32>
        %bitcast_convert_type3A_407 = tpu.bitcast %and3A_406 : vector<16xi32> -> vector<16xf32>
        %add3A_408 = arith.addf %add3A_396, %bitcast_convert_type3A_407 : vector<16xf32>
        %add3A_409 = arith.constant 7 : i32
        %add3A_410 = arith.addi %mul3A_205, %add3A_409 : i32
        %get3A_411 = arith.index_cast %add3A_410 : i32 to index
        %get3A_412 = arith.constant 16 : index
        %get3A_413 = tpu.vector_load %arg19[%get3A_411, %get3A_412] {strides = array<i32>} : memref<320x64xi32, #tpu.memory_space<vmem>>, vector<1x16xi32>,
        %get3A_414 = vector.shape_cast %get3A_413 : vector<1x16xi32> to vector<16xi32>
        %mul3A_415 = arith.muli %get3A_414, %broadcast_in_dim3A_173 : vector<16xi32>
        %bitcast_convert_type3A_416 = tpu.bitcast %mul3A_415 : vector<16xi32> -> vector<16xf32>
        %add3A_417 = arith.addf %add3A_405, %bitcast_convert_type3A_416 : vector<16xf32>
        %and3A_418 = arith.andi %get3A_414, %broadcast_in_dim3A_175 : vector<16xi32>
        %bitcast_convert_type3A_419 = tpu.bitcast %and3A_418 : vector<16xi32> -> vector<16xf32>
        %add3A_420 = arith.addf %add3A_408, %bitcast_convert_type3A_419 : vector<16xf32>
        %add3A_421 = arith.constant 8 : i32
        %add3A_422 = arith.addi %mul3A_205, %add3A_421 : i32
        %get3A_423 = arith.index_cast %add3A_422 : i32 to index
        %get3A_424 = arith.constant 16 : index
        %get3A_425 = tpu.vector_load %arg19[%get3A_423, %get3A_424] {strides = array<i32>} : memref<320x64xi32, #tpu.memory_space<vmem>>, vector<1x16xi32>,
        %get3A_426 = vector.shape_cast %get3A_425 : vector<1x16xi32> to vector<16xi32>
        %mul3A_427 = arith.muli %get3A_426, %broadcast_in_dim3A_173 : vector<16xi32>
        %bitcast_convert_type3A_428 = tpu.bitcast %mul3A_427 : vector<16xi32> -> vector<16xf32>
        %add3A_429 = arith.addf %add3A_417, %bitcast_convert_type3A_428 : vector<16xf32>
        %and3A_430 = arith.andi %get3A_426, %broadcast_in_dim3A_175 : vector<16xi32>
        %bitcast_convert_type3A_431 = tpu.bitcast %and3A_430 : vector<16xi32> -> vector<16xf32>
        %add3A_432 = arith.addf %add3A_420, %bitcast_convert_type3A_431 : vector<16xf32>
        %add3A_433 = arith.constant 9 : i32
        %add3A_434 = arith.addi %mul3A_205, %add3A_433 : i32
        %get3A_435 = arith.index_cast %add3A_434 : i32 to index
        %get3A_436 = arith.constant 16 : index
        %get3A_437 = tpu.vector_load %arg19[%get3A_435, %get3A_436] {strides = array<i32>} : memref<320x64xi32, #tpu.memory_space<vmem>>, vector<1x16xi32>,
        %get3A_438 = vector.shape_cast %get3A_437 : vector<1x16xi32> to vector<16xi32>
        %mul3A_439 = arith.muli %get3A_438, %broadcast_in_dim3A_173 : vector<16xi32>
        %bitcast_convert_type3A_440 = tpu.bitcast %mul3A_439 : vector<16xi32> -> vector<16xf32>
        %add3A_441 = arith.addf %add3A_429, %bitcast_convert_type3A_440 : vector<16xf32>
        %and3A_442 = arith.andi %get3A_438, %broadcast_in_dim3A_175 : vector<16xi32>
        %bitcast_convert_type3A_443 = tpu.bitcast %and3A_442 : vector<16xi32> -> vector<16xf32>
        %add3A_444 = arith.addf %add3A_432, %bitcast_convert_type3A_443 : vector<16xf32>
        %swap3A_445 = arith.index_cast %scan3A_203 : i32 to index
        %swap3A_446 = arith.constant 32 : index
        %swap3A_447 = tpu.vector_load %arg22[%swap3A_445, %swap3A_446] {strides = array<i32>} : memref<32x128xf32, #tpu.memory_space<vmem>>, vector<1x16xf32>,
        %swap3A_448 = vector.shape_cast %swap3A_447 : vector<1x16xf32> to vector<16xf32>
        %swap3A_449 = vector.shape_cast %add3A_441 : vector<16xf32> to vector<1x16xf32>
        tpu.vector_store %arg22[%swap3A_445, %swap3A_446], %swap3A_449 {strides = array<i32>} : memref<32x128xf32, #tpu.memory_space<vmem>>, vector<1x16xf32>,
        %swap3A_450 = arith.index_cast %scan3A_203 : i32 to index
        %swap3A_451 = arith.constant 48 : index
        %swap3A_452 = tpu.vector_load %arg22[%swap3A_450, %swap3A_451] {strides = array<i32>} : memref<32x128xf32, #tpu.memory_space<vmem>>, vector<1x16xf32>,
        %swap3A_453 = vector.shape_cast %swap3A_452 : vector<1x16xf32> to vector<16xf32>
        %swap3A_454 = vector.shape_cast %add3A_444 : vector<16xf32> to vector<1x16xf32>
        tpu.vector_store %arg22[%swap3A_450, %swap3A_451], %swap3A_454 {strides = array<i32>} : memref<32x128xf32, #tpu.memory_space<vmem>>, vector<1x16xf32>,
        %get3A_455 = arith.index_cast %mul3A_205 : i32 to index
        %get3A_456 = arith.constant 32 : index
        %get3A_457 = tpu.vector_load %arg19[%get3A_455, %get3A_456] {strides = array<i32>} : memref<320x64xi32, #tpu.memory_space<vmem>>, vector<1x16xi32>,
        %get3A_458 = vector.shape_cast %get3A_457 : vector<1x16xi32> to vector<16xi32>
        %mul3A_459 = arith.muli %get3A_458, %broadcast_in_dim3A_173 : vector<16xi32>
        %bitcast_convert_type3A_460 = tpu.bitcast %mul3A_459 : vector<16xi32> -> vector<16xf32>
        %and3A_461 = arith.andi %get3A_458, %broadcast_in_dim3A_175 : vector<16xi32>
        %bitcast_convert_type3A_462 = tpu.bitcast %and3A_461 : vector<16xi32> -> vector<16xf32>
        %add3A_463 = arith.constant 1 : i32
        %add3A_464 = arith.addi %mul3A_205, %add3A_463 : i32
        %get3A_465 = arith.index_cast %add3A_464 : i32 to index
        %get3A_466 = arith.constant 32 : index
        %get3A_467 = tpu.vector_load %arg19[%get3A_465, %get3A_466] {strides = array<i32>} : memref<320x64xi32, #tpu.memory_space<vmem>>, vector<1x16xi32>,
        %get3A_468 = vector.shape_cast %get3A_467 : vector<1x16xi32> to vector<16xi32>
        %mul3A_469 = arith.muli %get3A_468, %broadcast_in_dim3A_173 : vector<16xi32>
        %bitcast_convert_type3A_470 = tpu.bitcast %mul3A_469 : vector<16xi32> -> vector<16xf32>
        %add3A_471 = arith.addf %bitcast_convert_type3A_460, %bitcast_convert_type3A_470 : vector<16xf32>
        %and3A_472 = arith.andi %get3A_468, %broadcast_in_dim3A_175 : vector<16xi32>
        %bitcast_convert_type3A_473 = tpu.bitcast %and3A_472 : vector<16xi32> -> vector<16xf32>
        %add3A_474 = arith.addf %bitcast_convert_type3A_462, %bitcast_convert_type3A_473 : vector<16xf32>
        %add3A_475 = arith.constant 2 : i32
        %add3A_476 = arith.addi %mul3A_205, %add3A_475 : i32
        %get3A_477 = arith.index_cast %add3A_476 : i32 to index
        %get3A_478 = arith.constant 32 : index
        %get3A_479 = tpu.vector_load %arg19[%get3A_477, %get3A_478] {strides = array<i32>} : memref<320x64xi32, #tpu.memory_space<vmem>>, vector<1x16xi32>,
        %get3A_480 = vector.shape_cast %get3A_479 : vector<1x16xi32> to vector<16xi32>
        %mul3A_481 = arith.muli %get3A_480, %broadcast_in_dim3A_173 : vector<16xi32>
        %bitcast_convert_type3A_482 = tpu.bitcast %mul3A_481 : vector<16xi32> -> vector<16xf32>
        %add3A_483 = arith.addf %add3A_471, %bitcast_convert_type3A_482 : vector<16xf32>
        %and3A_484 = arith.andi %get3A_480, %broadcast_in_dim3A_175 : vector<16xi32>
        %bitcast_convert_type3A_485 = tpu.bitcast %and3A_484 : vector<16xi32> -> vector<16xf32>
        %add3A_486 = arith.addf %add3A_474, %bitcast_convert_type3A_485 : vector<16xf32>
        %add3A_487 = arith.constant 3 : i32
        %add3A_488 = arith.addi %mul3A_205, %add3A_487 : i32
        %get3A_489 = arith.index_cast %add3A_488 : i32 to index
        %get3A_490 = arith.constant 32 : index
        %get3A_491 = tpu.vector_load %arg19[%get3A_489, %get3A_490] {strides = array<i32>} : memref<320x64xi32, #tpu.memory_space<vmem>>, vector<1x16xi32>,
        %get3A_492 = vector.shape_cast %get3A_491 : vector<1x16xi32> to vector<16xi32>
        %mul3A_493 = arith.muli %get3A_492, %broadcast_in_dim3A_173 : vector<16xi32>
        %bitcast_convert_type3A_494 = tpu.bitcast %mul3A_493 : vector<16xi32> -> vector<16xf32>
        %add3A_495 = arith.addf %add3A_483, %bitcast_convert_type3A_494 : vector<16xf32>
        %and3A_496 = arith.andi %get3A_492, %broadcast_in_dim3A_175 : vector<16xi32>
        %bitcast_convert_type3A_497 = tpu.bitcast %and3A_496 : vector<16xi32> -> vector<16xf32>
        %add3A_498 = arith.addf %add3A_486, %bitcast_convert_type3A_497 : vector<16xf32>
        %add3A_499 = arith.constant 4 : i32
        %add3A_500 = arith.addi %mul3A_205, %add3A_499 : i32
        %get3A_501 = arith.index_cast %add3A_500 : i32 to index
        %get3A_502 = arith.constant 32 : index
        %get3A_503 = tpu.vector_load %arg19[%get3A_501, %get3A_502] {strides = array<i32>} : memref<320x64xi32, #tpu.memory_space<vmem>>, vector<1x16xi32>,
        %get3A_504 = vector.shape_cast %get3A_503 : vector<1x16xi32> to vector<16xi32>
        %mul3A_505 = arith.muli %get3A_504, %broadcast_in_dim3A_173 : vector<16xi32>
        %bitcast_convert_type3A_506 = tpu.bitcast %mul3A_505 : vector<16xi32> -> vector<16xf32>
        %add3A_507 = arith.addf %add3A_495, %bitcast_convert_type3A_506 : vector<16xf32>
        %and3A_508 = arith.andi %get3A_504, %broadcast_in_dim3A_175 : vector<16xi32>
        %bitcast_convert_type3A_509 = tpu.bitcast %and3A_508 : vector<16xi32> -> vector<16xf32>
        %add3A_510 = arith.addf %add3A_498, %bitcast_convert_type3A_509 : vector<16xf32>
        %add3A_511 = arith.constant 5 : i32
        %add3A_512 = arith.addi %mul3A_205, %add3A_511 : i32
        %get3A_513 = arith.index_cast %add3A_512 : i32 to index
        %get3A_514 = arith.constant 32 : index
        %get3A_515 = tpu.vector_load %arg19[%get3A_513, %get3A_514] {strides = array<i32>} : memref<320x64xi32, #tpu.memory_space<vmem>>, vector<1x16xi32>,
        %get3A_516 = vector.shape_cast %get3A_515 : vector<1x16xi32> to vector<16xi32>
        %mul3A_517 = arith.muli %get3A_516, %broadcast_in_dim3A_173 : vector<16xi32>
        %bitcast_convert_type3A_518 = tpu.bitcast %mul3A_517 : vector<16xi32> -> vector<16xf32>
        %add3A_519 = arith.addf %add3A_507, %bitcast_convert_type3A_518 : vector<16xf32>
        %and3A_520 = arith.andi %get3A_516, %broadcast_in_dim3A_175 : vector<16xi32>
        %bitcast_convert_type3A_521 = tpu.bitcast %and3A_520 : vector<16xi32> -> vector<16xf32>
        %add3A_522 = arith.addf %add3A_510, %bitcast_convert_type3A_521 : vector<16xf32>
        %add3A_523 = arith.constant 6 : i32
        %add3A_524 = arith.addi %mul3A_205, %add3A_523 : i32
        %get3A_525 = arith.index_cast %add3A_524 : i32 to index
        %get3A_526 = arith.constant 32 : index
        %get3A_527 = tpu.vector_load %arg19[%get3A_525, %get3A_526] {strides = array<i32>} : memref<320x64xi32, #tpu.memory_space<vmem>>, vector<1x16xi32>,
        %get3A_528 = vector.shape_cast %get3A_527 : vector<1x16xi32> to vector<16xi32>
        %mul3A_529 = arith.muli %get3A_528, %broadcast_in_dim3A_173 : vector<16xi32>
        %bitcast_convert_type3A_530 = tpu.bitcast %mul3A_529 : vector<16xi32> -> vector<16xf32>
        %add3A_531 = arith.addf %add3A_519, %bitcast_convert_type3A_530 : vector<16xf32>
        %and3A_532 = arith.andi %get3A_528, %broadcast_in_dim3A_175 : vector<16xi32>
        %bitcast_convert_type3A_533 = tpu.bitcast %and3A_532 : vector<16xi32> -> vector<16xf32>
        %add3A_534 = arith.addf %add3A_522, %bitcast_convert_type3A_533 : vector<16xf32>
        %add3A_535 = arith.constant 7 : i32
        %add3A_536 = arith.addi %mul3A_205, %add3A_535 : i32
        %get3A_537 = arith.index_cast %add3A_536 : i32 to index
        %get3A_538 = arith.constant 32 : index
        %get3A_539 = tpu.vector_load %arg19[%get3A_537, %get3A_538] {strides = array<i32>} : memref<320x64xi32, #tpu.memory_space<vmem>>, vector<1x16xi32>,
        %get3A_540 = vector.shape_cast %get3A_539 : vector<1x16xi32> to vector<16xi32>
        %mul3A_541 = arith.muli %get3A_540, %broadcast_in_dim3A_173 : vector<16xi32>
        %bitcast_convert_type3A_542 = tpu.bitcast %mul3A_541 : vector<16xi32> -> vector<16xf32>
        %add3A_543 = arith.addf %add3A_531, %bitcast_convert_type3A_542 : vector<16xf32>
        %and3A_544 = arith.andi %get3A_540, %broadcast_in_dim3A_175 : vector<16xi32>
        %bitcast_convert_type3A_545 = tpu.bitcast %and3A_544 : vector<16xi32> -> vector<16xf32>
        %add3A_546 = arith.addf %add3A_534, %bitcast_convert_type3A_545 : vector<16xf32>
        %add3A_547 = arith.constant 8 : i32
        %add3A_548 = arith.addi %mul3A_205, %add3A_547 : i32
        %get3A_549 = arith.index_cast %add3A_548 : i32 to index
        %get3A_550 = arith.constant 32 : index
        %get3A_551 = tpu.vector_load %arg19[%get3A_549, %get3A_550] {strides = array<i32>} : memref<320x64xi32, #tpu.memory_space<vmem>>, vector<1x16xi32>,
        %get3A_552 = vector.shape_cast %get3A_551 : vector<1x16xi32> to vector<16xi32>
        %mul3A_553 = arith.muli %get3A_552, %broadcast_in_dim3A_173 : vector<16xi32>
        %bitcast_convert_type3A_554 = tpu.bitcast %mul3A_553 : vector<16xi32> -> vector<16xf32>
        %add3A_555 = arith.addf %add3A_543, %bitcast_convert_type3A_554 : vector<16xf32>
        %and3A_556 = arith.andi %get3A_552, %broadcast_in_dim3A_175 : vector<16xi32>
        %bitcast_convert_type3A_557 = tpu.bitcast %and3A_556 : vector<16xi32> -> vector<16xf32>
        %add3A_558 = arith.addf %add3A_546, %bitcast_convert_type3A_557 : vector<16xf32>
        %add3A_559 = arith.constant 9 : i32
        %add3A_560 = arith.addi %mul3A_205, %add3A_559 : i32
        %get3A_561 = arith.index_cast %add3A_560 : i32 to index
        %get3A_562 = arith.constant 32 : index
        %get3A_563 = tpu.vector_load %arg19[%get3A_561, %get3A_562] {strides = array<i32>} : memref<320x64xi32, #tpu.memory_space<vmem>>, vector<1x16xi32>,
        %get3A_564 = vector.shape_cast %get3A_563 : vector<1x16xi32> to vector<16xi32>
        %mul3A_565 = arith.muli %get3A_564, %broadcast_in_dim3A_173 : vector<16xi32>
        %bitcast_convert_type3A_566 = tpu.bitcast %mul3A_565 : vector<16xi32> -> vector<16xf32>
        %add3A_567 = arith.addf %add3A_555, %bitcast_convert_type3A_566 : vector<16xf32>
        %and3A_568 = arith.andi %get3A_564, %broadcast_in_dim3A_175 : vector<16xi32>
        %bitcast_convert_type3A_569 = tpu.bitcast %and3A_568 : vector<16xi32> -> vector<16xf32>
        %add3A_570 = arith.addf %add3A_558, %bitcast_convert_type3A_569 : vector<16xf32>
        %swap3A_571 = arith.index_cast %scan3A_203 : i32 to index
        %swap3A_572 = arith.constant 64 : index
        %swap3A_573 = tpu.vector_load %arg22[%swap3A_571, %swap3A_572] {strides = array<i32>} : memref<32x128xf32, #tpu.memory_space<vmem>>, vector<1x16xf32>,
        %swap3A_574 = vector.shape_cast %swap3A_573 : vector<1x16xf32> to vector<16xf32>
        %swap3A_575 = vector.shape_cast %add3A_567 : vector<16xf32> to vector<1x16xf32>
        tpu.vector_store %arg22[%swap3A_571, %swap3A_572], %swap3A_575 {strides = array<i32>} : memref<32x128xf32, #tpu.memory_space<vmem>>, vector<1x16xf32>,
        %swap3A_576 = arith.index_cast %scan3A_203 : i32 to index
        %swap3A_577 = arith.constant 80 : index
        %swap3A_578 = tpu.vector_load %arg22[%swap3A_576, %swap3A_577] {strides = array<i32>} : memref<32x128xf32, #tpu.memory_space<vmem>>, vector<1x16xf32>,
        %swap3A_579 = vector.shape_cast %swap3A_578 : vector<1x16xf32> to vector<16xf32>
        %swap3A_580 = vector.shape_cast %add3A_570 : vector<16xf32> to vector<1x16xf32>
        tpu.vector_store %arg22[%swap3A_576, %swap3A_577], %swap3A_580 {strides = array<i32>} : memref<32x128xf32, #tpu.memory_space<vmem>>, vector<1x16xf32>,
        %get3A_581 = arith.index_cast %mul3A_205 : i32 to index
        %get3A_582 = arith.constant 48 : index
        %get3A_583 = tpu.vector_load %arg19[%get3A_581, %get3A_582] {strides = array<i32>} : memref<320x64xi32, #tpu.memory_space<vmem>>, vector<1x16xi32>,
        %get3A_584 = vector.shape_cast %get3A_583 : vector<1x16xi32> to vector<16xi32>
        %mul3A_585 = arith.muli %get3A_584, %broadcast_in_dim3A_173 : vector<16xi32>
        %bitcast_convert_type3A_586 = tpu.bitcast %mul3A_585 : vector<16xi32> -> vector<16xf32>
        %and3A_587 = arith.andi %get3A_584, %broadcast_in_dim3A_175 : vector<16xi32>
        %bitcast_convert_type3A_588 = tpu.bitcast %and3A_587 : vector<16xi32> -> vector<16xf32>
        %add3A_589 = arith.constant 1 : i32
        %add3A_590 = arith.addi %mul3A_205, %add3A_589 : i32
        %get3A_591 = arith.index_cast %add3A_590 : i32 to index
        %get3A_592 = arith.constant 48 : index
        %get3A_593 = tpu.vector_load %arg19[%get3A_591, %get3A_592] {strides = array<i32>} : memref<320x64xi32, #tpu.memory_space<vmem>>, vector<1x16xi32>,
        %get3A_594 = vector.shape_cast %get3A_593 : vector<1x16xi32> to vector<16xi32>
        %mul3A_595 = arith.muli %get3A_594, %broadcast_in_dim3A_173 : vector<16xi32>
        %bitcast_convert_type3A_596 = tpu.bitcast %mul3A_595 : vector<16xi32> -> vector<16xf32>
        %add3A_597 = arith.addf %bitcast_convert_type3A_586, %bitcast_convert_type3A_596 : vector<16xf32>
        %and3A_598 = arith.andi %get3A_594, %broadcast_in_dim3A_175 : vector<16xi32>
        %bitcast_convert_type3A_599 = tpu.bitcast %and3A_598 : vector<16xi32> -> vector<16xf32>
        %add3A_600 = arith.addf %bitcast_convert_type3A_588, %bitcast_convert_type3A_599 : vector<16xf32>
        %add3A_601 = arith.constant 2 : i32
        %add3A_602 = arith.addi %mul3A_205, %add3A_601 : i32
        %get3A_603 = arith.index_cast %add3A_602 : i32 to index
        %get3A_604 = arith.constant 48 : index
        %get3A_605 = tpu.vector_load %arg19[%get3A_603, %get3A_604] {strides = array<i32>} : memref<320x64xi32, #tpu.memory_space<vmem>>, vector<1x16xi32>,
        %get3A_606 = vector.shape_cast %get3A_605 : vector<1x16xi32> to vector<16xi32>
        %mul3A_607 = arith.muli %get3A_606, %broadcast_in_dim3A_173 : vector<16xi32>
        %bitcast_convert_type3A_608 = tpu.bitcast %mul3A_607 : vector<16xi32> -> vector<16xf32>
        %add3A_609 = arith.addf %add3A_597, %bitcast_convert_type3A_608 : vector<16xf32>
        %and3A_610 = arith.andi %get3A_606, %broadcast_in_dim3A_175 : vector<16xi32>
        %bitcast_convert_type3A_611 = tpu.bitcast %and3A_610 : vector<16xi32> -> vector<16xf32>
        %add3A_612 = arith.addf %add3A_600, %bitcast_convert_type3A_611 : vector<16xf32>
        %add3A_613 = arith.constant 3 : i32
        %add3A_614 = arith.addi %mul3A_205, %add3A_613 : i32
        %get3A_615 = arith.index_cast %add3A_614 : i32 to index
        %get3A_616 = arith.constant 48 : index
        %get3A_617 = tpu.vector_load %arg19[%get3A_615, %get3A_616] {strides = array<i32>} : memref<320x64xi32, #tpu.memory_space<vmem>>, vector<1x16xi32>,
        %get3A_618 = vector.shape_cast %get3A_617 : vector<1x16xi32> to vector<16xi32>
        %mul3A_619 = arith.muli %get3A_618, %broadcast_in_dim3A_173 : vector<16xi32>
        %bitcast_convert_type3A_620 = tpu.bitcast %mul3A_619 : vector<16xi32> -> vector<16xf32>
        %add3A_621 = arith.addf %add3A_609, %bitcast_convert_type3A_620 : vector<16xf32>
        %and3A_622 = arith.andi %get3A_618, %broadcast_in_dim3A_175 : vector<16xi32>
        %bitcast_convert_type3A_623 = tpu.bitcast %and3A_622 : vector<16xi32> -> vector<16xf32>
        %add3A_624 = arith.addf %add3A_612, %bitcast_convert_type3A_623 : vector<16xf32>
        %add3A_625 = arith.constant 4 : i32
        %add3A_626 = arith.addi %mul3A_205, %add3A_625 : i32
        %get3A_627 = arith.index_cast %add3A_626 : i32 to index
        %get3A_628 = arith.constant 48 : index
        %get3A_629 = tpu.vector_load %arg19[%get3A_627, %get3A_628] {strides = array<i32>} : memref<320x64xi32, #tpu.memory_space<vmem>>, vector<1x16xi32>,
        %get3A_630 = vector.shape_cast %get3A_629 : vector<1x16xi32> to vector<16xi32>
        %mul3A_631 = arith.muli %get3A_630, %broadcast_in_dim3A_173 : vector<16xi32>
        %bitcast_convert_type3A_632 = tpu.bitcast %mul3A_631 : vector<16xi32> -> vector<16xf32>
        %add3A_633 = arith.addf %add3A_621, %bitcast_convert_type3A_632 : vector<16xf32>
        %and3A_634 = arith.andi %get3A_630, %broadcast_in_dim3A_175 : vector<16xi32>
        %bitcast_convert_type3A_635 = tpu.bitcast %and3A_634 : vector<16xi32> -> vector<16xf32>
        %add3A_636 = arith.addf %add3A_624, %bitcast_convert_type3A_635 : vector<16xf32>
        %add3A_637 = arith.constant 5 : i32
        %add3A_638 = arith.addi %mul3A_205, %add3A_637 : i32
        %get3A_639 = arith.index_cast %add3A_638 : i32 to index
        %get3A_640 = arith.constant 48 : index
        %get3A_641 = tpu.vector_load %arg19[%get3A_639, %get3A_640] {strides = array<i32>} : memref<320x64xi32, #tpu.memory_space<vmem>>, vector<1x16xi32>,
        %get3A_642 = vector.shape_cast %get3A_641 : vector<1x16xi32> to vector<16xi32>
        %mul3A_643 = arith.muli %get3A_642, %broadcast_in_dim3A_173 : vector<16xi32>
        %bitcast_convert_type3A_644 = tpu.bitcast %mul3A_643 : vector<16xi32> -> vector<16xf32>
        %add3A_645 = arith.addf %add3A_633, %bitcast_convert_type3A_644 : vector<16xf32>
        %and3A_646 = arith.andi %get3A_642, %broadcast_in_dim3A_175 : vector<16xi32>
        %bitcast_convert_type3A_647 = tpu.bitcast %and3A_646 : vector<16xi32> -> vector<16xf32>
        %add3A_648 = arith.addf %add3A_636, %bitcast_convert_type3A_647 : vector<16xf32>
        %add3A_649 = arith.constant 6 : i32
        %add3A_650 = arith.addi %mul3A_205, %add3A_649 : i32
        %get3A_651 = arith.index_cast %add3A_650 : i32 to index
        %get3A_652 = arith.constant 48 : index
        %get3A_653 = tpu.vector_load %arg19[%get3A_651, %get3A_652] {strides = array<i32>} : memref<320x64xi32, #tpu.memory_space<vmem>>, vector<1x16xi32>,
        %get3A_654 = vector.shape_cast %get3A_653 : vector<1x16xi32> to vector<16xi32>
        %mul3A_655 = arith.muli %get3A_654, %broadcast_in_dim3A_173 : vector<16xi32>
        %bitcast_convert_type3A_656 = tpu.bitcast %mul3A_655 : vector<16xi32> -> vector<16xf32>
        %add3A_657 = arith.addf %add3A_645, %bitcast_convert_type3A_656 : vector<16xf32>
        %and3A_658 = arith.andi %get3A_654, %broadcast_in_dim3A_175 : vector<16xi32>
        %bitcast_convert_type3A_659 = tpu.bitcast %and3A_658 : vector<16xi32> -> vector<16xf32>
        %add3A_660 = arith.addf %add3A_648, %bitcast_convert_type3A_659 : vector<16xf32>
        %add3A_661 = arith.constant 7 : i32
        %add3A_662 = arith.addi %mul3A_205, %add3A_661 : i32
        %get3A_663 = arith.index_cast %add3A_662 : i32 to index
        %get3A_664 = arith.constant 48 : index
        %get3A_665 = tpu.vector_load %arg19[%get3A_663, %get3A_664] {strides = array<i32>} : memref<320x64xi32, #tpu.memory_space<vmem>>, vector<1x16xi32>,
        %get3A_666 = vector.shape_cast %get3A_665 : vector<1x16xi32> to vector<16xi32>
        %mul3A_667 = arith.muli %get3A_666, %broadcast_in_dim3A_173 : vector<16xi32>
        %bitcast_convert_type3A_668 = tpu.bitcast %mul3A_667 : vector<16xi32> -> vector<16xf32>
        %add3A_669 = arith.addf %add3A_657, %bitcast_convert_type3A_668 : vector<16xf32>
        %and3A_670 = arith.andi %get3A_666, %broadcast_in_dim3A_175 : vector<16xi32>
        %bitcast_convert_type3A_671 = tpu.bitcast %and3A_670 : vector<16xi32> -> vector<16xf32>
        %add3A_672 = arith.addf %add3A_660, %bitcast_convert_type3A_671 : vector<16xf32>
        %add3A_673 = arith.constant 8 : i32
        %add3A_674 = arith.addi %mul3A_205, %add3A_673 : i32
        %get3A_675 = arith.index_cast %add3A_674 : i32 to index
        %get3A_676 = arith.constant 48 : index
        %get3A_677 = tpu.vector_load %arg19[%get3A_675, %get3A_676] {strides = array<i32>} : memref<320x64xi32, #tpu.memory_space<vmem>>, vector<1x16xi32>,
        %get3A_678 = vector.shape_cast %get3A_677 : vector<1x16xi32> to vector<16xi32>
        %mul3A_679 = arith.muli %get3A_678, %broadcast_in_dim3A_173 : vector<16xi32>
        %bitcast_convert_type3A_680 = tpu.bitcast %mul3A_679 : vector<16xi32> -> vector<16xf32>
        %add3A_681 = arith.addf %add3A_669, %bitcast_convert_type3A_680 : vector<16xf32>
        %and3A_682 = arith.andi %get3A_678, %broadcast_in_dim3A_175 : vector<16xi32>
        %bitcast_convert_type3A_683 = tpu.bitcast %and3A_682 : vector<16xi32> -> vector<16xf32>
        %add3A_684 = arith.addf %add3A_672, %bitcast_convert_type3A_683 : vector<16xf32>
        %add3A_685 = arith.constant 9 : i32
        %add3A_686 = arith.addi %mul3A_205, %add3A_685 : i32
        %get3A_687 = arith.index_cast %add3A_686 : i32 to index
        %get3A_688 = arith.constant 48 : index
        %get3A_689 = tpu.vector_load %arg19[%get3A_687, %get3A_688] {strides = array<i32>} : memref<320x64xi32, #tpu.memory_space<vmem>>, vector<1x16xi32>,
        %get3A_690 = vector.shape_cast %get3A_689 : vector<1x16xi32> to vector<16xi32>
        %mul3A_691 = arith.muli %get3A_690, %broadcast_in_dim3A_173 : vector<16xi32>
        %bitcast_convert_type3A_692 = tpu.bitcast %mul3A_691 : vector<16xi32> -> vector<16xf32>
        %add3A_693 = arith.addf %add3A_681, %bitcast_convert_type3A_692 : vector<16xf32>
        %and3A_694 = arith.andi %get3A_690, %broadcast_in_dim3A_175 : vector<16xi32>
        %bitcast_convert_type3A_695 = tpu.bitcast %and3A_694 : vector<16xi32> -> vector<16xf32>
        %add3A_696 = arith.addf %add3A_684, %bitcast_convert_type3A_695 : vector<16xf32>
        %swap3A_697 = arith.index_cast %scan3A_203 : i32 to index
        %swap3A_698 = arith.constant 96 : index
        %swap3A_699 = tpu.vector_load %arg22[%swap3A_697, %swap3A_698] {strides = array<i32>} : memref<32x128xf32, #tpu.memory_space<vmem>>, vector<1x16xf32>,
        %swap3A_700 = vector.shape_cast %swap3A_699 : vector<1x16xf32> to vector<16xf32>
        %swap3A_701 = vector.shape_cast %add3A_693 : vector<16xf32> to vector<1x16xf32>
        tpu.vector_store %arg22[%swap3A_697, %swap3A_698], %swap3A_701 {strides = array<i32>} : memref<32x128xf32, #tpu.memory_space<vmem>>, vector<1x16xf32>,
        %swap3A_702 = arith.index_cast %scan3A_203 : i32 to index
        %swap3A_703 = arith.constant 112 : index
        %swap3A_704 = tpu.vector_load %arg22[%swap3A_702, %swap3A_703] {strides = array<i32>} : memref<32x128xf32, #tpu.memory_space<vmem>>, vector<1x16xf32>,
        %swap3A_705 = vector.shape_cast %swap3A_704 : vector<1x16xf32> to vector<16xf32>
        %swap3A_706 = vector.shape_cast %add3A_696 : vector<16xf32> to vector<1x16xf32>
        tpu.vector_store %arg22[%swap3A_702, %swap3A_703], %swap3A_706 {strides = array<i32>} : memref<32x128xf32, #tpu.memory_space<vmem>>, vector<1x16xf32>,
      }
      %scan3A_181 = arith.constant 32 : i32
      %dma_start3A_182 = arith.constant 0 : i32
      %dma_start3A_183 = tpu.memref_slice %arg12[%add3A_62, %dma_start3A_182] : memref<10240x128xf32, #tpu.memory_space<hbm>> -> memref<32x128xf32, #tpu.memory_space<hbm>>
      %dma_start3A_184 = arith.constant 0 : i32
      %dma_start3A_185 = tpu.memref_slice %arg12[%add3A_62, %dma_start3A_184] : memref<10240x128xf32, #tpu.memory_space<hbm>> -> memref<32x128xf32, #tpu.memory_space<hbm>>
      tpu.enqueue_dma source(%arg22 : memref<32x128xf32, #tpu.memory_space<vmem>>) target(%dma_start3A_185 : memref<32x128xf32, #tpu.memory_space<hbm>>) target_semaphore(%arg32 : memref<!tpu.dma_semaphore, #tpu.memory_space<semaphore_mem>>)
      %sub3A = arith.constant 1 : i32
      %sub3A_186 = arith.subi %select_n3A_8, %sub3A : i32
      %lt3A_187 = arith.cmpi slt, %while3A_59, %sub3A_186 : i32
      %convert_element_type3A_188 = arith.extui %lt3A_187 : i1 to i32
      %cond3A_189 = arith.constant 0 : i32
      %cond3A_190 = arith.cmpi ne, %convert_element_type3A_188, %cond3A_189 : i32
      scf.if %cond3A_190 {
        %add3A_203 = arith.constant 1 : i32
        %add3A_204 = arith.addi %while3A_59, %add3A_203 : i32
        %mul3A_205 = arith.constant 320 : i32
        %mul3A_206 = arith.muli %add3A_204, %mul3A_205 : i32
        %dma_start3A_207 = tpu.memref_slice %arg13[%mul3A_206] : memref<4480xi32, #tpu.memory_space<vmem>> -> memref<320xi32, #tpu.memory_space<vmem>>
        %dma_start3A_208 = arith.constant 0 : i32
        %dma_start3A_209 = arith.constant 0 : i32
        %dma_start3A_210 = tpu.memref_slice %arg6[%dma_start3A_208, %dma_start3A_209] : memref<100000x128xf32, #tpu.memory_space<hbm>> -> memref<100000x128xf32, #tpu.memory_space<hbm>>
        tpu.enqueue_indirect_dma source(%dma_start3A_210 : memref<100000x128xf32, #tpu.memory_space<hbm>>) target(%arg17 : memref<320x128xf32, #tpu.memory_space<vmem>>) offsets(%dma_start3A_207 : memref<320xi32, #tpu.memory_space<vmem>>) semaphore(%arg26 : memref<!tpu.dma_semaphore, #tpu.memory_space<semaphore_mem>>)
      } else {
      }
      %dma_wait3A_191 = arith.constant 0 : i32
      %dma_wait3A_192 = arith.constant 0 : i32
      %dma_wait3A_193 = tpu.memref_slice %arg6[%dma_wait3A_191, %dma_wait3A_192] : memref<100000x128xf32, #tpu.memory_space<hbm>> -> memref<32x128xf32, #tpu.memory_space<hbm>>
      %dma_wait3A_194 = arith.constant 0 : i32
      %dma_wait3A_195 = arith.constant 0 : i32
      %dma_wait3A_196 = tpu.memref_slice %arg6[%dma_wait3A_194, %dma_wait3A_195] : memref<100000x128xf32, #tpu.memory_space<hbm>> -> memref<32x128xf32, #tpu.memory_space<hbm>>
      tpu.wait_dma2 semaphore(%arg29 : memref<!tpu.dma_semaphore, #tpu.memory_space<semaphore_mem>>) src(%dma_wait3A_196 : memref<32x128xf32, #tpu.memory_space<hbm>>) dst(%arg23 : memref<32x128xf32, #tpu.memory_space<vmem>>)
      %convert_element_type3A_197 = arith.extui %eq3A_136 : i1 to i32
      %cond3A_198 = arith.constant 0 : i32
      %cond3A_199 = arith.cmpi ne, %convert_element_type3A_197, %cond3A_198 : i32
      scf.if %cond3A_199 {
        %dma_start3A_203 = arith.constant 0 : i32
        %dma_start3A_204 = tpu.memref_slice %arg9[%add3A_62, %dma_start3A_203] : memref<10240x128xf32, #tpu.memory_space<hbm>> -> memref<32x128xf32, #tpu.memory_space<hbm>>
        %dma_start3A_205 = arith.constant 0 : i32
        %dma_start3A_206 = tpu.memref_slice %arg9[%add3A_62, %dma_start3A_205] : memref<10240x128xf32, #tpu.memory_space<hbm>> -> memref<32x128xf32, #tpu.memory_space<hbm>>
        tpu.enqueue_dma source(%arg23 : memref<32x128xf32, #tpu.memory_space<vmem>>) target(%dma_start3A_206 : memref<32x128xf32, #tpu.memory_space<hbm>>) target_semaphore(%arg33 : memref<!tpu.dma_semaphore, #tpu.memory_space<semaphore_mem>>)
      } else {
      }
      %convert_element_type3A_200 = arith.extui %eq3A_154 : i1 to i32
      %cond3A_201 = arith.constant 0 : i32
      %cond3A_202 = arith.cmpi ne, %convert_element_type3A_200, %cond3A_201 : i32
      scf.if %cond3A_202 {
        %dma_start3A_203 = arith.constant 0 : i32
        %dma_start3A_204 = tpu.memref_slice %arg9[%add3A_62, %dma_start3A_203] : memref<10240x128xf32, #tpu.memory_space<hbm>> -> memref<32x128xf32, #tpu.memory_space<hbm>>
        %dma_start3A_205 = arith.constant 0 : i32
        %dma_start3A_206 = tpu.memref_slice %arg9[%add3A_62, %dma_start3A_205] : memref<10240x128xf32, #tpu.memory_space<hbm>> -> memref<32x128xf32, #tpu.memory_space<hbm>>
        tpu.enqueue_dma source(%arg24 : memref<32x128xf32, #tpu.memory_space<vmem>>) target(%dma_start3A_206 : memref<32x128xf32, #tpu.memory_space<hbm>>) target_semaphore(%arg33 : memref<!tpu.dma_semaphore, #tpu.memory_space<semaphore_mem>>)
      } else {
      }
    }
    %dma_wait3A = arith.constant 0 : i32
    %dma_wait3A_30 = arith.constant 0 : i32
    %dma_wait3A_31 = tpu.memref_slice %arg10[%dma_wait3A, %dma_wait3A_30] : memref<10240x128xf32, #tpu.memory_space<hbm>> -> memref<32x128xf32, #tpu.memory_space<hbm>>
    %dma_wait3A_32 = arith.constant 0 : i32
    %dma_wait3A_33 = arith.constant 0 : i32
    %dma_wait3A_34 = tpu.memref_slice %arg10[%dma_wait3A_32, %dma_wait3A_33] : memref<10240x128xf32, #tpu.memory_space<hbm>> -> memref<32x128xf32, #tpu.memory_space<hbm>>
    tpu.wait_dma2 semaphore(%arg30 : memref<!tpu.dma_semaphore, #tpu.memory_space<semaphore_mem>>) src(%arg20 : memref<32x128xf32, #tpu.memory_space<vmem>>) dst(%dma_wait3A_34 : memref<32x128xf32, #tpu.memory_space<hbm>>)
    %dma_wait3A_35 = arith.constant 0 : i32
    %dma_wait3A_36 = arith.constant 0 : i32
    %dma_wait3A_37 = tpu.memref_slice %arg11[%dma_wait3A_35, %dma_wait3A_36] : memref<10240x128xf32, #tpu.memory_space<hbm>> -> memref<32x128xf32, #tpu.memory_space<hbm>>
    %dma_wait3A_38 = arith.constant 0 : i32
    %dma_wait3A_39 = arith.constant 0 : i32
    %dma_wait3A_40 = tpu.memref_slice %arg11[%dma_wait3A_38, %dma_wait3A_39] : memref<10240x128xf32, #tpu.memory_space<hbm>> -> memref<32x128xf32, #tpu.memory_space<hbm>>
    tpu.wait_dma2 semaphore(%arg31 : memref<!tpu.dma_semaphore, #tpu.memory_space<semaphore_mem>>) src(%arg21 : memref<32x128xf32, #tpu.memory_space<vmem>>) dst(%dma_wait3A_40 : memref<32x128xf32, #tpu.memory_space<hbm>>)
    %dma_wait3A_41 = arith.constant 0 : i32
    %dma_wait3A_42 = arith.constant 0 : i32
    %dma_wait3A_43 = tpu.memref_slice %arg12[%dma_wait3A_41, %dma_wait3A_42] : memref<10240x128xf32, #tpu.memory_space<hbm>> -> memref<32x128xf32, #tpu.memory_space<hbm>>
    %dma_wait3A_44 = arith.constant 0 : i32
    %dma_wait3A_45 = arith.constant 0 : i32
    %dma_wait3A_46 = tpu.memref_slice %arg12[%dma_wait3A_44, %dma_wait3A_45] : memref<10240x128xf32, #tpu.memory_space<hbm>> -> memref<32x128xf32, #tpu.memory_space<hbm>>
    tpu.wait_dma2 semaphore(%arg32 : memref<!tpu.dma_semaphore, #tpu.memory_space<semaphore_mem>>) src(%arg22 : memref<32x128xf32, #tpu.memory_space<vmem>>) dst(%dma_wait3A_46 : memref<32x128xf32, #tpu.memory_space<hbm>>)
    %dma_wait3A_47 = arith.constant 0 : i32
    %dma_wait3A_48 = arith.constant 0 : i32
    %dma_wait3A_49 = tpu.memref_slice %arg9[%dma_wait3A_47, %dma_wait3A_48] : memref<10240x128xf32, #tpu.memory_space<hbm>> -> memref<32x128xf32, #tpu.memory_space<hbm>>
    %dma_wait3A_50 = arith.constant 0 : i32
    %dma_wait3A_51 = arith.constant 0 : i32
    %dma_wait3A_52 = tpu.memref_slice %arg9[%dma_wait3A_50, %dma_wait3A_51] : memref<10240x128xf32, #tpu.memory_space<hbm>> -> memref<32x128xf32, #tpu.memory_space<hbm>>
    tpu.wait_dma2 semaphore(%arg33 : memref<!tpu.dma_semaphore, #tpu.memory_space<semaphore_mem>>) src(%arg23 : memref<32x128xf32, #tpu.memory_space<vmem>>) dst(%dma_wait3A_52 : memref<32x128xf32, #tpu.memory_space<hbm>>)
    %dma_wait3A_53 = arith.constant 0 : i32
    %dma_wait3A_54 = arith.constant 0 : i32
    %dma_wait3A_55 = tpu.memref_slice %arg9[%dma_wait3A_53, %dma_wait3A_54] : memref<10240x128xf32, #tpu.memory_space<hbm>> -> memref<32x128xf32, #tpu.memory_space<hbm>>
    %dma_wait3A_56 = arith.constant 0 : i32
    %dma_wait3A_57 = arith.constant 0 : i32
    %dma_wait3A_58 = tpu.memref_slice %arg9[%dma_wait3A_56, %dma_wait3A_57] : memref<10240x128xf32, #tpu.memory_space<hbm>> -> memref<32x128xf32, #tpu.memory_space<hbm>>
    tpu.wait_dma2 semaphore(%arg33 : memref<!tpu.dma_semaphore, #tpu.memory_space<semaphore_mem>>) src(%arg24 : memref<32x128xf32, #tpu.memory_space<vmem>>) dst(%dma_wait3A_58 : memref<32x128xf32, #tpu.memory_space<hbm>>)
    return
  }
}

module attributes {stable_mosaic.version = 14 : i64} {
  func.func @_proj_body(%arg0: i32, %arg1: memref<2000x512xf32, #tpu.memory_space<vmem>>, %arg2: memref<512x128xf32, #tpu.memory_space<vmem>>, %arg3: memref<1x128xf32, #tpu.memory_space<vmem>>, %arg4: memref<2000x128xbf16, #tpu.memory_space<vmem>>) attributes {dimension_semantics = [#tpu.dimension_semantics<arbitrary>], iteration_bounds = array<i64: 5>, scalar_prefetch = 0 : i64, scratch_operands = 0 : i64, tpu.core_type = #tpu.core_type<tc>, window_params = [{transform_indices = @transform_0, window_bounds = array<i64: 2000, 512>}, {pipeline_mode = #tpu.pipeline_mode<synchronous>, transform_indices = @transform_1, window_bounds = array<i64: 512, 128>}, {pipeline_mode = #tpu.pipeline_mode<synchronous>, transform_indices = @transform_2, window_bounds = array<i64: 1, 128>}, {transform_indices = @transform_3, window_bounds = array<i64: 2000, 128>}]} {
    %get3A = arith.constant 0 : index
    %get3A_0 = arith.constant 0 : index
    %get3A_1 = vector.load %arg1[%get3A, %get3A_0] : memref<2000x512xf32, #tpu.memory_space<vmem>>, vector<2000x512xf32>
    %get3A_2 = arith.constant 0 : index
    %get3A_3 = arith.constant 0 : index
    %get3A_4 = vector.load %arg2[%get3A_2, %get3A_3] : memref<512x128xf32, #tpu.memory_space<vmem>>, vector<512x128xf32>
    %dot_general3A = arith.constant dense<0.000000e+00> : vector<2000x128xf32>
    %dot_general3A_5 = tpu.matmul %get3A_1, %get3A_4, %dot_general3A {dimension_numbers = #tpu.dot_dimension_numbers<[1], [0], [0], [1], [0, 0, 1, 1], [], []>, transpose_lhs_hint = false} : vector<2000x512xf32>, vector<512x128xf32>, vector<2000x128xf32> -> vector<2000x128xf32>
    %get3A_6 = arith.constant 0 : index
    %get3A_7 = arith.constant 0 : index
    %get3A_8 = vector.load %arg3[%get3A_6, %get3A_7] : memref<1x128xf32, #tpu.memory_space<vmem>>, vector<1x128xf32>
    %add3A = vector.broadcast %get3A_8 : vector<1x128xf32> to vector<2000x128xf32>
    %add3A_9 = arith.addf %dot_general3A_5, %add3A : vector<2000x128xf32>
    %convert_element_type3A = arith.truncf %add3A_9 : vector<2000x128xf32> to vector<2000x128xbf16>
    %swap3A = arith.constant 0 : index
    %swap3A_10 = arith.constant 0 : index
    %swap3A_11 = vector.load %arg4[%swap3A, %swap3A_10] : memref<2000x128xbf16, #tpu.memory_space<vmem>>, vector<2000x128xbf16>
    tpu.vector_store %arg4[%swap3A, %swap3A_10], %convert_element_type3A {strides = array<i32>} : memref<2000x128xbf16, #tpu.memory_space<vmem>>, vector<2000x128xbf16>,
    return
  }
  func.func @transform_0(%arg0: i32) -> (i32, i32) {
    %c0_i32 = arith.constant 0 : i32
    %c0_i32_0 = arith.constant 0 : i32
    return %arg0, %c0_i32 : i32, i32
  }
  func.func @transform_1(%arg0: i32) -> (i32, i32) {
    %c0_i32 = arith.constant 0 : i32
    %c0_i32_0 = arith.constant 0 : i32
    %c0_i32_1 = arith.constant 0 : i32
    return %c0_i32, %c0_i32_0 : i32, i32
  }
  func.func @transform_2(%arg0: i32) -> (i32, i32) {
    %c0_i32 = arith.constant 0 : i32
    %c0_i32_0 = arith.constant 0 : i32
    %c0_i32_1 = arith.constant 0 : i32
    return %c0_i32, %c0_i32_0 : i32, i32
  }
  func.func @transform_3(%arg0: i32) -> (i32, i32) {
    %c0_i32 = arith.constant 0 : i32
    %c0_i32_0 = arith.constant 0 : i32
    return %arg0, %c0_i32 : i32, i32
  }
}

module attributes {stable_mosaic.version = 14 : i64} {
  func.func @_att_body(%arg0: i32, %arg1: memref<1000x128xf32, #tpu.memory_space<vmem>>, %arg2: memref<1000x128xf32, #tpu.memory_space<vmem>>, %arg3: memref<1000x128xf32, #tpu.memory_space<vmem>>, %arg4: memref<1000x128xf32, #tpu.memory_space<vmem>>, %arg5: memref<128x128xf32, #tpu.memory_space<vmem>>, %arg6: memref<128x128xf32, #tpu.memory_space<vmem>>, %arg7: memref<1x128xf32, #tpu.memory_space<vmem>>, %arg8: memref<2x128xf32, #tpu.memory_space<vmem>>, %arg9: memref<1000x128xf32, #tpu.memory_space<vmem>>) attributes {dimension_semantics = [#tpu.dimension_semantics<arbitrary>], iteration_bounds = array<i64: 10>, scalar_prefetch = 0 : i64, scratch_operands = 0 : i64, tpu.core_type = #tpu.core_type<tc>, window_params = [{transform_indices = @transform_0, window_bounds = array<i64: 1000, 128>}, {transform_indices = @transform_1, window_bounds = array<i64: 1000, 128>}, {transform_indices = @transform_2, window_bounds = array<i64: 1000, 128>}, {transform_indices = @transform_3, window_bounds = array<i64: 1000, 128>}, {pipeline_mode = #tpu.pipeline_mode<synchronous>, transform_indices = @transform_4, window_bounds = array<i64: 128, 128>}, {pipeline_mode = #tpu.pipeline_mode<synchronous>, transform_indices = @transform_5, window_bounds = array<i64: 128, 128>}, {pipeline_mode = #tpu.pipeline_mode<synchronous>, transform_indices = @transform_6, window_bounds = array<i64: 1, 128>}, {pipeline_mode = #tpu.pipeline_mode<synchronous>, transform_indices = @transform_7, window_bounds = array<i64: 2, 128>}, {transform_indices = @transform_8, window_bounds = array<i64: 1000, 128>}]} {
    %get3A = arith.constant 0 : index
    %get3A_0 = arith.constant 0 : index
    %get3A_1 = vector.load %arg1[%get3A, %get3A_0] : memref<1000x128xf32, #tpu.memory_space<vmem>>, vector<1000x128xf32>
    %get3A_2 = arith.constant 0 : index
    %get3A_3 = arith.constant 0 : index
    %get3A_4 = vector.load %arg5[%get3A_2, %get3A_3] : memref<128x128xf32, #tpu.memory_space<vmem>>, vector<128x128xf32>
    %dot_general3A = arith.constant dense<0.000000e+00> : vector<1000x128xf32>
    %dot_general3A_5 = tpu.matmul %get3A_1, %get3A_4, %dot_general3A {dimension_numbers = #tpu.dot_dimension_numbers<[1], [0], [0], [1], [0, 0, 1, 1], [], []>, transpose_lhs_hint = false} : vector<1000x128xf32>, vector<128x128xf32>, vector<1000x128xf32> -> vector<1000x128xf32>
    %get3A_6 = arith.constant 0 : index
    %get3A_7 = arith.constant 0 : index
    %get3A_8 = vector.load %arg7[%get3A_6, %get3A_7] : memref<1x128xf32, #tpu.memory_space<vmem>>, vector<1x128xf32>
    %add3A = vector.broadcast %get3A_8 : vector<1x128xf32> to vector<1000x128xf32>
    %add3A_9 = arith.addf %dot_general3A_5, %add3A : vector<1000x128xf32>
    %get3A_10 = arith.constant 0 : index
    %get3A_11 = arith.constant 0 : index
    %get3A_12 = vector.load %arg2[%get3A_10, %get3A_11] : memref<1000x128xf32, #tpu.memory_space<vmem>>, vector<1000x128xf32>
    %mul3A = arith.constant 1.000000e-01 : f32
    %mul3A_13 = vector.broadcast %mul3A : f32 to vector<1000x128xf32>
    %mul3A_14 = arith.mulf %get3A_12, %mul3A_13 : vector<1000x128xf32>
    %get3A_15 = arith.constant 0 : index
    %get3A_16 = arith.constant 0 : index
    %get3A_17 = vector.load %arg5[%get3A_15, %get3A_16] : memref<128x128xf32, #tpu.memory_space<vmem>>, vector<128x128xf32>
    %dot_general3A_18 = arith.constant dense<0.000000e+00> : vector<1000x128xf32>
    %dot_general3A_19 = tpu.matmul %mul3A_14, %get3A_17, %dot_general3A_18 {dimension_numbers = #tpu.dot_dimension_numbers<[1], [0], [0], [1], [0, 0, 1, 1], [], []>, transpose_lhs_hint = false} : vector<1000x128xf32>, vector<128x128xf32>, vector<1000x128xf32> -> vector<1000x128xf32>
    %get3A_20 = arith.constant 0 : index
    %get3A_21 = arith.constant 0 : index
    %get3A_22 = vector.load %arg7[%get3A_20, %get3A_21] : memref<1x128xf32, #tpu.memory_space<vmem>>, vector<1x128xf32>
    %add3A_23 = vector.broadcast %get3A_22 : vector<1x128xf32> to vector<1000x128xf32>
    %add3A_24 = arith.addf %dot_general3A_19, %add3A_23 : vector<1000x128xf32>
    %get3A_25 = arith.constant 0 : index
    %get3A_26 = arith.constant 0 : index
    %get3A_27 = vector.load %arg3[%get3A_25, %get3A_26] : memref<1000x128xf32, #tpu.memory_space<vmem>>, vector<1000x128xf32>
    %mul3A_28 = arith.constant 1.000000e-01 : f32
    %mul3A_29 = vector.broadcast %mul3A_28 : f32 to vector<1000x128xf32>
    %mul3A_30 = arith.mulf %get3A_27, %mul3A_29 : vector<1000x128xf32>
    %get3A_31 = arith.constant 0 : index
    %get3A_32 = arith.constant 0 : index
    %get3A_33 = vector.load %arg6[%get3A_31, %get3A_32] : memref<128x128xf32, #tpu.memory_space<vmem>>, vector<128x128xf32>
    %dot_general3A_34 = arith.constant dense<0.000000e+00> : vector<1000x128xf32>
    %dot_general3A_35 = tpu.matmul %mul3A_30, %get3A_33, %dot_general3A_34 {dimension_numbers = #tpu.dot_dimension_numbers<[1], [0], [0], [1], [0, 0, 1, 1], [], []>, transpose_lhs_hint = false} : vector<1000x128xf32>, vector<128x128xf32>, vector<1000x128xf32> -> vector<1000x128xf32>
    %get3A_36 = arith.constant 0 : index
    %get3A_37 = arith.constant 0 : index
    %get3A_38 = vector.load %arg4[%get3A_36, %get3A_37] : memref<1000x128xf32, #tpu.memory_space<vmem>>, vector<1000x128xf32>
    %mul3A_39 = arith.constant 1.000000e-01 : f32
    %mul3A_40 = vector.broadcast %mul3A_39 : f32 to vector<1000x128xf32>
    %mul3A_41 = arith.mulf %get3A_38, %mul3A_40 : vector<1000x128xf32>
    %get3A_42 = arith.constant 0 : index
    %get3A_43 = arith.constant 0 : index
    %get3A_44 = vector.load %arg6[%get3A_42, %get3A_43] : memref<128x128xf32, #tpu.memory_space<vmem>>, vector<128x128xf32>
    %dot_general3A_45 = arith.constant dense<0.000000e+00> : vector<1000x128xf32>
    %dot_general3A_46 = tpu.matmul %mul3A_41, %get3A_44, %dot_general3A_45 {dimension_numbers = #tpu.dot_dimension_numbers<[1], [0], [0], [1], [0, 0, 1, 1], [], []>, transpose_lhs_hint = false} : vector<1000x128xf32>, vector<128x128xf32>, vector<1000x128xf32> -> vector<1000x128xf32>
    %get3A_47 = arith.constant 0 : index
    %get3A_48 = arith.constant 0 : index
    %get3A_49 = vector.load %arg8[%get3A_47, %get3A_48] : memref<2x128xf32, #tpu.memory_space<vmem>>, vector<1x128xf32>
    %get3A_50 = arith.constant 1 : index
    %get3A_51 = arith.constant 0 : index
    %get3A_52 = vector.load %arg8[%get3A_50, %get3A_51] : memref<2x128xf32, #tpu.memory_space<vmem>>, vector<1x128xf32>
    %mul3A_53 = vector.broadcast %get3A_49 : vector<1x128xf32> to vector<1000x128xf32>
    %mul3A_54 = arith.mulf %add3A_9, %mul3A_53 : vector<1000x128xf32>
    %reduce_sum3A = arith.constant dense<0.000000e+00> : vector<1000xf32>
    %reduce_sum3A_55 = vector.multi_reduction <add>, %mul3A_54, %reduce_sum3A [1] : vector<1000x128xf32> to vector<1000xf32>
    %broadcast_in_dim3A = vector.shape_cast %reduce_sum3A_55 : vector<1000xf32> to vector<1000x1xf32>
    %mul3A_56 = vector.broadcast %get3A_52 : vector<1x128xf32> to vector<1000x128xf32>
    %mul3A_57 = arith.mulf %add3A_9, %mul3A_56 : vector<1000x128xf32>
    %reduce_sum3A_58 = arith.constant dense<0.000000e+00> : vector<1000xf32>
    %reduce_sum3A_59 = vector.multi_reduction <add>, %mul3A_57, %reduce_sum3A_58 [1] : vector<1000x128xf32> to vector<1000xf32>
    %broadcast_in_dim3A_60 = vector.shape_cast %reduce_sum3A_59 : vector<1000xf32> to vector<1000x1xf32>
    %add3A_61 = arith.addf %broadcast_in_dim3A, %broadcast_in_dim3A_60 : vector<1000x1xf32>
    %ge3A = arith.constant 0.000000e+00 : f32
    %ge3A_62 = vector.broadcast %ge3A : f32 to vector<1000x1xf32>
    %ge3A_63 = arith.cmpf oge, %add3A_61, %ge3A_62 : vector<1000x1xf32>
    %mul3A_64 = arith.constant 0.00999999977 : f32
    %mul3A_65 = vector.broadcast %mul3A_64 : f32 to vector<1000x1xf32>
    %mul3A_66 = arith.mulf %mul3A_65, %add3A_61 : vector<1000x1xf32>
    %select_n3A = arith.select %ge3A_63, %add3A_61, %mul3A_66 : vector<1000x1xi1>, vector<1000x1xf32>
    %mul3A_67 = vector.broadcast %get3A_52 : vector<1x128xf32> to vector<1000x128xf32>
    %mul3A_68 = arith.mulf %dot_general3A_46, %mul3A_67 : vector<1000x128xf32>
    %reduce_sum3A_69 = arith.constant dense<0.000000e+00> : vector<1000xf32>
    %reduce_sum3A_70 = vector.multi_reduction <add>, %mul3A_68, %reduce_sum3A_69 [1] : vector<1000x128xf32> to vector<1000xf32>
    %broadcast_in_dim3A_71 = vector.shape_cast %reduce_sum3A_70 : vector<1000xf32> to vector<1000x1xf32>
    %add3A_72 = arith.addf %broadcast_in_dim3A, %broadcast_in_dim3A_71 : vector<1000x1xf32>
    %ge3A_73 = arith.constant 0.000000e+00 : f32
    %ge3A_74 = vector.broadcast %ge3A_73 : f32 to vector<1000x1xf32>
    %ge3A_75 = arith.cmpf oge, %add3A_72, %ge3A_74 : vector<1000x1xf32>
    %mul3A_76 = arith.constant 0.00999999977 : f32
    %mul3A_77 = vector.broadcast %mul3A_76 : f32 to vector<1000x1xf32>
    %mul3A_78 = arith.mulf %mul3A_77, %add3A_72 : vector<1000x1xf32>
    %select_n3A_79 = arith.select %ge3A_75, %add3A_72, %mul3A_78 : vector<1000x1xi1>, vector<1000x1xf32>
    %mul3A_80 = vector.broadcast %get3A_52 : vector<1x128xf32> to vector<1000x128xf32>
    %mul3A_81 = arith.mulf %dot_general3A_35, %mul3A_80 : vector<1000x128xf32>
    %reduce_sum3A_82 = arith.constant dense<0.000000e+00> : vector<1000xf32>
    %reduce_sum3A_83 = vector.multi_reduction <add>, %mul3A_81, %reduce_sum3A_82 [1] : vector<1000x128xf32> to vector<1000xf32>
    %broadcast_in_dim3A_84 = vector.shape_cast %reduce_sum3A_83 : vector<1000xf32> to vector<1000x1xf32>
    %add3A_85 = arith.addf %broadcast_in_dim3A, %broadcast_in_dim3A_84 : vector<1000x1xf32>
    %ge3A_86 = arith.constant 0.000000e+00 : f32
    %ge3A_87 = vector.broadcast %ge3A_86 : f32 to vector<1000x1xf32>
    %ge3A_88 = arith.cmpf oge, %add3A_85, %ge3A_87 : vector<1000x1xf32>
    %mul3A_89 = arith.constant 0.00999999977 : f32
    %mul3A_90 = vector.broadcast %mul3A_89 : f32 to vector<1000x1xf32>
    %mul3A_91 = arith.mulf %mul3A_90, %add3A_85 : vector<1000x1xf32>
    %select_n3A_92 = arith.select %ge3A_88, %add3A_85, %mul3A_91 : vector<1000x1xi1>, vector<1000x1xf32>
    %mul3A_93 = vector.broadcast %get3A_52 : vector<1x128xf32> to vector<1000x128xf32>
    %mul3A_94 = arith.mulf %add3A_24, %mul3A_93 : vector<1000x128xf32>
    %reduce_sum3A_95 = arith.constant dense<0.000000e+00> : vector<1000xf32>
    %reduce_sum3A_96 = vector.multi_reduction <add>, %mul3A_94, %reduce_sum3A_95 [1] : vector<1000x128xf32> to vector<1000xf32>
    %broadcast_in_dim3A_97 = vector.shape_cast %reduce_sum3A_96 : vector<1000xf32> to vector<1000x1xf32>
    %add3A_98 = arith.addf %broadcast_in_dim3A, %broadcast_in_dim3A_97 : vector<1000x1xf32>
    %ge3A_99 = arith.constant 0.000000e+00 : f32
    %ge3A_100 = vector.broadcast %ge3A_99 : f32 to vector<1000x1xf32>
    %ge3A_101 = arith.cmpf oge, %add3A_98, %ge3A_100 : vector<1000x1xf32>
    %mul3A_102 = arith.constant 0.00999999977 : f32
    %mul3A_103 = vector.broadcast %mul3A_102 : f32 to vector<1000x1xf32>
    %mul3A_104 = arith.mulf %mul3A_103, %add3A_98 : vector<1000x1xf32>
    %select_n3A_105 = arith.select %ge3A_101, %add3A_98, %mul3A_104 : vector<1000x1xi1>, vector<1000x1xf32>
    %max3A = arith.maximumf %select_n3A, %select_n3A_79 : vector<1000x1xf32>
    %max3A_106 = arith.maximumf %select_n3A_92, %select_n3A_105 : vector<1000x1xf32>
    %max3A_107 = arith.maximumf %max3A, %max3A_106 : vector<1000x1xf32>
    %sub3A = arith.subf %select_n3A, %max3A_107 : vector<1000x1xf32>
    %exp3A = math.exp %sub3A : vector<1000x1xf32>
    %sub3A_108 = arith.subf %select_n3A_79, %max3A_107 : vector<1000x1xf32>
    %exp3A_109 = math.exp %sub3A_108 : vector<1000x1xf32>
    %sub3A_110 = arith.subf %select_n3A_92, %max3A_107 : vector<1000x1xf32>
    %exp3A_111 = math.exp %sub3A_110 : vector<1000x1xf32>
    %sub3A_112 = arith.subf %select_n3A_105, %max3A_107 : vector<1000x1xf32>
    %exp3A_113 = math.exp %sub3A_112 : vector<1000x1xf32>
    %add3A_114 = arith.addf %exp3A, %exp3A_109 : vector<1000x1xf32>
    %add3A_115 = arith.addf %add3A_114, %exp3A_111 : vector<1000x1xf32>
    %add3A_116 = arith.addf %add3A_115, %exp3A_113 : vector<1000x1xf32>
    %mul3A_117 = vector.broadcast %exp3A : vector<1000x1xf32> to vector<1000x128xf32>
    %mul3A_118 = arith.mulf %mul3A_117, %add3A_9 : vector<1000x128xf32>
    %mul3A_119 = vector.broadcast %exp3A_109 : vector<1000x1xf32> to vector<1000x128xf32>
    %mul3A_120 = arith.mulf %mul3A_119, %dot_general3A_46 : vector<1000x128xf32>
    %add3A_121 = arith.addf %mul3A_118, %mul3A_120 : vector<1000x128xf32>
    %mul3A_122 = vector.broadcast %exp3A_111 : vector<1000x1xf32> to vector<1000x128xf32>
    %mul3A_123 = arith.mulf %mul3A_122, %dot_general3A_35 : vector<1000x128xf32>
    %add3A_124 = arith.addf %add3A_121, %mul3A_123 : vector<1000x128xf32>
    %mul3A_125 = vector.broadcast %exp3A_113 : vector<1000x1xf32> to vector<1000x128xf32>
    %mul3A_126 = arith.mulf %mul3A_125, %add3A_24 : vector<1000x128xf32>
    %add3A_127 = arith.addf %add3A_124, %mul3A_126 : vector<1000x128xf32>
    %div3A = vector.broadcast %add3A_116 : vector<1000x1xf32> to vector<1000x128xf32>
    %div3A_128 = arith.divf %add3A_127, %div3A : vector<1000x128xf32>
    %swap3A = arith.constant 0 : index
    %swap3A_129 = arith.constant 0 : index
    %swap3A_130 = vector.load %arg9[%swap3A, %swap3A_129] : memref<1000x128xf32, #tpu.memory_space<vmem>>, vector<1000x128xf32>
    tpu.vector_store %arg9[%swap3A, %swap3A_129], %div3A_128 {strides = array<i32>} : memref<1000x128xf32, #tpu.memory_space<vmem>>, vector<1000x128xf32>,
    return
  }
  func.func @transform_0(%arg0: i32) -> (i32, i32) {
    %c0_i32 = arith.constant 0 : i32
    %c0_i32_0 = arith.constant 0 : i32
    return %arg0, %c0_i32 : i32, i32
  }
  func.func @transform_1(%arg0: i32) -> (i32, i32) {
    %c0_i32 = arith.constant 0 : i32
    %c0_i32_0 = arith.constant 0 : i32
    return %arg0, %c0_i32 : i32, i32
  }
  func.func @transform_2(%arg0: i32) -> (i32, i32) {
    %c0_i32 = arith.constant 0 : i32
    %c0_i32_0 = arith.constant 0 : i32
    return %arg0, %c0_i32 : i32, i32
  }
  func.func @transform_3(%arg0: i32) -> (i32, i32) {
    %c0_i32 = arith.constant 0 : i32
    %c0_i32_0 = arith.constant 0 : i32
    return %arg0, %c0_i32 : i32, i32
  }
  func.func @transform_4(%arg0: i32) -> (i32, i32) {
    %c0_i32 = arith.constant 0 : i32
    %c0_i32_0 = arith.constant 0 : i32
    %c0_i32_1 = arith.constant 0 : i32
    return %c0_i32, %c0_i32_0 : i32, i32
  }
  func.func @transform_5(%arg0: i32) -> (i32, i32) {
    %c0_i32 = arith.constant 0 : i32
    %c0_i32_0 = arith.constant 0 : i32
    %c0_i32_1 = arith.constant 0 : i32
    return %c0_i32, %c0_i32_0 : i32, i32
  }
  func.func @transform_6(%arg0: i32) -> (i32, i32) {
    %c0_i32 = arith.constant 0 : i32
    %c0_i32_0 = arith.constant 0 : i32
    %c0_i32_1 = arith.constant 0 : i32
    return %c0_i32, %c0_i32_0 : i32, i32
  }
  func.func @transform_7(%arg0: i32) -> (i32, i32) {
    %c0_i32 = arith.constant 0 : i32
    %c0_i32_0 = arith.constant 0 : i32
    %c0_i32_1 = arith.constant 0 : i32
    return %c0_i32, %c0_i32_0 : i32, i32
  }
  func.func @transform_8(%arg0: i32) -> (i32, i32) {
    %c0_i32 = arith.constant 0 : i32
    %c0_i32_0 = arith.constant 0 : i32
    return %arg0, %c0_i32 : i32, i32
  }
}

</mosaic_0001>

<sc_bundles>
// kernel: kernel.5.cloned.1.call-start
scs
__scs_entry_jumppad:
0x0: {  	(pc) =	sbr.rel $0x88, $3  }
0x1: {  	(tag) =	ssettag $0x0;
	lr =	simm.s32 $0x1  }
0x2: {  	[smem:$0x3F95] =	sst lr;
	_ =	strace $0xD0000000  }
0x3: {  	_ = 	snop  }
0x4: {  	_ = 	snop  }
0x5: {  	_ = 	snop  }
0x6: {  	_ = 	snop  }
0x7: {  	_ = 	snop  }
__scs_overlays_trampoline_lowered:
0x8: {  	[smem:$0x3FA4] =	sst s0  }
0x9: {  	[smem:$0x3FA5] =	sst s1  }
0xa: {  	[smem:$0x3FA6] =	sst s2  }
0xb: {  	[smem:$0x3FA7] =	sst s3  }
0xc: {  	[smem:$0x3FA8] =	sst s4  }
0xd: {  	[smem:$0x3FA9] =	sst s5  }
0xe: {  	[smem:$0x3FAA] =	sst s6  }
0xf: {  	[smem:$0x3FAB] =	sst s7  }
0x10: {  	[smem:$0x3FAC] =	sst s8  }
0x11: {  	[smem:$0x3FAD] =	sst s9;
	s0 =	simm.s32 @!p0 $0x0  }
0x12: {  	s1 =	sld [smem:$0x3F93];
	s0 =	simm.s32 @p0 $0x1  }
0x13: {  	[smem:$0x3FAE] =	sst s0;
	s0 =	simm.s32 @!p1 $0x0  }
0x14: {  	s2 =	sld [smem:$0x3F92];
	s0 =	simm.s32 @p1 $0x1  }
0x15: {  	[smem:$0x3FAF] =	sst s0;
	s0 =	simm.s32 @!p2 $0x0  }
0x16: {  	s3 =	sld [smem:$0x3FDB];
	s0 =	simm.s32 @p2 $0x1  }
0x17: {  	s4 =	simm.s32 $0x1BF5;
	[smem:$0x3FB1] =	sst s0  }
0x18: {  	s0 =	sld [smem:$0x3F94];
	_ =	swait.ge [sflag:s4], $0x0  }
0x19: {  	s7 =	sld [smem:$0x3F95]  }
0x1a: {  	s8 =	sadd.s32 $0xFFFFE003, lr  }
0x1b: {  	s9 =	sadd.s32 $0xFFFFFEF7, lr;
	s5 =	simm.s32 $0xFFFFFFFF;
	p2 =	slt.u32 s8, $0xFFFFF086  }
0x1c: {  	p1 =	slt.u32 s9, $0xF7A;
	s5 =	simm.s32 @!p2 $0x0  }
0x1d: {  	s5 =	simm.s32 @p1 $0x1;
	p0 =	seq.s32 s7, s2  }
0x1e: {  	s7 =	smul.u32 @!p0 $0xF7A, s2;
	p2 =	seq.s32 @!p0 s5, $0x0  }
0x1f: {  	s9 =	smul.u32 $0xF7A, s1;
	s8 =	simm.s32 @!p0 $0x1BF5;
	p2 =	por !p2, p0  }
0x20: {  	[sflag:s8] =	ssyncset.s32 @!p0 $0xFFFFF086;
	s6 =	sadd.s32 @!p0 s3, s7;
	s7 =	simm.s32 @!p0 $0x108  }
0x21: {  	s3 =	sadd.s32 s3, s9;
	s6 =	sadd.s32 @!p0 $0x88, s6;
	s7 =	simm.s32 @p2 $0x1082  }
0x22: {  	[simem:s7], [sflag:s8] =	dma.local @!p0 [hbm:s6], $0xF7A  }
0x23: {  	s9 =	sor.u32 $0xD0000000, s2;
	s6 =	simm.s32 $0x108;
	_ =	swait.ge @!p0 [sflag:s8], $0x0  }
0x24: {  	s3 =	sadd.s32 $0x88, s3;
	s6 =	simm.s32 @!p1 $0x1082;
	[sflag:s4] =	ssyncset.s32 $0xFFFFF086  }
0x25: {  	[simem:s6], [sflag:s4] =	dma.local [hbm:s3], $0xF7A  }
0x26: {  	[smem:$0x3F95] =	sst s1;
	(tag) =	ssettag s2;
	_ =	strace s9  }
0x27: {  	s1 =	sld [smem:$0x3FA5]  }
0x28: {  	s2 =	sld [smem:$0x3FA6]  }
0x29: {  	s4 =	sld [smem:$0x3FA8]  }
0x2a: {  	p0 =	seq.s32 s5, $0x0;
	s5 =	sld [smem:$0x3FA9]  }
0x2b: {  	s6 =	sld [smem:$0x3FAA]  }
0x2c: {  	s7 =	sld [smem:$0x3FAB]  }
0x2d: {  	s3 =	simm.s32 $0x108;
	s8 =	sld [smem:$0x3FAC]  }
0x2e: {  	s3 =	simm.s32 @!p0 $0x1082;
	s9 =	sld [smem:$0x3FAD]  }
0x2f: {  	lr =	sadd.s32 s0, s3;
	s0 =	sld [smem:$0x3FA4]  }
0x30: {  	s3 =	sld [smem:$0x3FA7]  }
0x31: {  	[smem:$0x3FB0] =	sst s10  }
0x32: {  	s10 =	sld [smem:$0x3FAE];
	_ =	sdelay $0x3  }
0x33: {  	p0 =	seq.s32 s10, $0x1;
	s10 =	sld [smem:$0x3FB0];
	_ =	sdelay $0x3  }
0x34: {  	[smem:$0x3FB0] =	sst s10  }
0x35: {  	s10 =	sld [smem:$0x3FAF];
	_ =	sdelay $0x3  }
0x36: {  	p1 =	seq.s32 s10, $0x1;
	s10 =	sld [smem:$0x3FB0];
	_ =	sdelay $0x3  }
0x37: {  	[smem:$0x3FB0] =	sst s10  }
0x38: {  	s10 =	sld [smem:$0x3FB1]  }
0x39: {  	_ = 	snop;
	(pc) =	sbr.ind lr, $3  }
0x3a: {  	_ = 	snop  }
0x3b: {  	_ = 	snop  }
0x3c: {  	p2 =	seq.s32 s10, $0x1;
	s10 =	sld [smem:$0x3FB0]  }
0x3d: {  	_ =	shalt  }
0x3e: {  	_ =	shalt  }
0x3f: {  	_ =	shalt  }
0x40: {  	_ =	shalt  }
0x41: {  	_ =	shalt  }
0x42: {  	_ =	shalt  }
0x43: {  	_ =	shalt  }
0x44: {  	_ =	shalt  }
0x45: {  	_ =	shalt  }
0x46: {  	_ =	shalt  }
0x47: {  	_ =	shalt  }
0x48: {  	_ =	shalt  }
0x49: {  	_ =	shalt  }
0x4a: {  	_ =	shalt  }
0x4b: {  	_ =	shalt  }
0x4c: {  	_ =	shalt  }
0x4d: {  	_ =	shalt  }
0x4e: {  	_ =	shalt  }
0x4f: {  	_ =	shalt  }
0x50: {  	_ =	shalt  }
0x51: {  	_ =	shalt  }
0x52: {  	_ =	shalt  }
0x53: {  	_ =	shalt  }
0x54: {  	_ =	shalt  }
0x55: {  	_ =	shalt  }
0x56: {  	_ =	shalt  }
0x57: {  	_ =	shalt  }
0x58: {  	_ =	shalt  }
0x59: {  	_ =	shalt  }
0x5a: {  	_ =	shalt  }
0x5b: {  	_ =	shalt  }
0x5c: {  	_ =	shalt  }
0x5d: {  	_ =	shalt  }
0x5e: {  	_ =	shalt  }
0x5f: {  	_ =	shalt  }
0x60: {  	_ =	shalt  }
0x61: {  	_ =	shalt  }
0x62: {  	_ =	shalt  }
0x63: {  	_ =	shalt  }
0x64: {  	_ =	shalt  }
0x65: {  	_ =	shalt  }
0x66: {  	_ =	shalt  }
0x67: {  	_ =	shalt  }
0x68: {  	_ =	shalt  }
0x69: {  	_ =	shalt  }
0x6a: {  	_ =	shalt  }
0x6b: {  	_ =	shalt  }
0x6c: {  	_ =	shalt  }
0x6d: {  	_ =	shalt  }
0x6e: {  	_ =	shalt  }
0x6f: {  	_ =	shalt  }
0x70: {  	_ =	shalt  }
0x71: {  	_ =	shalt  }
0x72: {  	_ =	shalt  }
0x73: {  	_ =	shalt  }
0x74: {  	_ =	shalt  }
0x75: {  	_ =	shalt  }
0x76: {  	_ =	shalt  }
0x77: {  	_ =	shalt  }
0x78: {  	_ =	shalt  }
0x79: {  	_ =	shalt  }
0x7a: {  	_ =	shalt  }
0x7b: {  	_ =	shalt  }
0x7c: {  	_ =	shalt  }
0x7d: {  	_ =	shalt  }
0x7e: {  	_ =	shalt  }
0x7f: {  	_ =	shalt  }
0x80: {  	_ =	shalt  }
0x81: {  	_ =	shalt  }
0x82: {  	_ =	shalt  }
0x83: {  	_ =	shalt  }
0x84: {  	_ =	shalt  }
0x85: {  	_ =	shalt  }
0x86: {  	_ =	shalt  }
0x87: {  	_ =	shalt  }
.Lfunc_end0:
.L_simem_size_0:
called_computation_lowered:
.L_overlay_start_0:
0x88: {  	s2 =	sld [smem:$0x3FD9]  }
0x89: {  	s3 =	sld [smem:$0x3FFE];
	_ =	sdelay $0x1  }
0x8a: {  	s1 =	srdreg.scid  }
0x8b: {  	s0 =	sand.u32 $0x1, s1  }
0x8c: {  	s17 =	sshll.u32 s0, $0xA;
	s2 =	sadd.s32 s3, s2  }
0x8d: {  	s2 =	sadd.s32 s2, s17  }
0x8e: {  	[smem:$0x3FBC] =	sst s2  }
0x8f: {  	_ = 	snop  }
0x90: {  	s2 =	sld [smem:$0x3FC5]  }
0x91: {  	s18 =	sld [smem:$0x3FD0];
	(tm) =	ssettm $0x1  }
0x92: {  	s4 =	sld [smem:$0x3FFB];
	_ =	sdelay $0x3  }
0x93: {  	_ =	strace s4  }
0x94: {  	s4 =	sld [smem:$0x3FFC];
	_ =	sdelay $0x3  }
0x95: {  	_ =	strace s4  }
0x96: {  	s4 =	sld [smem:$0x3FFD];
	_ =	sdelay $0x3  }
0x97: {  	_ =	strace s4  }
0x98: {  	_ =	strace $0x8FFFFFFF  }
0x99: {  	s19 =	sld [smem:$0x3FDB];
	_ =	sdelay $0x1  }
0x9a: {  	s5 =	simm.s32 $_scs_section_size  }
0x9b: {  	s6 =	simm.s32 $_size__tile_overlayer_lowered;
	s7 =	simm.s32 $_tile_overlayer_lowered  }
0x9c: {  	s22 =	simm.s32 $0x1BFF;
	s21 =	sshll.u32 s7, $0x1;
	s4 =	sadd.s32 s5, s19  }
0x9d: {  	s8 =	simm.s32 $0x0;
	s20 =	sshll.u32 s6, $0x1;
	s6 =	sadd.s32 s21, s4  }
0x9e: {  	[timem:s8], [sflag:s22] =	dma.local [hbm:s6], s20  }
0x9f: {  	_ =	swait.ge [sflag:s22], s20  }
0xa0: {  	s5 =	ssub.s32 $0x0, s20;
	[sflag:s22] =	ssyncset.done $0x0  }
0xa1: {  	[sflag:s22] =	ssyncadd.s32 s5;
	_ =	sdelay $0x1  }
0xa2: {  	s23 =	simm.s32 $0x1B8B  }
0xa3: {  	_ =	swait.ge [sflag:s23], $0x1  }
0xa4: {  	[sflag:s23] =	ssyncset.done $0x0  }
0xa5: {  	s25 =	simm.s32 $0x1B8E;
	s24 =	sld [smem:$0x3FFE];
	[sflag:s23] =	ssyncadd.s32 $0xFFFFFFFF  }
0xa6: {  	s26 =	simm.s32 $execute0_lowered;
	[smem:$0x3FD2] =	sst s25  }
0xa7: {  	s6 =	sshll.u32 s26, $0x1;
	_ =	strace $0x80000046;
	[dreg:$0x1] =	wrdreg $0xFFFFFFFF  }
0xa8: {  	s28 =	simm.s32 $_size_execute0_lowered;
	s4 =	sadd.s32 s4, s6;
	[dreg:$0x0] =	wrdreg $0x0  }
0xa9: {  	s6 =	sshll.u32 s28, $0x1;
	[dreg:$0x2] =	wrdreg s4  }
0xaa: {  	[dreg:$0x3] =	wrdreg s6  }
0xab: {  	[dreg:$0x4] =	wrdreg $0xC0  }
0xac: {  	_ =	task [dreg:s8], $0x5FFFF  }
0xad: {  	[dreg:$0x1] =	wrdreg $0xFFFFFFFF  }
0xae: {  	[dreg:$0x0] =	wrdreg $0x60  }
0xaf: {  	[dreg:$0x2] =	wrdreg s24  }
0xb0: {  	[dreg:$0x3] =	wrdreg s2  }
0xb1: {  	[dreg:$0x4] =	wrdreg s18  }
0xb2: {  	[dreg:$0x5] =	wrdreg $0x1C6400  }
0xb3: {  	[dreg:$0x6] =	wrdreg $0x9  }
0xb4: {  	_ =	task.clear_ibuf [dreg:s8], $0x7FFFF;
	_ =	strace $0x90000046  }
0xb5: {  	s29 =	simm.s32 $0x9;
	_ =	strace $0x80000048  }
0xb6: {  	_ =	swait.ge [sflag:s29], $0x1  }
0xb7: {  	[sflag:s29] =	ssyncadd.s32 $0xFFFFFFFF  }
0xb8: {  	_ =	strace $0x90000048  }
0xb9: {  	_ =	sfence  }
0xba: {  	s30 =	sld [smem:$0x0];
	_ =	sdelay $0x2  }
0xbb: {  	s31 =	sshll.u32 s1, $0xD;
	s1 =	sshrl.u32 s1, $0x2  }
0xbc: {  	s3 =	sand.u32 $0x4000, s31;
	s1 =	sadd.s32 s1, s30  }
0xbd: {  	s0 =	sor.u32 s3, s0;
	s1 =	sshll.u32 s1, $0x11  }
0xbe: {  	s0 =	sor.u32 s1, s0  }
0xbf: {  	s0 =	sadd.s32 $0x8F2B, s0  }
0xc0: {  	[sflag:s0] =	ssyncadd.remote.s32 $0x1  }
0xc1: {  	_ =	sfence.sel $0xFFFF  }
0xc2: {  	[dreg:$0x0] =	wrdreg $0xFFFFFFFF;
	(pc) =	sbr.abs _section_cstart, $3  }
0xc3: {  	[dreg:$0x1] =	wrdreg $0xFFFFFFFF  }
0xc4: {  	_ =	task.clear_ibuf [dreg:s8], $0x2FFFF;
	_ =	strace $0x9FFFFFFF  }
0xc5: {  	(tm) =	ssettm $0x7FFFFFFF  }
tec
execute0_lowered:
.L_overlay_start_1:
0x0: {  	(tag) =	ssettag $0x1  }
0x1: {  	s0 =	rddreg [dreg:$0x0]  }
0x2: {  	s16 =	stileid.u32;
	s1 =	rddreg [dreg:$0x1]  }
0x3: {  	s2 =	srdreg.scid;
	s3 =	rddreg [dreg:$0x2]  }
0x4: {  	s5 =	rddreg [dreg:$0x3];
	s28 =	simm.s32 $0xD640;
	s4 =	smul.u32 $0xC0, s16  }
0x5: {  	s29 =	simm.s32 $0x1;
	s30 =	simm.s32 $0x17640;
	s6 =	smul.u32 $0x1C0, s16  }
0x6: {  	s31 =	simm.s32 $0x12640;
	s2 =	sand.u32 $0x1, s2;
	s12 =	smul.u32 $0x1F40, s16  }
0x7: {  	s9 =	sadd.s32 $0x5E000, s0;
	s10 =	sadd.s32 $0x86000, s0;
	p0 =	seq.s32 s2, $0x0  }
0x8: {  	s2 =	ssub.s32 $0x2, s2;
	s4 =	sadd.s32 $0x1C00, s4;
	s20 =	sshrl.u32 s12, $0x3  }
0x9: {  	s11 =	sshrl.u32 s2, $0x1;
	s4 =	smov.u32 @p0 s6;
	s6 =	simm.s32 $0x0  }
0xa: {  	s15 =	sadd.s32 s20, s0;
	s21 =	ssub.s32 s2, s11;
	s11 =	simm.s32 $0xE  }
0xb: {  	s2 =	sadd.s32 s12, s5;
	s20 =	simm.s32 $0x20;
	s12 =	simm.s32 $0x4  }
0xc: {  	s7 =	smul.u32 $0xA, s4;
	[smem:$0x7FF] =	sst s6;
	s8 =	sshrl.u32 s4, $0x3  }
0xd: {  	s11 =	simm.s32 @!p0 $0x6;
	s26 =	sadd.s32 $0x1800, s15;
	p0 =	sgt.u32 s16, $0x7  }
0xe: {  	s15 =	simm.s32 $0x7;
	_ =	strace $0x80000047;
	s13 =	sadd.s32 s8, s0  }
0xf: {  	s8 =	sadd.s32 $0x36000, s0;
	[dreg:$0x9] =	wrdreg s26;
	s7 =	sshrl.u32 s7, $0x3  }
0x10: {  	s17 =	sadd.s32 $0xFFFFFFFF, s11;
	s25 =	sadd.s32 $0x3800, s13;
	s14 =	sadd.s32 s7, s0  }
0x11: {  	s7 =	sadd.s32 $0xE000, s0;
	[dreg:$0x8] =	wrdreg s25;
	s0 =	smax.u32 s21, $0x1  }
0x12: {  	s26 =	simm.s32 $0x19640;
	s22 =	sadd.s32 $0xAA00, s14;
	[dreg:$0xa] =	wrdreg s0  }
0x13: {  	s25 =	simm.s32 $0x140;
	s23 =	sadd.s32 $0x7400, s14;
	[dreg:$0x5] =	wrdreg s22  }
0x14: {  	s24 =	sadd.s32 $0x3E00, s14;
	s0 =	sshll.u32 @!p0 s16, $0x6;
	[dreg:$0x6] =	wrdreg s23  }
0x15: {  	s16 =	simm.s32 $0x0;
	[dreg:$0x7] =	wrdreg s24;
	s0 =	sor.u32 @!p0 $0x1C09, s0  }
0x16: {  	s22 =	simm.s32 $0x3;
	[dreg:$0xb] =	wrdreg s0;
	s0 =	sshrl.u32 @!p0 s2, $0x3  }
0x17: {  	s2 =	simm.s32 $0x2;
	[dreg:$0xc] =	wrdreg s0;
	s0 =	simm.s32 $0x18640  }
.LBB2_1:
0x18: {  	[dreg:$0xd] =	wrdreg s16  }
0x19: {  	s13 =	rddreg [dreg:$0x5];
	s14 =	simm.s32 $0x9  }
0x1a: {  	[tilespmem:s6], [sflag:$0x9] =	stream.linear.gather [hbm4b:s13+s6], $0x1180, $0x38;
	[tilespmem:$0x1D5E0] =	vst v63  }
0x1b: {  	_ =	swait.ge [sflag:s14], $0x1180  }
0x1c: {  	[sflag:s14] =	ssyncset.done $0x0  }
0x1d: {  	s24 =	simm.s32 $0x1180;
	s23 =	rddreg [dreg:$0x6];
	[sflag:s14] =	ssyncadd.s32 $0xFFFFEE80  }
0x1e: {  	[tilespmem:s24], [sflag:$0x9] =	stream.linear.gather [hbm4b:s23+s6], $0x1180, $0x38;
	[tilespmem:$0x1D5E0] =	vst v63  }
0x1f: {  	_ =	swait.ge [sflag:s14], $0x1180  }
0x20: {  	[sflag:s14] =	ssyncset.done $0x0  }
0x21: {  	s19 =	simm.s32 $0x2300;
	s18 =	rddreg [dreg:$0x7];
	[sflag:s14] =	ssyncadd.s32 $0xFFFFEE80  }
0x22: {  	[tilespmem:s19], [sflag:$0x9] =	stream.linear.gather [hbm4b:s18+s6], $0x1180, $0x38;
	[tilespmem:$0x1D5E0] =	vst v63  }
0x23: {  	_ =	swait.ge [sflag:s14], $0x1180  }
0x24: {  	[sflag:s14] =	ssyncset.done $0x0  }
0x25: {  	s23 =	simm.s32 $0x3480;
	s21 =	rddreg [dreg:$0x8];
	[sflag:s14] =	ssyncadd.s32 $0xFFFFEE80  }
0x26: {  	[tilespmem:s23], [sflag:$0x9] =	stream.linear.gather [hbm4b:s21+s6], $0x1C0, $0x38;
	[tilespmem:$0x1D5E0] =	vst v63  }
0x27: {  	_ =	swait.ge [sflag:s14], $0x1C0  }
0x28: {  	s13 =	rddreg [dreg:$0x9]  }
0x29: {  	[sflag:s14] =	ssyncset.done $0x0;
	s16 =	rddreg [dreg:$0xc]  }
0x2a: {  	[sflag:s14] =	ssyncadd.s32 $0xFFFFFE40;
	s14 =	rddreg [dreg:$0xb]  }
0x2b: {  	[spmem:s16], [sflag:s14] =	dma.local @!p0 [hbm:s13], $0x3E8  }
0x2c: {  	s13 =	simm.s32 @!p0 $0x9  }
0x2d: {  	_ =	swait.ge @!p0 [sflag:s13], $0x3E8  }
0x2e: {  	[sflag:s13] =	ssyncset.done @!p0 $0x0  }
0x2f: {  	[sflag:s13] =	ssyncadd.s32 @!p0 $0xFFFFFC18  }
0x30: {  	s24 =	simm.s32 $0x3640;
	[bflag:$0x0] =	sbarrier.arrive $0xFFFF  }
0x31: {  	[tilespmem:s24], [sflag:$0x1] =	stream.indirect.gather [hbm4b:s1+s25], $0x80, s6, s25, $0xb8;
	[tilespmem:$0x1D5E0] =	vst v63  }
0x32: {  	s24 =	simm.s32 $0x0  }
.LBB2_2:
0x33: {  	s16 =	smul.u32 $0x140, s24;
	_ =	sdelay $0x1  }
0x34: {  	s13 =	sadd.s32 $0x1180, s16  }
0x35: {  	[tilespmem:s28], [sflag:$0x2] =	stream.indirect.gather [hbm4b:s3+s25], $0x40, s13, s25, $0xb8;
	[tilespmem:$0x1D5E0] =	vst v63  }
0x36: {  	_ =	swait.ge [sflag:s29], $0xA000  }
0x37: {  	p1 =	seq.s32 s24, $0x0;
	[sflag:s29] =	ssyncset.done $0x0  }
0x38: {  	s13 =	simm.s32 @!p1 $0x5;
	[sflag:s29] =	ssyncadd.s32 $0xFFFF6000  }
0x39: {  	_ =	swait.ge @!p1 [sflag:s13], $0x1000  }
0x3a: {  	[sflag:s13] =	ssyncset.done @!p1 $0x0  }
0x3b: {  	[sflag:s13] =	ssyncadd.s32 @!p1 $0xFFFFF000;
	s13 =	simm.s32 $0x38C0  }
0x3c: {  	v0 =	vld [tilespmem:s13+$0xFFFFFE00]  }
0x3d: {  	v1 =	vld [tilespmem:s13+$0xFFFFFD80];
	_ =	sdelay $0x1  }
0x3e: {  	v2 =	vld [tilespmem:s13+$0xFFFFFE80];
	_ =	sdelay $0x1  }
0x3f: {  	v3 =	vld [tilespmem:s13+$0xFFFFFF00]  }
0x40: {  	v0 =	vadd.f32 v0, v1  }
0x41: {  	v1 =	vld [tilespmem:s13+$0xFFFFFF80]  }
0x42: {  	v0 =	vadd.f32 v2, v0  }
0x43: {  	v2 =	vld [tilespmem:s13+$0x0]  }
0x44: {  	v0 =	vadd.f32 v3, v0  }
0x45: {  	v3 =	vld [tilespmem:s13+$0x80]  }
0x46: {  	v0 =	vadd.f32 v1, v0  }
0x47: {  	v1 =	vld [tilespmem:s13+$0x100]  }
0x48: {  	v0 =	vadd.f32 v2, v0  }
0x49: {  	v2 =	vld [tilespmem:s13+$0x180]  }
0x4a: {  	v0 =	vadd.f32 v3, v0  }
0x4b: {  	v3 =	vld [tilespmem:s13+$0x200]  }
0x4c: {  	v0 =	vadd.f32 v1, v0;
	_ =	sdelay $0x1  }
0x4d: {  	v0 =	vadd.f32 v2, v0;
	_ =	sdelay $0x1  }
0x4e: {  	v0 =	vadd.f32 v3, v0  }
0x4f: {  	s19 =	simm.s32 $0x0  }
0x50: {  	[tilespmem:s19+$0x17640] =	vst v0  }
0x51: {  	v0 =	vld [tilespmem:s13+$0xFFFFFD90]  }
0x52: {  	v1 =	vld [tilespmem:s13+$0xFFFFFE10];
	_ =	sdelay $0x1  }
0x53: {  	v2 =	vld [tilespmem:s13+$0xFFFFFE90];
	_ =	sdelay $0x1  }
0x54: {  	v3 =	vld [tilespmem:s13+$0xFFFFFF10]  }
0x55: {  	v0 =	vadd.f32 v1, v0  }
0x56: {  	v1 =	vld [tilespmem:s13+$0xFFFFFF90]  }
0x57: {  	v0 =	vadd.f32 v2, v0  }
0x58: {  	v2 =	vld [tilespmem:s13+$0x10]  }
0x59: {  	v0 =	vadd.f32 v3, v0  }
0x5a: {  	v3 =	vld [tilespmem:s13+$0x90]  }
0x5b: {  	v0 =	vadd.f32 v1, v0  }
0x5c: {  	v1 =	vld [tilespmem:s13+$0x110]  }
0x5d: {  	v0 =	vadd.f32 v2, v0  }
0x5e: {  	v2 =	vld [tilespmem:s13+$0x190]  }
0x5f: {  	v0 =	vadd.f32 v3, v0  }
0x60: {  	v3 =	vld [tilespmem:s13+$0x210]  }
0x61: {  	v0 =	vadd.f32 v1, v0;
	_ =	sdelay $0x1  }
0x62: {  	v0 =	vadd.f32 v2, v0;
	_ =	sdelay $0x1  }
0x63: {  	v0 =	vadd.f32 v3, v0;
	_ =	sdelay $0x1  }
0x64: {  	[tilespmem:s19+$0x17650] =	vst v0  }
0x65: {  	v0 =	vld [tilespmem:s13+$0xFFFFFDA0]  }
0x66: {  	v1 =	vld [tilespmem:s13+$0xFFFFFE20];
	_ =	sdelay $0x1  }
0x67: {  	v2 =	vld [tilespmem:s13+$0xFFFFFEA0];
	_ =	sdelay $0x1  }
0x68: {  	v3 =	vld [tilespmem:s13+$0xFFFFFF20]  }
0x69: {  	v0 =	vadd.f32 v1, v0  }
0x6a: {  	v1 =	vld [tilespmem:s13+$0xFFFFFFA0]  }
0x6b: {  	v0 =	vadd.f32 v2, v0  }
0x6c: {  	v2 =	vld [tilespmem:s13+$0x20]  }
0x6d: {  	v0 =	vadd.f32 v3, v0  }
0x6e: {  	v3 =	vld [tilespmem:s13+$0xA0]  }
0x6f: {  	v0 =	vadd.f32 v1, v0  }
0x70: {  	v1 =	vld [tilespmem:s13+$0x120]  }
0x71: {  	v0 =	vadd.f32 v2, v0  }
0x72: {  	v2 =	vld [tilespmem:s13+$0x1A0]  }
0x73: {  	v0 =	vadd.f32 v3, v0  }
0x74: {  	v3 =	vld [tilespmem:s13+$0x220]  }
0x75: {  	v0 =	vadd.f32 v1, v0;
	_ =	sdelay $0x1  }
0x76: {  	v0 =	vadd.f32 v2, v0;
	_ =	sdelay $0x1  }
0x77: {  	v0 =	vadd.f32 v3, v0;
	_ =	sdelay $0x1  }
0x78: {  	[tilespmem:s19+$0x17660] =	vst v0  }
0x79: {  	v0 =	vld [tilespmem:s13+$0xFFFFFDB0]  }
0x7a: {  	v1 =	vld [tilespmem:s13+$0xFFFFFE30];
	_ =	sdelay $0x1  }
0x7b: {  	v2 =	vld [tilespmem:s13+$0xFFFFFEB0];
	_ =	sdelay $0x1  }
0x7c: {  	v3 =	vld [tilespmem:s13+$0xFFFFFF30]  }
0x7d: {  	v0 =	vadd.f32 v1, v0  }
0x7e: {  	v1 =	vld [tilespmem:s13+$0xFFFFFFB0]  }
0x7f: {  	v0 =	vadd.f32 v2, v0  }
0x80: {  	v2 =	vld [tilespmem:s13+$0x30]  }
0x81: {  	v0 =	vadd.f32 v3, v0  }
0x82: {  	v3 =	vld [tilespmem:s13+$0xB0]  }
0x83: {  	v0 =	vadd.f32 v1, v0  }
0x84: {  	v1 =	vld [tilespmem:s13+$0x130]  }
0x85: {  	v0 =	vadd.f32 v2, v0  }
0x86: {  	v2 =	vld [tilespmem:s13+$0x1B0]  }
0x87: {  	v0 =	vadd.f32 v3, v0  }
0x88: {  	v3 =	vld [tilespmem:s13+$0x230]  }
0x89: {  	v0 =	vadd.f32 v1, v0;
	_ =	sdelay $0x1  }
0x8a: {  	v0 =	vadd.f32 v2, v0;
	_ =	sdelay $0x1  }
0x8b: {  	v0 =	vadd.f32 v3, v0;
	_ =	sdelay $0x1  }
0x8c: {  	[tilespmem:s19+$0x17670] =	vst v0  }
0x8d: {  	v0 =	vld [tilespmem:s13+$0xFFFFFDC0]  }
0x8e: {  	v1 =	vld [tilespmem:s13+$0xFFFFFE40];
	_ =	sdelay $0x1  }
0x8f: {  	v2 =	vld [tilespmem:s13+$0xFFFFFEC0];
	_ =	sdelay $0x1  }
0x90: {  	v3 =	vld [tilespmem:s13+$0xFFFFFF40]  }
0x91: {  	v0 =	vadd.f32 v1, v0  }
0x92: {  	v1 =	vld [tilespmem:s13+$0xFFFFFFC0]  }
0x93: {  	v0 =	vadd.f32 v2, v0  }
0x94: {  	v2 =	vld [tilespmem:s13+$0x40]  }
0x95: {  	v0 =	vadd.f32 v3, v0  }
0x96: {  	v3 =	vld [tilespmem:s13+$0xC0]  }
0x97: {  	v0 =	vadd.f32 v1, v0  }
0x98: {  	v1 =	vld [tilespmem:s13+$0x140]  }
0x99: {  	v0 =	vadd.f32 v2, v0  }
0x9a: {  	v2 =	vld [tilespmem:s13+$0x1C0]  }
0x9b: {  	v0 =	vadd.f32 v3, v0  }
0x9c: {  	v3 =	vld [tilespmem:s13+$0x240]  }
0x9d: {  	v0 =	vadd.f32 v1, v0;
	_ =	sdelay $0x1  }
0x9e: {  	v0 =	vadd.f32 v2, v0;
	_ =	sdelay $0x1  }
0x9f: {  	v0 =	vadd.f32 v3, v0;
	_ =	sdelay $0x1  }
0xa0: {  	[tilespmem:s19+$0x17680] =	vst v0  }
0xa1: {  	v0 =	vld [tilespmem:s13+$0xFFFFFDD0]  }
0xa2: {  	v1 =	vld [tilespmem:s13+$0xFFFFFE50];
	_ =	sdelay $0x1  }
0xa3: {  	v2 =	vld [tilespmem:s13+$0xFFFFFED0];
	_ =	sdelay $0x1  }
0xa4: {  	v3 =	vld [tilespmem:s13+$0xFFFFFF50]  }
0xa5: {  	v0 =	vadd.f32 v1, v0  }
0xa6: {  	v1 =	vld [tilespmem:s13+$0xFFFFFFD0]  }
0xa7: {  	v0 =	vadd.f32 v2, v0  }
0xa8: {  	v2 =	vld [tilespmem:s13+$0x50]  }
0xa9: {  	v0 =	vadd.f32 v3, v0  }
0xaa: {  	v3 =	vld [tilespmem:s13+$0xD0]  }
0xab: {  	v0 =	vadd.f32 v1, v0  }
0xac: {  	v1 =	vld [tilespmem:s13+$0x150]  }
0xad: {  	v0 =	vadd.f32 v2, v0  }
0xae: {  	v2 =	vld [tilespmem:s13+$0x1D0]  }
0xaf: {  	v0 =	vadd.f32 v3, v0  }
0xb0: {  	v3 =	vld [tilespmem:s13+$0x250]  }
0xb1: {  	v0 =	vadd.f32 v1, v0;
	_ =	sdelay $0x1  }
0xb2: {  	v0 =	vadd.f32 v2, v0;
	_ =	sdelay $0x1  }
0xb3: {  	v0 =	vadd.f32 v3, v0;
	_ =	sdelay $0x1  }
0xb4: {  	[tilespmem:s19+$0x17690] =	vst v0  }
0xb5: {  	v0 =	vld [tilespmem:s13+$0xFFFFFDE0]  }
0xb6: {  	v1 =	vld [tilespmem:s13+$0xFFFFFE60];
	_ =	sdelay $0x1  }
0xb7: {  	v2 =	vld [tilespmem:s13+$0xFFFFFEE0];
	_ =	sdelay $0x1  }
0xb8: {  	v3 =	vld [tilespmem:s13+$0xFFFFFF60]  }
0xb9: {  	v0 =	vadd.f32 v1, v0  }
0xba: {  	v1 =	vld [tilespmem:s13+$0xFFFFFFE0]  }
0xbb: {  	v0 =	vadd.f32 v2, v0  }
0xbc: {  	v2 =	vld [tilespmem:s13+$0x60]  }
0xbd: {  	v0 =	vadd.f32 v3, v0  }
0xbe: {  	v3 =	vld [tilespmem:s13+$0xE0]  }
0xbf: {  	v0 =	vadd.f32 v1, v0  }
0xc0: {  	v1 =	vld [tilespmem:s13+$0x160]  }
0xc1: {  	v0 =	vadd.f32 v2, v0  }
0xc2: {  	v2 =	vld [tilespmem:s13+$0x1E0]  }
0xc3: {  	v0 =	vadd.f32 v3, v0  }
0xc4: {  	v3 =	vld [tilespmem:s13+$0x260]  }
0xc5: {  	v0 =	vadd.f32 v1, v0;
	_ =	sdelay $0x1  }
0xc6: {  	v0 =	vadd.f32 v2, v0;
	_ =	sdelay $0x1  }
0xc7: {  	v0 =	vadd.f32 v3, v0;
	_ =	sdelay $0x1  }
0xc8: {  	[tilespmem:s19+$0x176A0] =	vst v0  }
0xc9: {  	v0 =	vld [tilespmem:s13+$0xFFFFFDF0]  }
0xca: {  	v1 =	vld [tilespmem:s13+$0xFFFFFE70];
	_ =	sdelay $0x1  }
0xcb: {  	v2 =	vld [tilespmem:s13+$0xFFFFFEF0];
	_ =	sdelay $0x1  }
0xcc: {  	v3 =	vld [tilespmem:s13+$0xFFFFFF70]  }
0xcd: {  	v0 =	vadd.f32 v1, v0  }
0xce: {  	v1 =	vld [tilespmem:s13+$0xFFFFFFF0]  }
0xcf: {  	v0 =	vadd.f32 v2, v0  }
0xd0: {  	v4 =	vld [tilespmem:s13+$0x70]  }
0xd1: {  	v2 =	vadd.f32 v3, v0  }
0xd2: {  	v3 =	vld [tilespmem:s13+$0xF0]  }
0xd3: {  	v0 =	vld [tilespmem:s13+$0x170];
	v5 =	vadd.f32 v1, v2  }
0xd4: {  	s14 =	sshll.u32 s24, $0x5;
	v1 =	vld [tilespmem:s13+$0x1F0]  }
0xd5: {  	s21 =	simm.s32 $0x200;
	s23 =	sadd.s32 s4, s14;
	v2 =	vld [tilespmem:s13+$0x270];
	v4 =	vadd.f32 v4, v5  }
.LBB2_3:
0xd6: {  	p2 =	sne.s32 s21, $0x3E00  }
0xd7: {  	s13 =	sadd.s32 $0x500, s13;
	s18 =	smov.u32 s21;
	s21 =	sadd.s32 $0x200, s21;
	v3 =	vadd.f32 v3, v4  }
0xd8: {  	_ = 	snop  }
0xd9: {  	v0 =	vadd.f32 v0, v3;
	_ =	sdelay $0x1  }
0xda: {  	v0 =	vadd.f32 v1, v0;
	_ =	sdelay $0x1  }
0xdb: {  	v0 =	vadd.f32 v2, v0;
	_ =	sdelay $0x1  }
0xdc: {  	[tilespmem:s19+$0x176B0] =	vst v0  }
0xdd: {  	v0 =	vld [tilespmem:s13+$0xFFFFFE00]  }
0xde: {  	v1 =	vld [tilespmem:s13+$0xFFFFFD80]  }
0xdf: {  	v2 =	vld [tilespmem:s13+$0xFFFFFE80];
	_ =	sdelay $0x2  }
0xe0: {  	v3 =	vld [tilespmem:s13+$0xFFFFFF00]  }
0xe1: {  	v0 =	vadd.f32 v0, v1  }
0xe2: {  	v1 =	vld [tilespmem:s13+$0xFFFFFF80]  }
0xe3: {  	v0 =	vadd.f32 v2, v0  }
0xe4: {  	v2 =	vld [tilespmem:s13+$0x0]  }
0xe5: {  	v0 =	vadd.f32 v3, v0  }
0xe6: {  	v3 =	vld [tilespmem:s13+$0x80]  }
0xe7: {  	v0 =	vadd.f32 v1, v0  }
0xe8: {  	v1 =	vld [tilespmem:s13+$0x100]  }
0xe9: {  	v0 =	vadd.f32 v2, v0  }
0xea: {  	v2 =	vld [tilespmem:s13+$0x180]  }
0xeb: {  	v0 =	vadd.f32 v3, v0  }
0xec: {  	v3 =	vld [tilespmem:s13+$0x200]  }
0xed: {  	v0 =	vadd.f32 v1, v0;
	_ =	sdelay $0x1  }
0xee: {  	v0 =	vadd.f32 v2, v0;
	_ =	sdelay $0x1  }
0xef: {  	v0 =	vadd.f32 v3, v0  }
0xf0: {  	s19 =	sshra.s32 s18, $0x2  }
0xf1: {  	[tilespmem:s19+$0x17640] =	vst v0  }
0xf2: {  	v0 =	vld [tilespmem:s13+$0xFFFFFD90]  }
0xf3: {  	v1 =	vld [tilespmem:s13+$0xFFFFFE10];
	_ =	sdelay $0x1  }
0xf4: {  	v2 =	vld [tilespmem:s13+$0xFFFFFE90];
	_ =	sdelay $0x1  }
0xf5: {  	v3 =	vld [tilespmem:s13+$0xFFFFFF10]  }
0xf6: {  	v0 =	vadd.f32 v1, v0  }
0xf7: {  	v1 =	vld [tilespmem:s13+$0xFFFFFF90]  }
0xf8: {  	v0 =	vadd.f32 v2, v0  }
0xf9: {  	v2 =	vld [tilespmem:s13+$0x10]  }
0xfa: {  	v0 =	vadd.f32 v3, v0  }
0xfb: {  	v3 =	vld [tilespmem:s13+$0x90]  }
0xfc: {  	v0 =	vadd.f32 v1, v0  }
0xfd: {  	v1 =	vld [tilespmem:s13+$0x110]  }
0xfe: {  	v0 =	vadd.f32 v2, v0  }
0xff: {  	v2 =	vld [tilespmem:s13+$0x190]  }
0x100: {  	v0 =	vadd.f32 v3, v0  }
0x101: {  	v3 =	vld [tilespmem:s13+$0x210]  }
0x102: {  	v0 =	vadd.f32 v1, v0;
	_ =	sdelay $0x1  }
0x103: {  	v0 =	vadd.f32 v2, v0;
	_ =	sdelay $0x1  }
0x104: {  	v0 =	vadd.f32 v3, v0;
	_ =	sdelay $0x1  }
0x105: {  	[tilespmem:s19+$0x17650] =	vst v0  }
0x106: {  	v0 =	vld [tilespmem:s13+$0xFFFFFDA0]  }
0x107: {  	v1 =	vld [tilespmem:s13+$0xFFFFFE20];
	_ =	sdelay $0x1  }
0x108: {  	v2 =	vld [tilespmem:s13+$0xFFFFFEA0];
	_ =	sdelay $0x1  }
0x109: {  	v3 =	vld [tilespmem:s13+$0xFFFFFF20]  }
0x10a: {  	v0 =	vadd.f32 v1, v0  }
0x10b: {  	v1 =	vld [tilespmem:s13+$0xFFFFFFA0]  }
0x10c: {  	v0 =	vadd.f32 v2, v0  }
0x10d: {  	v2 =	vld [tilespmem:s13+$0x20]  }
0x10e: {  	v0 =	vadd.f32 v3, v0  }
0x10f: {  	v3 =	vld [tilespmem:s13+$0xA0]  }
0x110: {  	v0 =	vadd.f32 v1, v0  }
0x111: {  	v1 =	vld [tilespmem:s13+$0x120]  }
0x112: {  	v0 =	vadd.f32 v2, v0  }
0x113: {  	v2 =	vld [tilespmem:s13+$0x1A0]  }
0x114: {  	v0 =	vadd.f32 v3, v0  }
0x115: {  	v3 =	vld [tilespmem:s13+$0x220]  }
0x116: {  	v0 =	vadd.f32 v1, v0;
	_ =	sdelay $0x1  }
0x117: {  	v0 =	vadd.f32 v2, v0;
	_ =	sdelay $0x1  }
0x118: {  	v0 =	vadd.f32 v3, v0;
	_ =	sdelay $0x1  }
0x119: {  	[tilespmem:s19+$0x17660] =	vst v0  }
0x11a: {  	v0 =	vld [tilespmem:s13+$0xFFFFFDB0]  }
0x11b: {  	v1 =	vld [tilespmem:s13+$0xFFFFFE30];
	_ =	sdelay $0x1  }
0x11c: {  	v2 =	vld [tilespmem:s13+$0xFFFFFEB0];
	_ =	sdelay $0x1  }
0x11d: {  	v3 =	vld [tilespmem:s13+$0xFFFFFF30]  }
0x11e: {  	v0 =	vadd.f32 v1, v0  }
0x11f: {  	v1 =	vld [tilespmem:s13+$0xFFFFFFB0]  }
0x120: {  	v0 =	vadd.f32 v2, v0  }
0x121: {  	v2 =	vld [tilespmem:s13+$0x30]  }
0x122: {  	v0 =	vadd.f32 v3, v0  }
0x123: {  	v3 =	vld [tilespmem:s13+$0xB0]  }
0x124: {  	v0 =	vadd.f32 v1, v0  }
0x125: {  	v1 =	vld [tilespmem:s13+$0x130]  }
0x126: {  	v0 =	vadd.f32 v2, v0  }
0x127: {  	v2 =	vld [tilespmem:s13+$0x1B0]  }
0x128: {  	v0 =	vadd.f32 v3, v0  }
0x129: {  	v3 =	vld [tilespmem:s13+$0x230]  }
0x12a: {  	v0 =	vadd.f32 v1, v0;
	_ =	sdelay $0x1  }
0x12b: {  	v0 =	vadd.f32 v2, v0;
	_ =	sdelay $0x1  }
0x12c: {  	v0 =	vadd.f32 v3, v0;
	_ =	sdelay $0x1  }
0x12d: {  	[tilespmem:s19+$0x17670] =	vst v0  }
0x12e: {  	v0 =	vld [tilespmem:s13+$0xFFFFFDC0]  }
0x12f: {  	v1 =	vld [tilespmem:s13+$0xFFFFFE40];
	_ =	sdelay $0x1  }
0x130: {  	v2 =	vld [tilespmem:s13+$0xFFFFFEC0];
	_ =	sdelay $0x1  }
0x131: {  	v3 =	vld [tilespmem:s13+$0xFFFFFF40]  }
0x132: {  	v0 =	vadd.f32 v1, v0  }
0x133: {  	v1 =	vld [tilespmem:s13+$0xFFFFFFC0]  }
0x134: {  	v0 =	vadd.f32 v2, v0  }
0x135: {  	v2 =	vld [tilespmem:s13+$0x40]  }
0x136: {  	v0 =	vadd.f32 v3, v0  }
0x137: {  	v3 =	vld [tilespmem:s13+$0xC0]  }
0x138: {  	v0 =	vadd.f32 v1, v0  }
0x139: {  	v1 =	vld [tilespmem:s13+$0x140]  }
0x13a: {  	v0 =	vadd.f32 v2, v0  }
0x13b: {  	v2 =	vld [tilespmem:s13+$0x1C0]  }
0x13c: {  	v0 =	vadd.f32 v3, v0  }
0x13d: {  	v3 =	vld [tilespmem:s13+$0x240]  }
0x13e: {  	v0 =	vadd.f32 v1, v0;
	_ =	sdelay $0x1  }
0x13f: {  	v0 =	vadd.f32 v2, v0;
	_ =	sdelay $0x1  }
0x140: {  	v0 =	vadd.f32 v3, v0;
	_ =	sdelay $0x1  }
0x141: {  	[tilespmem:s19+$0x17680] =	vst v0  }
0x142: {  	v0 =	vld [tilespmem:s13+$0xFFFFFDD0]  }
0x143: {  	v1 =	vld [tilespmem:s13+$0xFFFFFE50]  }
0x144: {  	v2 =	vld [tilespmem:s13+$0xFFFFFED0]  }
0x145: {  	v3 =	vld [tilespmem:s13+$0xFFFFFF50]  }
0x146: {  	v4 =	vld [tilespmem:s13+$0xFFFFFFD0]  }
0x147: {  	v5 =	vld [tilespmem:s13+$0x50]  }
0x148: {  	v0 =	vadd.f32 v1, v0;
	v1 =	vld [tilespmem:s13+$0xD0]  }
0x149: {  	v6 =	vld [tilespmem:s13+$0x150]  }
0x14a: {  	v0 =	vadd.f32 v2, v0;
	v2 =	vld [tilespmem:s13+$0x1D0]  }
0x14b: {  	v7 =	vld [tilespmem:s13+$0x250]  }
0x14c: {  	v0 =	vadd.f32 v3, v0;
	_ =	sdelay $0x1  }
0x14d: {  	v0 =	vadd.f32 v4, v0;
	_ =	sdelay $0x1  }
0x14e: {  	v0 =	vadd.f32 v5, v0;
	_ =	sdelay $0x1  }
0x14f: {  	v0 =	vadd.f32 v1, v0;
	_ =	sdelay $0x1  }
0x150: {  	v0 =	vadd.f32 v6, v0;
	_ =	sdelay $0x1  }
0x151: {  	v0 =	vadd.f32 v2, v0;
	_ =	sdelay $0x1  }
0x152: {  	v0 =	vadd.f32 v7, v0;
	_ =	sdelay $0x1  }
0x153: {  	[tilespmem:s19+$0x17690] =	vst v0  }
0x154: {  	v0 =	vld [tilespmem:s13+$0xFFFFFDE0]  }
0x155: {  	v1 =	vld [tilespmem:s13+$0xFFFFFE60]  }
0x156: {  	v2 =	vld [tilespmem:s13+$0xFFFFFEE0]  }
0x157: {  	v3 =	vld [tilespmem:s13+$0xFFFFFF60]  }
0x158: {  	v4 =	vld [tilespmem:s13+$0xFFFFFFE0]  }
0x159: {  	v5 =	vld [tilespmem:s13+$0x60]  }
0x15a: {  	v0 =	vadd.f32 v1, v0;
	v1 =	vld [tilespmem:s13+$0xE0]  }
0x15b: {  	v6 =	vld [tilespmem:s13+$0x160]  }
0x15c: {  	v0 =	vadd.f32 v2, v0;
	v2 =	vld [tilespmem:s13+$0x1E0]  }
0x15d: {  	v7 =	vld [tilespmem:s13+$0x260]  }
0x15e: {  	v0 =	vadd.f32 v3, v0;
	_ =	sdelay $0x1  }
0x15f: {  	v0 =	vadd.f32 v4, v0;
	_ =	sdelay $0x1  }
0x160: {  	v0 =	vadd.f32 v5, v0;
	_ =	sdelay $0x1  }
0x161: {  	v0 =	vadd.f32 v1, v0;
	_ =	sdelay $0x1  }
0x162: {  	v0 =	vadd.f32 v6, v0;
	_ =	sdelay $0x1  }
0x163: {  	v0 =	vadd.f32 v2, v0;
	_ =	sdelay $0x1  }
0x164: {  	v0 =	vadd.f32 v7, v0;
	_ =	sdelay $0x1  }
0x165: {  	[tilespmem:s19+$0x176A0] =	vst v0  }
0x166: {  	v0 =	vld [tilespmem:s13+$0xFFFFFDF0]  }
0x167: {  	v1 =	vld [tilespmem:s13+$0xFFFFFE70]  }
0x168: {  	v2 =	vld [tilespmem:s13+$0xFFFFFEF0]  }
0x169: {  	v4 =	vld [tilespmem:s13+$0xFFFFFF70]  }
0x16a: {  	v5 =	vld [tilespmem:s13+$0xFFFFFFF0]  }
0x16b: {  	v6 =	vld [tilespmem:s13+$0x70]  }
0x16c: {  	v1 =	vadd.f32 v1, v0;
	v3 =	vld [tilespmem:s13+$0xF0]  }
0x16d: {  	v0 =	vld [tilespmem:s13+$0x170]  }
0x16e: {  	v7 =	vadd.f32 v2, v1;
	v1 =	vld [tilespmem:s13+$0x1F0]  }
0x16f: {  	v2 =	vld [tilespmem:s13+$0x270]  }
.Ltmp0:
0x170: {  	v4 =	vadd.f32 v4, v7;
	(pc) =	sbr.rel @p2 .LBB2_3-.Ltmp0, $3  }
0x171: {  	_ = 	snop  }
0x172: {  	v4 =	vadd.f32 v5, v4;
	_ =	sdelay $0x1  }
0x173: {  	v4 =	vadd.f32 v6, v4  }
0x174: {  	_ = 	snop  }
0x175: {  	v3 =	vadd.f32 v3, v4;
	_ =	sdelay $0x1  }
0x176: {  	v0 =	vadd.f32 v0, v3;
	_ =	sdelay $0x1  }
0x177: {  	v0 =	vadd.f32 v1, v0;
	_ =	sdelay $0x1  }
0x178: {  	s13 =	sshll.u32 s23, $0x4;
	v0 =	vadd.f32 v2, v0  }
0x179: {  	s13 =	sand.u32 $0x1FFFFE00, s13  }
0x17a: {  	s18 =	sadd.s32 s8, s13;
	[tilespmem:s19+$0x176B0] =	vst v0  }
0x17b: {  	[hbm4b:s18+s6] =	stream.linear.scatter [tilespmem:s30], [sflag:$0x5], $0x1000, $0x38;
	[tilespmem:$0x1D5E0] =	vst v63  }
0x17c: {  	s16 =	sadd.s32 $0x2300, s16  }
0x17d: {  	[tilespmem:s31], [sflag:$0x3] =	stream.indirect.gather [spmem:s5], $0x40, s16, s25, $0xb8;
	[tilespmem:$0x1D5E0] =	vst v63  }
0x17e: {  	_ =	swait.ge [sflag:s2], $0x5000  }
0x17f: {  	[sflag:s2] =	ssyncset.done $0x0  }
0x180: {  	s16 =	simm.s32 @!p1 $0x6;
	[sflag:s2] =	ssyncadd.s32 $0xFFFFB000  }
0x181: {  	_ =	swait.ge @!p1 [sflag:s16], $0x1000  }
0x182: {  	[sflag:s16] =	ssyncset.done @!p1 $0x0  }
0x183: {  	[sflag:s16] =	ssyncadd.s32 @!p1 $0xFFFFF000;
	s16 =	simm.s32 $0xD780  }
0x184: {  	v0 =	vld [tilespmem:s16+$0xFFFFFF00]  }
0x185: {  	v1 =	vld [tilespmem:s16+$0xFFFFFEC0];
	_ =	sdelay $0x1  }
0x186: {  	v2 =	vld [tilespmem:s16+$0xFFFFFF40];
	_ =	sdelay $0x1  }
0x187: {  	v3 =	vld [tilespmem:s16+$0xFFFFFF80]  }
0x188: {  	v4 =	vshll.u32 v0, $0x10;
	v5 =	vshll.u32 v1, $0x10  }
0x189: {  	v0 =	vand.u32 $0xFFFF0000, v0;
	v1 =	vand.u32 $0xFFFF0000, v1;
	v4 =	vadd.f32 v4, v5;
	v5 =	vld [tilespmem:s16+$0xFFFFFFC0]  }
0x18a: {  	v0 =	vadd.f32 v0, v1;
	v1 =	vshll.u32 v2, $0x10  }
0x18b: {  	v2 =	vand.u32 $0xFFFF0000, v2;
	v1 =	vadd.f32 v1, v4;
	v4 =	vld [tilespmem:s16+$0x0]  }
0x18c: {  	v0 =	vadd.f32 v2, v0;
	v2 =	vshll.u32 v3, $0x10  }
0x18d: {  	v3 =	vand.u32 $0xFFFF0000, v3;
	v1 =	vadd.f32 v2, v1;
	v2 =	vld [tilespmem:s16+$0x40]  }
0x18e: {  	v0 =	vadd.f32 v3, v0;
	v3 =	vshll.u32 v5, $0x10  }
0x18f: {  	v5 =	vand.u32 $0xFFFF0000, v5;
	v1 =	vadd.f32 v3, v1;
	v3 =	vld [tilespmem:s16+$0x80]  }
0x190: {  	v0 =	vadd.f32 v5, v0;
	v5 =	vshll.u32 v4, $0x10  }
0x191: {  	v4 =	vand.u32 $0xFFFF0000, v4;
	v1 =	vadd.f32 v5, v1;
	v5 =	vld [tilespmem:s16+$0xC0]  }
0x192: {  	v0 =	vadd.f32 v4, v0;
	v4 =	vshll.u32 v2, $0x10  }
0x193: {  	v2 =	vand.u32 $0xFFFF0000, v2;
	v1 =	vadd.f32 v4, v1;
	v4 =	vld [tilespmem:s16+$0x100]  }
0x194: {  	v0 =	vadd.f32 v2, v0;
	v2 =	vshll.u32 v3, $0x10  }
0x195: {  	v3 =	vand.u32 $0xFFFF0000, v3;
	v1 =	vadd.f32 v2, v1  }
0x196: {  	v0 =	vadd.f32 v3, v0;
	v2 =	vshll.u32 v5, $0x10  }
0x197: {  	v3 =	vand.u32 $0xFFFF0000, v5;
	v1 =	vadd.f32 v2, v1  }
0x198: {  	v0 =	vadd.f32 v3, v0;
	v2 =	vshll.u32 v4, $0x10  }
0x199: {  	v3 =	vand.u32 $0xFFFF0000, v4;
	v1 =	vadd.f32 v2, v1  }
0x19a: {  	s19 =	simm.s32 $0x0;
	v0 =	vadd.f32 v3, v0  }
0x19b: {  	[tilespmem:s19+$0x18640] =	vst v1  }
0x19c: {  	[tilespmem:s19+$0x18650] =	vst v0  }
0x19d: {  	v0 =	vld [tilespmem:s16+$0xFFFFFED0]  }
0x19e: {  	v1 =	vld [tilespmem:s16+$0xFFFFFF10];
	_ =	sdelay $0x1  }
0x19f: {  	v2 =	vld [tilespmem:s16+$0xFFFFFF50];
	_ =	sdelay $0x1  }
0x1a0: {  	v3 =	vld [tilespmem:s16+$0xFFFFFF90]  }
0x1a1: {  	v4 =	vshll.u32 v0, $0x10;
	v5 =	vshll.u32 v1, $0x10  }
0x1a2: {  	v0 =	vand.u32 $0xFFFF0000, v0;
	v1 =	vand.u32 $0xFFFF0000, v1;
	v4 =	vadd.f32 v5, v4;
	v5 =	vld [tilespmem:s16+$0xFFFFFFD0]  }
0x1a3: {  	v0 =	vadd.f32 v1, v0;
	v1 =	vshll.u32 v2, $0x10  }
0x1a4: {  	v2 =	vand.u32 $0xFFFF0000, v2;
	v1 =	vadd.f32 v1, v4;
	v4 =	vld [tilespmem:s16+$0x10]  }
0x1a5: {  	v0 =	vadd.f32 v2, v0;
	v2 =	vshll.u32 v3, $0x10  }
0x1a6: {  	v3 =	vand.u32 $0xFFFF0000, v3;
	v1 =	vadd.f32 v2, v1;
	v2 =	vld [tilespmem:s16+$0x50]  }
0x1a7: {  	v0 =	vadd.f32 v3, v0;
	v3 =	vshll.u32 v5, $0x10  }
0x1a8: {  	v5 =	vand.u32 $0xFFFF0000, v5;
	v1 =	vadd.f32 v3, v1;
	v3 =	vld [tilespmem:s16+$0x90]  }
0x1a9: {  	v0 =	vadd.f32 v5, v0;
	v5 =	vshll.u32 v4, $0x10  }
0x1aa: {  	v4 =	vand.u32 $0xFFFF0000, v4;
	v1 =	vadd.f32 v5, v1;
	v5 =	vld [tilespmem:s16+$0xD0]  }
0x1ab: {  	v0 =	vadd.f32 v4, v0;
	v4 =	vshll.u32 v2, $0x10  }
0x1ac: {  	v2 =	vand.u32 $0xFFFF0000, v2;
	v1 =	vadd.f32 v4, v1;
	v4 =	vld [tilespmem:s16+$0x110]  }
0x1ad: {  	v0 =	vadd.f32 v2, v0;
	v2 =	vshll.u32 v3, $0x10  }
0x1ae: {  	v3 =	vand.u32 $0xFFFF0000, v3;
	v1 =	vadd.f32 v2, v1  }
0x1af: {  	v0 =	vadd.f32 v3, v0;
	v2 =	vshll.u32 v5, $0x10  }
0x1b0: {  	v3 =	vand.u32 $0xFFFF0000, v5;
	v1 =	vadd.f32 v2, v1  }
0x1b1: {  	v0 =	vadd.f32 v3, v0;
	v2 =	vshll.u32 v4, $0x10  }
0x1b2: {  	v3 =	vand.u32 $0xFFFF0000, v4;
	v1 =	vadd.f32 v2, v1  }
0x1b3: {  	v0 =	vadd.f32 v3, v0  }
0x1b4: {  	[tilespmem:s19+$0x18660] =	vst v1  }
0x1b5: {  	[tilespmem:s19+$0x18670] =	vst v0  }
0x1b6: {  	v0 =	vld [tilespmem:s16+$0xFFFFFEE0]  }
0x1b7: {  	v1 =	vld [tilespmem:s16+$0xFFFFFF20];
	_ =	sdelay $0x1  }
0x1b8: {  	v2 =	vld [tilespmem:s16+$0xFFFFFF60];
	_ =	sdelay $0x1  }
0x1b9: {  	v3 =	vld [tilespmem:s16+$0xFFFFFFA0]  }
0x1ba: {  	v4 =	vshll.u32 v0, $0x10;
	v5 =	vshll.u32 v1, $0x10  }
0x1bb: {  	v0 =	vand.u32 $0xFFFF0000, v0;
	v1 =	vand.u32 $0xFFFF0000, v1;
	v4 =	vadd.f32 v5, v4;
	v5 =	vld [tilespmem:s16+$0xFFFFFFE0]  }
0x1bc: {  	v0 =	vadd.f32 v1, v0;
	v1 =	vshll.u32 v2, $0x10  }
0x1bd: {  	v2 =	vand.u32 $0xFFFF0000, v2;
	v1 =	vadd.f32 v1, v4;
	v4 =	vld [tilespmem:s16+$0x20]  }
0x1be: {  	v0 =	vadd.f32 v2, v0;
	v2 =	vshll.u32 v3, $0x10  }
0x1bf: {  	v3 =	vand.u32 $0xFFFF0000, v3;
	v1 =	vadd.f32 v2, v1;
	v2 =	vld [tilespmem:s16+$0x60]  }
0x1c0: {  	v0 =	vadd.f32 v3, v0;
	v3 =	vshll.u32 v5, $0x10  }
0x1c1: {  	v5 =	vand.u32 $0xFFFF0000, v5;
	v1 =	vadd.f32 v3, v1;
	v3 =	vld [tilespmem:s16+$0xA0]  }
0x1c2: {  	v0 =	vadd.f32 v5, v0;
	v5 =	vshll.u32 v4, $0x10  }
0x1c3: {  	v4 =	vand.u32 $0xFFFF0000, v4;
	v1 =	vadd.f32 v5, v1;
	v5 =	vld [tilespmem:s16+$0xE0]  }
0x1c4: {  	v0 =	vadd.f32 v4, v0;
	v4 =	vshll.u32 v2, $0x10  }
0x1c5: {  	v2 =	vand.u32 $0xFFFF0000, v2;
	v1 =	vadd.f32 v4, v1;
	v4 =	vld [tilespmem:s16+$0x120]  }
0x1c6: {  	v0 =	vadd.f32 v2, v0;
	v2 =	vshll.u32 v3, $0x10  }
0x1c7: {  	v3 =	vand.u32 $0xFFFF0000, v3;
	v1 =	vadd.f32 v2, v1  }
0x1c8: {  	v0 =	vadd.f32 v3, v0;
	v2 =	vshll.u32 v5, $0x10  }
0x1c9: {  	v3 =	vand.u32 $0xFFFF0000, v5;
	v1 =	vadd.f32 v2, v1  }
0x1ca: {  	v0 =	vadd.f32 v3, v0;
	v2 =	vshll.u32 v4, $0x10  }
0x1cb: {  	v3 =	vand.u32 $0xFFFF0000, v4;
	v1 =	vadd.f32 v2, v1  }
0x1cc: {  	v0 =	vadd.f32 v3, v0  }
0x1cd: {  	[tilespmem:s19+$0x18680] =	vst v1  }
0x1ce: {  	[tilespmem:s19+$0x18690] =	vst v0  }
0x1cf: {  	v0 =	vld [tilespmem:s16+$0xFFFFFEF0]  }
0x1d0: {  	v1 =	vld [tilespmem:s16+$0xFFFFFF30];
	_ =	sdelay $0x1  }
0x1d1: {  	v2 =	vld [tilespmem:s16+$0xFFFFFF70];
	_ =	sdelay $0x1  }
0x1d2: {  	v3 =	vld [tilespmem:s16+$0xFFFFFFB0];
	v4 =	vshll.u32 v0, $0x10  }
0x1d3: {  	v0 =	vand.u32 $0xFFFF0000, v0;
	v5 =	vshll.u32 v1, $0x10;
	v1 =	vand.u32 $0xFFFF0000, v1  }
0x1d4: {  	v6 =	vld [tilespmem:s16+$0xFFFFFFF0];
	v4 =	vadd.f32 v5, v4;
	v0 =	vadd.f32 v1, v0  }
0x1d5: {  	v1 =	vshll.u32 v2, $0x10;
	v2 =	vand.u32 $0xFFFF0000, v2  }
0x1d6: {  	v5 =	vld [tilespmem:s16+$0x30];
	v1 =	vadd.f32 v1, v4;
	v0 =	vadd.f32 v2, v0  }
0x1d7: {  	v7 =	vld [tilespmem:s16+$0xB0];
	v2 =	vshll.u32 v3, $0x10;
	v3 =	vand.u32 $0xFFFF0000, v3  }
0x1d8: {  	v4 =	vld [tilespmem:s16+$0x70];
	v1 =	vadd.f32 v2, v1;
	v0 =	vadd.f32 v3, v0  }
0x1d9: {  	v2 =	vshll.u32 v6, $0x10;
	v3 =	vand.u32 $0xFFFF0000, v6  }
0x1da: {  	v1 =	vadd.f32 v2, v1;
	v0 =	vadd.f32 v3, v0  }
0x1db: {  	v2 =	vshll.u32 v5, $0x10;
	v3 =	vand.u32 $0xFFFF0000, v5  }
0x1dc: {  	v5 =	vadd.f32 v2, v1;
	v6 =	vadd.f32 v3, v0  }
0x1dd: {  	v8 =	vshll.u32 v4, $0x10;
	v9 =	vand.u32 $0xFFFF0000, v4;
	v1 =	vld [tilespmem:s16+$0xF0];
	v2 =	vshll.u32 v7, $0x10  }
0x1de: {  	s21 =	simm.s32 $0x200;
	v0 =	vld [tilespmem:s16+$0x130];
	v3 =	vand.u32 $0xFFFF0000, v7;
	v4 =	vadd.f32 v8, v5;
	v5 =	vadd.f32 v9, v6  }
.LBB2_5:
0x1df: {  	p2 =	sne.s32 s21, $0x3E00  }
0x1e0: {  	s16 =	sadd.s32 $0x280, s16;
	s23 =	smov.u32 s21;
	s21 =	sadd.s32 $0x200, s21  }
0x1e1: {  	v2 =	vadd.f32 v2, v4;
	v3 =	vadd.f32 v3, v5  }
0x1e2: {  	v4 =	vshll.u32 v1, $0x10;
	v1 =	vand.u32 $0xFFFF0000, v1  }
0x1e3: {  	v2 =	vadd.f32 v4, v2;
	v1 =	vadd.f32 v1, v3  }
0x1e4: {  	v3 =	vshll.u32 v0, $0x10;
	v0 =	vand.u32 $0xFFFF0000, v0  }
0x1e5: {  	v2 =	vadd.f32 v3, v2;
	v0 =	vadd.f32 v0, v1;
	_ =	sdelay $0x1  }
0x1e6: {  	[tilespmem:s19+$0x186A0] =	vst v2  }
0x1e7: {  	[tilespmem:s19+$0x186B0] =	vst v0  }
0x1e8: {  	v0 =	vld [tilespmem:s16+$0xFFFFFF00]  }
0x1e9: {  	v1 =	vld [tilespmem:s16+$0xFFFFFEC0];
	_ =	sdelay $0x1  }
0x1ea: {  	v2 =	vld [tilespmem:s16+$0xFFFFFF40];
	_ =	sdelay $0x1  }
0x1eb: {  	v3 =	vshll.u32 v0, $0x10;
	v0 =	vand.u32 $0xFFFF0000, v0;
	v4 =	vld [tilespmem:s16+$0xFFFFFF80]  }
0x1ec: {  	v5 =	vshll.u32 v1, $0x10;
	v1 =	vand.u32 $0xFFFF0000, v1  }
0x1ed: {  	v3 =	vadd.f32 v3, v5;
	v0 =	vadd.f32 v0, v1;
	v1 =	vld [tilespmem:s16+$0xFFFFFFC0]  }
0x1ee: {  	v5 =	vshll.u32 v2, $0x10;
	v2 =	vand.u32 $0xFFFF0000, v2  }
0x1ef: {  	v3 =	vadd.f32 v5, v3;
	v0 =	vadd.f32 v2, v0;
	v2 =	vld [tilespmem:s16+$0x0]  }
0x1f0: {  	v5 =	vshll.u32 v4, $0x10;
	v4 =	vand.u32 $0xFFFF0000, v4  }
0x1f1: {  	v3 =	vadd.f32 v5, v3;
	v0 =	vadd.f32 v4, v0;
	v4 =	vld [tilespmem:s16+$0x40]  }
0x1f2: {  	v5 =	vshll.u32 v1, $0x10;
	v1 =	vand.u32 $0xFFFF0000, v1  }
0x1f3: {  	v3 =	vadd.f32 v5, v3;
	v0 =	vadd.f32 v1, v0;
	v1 =	vld [tilespmem:s16+$0x80]  }
0x1f4: {  	v5 =	vshll.u32 v2, $0x10;
	v2 =	vand.u32 $0xFFFF0000, v2  }
0x1f5: {  	v3 =	vadd.f32 v5, v3;
	v0 =	vadd.f32 v2, v0;
	v2 =	vld [tilespmem:s16+$0xC0]  }
0x1f6: {  	v5 =	vshll.u32 v4, $0x10;
	v4 =	vand.u32 $0xFFFF0000, v4  }
0x1f7: {  	v3 =	vadd.f32 v5, v3;
	v0 =	vadd.f32 v4, v0;
	v4 =	vld [tilespmem:s16+$0x100]  }
0x1f8: {  	v5 =	vshll.u32 v1, $0x10;
	v1 =	vand.u32 $0xFFFF0000, v1  }
0x1f9: {  	v3 =	vadd.f32 v5, v3;
	v0 =	vadd.f32 v1, v0  }
0x1fa: {  	v1 =	vshll.u32 v2, $0x10;
	v2 =	vand.u32 $0xFFFF0000, v2  }
0x1fb: {  	v1 =	vadd.f32 v1, v3;
	v0 =	vadd.f32 v2, v0  }
0x1fc: {  	v2 =	vshll.u32 v4, $0x10;
	v3 =	vand.u32 $0xFFFF0000, v4  }
0x1fd: {  	v1 =	vadd.f32 v2, v1;
	v0 =	vadd.f32 v3, v0  }
0x1fe: {  	s19 =	sshra.s32 s23, $0x2  }
0x1ff: {  	[tilespmem:s19+$0x18640] =	vst v1  }
0x200: {  	[tilespmem:s19+$0x18650] =	vst v0  }
0x201: {  	v0 =	vld [tilespmem:s16+$0xFFFFFED0]  }
0x202: {  	v1 =	vld [tilespmem:s16+$0xFFFFFF10];
	_ =	sdelay $0x1  }
0x203: {  	v2 =	vld [tilespmem:s16+$0xFFFFFF50];
	_ =	sdelay $0x1  }
0x204: {  	v3 =	vshll.u32 v0, $0x10;
	v0 =	vand.u32 $0xFFFF0000, v0;
	v4 =	vld [tilespmem:s16+$0xFFFFFF90]  }
0x205: {  	v5 =	vshll.u32 v1, $0x10;
	v1 =	vand.u32 $0xFFFF0000, v1  }
0x206: {  	v3 =	vadd.f32 v5, v3;
	v0 =	vadd.f32 v1, v0;
	v1 =	vld [tilespmem:s16+$0xFFFFFFD0]  }
0x207: {  	v5 =	vshll.u32 v2, $0x10;
	v2 =	vand.u32 $0xFFFF0000, v2  }
0x208: {  	v3 =	vadd.f32 v5, v3;
	v0 =	vadd.f32 v2, v0;
	v2 =	vld [tilespmem:s16+$0x10]  }
0x209: {  	v5 =	vshll.u32 v4, $0x10;
	v4 =	vand.u32 $0xFFFF0000, v4  }
0x20a: {  	v3 =	vadd.f32 v5, v3;
	v0 =	vadd.f32 v4, v0;
	v4 =	vld [tilespmem:s16+$0x50]  }
0x20b: {  	v5 =	vshll.u32 v1, $0x10;
	v1 =	vand.u32 $0xFFFF0000, v1  }
0x20c: {  	v3 =	vadd.f32 v5, v3;
	v0 =	vadd.f32 v1, v0;
	v1 =	vld [tilespmem:s16+$0x90]  }
0x20d: {  	v5 =	vshll.u32 v2, $0x10;
	v2 =	vand.u32 $0xFFFF0000, v2  }
0x20e: {  	v3 =	vadd.f32 v5, v3;
	v0 =	vadd.f32 v2, v0;
	v2 =	vld [tilespmem:s16+$0xD0]  }
0x20f: {  	v5 =	vshll.u32 v4, $0x10;
	v4 =	vand.u32 $0xFFFF0000, v4  }
0x210: {  	v3 =	vadd.f32 v5, v3;
	v0 =	vadd.f32 v4, v0;
	v4 =	vld [tilespmem:s16+$0x110]  }
0x211: {  	v5 =	vshll.u32 v1, $0x10;
	v1 =	vand.u32 $0xFFFF0000, v1  }
0x212: {  	v3 =	vadd.f32 v5, v3;
	v0 =	vadd.f32 v1, v0  }
0x213: {  	v1 =	vshll.u32 v2, $0x10;
	v2 =	vand.u32 $0xFFFF0000, v2  }
0x214: {  	v1 =	vadd.f32 v1, v3;
	v0 =	vadd.f32 v2, v0  }
0x215: {  	v2 =	vshll.u32 v4, $0x10;
	v3 =	vand.u32 $0xFFFF0000, v4  }
0x216: {  	v1 =	vadd.f32 v2, v1;
	v0 =	vadd.f32 v3, v0;
	_ =	sdelay $0x1  }
0x217: {  	[tilespmem:s19+$0x18660] =	vst v1  }
0x218: {  	[tilespmem:s19+$0x18670] =	vst v0  }
0x219: {  	v0 =	vld [tilespmem:s16+$0xFFFFFEE0]  }
0x21a: {  	v1 =	vld [tilespmem:s16+$0xFFFFFF20]  }
0x21b: {  	v2 =	vld [tilespmem:s16+$0xFFFFFF60];
	_ =	sdelay $0x2  }
0x21c: {  	v3 =	vshll.u32 v0, $0x10;
	v0 =	vand.u32 $0xFFFF0000, v0;
	v4 =	vld [tilespmem:s16+$0xFFFFFFA0]  }
0x21d: {  	v5 =	vshll.u32 v1, $0x10;
	v1 =	vand.u32 $0xFFFF0000, v1  }
0x21e: {  	v3 =	vadd.f32 v5, v3;
	v0 =	vadd.f32 v1, v0;
	v1 =	vld [tilespmem:s16+$0xFFFFFFE0]  }
0x21f: {  	v5 =	vshll.u32 v2, $0x10;
	v2 =	vand.u32 $0xFFFF0000, v2  }
0x220: {  	v3 =	vadd.f32 v5, v3;
	v0 =	vadd.f32 v2, v0;
	v2 =	vld [tilespmem:s16+$0x20]  }
0x221: {  	v5 =	vshll.u32 v4, $0x10;
	v4 =	vand.u32 $0xFFFF0000, v4  }
0x222: {  	v3 =	vadd.f32 v5, v3;
	v0 =	vadd.f32 v4, v0;
	v4 =	vld [tilespmem:s16+$0x60]  }
0x223: {  	v5 =	vshll.u32 v1, $0x10;
	v1 =	vand.u32 $0xFFFF0000, v1  }
0x224: {  	v3 =	vadd.f32 v5, v3;
	v0 =	vadd.f32 v1, v0;
	v1 =	vld [tilespmem:s16+$0xA0]  }
0x225: {  	v5 =	vshll.u32 v2, $0x10;
	v2 =	vand.u32 $0xFFFF0000, v2  }
0x226: {  	v3 =	vadd.f32 v5, v3;
	v0 =	vadd.f32 v2, v0;
	v2 =	vld [tilespmem:s16+$0xE0]  }
0x227: {  	v5 =	vshll.u32 v4, $0x10;
	v4 =	vand.u32 $0xFFFF0000, v4  }
0x228: {  	v3 =	vadd.f32 v5, v3;
	v0 =	vadd.f32 v4, v0;
	v4 =	vld [tilespmem:s16+$0x120]  }
0x229: {  	v5 =	vshll.u32 v1, $0x10;
	v1 =	vand.u32 $0xFFFF0000, v1  }
0x22a: {  	v3 =	vadd.f32 v5, v3;
	v0 =	vadd.f32 v1, v0  }
0x22b: {  	v1 =	vshll.u32 v2, $0x10;
	v2 =	vand.u32 $0xFFFF0000, v2  }
0x22c: {  	v1 =	vadd.f32 v1, v3;
	v0 =	vadd.f32 v2, v0  }
0x22d: {  	v2 =	vshll.u32 v4, $0x10;
	v3 =	vand.u32 $0xFFFF0000, v4  }
0x22e: {  	v1 =	vadd.f32 v2, v1;
	v0 =	vadd.f32 v3, v0;
	_ =	sdelay $0x1  }
0x22f: {  	[tilespmem:s19+$0x18680] =	vst v1  }
0x230: {  	[tilespmem:s19+$0x18690] =	vst v0  }
0x231: {  	v0 =	vld [tilespmem:s16+$0xFFFFFEF0]  }
0x232: {  	v1 =	vld [tilespmem:s16+$0xFFFFFF30]  }
0x233: {  	v2 =	vld [tilespmem:s16+$0xFFFFFF70]  }
0x234: {  	v3 =	vld [tilespmem:s16+$0xFFFFFFB0]  }
0x235: {  	v4 =	vld [tilespmem:s16+$0xFFFFFFF0]  }
0x236: {  	v5 =	vshll.u32 v0, $0x10;
	v6 =	vld [tilespmem:s16+$0x30]  }
0x237: {  	v0 =	vand.u32 $0xFFFF0000, v0;
	v7 =	vshll.u32 v1, $0x10;
	v1 =	vand.u32 $0xFFFF0000, v1;
	v8 =	vld [tilespmem:s16+$0x70]  }
0x238: {  	v5 =	vadd.f32 v7, v5;
	v0 =	vadd.f32 v1, v0;
	v7 =	vld [tilespmem:s16+$0xB0]  }
0x239: {  	v9 =	vshll.u32 v2, $0x10;
	v2 =	vand.u32 $0xFFFF0000, v2;
	v1 =	vld [tilespmem:s16+$0xF0]  }
0x23a: {  	v5 =	vadd.f32 v9, v5;
	v2 =	vadd.f32 v2, v0;
	v0 =	vld [tilespmem:s16+$0x130]  }
0x23b: {  	v9 =	vshll.u32 v3, $0x10;
	v3 =	vand.u32 $0xFFFF0000, v3  }
0x23c: {  	v5 =	vadd.f32 v9, v5;
	v3 =	vadd.f32 v3, v2  }
0x23d: {  	v9 =	vshll.u32 v4, $0x10;
	v4 =	vand.u32 $0xFFFF0000, v4;
	v2 =	vshll.u32 v7, $0x10  }
.Ltmp1:
0x23e: {  	v5 =	vadd.f32 v9, v5;
	v4 =	vadd.f32 v4, v3;
	v3 =	vand.u32 $0xFFFF0000, v7;
	(pc) =	sbr.rel @p2 .LBB2_5-.Ltmp1, $4  }
0x23f: {  	v7 =	vshll.u32 v6, $0x10;
	v6 =	vand.u32 $0xFFFF0000, v6  }
0x240: {  	v5 =	vadd.f32 v7, v5;
	v6 =	vadd.f32 v6, v4  }
0x241: {  	v4 =	vshll.u32 v8, $0x10;
	v7 =	vand.u32 $0xFFFF0000, v8  }
0x242: {  	v4 =	vadd.f32 v4, v5;
	v5 =	vadd.f32 v7, v6  }
0x243: {  	_ = 	snop  }
0x244: {  	v2 =	vadd.f32 v2, v4  }
0x245: {  	v60 =	vshll.u32 v1, $0x10;
	v3 =	vadd.f32 v3, v5  }
0x246: {  	v61 =	vand.u32 $0xFFFF0000, v1;
	v2 =	vadd.f32 v60, v2  }
0x247: {  	v62 =	vshll.u32 v0, $0x10;
	v1 =	vadd.f32 v61, v3  }
0x248: {  	v63 =	vand.u32 $0xFFFF0000, v0;
	v2 =	vadd.f32 v62, v2  }
0x249: {  	v0 =	vadd.f32 v63, v1  }
0x24a: {  	s18 =	sand.u32 $0x1, s24;
	[tilespmem:s19+$0x186A0] =	vst v2  }
0x24b: {  	s16 =	sadd.s32 s9, s13;
	p2 =	seq.s32 s18, $0x0;
	[tilespmem:s19+$0x186B0] =	vst v0  }
0x24c: {  	[hbm4b:s16+s6] =	stream.linear.scatter [tilespmem:s0], [sflag:$0x6], $0x1000, $0x38;
	[tilespmem:$0x1D5E0] =	vst v63  }
.Ltmp2:
0x24d: {  	p3 =	slt.u32 s24, $0x2;
	(pc) =	sbr.rel @!p2 .LBB2_7-.Ltmp2, $4  }
0x24e: {  	s16 =	simm.s32 @!p3 $0x8  }
0x24f: {  	_ =	swait.ge @!p3 [sflag:s16], $0x1000  }
0x250: {  	[sflag:s16] =	ssyncset.done @!p3 $0x0  }
0x251: {  	s14 =	sadd.s32 $0x3480, s14;
	[sflag:s16] =	ssyncadd.s32 @!p3 $0xFFFFF000  }
0x252: {  	s16 =	simm.s32 $0x1A640  }
0x253: {  	[tilespmem:s16], [sflag:$0x4] =	stream.indirect.gather [hbm4b:s1+s20], $0x80, s14, s20, $0xb8;
	[tilespmem:$0x1D5E0] =	vst v63  }
.Ltmp3:
0x254: {  	_ = 	snop;
	(pc) =	sbr.rel @!p1 .LBB2_9-.Ltmp3, $4  }
.Ltmp4:
0x255: {  	_ = 	snop;
	(pc) =	sbr.rel @p1 .LBB2_10-.Ltmp4, $4  }
0x256: {  	_ =	swait.ge [sflag:s22], $0x5000  }
0x257: {  	[sflag:s22] =	ssyncset.done $0x0  }
0x258: {  	[sflag:s22] =	ssyncadd.s32 $0xFFFFB000  }
0x259: {  	_ = 	snop  }
.LBB2_7:
0x25a: {  	s16 =	simm.s32 $0x1B640  }
0x25b: {  	[tilespmem:s16], [sflag:$0x4] =	stream.indirect.gather [hbm4b:s1+s20], $0x80, s14, s20, $0xb8;
	[tilespmem:$0x1D5E0] =	vst v63  }
0x25c: {  	_ =	swait.ge [sflag:s22], $0x5000  }
0x25d: {  	[sflag:s22] =	ssyncset.done $0x0  }
0x25e: {  	[sflag:s22] =	ssyncadd.s32 $0xFFFFB000  }
.LBB2_9:
0x25f: {  	_ =	swait.ge [sflag:s15], $0x1000  }
0x260: {  	[sflag:s15] =	ssyncset.done $0x0  }
0x261: {  	[sflag:s15] =	ssyncadd.s32 $0xFFFFF000  }
.LBB2_10:
0x262: {  	s14 =	simm.s32 $0x12780  }
0x263: {  	v0 =	vld [tilespmem:s14+$0xFFFFFF00]  }
0x264: {  	v1 =	vld [tilespmem:s14+$0xFFFFFEC0];
	_ =	sdelay $0x1  }
0x265: {  	v2 =	vld [tilespmem:s14+$0xFFFFFF40];
	_ =	sdelay $0x1  }
0x266: {  	v3 =	vld [tilespmem:s14+$0xFFFFFF80]  }
0x267: {  	v4 =	vshll.u32 v0, $0x10;
	v5 =	vshll.u32 v1, $0x10  }
0x268: {  	v0 =	vand.u32 $0xFFFF0000, v0;
	v1 =	vand.u32 $0xFFFF0000, v1;
	v4 =	vadd.f32 v4, v5;
	v5 =	vld [tilespmem:s14+$0xFFFFFFC0]  }
0x269: {  	v0 =	vadd.f32 v0, v1;
	v1 =	vshll.u32 v2, $0x10  }
0x26a: {  	v2 =	vand.u32 $0xFFFF0000, v2;
	v1 =	vadd.f32 v1, v4;
	v4 =	vld [tilespmem:s14+$0x0]  }
0x26b: {  	v0 =	vadd.f32 v2, v0;
	v2 =	vshll.u32 v3, $0x10  }
0x26c: {  	v3 =	vand.u32 $0xFFFF0000, v3;
	v1 =	vadd.f32 v2, v1;
	v2 =	vld [tilespmem:s14+$0x40]  }
0x26d: {  	v0 =	vadd.f32 v3, v0;
	v3 =	vshll.u32 v5, $0x10  }
0x26e: {  	v5 =	vand.u32 $0xFFFF0000, v5;
	v1 =	vadd.f32 v3, v1;
	v3 =	vld [tilespmem:s14+$0x80]  }
0x26f: {  	v0 =	vadd.f32 v5, v0;
	v5 =	vshll.u32 v4, $0x10  }
0x270: {  	v4 =	vand.u32 $0xFFFF0000, v4;
	v1 =	vadd.f32 v5, v1;
	v5 =	vld [tilespmem:s14+$0xC0]  }
0x271: {  	v0 =	vadd.f32 v4, v0;
	v4 =	vshll.u32 v2, $0x10  }
0x272: {  	v2 =	vand.u32 $0xFFFF0000, v2;
	v1 =	vadd.f32 v4, v1;
	v4 =	vld [tilespmem:s14+$0x100]  }
0x273: {  	v0 =	vadd.f32 v2, v0;
	v2 =	vshll.u32 v3, $0x10  }
0x274: {  	v3 =	vand.u32 $0xFFFF0000, v3;
	v1 =	vadd.f32 v2, v1  }
0x275: {  	v0 =	vadd.f32 v3, v0;
	v2 =	vshll.u32 v5, $0x10  }
0x276: {  	v3 =	vand.u32 $0xFFFF0000, v5;
	v1 =	vadd.f32 v2, v1  }
0x277: {  	v0 =	vadd.f32 v3, v0;
	v2 =	vshll.u32 v4, $0x10  }
0x278: {  	v3 =	vand.u32 $0xFFFF0000, v4;
	v1 =	vadd.f32 v2, v1  }
0x279: {  	s16 =	simm.s32 $0x0;
	v0 =	vadd.f32 v3, v0  }
0x27a: {  	[tilespmem:s16+$0x19640] =	vst v1  }
0x27b: {  	[tilespmem:s16+$0x19650] =	vst v0  }
0x27c: {  	v0 =	vld [tilespmem:s14+$0xFFFFFED0]  }
0x27d: {  	v1 =	vld [tilespmem:s14+$0xFFFFFF10];
	_ =	sdelay $0x1  }
0x27e: {  	v2 =	vld [tilespmem:s14+$0xFFFFFF50];
	_ =	sdelay $0x1  }
0x27f: {  	v3 =	vld [tilespmem:s14+$0xFFFFFF90]  }
0x280: {  	v4 =	vshll.u32 v0, $0x10;
	v5 =	vshll.u32 v1, $0x10  }
0x281: {  	v0 =	vand.u32 $0xFFFF0000, v0;
	v1 =	vand.u32 $0xFFFF0000, v1;
	v4 =	vadd.f32 v5, v4;
	v5 =	vld [tilespmem:s14+$0xFFFFFFD0]  }
0x282: {  	v0 =	vadd.f32 v1, v0;
	v1 =	vshll.u32 v2, $0x10  }
0x283: {  	v2 =	vand.u32 $0xFFFF0000, v2;
	v1 =	vadd.f32 v1, v4;
	v4 =	vld [tilespmem:s14+$0x10]  }
0x284: {  	v0 =	vadd.f32 v2, v0;
	v2 =	vshll.u32 v3, $0x10  }
0x285: {  	v3 =	vand.u32 $0xFFFF0000, v3;
	v1 =	vadd.f32 v2, v1;
	v2 =	vld [tilespmem:s14+$0x50]  }
0x286: {  	v0 =	vadd.f32 v3, v0;
	v3 =	vshll.u32 v5, $0x10  }
0x287: {  	v5 =	vand.u32 $0xFFFF0000, v5;
	v1 =	vadd.f32 v3, v1;
	v3 =	vld [tilespmem:s14+$0x90]  }
0x288: {  	v0 =	vadd.f32 v5, v0;
	v5 =	vshll.u32 v4, $0x10  }
0x289: {  	v4 =	vand.u32 $0xFFFF0000, v4;
	v1 =	vadd.f32 v5, v1;
	v5 =	vld [tilespmem:s14+$0xD0]  }
0x28a: {  	v0 =	vadd.f32 v4, v0;
	v4 =	vshll.u32 v2, $0x10  }
0x28b: {  	v2 =	vand.u32 $0xFFFF0000, v2;
	v1 =	vadd.f32 v4, v1;
	v4 =	vld [tilespmem:s14+$0x110]  }
0x28c: {  	v0 =	vadd.f32 v2, v0;
	v2 =	vshll.u32 v3, $0x10  }
0x28d: {  	v3 =	vand.u32 $0xFFFF0000, v3;
	v1 =	vadd.f32 v2, v1  }
0x28e: {  	v0 =	vadd.f32 v3, v0;
	v2 =	vshll.u32 v5, $0x10  }
0x28f: {  	v3 =	vand.u32 $0xFFFF0000, v5;
	v1 =	vadd.f32 v2, v1  }
0x290: {  	v0 =	vadd.f32 v3, v0;
	v2 =	vshll.u32 v4, $0x10  }
0x291: {  	v3 =	vand.u32 $0xFFFF0000, v4;
	v1 =	vadd.f32 v2, v1  }
0x292: {  	v0 =	vadd.f32 v3, v0  }
0x293: {  	[tilespmem:s16+$0x19660] =	vst v1  }
0x294: {  	[tilespmem:s16+$0x19670] =	vst v0  }
0x295: {  	v0 =	vld [tilespmem:s14+$0xFFFFFEE0]  }
0x296: {  	v1 =	vld [tilespmem:s14+$0xFFFFFF20];
	_ =	sdelay $0x1  }
0x297: {  	v2 =	vld [tilespmem:s14+$0xFFFFFF60];
	_ =	sdelay $0x1  }
0x298: {  	v3 =	vld [tilespmem:s14+$0xFFFFFFA0]  }
0x299: {  	v4 =	vshll.u32 v0, $0x10;
	v5 =	vshll.u32 v1, $0x10  }
0x29a: {  	v0 =	vand.u32 $0xFFFF0000, v0;
	v1 =	vand.u32 $0xFFFF0000, v1;
	v4 =	vadd.f32 v5, v4;
	v5 =	vld [tilespmem:s14+$0xFFFFFFE0]  }
0x29b: {  	v0 =	vadd.f32 v1, v0;
	v1 =	vshll.u32 v2, $0x10  }
0x29c: {  	v2 =	vand.u32 $0xFFFF0000, v2;
	v1 =	vadd.f32 v1, v4;
	v4 =	vld [tilespmem:s14+$0x20]  }
0x29d: {  	v0 =	vadd.f32 v2, v0;
	v2 =	vshll.u32 v3, $0x10  }
0x29e: {  	v3 =	vand.u32 $0xFFFF0000, v3;
	v1 =	vadd.f32 v2, v1;
	v2 =	vld [tilespmem:s14+$0x60]  }
0x29f: {  	v0 =	vadd.f32 v3, v0;
	v3 =	vshll.u32 v5, $0x10  }
0x2a0: {  	v5 =	vand.u32 $0xFFFF0000, v5;
	v1 =	vadd.f32 v3, v1;
	v3 =	vld [tilespmem:s14+$0xA0]  }
0x2a1: {  	v0 =	vadd.f32 v5, v0;
	v5 =	vshll.u32 v4, $0x10  }
0x2a2: {  	v4 =	vand.u32 $0xFFFF0000, v4;
	v1 =	vadd.f32 v5, v1;
	v5 =	vld [tilespmem:s14+$0xE0]  }
0x2a3: {  	v0 =	vadd.f32 v4, v0;
	v4 =	vshll.u32 v2, $0x10  }
0x2a4: {  	v2 =	vand.u32 $0xFFFF0000, v2;
	v1 =	vadd.f32 v4, v1;
	v4 =	vld [tilespmem:s14+$0x120]  }
0x2a5: {  	v0 =	vadd.f32 v2, v0;
	v2 =	vshll.u32 v3, $0x10  }
0x2a6: {  	v3 =	vand.u32 $0xFFFF0000, v3;
	v1 =	vadd.f32 v2, v1  }
0x2a7: {  	v0 =	vadd.f32 v3, v0;
	v2 =	vshll.u32 v5, $0x10  }
0x2a8: {  	v3 =	vand.u32 $0xFFFF0000, v5;
	v1 =	vadd.f32 v2, v1  }
0x2a9: {  	v0 =	vadd.f32 v3, v0;
	v2 =	vshll.u32 v4, $0x10  }
0x2aa: {  	v3 =	vand.u32 $0xFFFF0000, v4;
	v1 =	vadd.f32 v2, v1  }
0x2ab: {  	v0 =	vadd.f32 v3, v0  }
0x2ac: {  	[tilespmem:s16+$0x19680] =	vst v1  }
0x2ad: {  	[tilespmem:s16+$0x19690] =	vst v0  }
0x2ae: {  	v0 =	vld [tilespmem:s14+$0xFFFFFEF0]  }
0x2af: {  	v1 =	vld [tilespmem:s14+$0xFFFFFF30];
	_ =	sdelay $0x1  }
0x2b0: {  	v2 =	vld [tilespmem:s14+$0xFFFFFF70];
	_ =	sdelay $0x1  }
0x2b1: {  	v3 =	vld [tilespmem:s14+$0xFFFFFFB0];
	v4 =	vshll.u32 v0, $0x10  }
0x2b2: {  	v0 =	vand.u32 $0xFFFF0000, v0;
	v5 =	vshll.u32 v1, $0x10;
	v1 =	vand.u32 $0xFFFF0000, v1  }
0x2b3: {  	v6 =	vld [tilespmem:s14+$0xFFFFFFF0];
	v4 =	vadd.f32 v5, v4;
	v0 =	vadd.f32 v1, v0  }
0x2b4: {  	v1 =	vshll.u32 v2, $0x10;
	v2 =	vand.u32 $0xFFFF0000, v2  }
0x2b5: {  	v5 =	vld [tilespmem:s14+$0x30];
	v1 =	vadd.f32 v1, v4;
	v0 =	vadd.f32 v2, v0  }
0x2b6: {  	v7 =	vld [tilespmem:s14+$0xB0];
	v2 =	vshll.u32 v3, $0x10;
	v3 =	vand.u32 $0xFFFF0000, v3  }
0x2b7: {  	v4 =	vld [tilespmem:s14+$0x70];
	v1 =	vadd.f32 v2, v1;
	v0 =	vadd.f32 v3, v0  }
0x2b8: {  	v2 =	vshll.u32 v6, $0x10;
	v3 =	vand.u32 $0xFFFF0000, v6  }
0x2b9: {  	v1 =	vadd.f32 v2, v1;
	v0 =	vadd.f32 v3, v0  }
0x2ba: {  	v2 =	vshll.u32 v5, $0x10;
	v3 =	vand.u32 $0xFFFF0000, v5  }
0x2bb: {  	v5 =	vadd.f32 v2, v1;
	v6 =	vadd.f32 v3, v0  }
0x2bc: {  	v8 =	vshll.u32 v4, $0x10;
	v9 =	vand.u32 $0xFFFF0000, v4;
	v1 =	vld [tilespmem:s14+$0xF0];
	v2 =	vshll.u32 v7, $0x10  }
0x2bd: {  	s19 =	simm.s32 $0x200;
	v0 =	vld [tilespmem:s14+$0x130];
	v3 =	vand.u32 $0xFFFF0000, v7;
	v4 =	vadd.f32 v8, v5;
	v5 =	vadd.f32 v9, v6  }
.LBB2_11:
0x2be: {  	p1 =	sne.s32 s19, $0x3E00  }
0x2bf: {  	s14 =	sadd.s32 $0x280, s14;
	s21 =	smov.u32 s19;
	s19 =	sadd.s32 $0x200, s19  }
0x2c0: {  	v2 =	vadd.f32 v2, v4;
	v3 =	vadd.f32 v3, v5  }
0x2c1: {  	v4 =	vshll.u32 v1, $0x10;
	v1 =	vand.u32 $0xFFFF0000, v1  }
0x2c2: {  	v2 =	vadd.f32 v4, v2;
	v1 =	vadd.f32 v1, v3  }
0x2c3: {  	v3 =	vshll.u32 v0, $0x10;
	v0 =	vand.u32 $0xFFFF0000, v0  }
0x2c4: {  	v2 =	vadd.f32 v3, v2;
	v0 =	vadd.f32 v0, v1;
	_ =	sdelay $0x1  }
0x2c5: {  	[tilespmem:s16+$0x196A0] =	vst v2  }
0x2c6: {  	[tilespmem:s16+$0x196B0] =	vst v0  }
0x2c7: {  	v0 =	vld [tilespmem:s14+$0xFFFFFF00]  }
0x2c8: {  	v1 =	vld [tilespmem:s14+$0xFFFFFEC0];
	_ =	sdelay $0x1  }
0x2c9: {  	v2 =	vld [tilespmem:s14+$0xFFFFFF40];
	_ =	sdelay $0x1  }
0x2ca: {  	v3 =	vshll.u32 v0, $0x10;
	v0 =	vand.u32 $0xFFFF0000, v0;
	v4 =	vld [tilespmem:s14+$0xFFFFFF80]  }
0x2cb: {  	v5 =	vshll.u32 v1, $0x10;
	v1 =	vand.u32 $0xFFFF0000, v1  }
0x2cc: {  	v3 =	vadd.f32 v3, v5;
	v0 =	vadd.f32 v0, v1;
	v1 =	vld [tilespmem:s14+$0xFFFFFFC0]  }
0x2cd: {  	v5 =	vshll.u32 v2, $0x10;
	v2 =	vand.u32 $0xFFFF0000, v2  }
0x2ce: {  	v3 =	vadd.f32 v5, v3;
	v0 =	vadd.f32 v2, v0;
	v2 =	vld [tilespmem:s14+$0x0]  }
0x2cf: {  	v5 =	vshll.u32 v4, $0x10;
	v4 =	vand.u32 $0xFFFF0000, v4  }
0x2d0: {  	v3 =	vadd.f32 v5, v3;
	v0 =	vadd.f32 v4, v0;
	v4 =	vld [tilespmem:s14+$0x40]  }
0x2d1: {  	v5 =	vshll.u32 v1, $0x10;
	v1 =	vand.u32 $0xFFFF0000, v1  }
0x2d2: {  	v3 =	vadd.f32 v5, v3;
	v0 =	vadd.f32 v1, v0;
	v1 =	vld [tilespmem:s14+$0x80]  }
0x2d3: {  	v5 =	vshll.u32 v2, $0x10;
	v2 =	vand.u32 $0xFFFF0000, v2  }
0x2d4: {  	v3 =	vadd.f32 v5, v3;
	v0 =	vadd.f32 v2, v0;
	v2 =	vld [tilespmem:s14+$0xC0]  }
0x2d5: {  	v5 =	vshll.u32 v4, $0x10;
	v4 =	vand.u32 $0xFFFF0000, v4  }
0x2d6: {  	v3 =	vadd.f32 v5, v3;
	v0 =	vadd.f32 v4, v0;
	v4 =	vld [tilespmem:s14+$0x100]  }
0x2d7: {  	v5 =	vshll.u32 v1, $0x10;
	v1 =	vand.u32 $0xFFFF0000, v1  }
0x2d8: {  	v3 =	vadd.f32 v5, v3;
	v0 =	vadd.f32 v1, v0  }
0x2d9: {  	v1 =	vshll.u32 v2, $0x10;
	v2 =	vand.u32 $0xFFFF0000, v2  }
0x2da: {  	v1 =	vadd.f32 v1, v3;
	v0 =	vadd.f32 v2, v0  }
0x2db: {  	v2 =	vshll.u32 v4, $0x10;
	v3 =	vand.u32 $0xFFFF0000, v4  }
0x2dc: {  	v1 =	vadd.f32 v2, v1;
	v0 =	vadd.f32 v3, v0  }
0x2dd: {  	s16 =	sshra.s32 s21, $0x2  }
0x2de: {  	[tilespmem:s16+$0x19640] =	vst v1  }
0x2df: {  	[tilespmem:s16+$0x19650] =	vst v0  }
0x2e0: {  	v0 =	vld [tilespmem:s14+$0xFFFFFED0]  }
0x2e1: {  	v1 =	vld [tilespmem:s14+$0xFFFFFF10];
	_ =	sdelay $0x1  }
0x2e2: {  	v2 =	vld [tilespmem:s14+$0xFFFFFF50];
	_ =	sdelay $0x1  }
0x2e3: {  	v3 =	vshll.u32 v0, $0x10;
	v0 =	vand.u32 $0xFFFF0000, v0;
	v4 =	vld [tilespmem:s14+$0xFFFFFF90]  }
0x2e4: {  	v5 =	vshll.u32 v1, $0x10;
	v1 =	vand.u32 $0xFFFF0000, v1  }
0x2e5: {  	v3 =	vadd.f32 v5, v3;
	v0 =	vadd.f32 v1, v0;
	v1 =	vld [tilespmem:s14+$0xFFFFFFD0]  }
0x2e6: {  	v5 =	vshll.u32 v2, $0x10;
	v2 =	vand.u32 $0xFFFF0000, v2  }
0x2e7: {  	v3 =	vadd.f32 v5, v3;
	v0 =	vadd.f32 v2, v0;
	v2 =	vld [tilespmem:s14+$0x10]  }
0x2e8: {  	v5 =	vshll.u32 v4, $0x10;
	v4 =	vand.u32 $0xFFFF0000, v4  }
0x2e9: {  	v3 =	vadd.f32 v5, v3;
	v0 =	vadd.f32 v4, v0;
	v4 =	vld [tilespmem:s14+$0x50]  }
0x2ea: {  	v5 =	vshll.u32 v1, $0x10;
	v1 =	vand.u32 $0xFFFF0000, v1  }
0x2eb: {  	v3 =	vadd.f32 v5, v3;
	v0 =	vadd.f32 v1, v0;
	v1 =	vld [tilespmem:s14+$0x90]  }
0x2ec: {  	v5 =	vshll.u32 v2, $0x10;
	v2 =	vand.u32 $0xFFFF0000, v2  }
0x2ed: {  	v3 =	vadd.f32 v5, v3;
	v0 =	vadd.f32 v2, v0;
	v2 =	vld [tilespmem:s14+$0xD0]  }
0x2ee: {  	v5 =	vshll.u32 v4, $0x10;
	v4 =	vand.u32 $0xFFFF0000, v4  }
0x2ef: {  	v3 =	vadd.f32 v5, v3;
	v0 =	vadd.f32 v4, v0;
	v4 =	vld [tilespmem:s14+$0x110]  }
0x2f0: {  	v5 =	vshll.u32 v1, $0x10;
	v1 =	vand.u32 $0xFFFF0000, v1  }
0x2f1: {  	v3 =	vadd.f32 v5, v3;
	v0 =	vadd.f32 v1, v0  }
0x2f2: {  	v1 =	vshll.u32 v2, $0x10;
	v2 =	vand.u32 $0xFFFF0000, v2  }
0x2f3: {  	v1 =	vadd.f32 v1, v3;
	v0 =	vadd.f32 v2, v0  }
0x2f4: {  	v2 =	vshll.u32 v4, $0x10;
	v3 =	vand.u32 $0xFFFF0000, v4  }
0x2f5: {  	v1 =	vadd.f32 v2, v1;
	v0 =	vadd.f32 v3, v0;
	_ =	sdelay $0x1  }
0x2f6: {  	[tilespmem:s16+$0x19660] =	vst v1  }
0x2f7: {  	[tilespmem:s16+$0x19670] =	vst v0  }
0x2f8: {  	v0 =	vld [tilespmem:s14+$0xFFFFFEE0]  }
0x2f9: {  	v1 =	vld [tilespmem:s14+$0xFFFFFF20]  }
0x2fa: {  	v2 =	vld [tilespmem:s14+$0xFFFFFF60];
	_ =	sdelay $0x2  }
0x2fb: {  	v3 =	vshll.u32 v0, $0x10;
	v0 =	vand.u32 $0xFFFF0000, v0;
	v4 =	vld [tilespmem:s14+$0xFFFFFFA0]  }
0x2fc: {  	v5 =	vshll.u32 v1, $0x10;
	v1 =	vand.u32 $0xFFFF0000, v1  }
0x2fd: {  	v3 =	vadd.f32 v5, v3;
	v0 =	vadd.f32 v1, v0;
	v1 =	vld [tilespmem:s14+$0xFFFFFFE0]  }
0x2fe: {  	v5 =	vshll.u32 v2, $0x10;
	v2 =	vand.u32 $0xFFFF0000, v2  }
0x2ff: {  	v3 =	vadd.f32 v5, v3;
	v0 =	vadd.f32 v2, v0;
	v2 =	vld [tilespmem:s14+$0x20]  }
0x300: {  	v5 =	vshll.u32 v4, $0x10;
	v4 =	vand.u32 $0xFFFF0000, v4  }
0x301: {  	v3 =	vadd.f32 v5, v3;
	v0 =	vadd.f32 v4, v0;
	v4 =	vld [tilespmem:s14+$0x60]  }
0x302: {  	v5 =	vshll.u32 v1, $0x10;
	v1 =	vand.u32 $0xFFFF0000, v1  }
0x303: {  	v3 =	vadd.f32 v5, v3;
	v0 =	vadd.f32 v1, v0;
	v1 =	vld [tilespmem:s14+$0xA0]  }
0x304: {  	v5 =	vshll.u32 v2, $0x10;
	v2 =	vand.u32 $0xFFFF0000, v2  }
0x305: {  	v3 =	vadd.f32 v5, v3;
	v0 =	vadd.f32 v2, v0;
	v2 =	vld [tilespmem:s14+$0xE0]  }
0x306: {  	v5 =	vshll.u32 v4, $0x10;
	v4 =	vand.u32 $0xFFFF0000, v4  }
0x307: {  	v3 =	vadd.f32 v5, v3;
	v0 =	vadd.f32 v4, v0;
	v4 =	vld [tilespmem:s14+$0x120]  }
0x308: {  	v5 =	vshll.u32 v1, $0x10;
	v1 =	vand.u32 $0xFFFF0000, v1  }
0x309: {  	v3 =	vadd.f32 v5, v3;
	v0 =	vadd.f32 v1, v0  }
0x30a: {  	v1 =	vshll.u32 v2, $0x10;
	v2 =	vand.u32 $0xFFFF0000, v2  }
0x30b: {  	v1 =	vadd.f32 v1, v3;
	v0 =	vadd.f32 v2, v0  }
0x30c: {  	v2 =	vshll.u32 v4, $0x10;
	v3 =	vand.u32 $0xFFFF0000, v4  }
0x30d: {  	v1 =	vadd.f32 v2, v1;
	v0 =	vadd.f32 v3, v0;
	_ =	sdelay $0x1  }
0x30e: {  	[tilespmem:s16+$0x19680] =	vst v1  }
0x30f: {  	[tilespmem:s16+$0x19690] =	vst v0  }
0x310: {  	v0 =	vld [tilespmem:s14+$0xFFFFFEF0]  }
0x311: {  	v1 =	vld [tilespmem:s14+$0xFFFFFF30]  }
0x312: {  	v2 =	vld [tilespmem:s14+$0xFFFFFF70]  }
0x313: {  	v3 =	vld [tilespmem:s14+$0xFFFFFFB0]  }
0x314: {  	v4 =	vld [tilespmem:s14+$0xFFFFFFF0]  }
0x315: {  	v5 =	vshll.u32 v0, $0x10;
	v6 =	vld [tilespmem:s14+$0x30]  }
0x316: {  	v0 =	vand.u32 $0xFFFF0000, v0;
	v7 =	vshll.u32 v1, $0x10;
	v1 =	vand.u32 $0xFFFF0000, v1;
	v8 =	vld [tilespmem:s14+$0x70]  }
0x317: {  	v5 =	vadd.f32 v7, v5;
	v0 =	vadd.f32 v1, v0;
	v7 =	vld [tilespmem:s14+$0xB0]  }
0x318: {  	v9 =	vshll.u32 v2, $0x10;
	v2 =	vand.u32 $0xFFFF0000, v2;
	v1 =	vld [tilespmem:s14+$0xF0]  }
0x319: {  	v5 =	vadd.f32 v9, v5;
	v2 =	vadd.f32 v2, v0;
	v0 =	vld [tilespmem:s14+$0x130]  }
0x31a: {  	v9 =	vshll.u32 v3, $0x10;
	v3 =	vand.u32 $0xFFFF0000, v3  }
0x31b: {  	v5 =	vadd.f32 v9, v5;
	v3 =	vadd.f32 v3, v2  }
0x31c: {  	v9 =	vshll.u32 v4, $0x10;
	v4 =	vand.u32 $0xFFFF0000, v4;
	v2 =	vshll.u32 v7, $0x10  }
.Ltmp5:
0x31d: {  	v5 =	vadd.f32 v9, v5;
	v4 =	vadd.f32 v4, v3;
	v3 =	vand.u32 $0xFFFF0000, v7;
	(pc) =	sbr.rel @p1 .LBB2_11-.Ltmp5, $4  }
0x31e: {  	v7 =	vshll.u32 v6, $0x10;
	v6 =	vand.u32 $0xFFFF0000, v6  }
0x31f: {  	v5 =	vadd.f32 v7, v5;
	v6 =	vadd.f32 v6, v4  }
0x320: {  	v4 =	vshll.u32 v8, $0x10;
	v7 =	vand.u32 $0xFFFF0000, v8  }
0x321: {  	v4 =	vadd.f32 v4, v5;
	v5 =	vadd.f32 v7, v6  }
0x322: {  	_ = 	snop  }
0x323: {  	v2 =	vadd.f32 v2, v4  }
0x324: {  	v60 =	vshll.u32 v1, $0x10;
	v3 =	vadd.f32 v3, v5  }
0x325: {  	v61 =	vand.u32 $0xFFFF0000, v1;
	v2 =	vadd.f32 v60, v2  }
0x326: {  	v62 =	vshll.u32 v0, $0x10;
	v1 =	vadd.f32 v61, v3  }
0x327: {  	v63 =	vand.u32 $0xFFFF0000, v0;
	v2 =	vadd.f32 v62, v2  }
0x328: {  	v0 =	vadd.f32 v63, v1  }
0x329: {  	p1 =	sge.u32 s24, s17;
	[tilespmem:s16+$0x196A0] =	vst v2  }
0x32a: {  	s14 =	sadd.s32 s10, s13;
	[tilespmem:s16+$0x196B0] =	vst v0;
	s16 =	smul.u32 @!p1 $0x500, s24  }
0x32b: {  	[hbm4b:s14+s6] =	stream.linear.scatter [tilespmem:s26], [sflag:$0x7], $0x1000, $0x38;
	[tilespmem:$0x1D5E0] =	vst v63  }
0x32c: {  	s18 =	simm.s32 @!p1 $0x3640;
	s14 =	sshra.s32 @!p1 s16, $0x2  }
0x32d: {  	s24 =	sadd.s32 $0x1, s24;
	s16 =	simm.s32 @!p1 $0x140;
	s14 =	sadd.s32 @!p1 $0x140, s14  }
0x32e: {  	[tilespmem:s18], [sflag:$0x1] =	stream.indirect.gather @!p1 [hbm4b:s1+s16], $0x80, s14, s16, $0xb8;
	[tilespmem:$0x1D5E0] =	vst v63  }
0x32f: {  	p1 =	sne.s32 s24, s11  }
.Ltmp6:
0x330: {  	_ = 	snop;
	(pc) =	sbr.rel @p1 .LBB2_2-.Ltmp6, $4  }
0x331: {  	_ =	swait.ge [sflag:s12], $0x1000  }
0x332: {  	s14 =	simm.s32 $0x1A640;
	[sflag:s12] =	ssyncset.done $0x0  }
0x333: {  	s23 =	sadd.s32 s7, s13;
	s14 =	simm.s32 @!p2 $0x1B640;
	[sflag:s12] =	ssyncadd.s32 $0xFFFFF000  }
0x334: {  	[hbm4b:s23+s6] =	stream.linear.scatter [tilespmem:s14], [sflag:$0x8], $0x1000, $0x38;
	[tilespmem:$0x1D5E0] =	vst v63  }
0x335: {  	s13 =	simm.s32 $0x5  }
0x336: {  	_ =	swait.ge [sflag:s13], $0x1000  }
0x337: {  	[sflag:s13] =	ssyncset.done $0x0  }
0x338: {  	s23 =	simm.s32 $0x6;
	[sflag:s13] =	ssyncadd.s32 $0xFFFFF000  }
0x339: {  	_ =	swait.ge [sflag:s23], $0x1000  }
0x33a: {  	[sflag:s23] =	ssyncset.done $0x0  }
0x33b: {  	[sflag:s23] =	ssyncadd.s32 $0xFFFFF000  }
0x33c: {  	_ =	swait.ge [sflag:s15], $0x1000  }
0x33d: {  	[sflag:s15] =	ssyncset.done $0x0  }
0x33e: {  	s14 =	simm.s32 $0x8;
	[sflag:s15] =	ssyncadd.s32 $0xFFFFF000  }
0x33f: {  	_ =	swait.ge [sflag:s14], $0x1000  }
0x340: {  	[sflag:s14] =	ssyncset.done $0x0  }
0x341: {  	[sflag:s14] =	ssyncadd.s32 $0xFFFFF000  }
0x342: {  	_ =	swait.ge [sflag:s14], $0x1000  }
0x343: {  	s16 =	rddreg [dreg:$0xd]  }
0x344: {  	s24 =	rddreg [dreg:$0xa];
	s16 =	sadd.s32 $0x1, s16  }
0x345: {  	p1 =	sne.s32 s16, s24  }
.Ltmp7:
0x346: {  	_ = 	snop;
	(pc) =	sbr.rel @p1 .LBB2_1-.Ltmp7, $3  }
0x347: {  	_ =	sdelay $0x1  }
0x348: {  	[sflag:s14] =	ssyncset.done $0x0  }
0x349: {  	[sflag:s14] =	ssyncadd.s32 $0xFFFFF000  }
0x34a: {  	_ =	sfence.sel $0x180000  }
0x34b: {  	[bflag:$0x0] =	sbarrier.arrive $0xFFFF  }
0x34c: {  	_ =	strace $0x90000047  }
0x34d: {  	s0 =	stileid.u32;
	[bflag:$0x2] =	sbarrier.arrive $0xFFFF  }
0x34e: {  	p0 =	sne.s32 s0, $0x0;
	s0 =	rddreg [dreg:$0x4]  }
0x34f: {  	s0 =	sadd.s32 @!p0 $0x100000, s0  }
0x350: {  	[sflag:s0] =	ssyncadd.tile.s32 @!p0 $0x1;
	_ =	shalt  }
.Lfunc_end2:
_tile_overlayer_lowered:
.L_overlay_start_2:
0x351: {  	(tag) =	ssettag $0x2  }
0x352: {  	s0 =	rddreg [dreg:$0x0];
	s2 =	stileid.u32  }
0x353: {  	s1 =	rddreg [dreg:$0x1];
	p0 =	sne.s32 s2, $0x0  }
0x354: {  	s3 =	rddreg [dreg:$0x2];
	[bflag:$0x3] =	sbarrier.arrive $0xFFFF;
	s2 =	simm.s32 @!p0 $0x1C09  }
0x355: {  	[timem:s3], [sflag:s2] =	dma.local @!p0 [hbm:s0], s1  }
0x356: {  	s0 =	simm.s32 @!p0 $0x9  }
0x357: {  	_ =	swait.ge @!p0 [sflag:s0], s1  }
0x358: {  	s1 =	ssub.s32 @!p0 $0x0, s1;
	[sflag:s0] =	ssyncset.done @!p0 $0x0  }
0x359: {  	[sflag:s0] =	ssyncadd.s32 @!p0 s1  }
0x35a: {  	[bflag:$0x3] =	sbarrier.arrive $0xFFFF  }
0x35b: {  	_ =	shalt  }

</sc_bundles>
